<compile_context>
chip_gen: v7x
topology: tpu7x:2x2x1
jax: 0.10.2.dev20260603
libtpu: 0.0.44.dev20260713+nightly
codegen_flags: <defaults>
</compile_context>

<pallas_src>
import functools

import jax
import jax.numpy as jnp
from jax import lax
from jax.experimental import pallas as pl
from jax.experimental.pallas import tpu as pltpu
from jax.experimental.pallas import tpu_sc as plsc

HIDDEN = 128
NP = 32
L = 16
PAIRS = NP * 16


def _sc_gather_xe(e_t, idx_t, word_t):
    mesh = plsc.VectorSubcoreMesh(core_axis_name="c", subcore_axis_name="s", num_cores=1)

    @functools.partial(
        pl.kernel,
        mesh=mesh,
        out_type=jax.ShapeDtypeStruct((NP, HIDDEN), jnp.float32),
        compiler_params=pltpu.CompilerParams(needs_layout_passes=False,
                                             use_tc_tiling_on_sc=True),
        scratch_types=[
            pltpu.VMEM((16, 128), jnp.int32),
            pltpu.VMEM((16, 128), jnp.float32),
            pltpu.VMEM((PAIRS,), jnp.int32),
            pltpu.VMEM((PAIRS,), jnp.float32),
            pltpu.VMEM((2, 16, HIDDEN), jnp.float32),
            pltpu.VMEM((2, HIDDEN), jnp.float32),
            pltpu.SemaphoreType.DMA,
            pltpu.SemaphoreType.DMA,
            pltpu.SemaphoreType.DMA,
        ],
    )
    def body(et_hbm, idx_hbm, word_hbm, xt_hbm,
             idxv, wordv, idxf, wordf, rows_v, accv, sem, semw, semr):
        wid = lax.axis_index("s") + lax.axis_index("c") * 16
        cpi = pltpu.async_copy(idx_hbm.at[:, pl.ds(0, 128)], idxv, sem)
        cpw = pltpu.async_copy(word_hbm.at[:, pl.ds(0, 128)], wordv, semw)
        cpi.wait()

        def flat_idx(k, _):
            for ib in range(NP // L):
                idxf[pl.ds(k * NP + ib * L, L)] = idxv[k, pl.ds(ib * L, L)]
            return 0

        lax.fori_loop(0, 16, flat_idx, 0)
        lanes = lax.iota(jnp.int32, L)
        cpw.wait()

        def flat_word(k, _):
            for ib in range(NP // L):
                wordf[pl.ds(k * NP + ib * L, L)] = wordv[k, pl.ds(ib * L, L)]
            return 0

        lax.fori_loop(0, 16, flat_word, 0)
        cps = []
        for s in range(2):
            iv = plsc.load_gather(idxf, [lanes * NP + (wid * 2 + s)])
            cps.append(pltpu.async_copy(et_hbm.at[iv], rows_v.at[s], semr))
        for s in range(2):
            step = wid * 2 + s
            cps[s].wait()

            def fma(k, accs, s=s, step=step):
                w = plsc.load_gather(
                    wordf, [jnp.zeros((L,), jnp.int32) + (k * NP + step)])
                return tuple(
                    accs[b] + rows_v[s, k, pl.ds(b * L, L)] * w
                    for b in range(HIDDEN // L))

            accs = lax.fori_loop(
                0, 16, fma,
                tuple(jnp.zeros((L,), jnp.float32) for _ in range(HIDDEN // L)))
            for b in range(HIDDEN // L):
                accv[s, pl.ds(b * L, L)] = accs[b]
        pltpu.sync_copy(accv, xt_hbm.at[pl.ds(wid * 2, 2), :])

    return body(e_t, idx_t, word_t)


def _tc_recurrence(xt, wz, wr, wh, uz, ur, uh, bz, br, bh, tree32, wo, bo):

    def body(xt_ref, wz_ref, wr_ref, wh_ref, uz_ref, ur_ref, uh_ref,
             bz_ref, br_ref, bh_ref, tree_ref, wo_ref, bo_ref, out_ref,
             hist_ref):
        f32 = jnp.float32
        dn_t = (((1,), (1,)), ((), ()))
        wall = jnp.concatenate([wz_ref[...], wr_ref[...], wh_ref[...]], axis=0)
        ball = jnp.concatenate([bz_ref[...], br_ref[...], bh_ref[...]])
        azrh = lax.dot_general(xt_ref[...], wall, dn_t,
                               preferred_element_type=f32) + ball
        az = azrh[:, :HIDDEN]
        ar = azrh[:, HIDDEN:2 * HIDDEN]
        ah = azrh[:, 2 * HIDDEN:]
        h0all = jnp.clip(az, 0.0, 1.0) * jnp.tanh(ah)
        uzr = jnp.concatenate([uz_ref[...], ur_ref[...]], axis=0)
        uh_v = uh_ref[...]
        hist_ref[pl.ds(0, 1), :] = jnp.zeros((1, HIDDEN), f32)
        hist_ref[pl.ds(1, NP), :] = h0all
        for i in range(1, NP):
            t0i = tree_ref[i, 0]
            par = tree_ref[0, 1] * 0
            for j in range(i):
                par = jnp.where(tree_ref[j, 1] == t0i, jnp.int32(j + 1), par)

            @pl.when(par > 0)
            def _(par=par, i=i):
                p = hist_ref[pl.ds(par, 1), :]
                zr = lax.dot_general(p, uzr, dn_t, preferred_element_type=f32)
                z = jnp.clip(az[i:i + 1, :] + zr[:, :HIDDEN], 0.0, 1.0)
                r = jnp.clip(ar[i:i + 1, :] + zr[:, HIDDEN:], 0.0, 1.0)
                c = jnp.tanh(ah[i:i + 1, :]
                             + lax.dot_general(p * r, uh_v, dn_t,
                                               preferred_element_type=f32))
                hist_ref[pl.ds(i + 1, 1), :] = (1.0 - z) * p + z * c

        h = hist_ref[pl.ds(NP, 1), :]
        logits = lax.dot_general(h, wo_ref[...], dn_t,
                                 preferred_element_type=f32) + bo_ref[...]
        mx = jnp.max(logits, axis=1, keepdims=True)
        ex = jnp.exp(logits - mx)
        out_ref[...] = ex / jnp.sum(ex, axis=1, keepdims=True)

    vm = pl.BlockSpec(memory_space=pltpu.VMEM)
    sm = pl.BlockSpec(memory_space=pltpu.SMEM)
    return pl.pallas_call(
        body,
        out_shape=jax.ShapeDtypeStruct((1, 4), jnp.float32),
        in_specs=[vm] * 10 + [sm] + [vm] * 2,
        out_specs=vm,
        scratch_shapes=[pltpu.VMEM((NP + 1, HIDDEN), jnp.float32)],
    )(xt, wz, wr, wh, uz, ur, uh, bz, br, bh, tree32, wo, bo)


def kernel(x_word, x_index, num_parent, tree, E, W_z, U_z, b_z,
           W_r, U_r, b_r, W_h, U_h, b_h, W_out, b_out):
    del num_parent
    xt = _sc_gather_xe(E.T, x_index.T, x_word.T)
    probs = _tc_recurrence(
        xt, W_z, W_r, W_h, U_z, U_r, U_h,
        b_z, b_r, b_h, tree[:NP], W_out, b_out,
    )
    return probs[0]

# --- scband reference (transcript-rebuilt; emitter-appended) ---
"""Pipeline reference for scband-rv-nn-49916109914203 (READ-ONLY COPY).

The authoritative reference and input builder live on the scoring server;
editing this copy changes nothing except your own understanding.
"""

import jax, jax.numpy as jnp
import numpy as np

N_NODES = 1024
L_WORDS = 16
WORD_DIM = 30000
HIDDEN = 128
NCLASS = 4


def setup_inputs(seed: int = 0) -> dict:
    key = jax.random.key(seed)
    ks = jax.random.split(key, 16)
    inp = {}
    inp['x_word'] = jax.random.normal(ks[0], (N_NODES, L_WORDS), dtype=jnp.float32)
    inp['x_index'] = jax.random.randint(ks[1], (N_NODES, L_WORDS), 0, WORD_DIM).astype(jnp.int32)
    inp['num_parent'] = 32
    inp['tree'] = jax.random.randint(ks[2], (N_NODES, 2), 0, N_NODES).astype(jnp.int32)
    inp['E'] = 0.1 * jax.random.normal(ks[3], (HIDDEN, WORD_DIM), dtype=jnp.float32)
    inp['W_z'] = 0.1 * jax.random.normal(ks[4], (HIDDEN, HIDDEN), dtype=jnp.float32)
    inp['U_z'] = 0.1 * jax.random.normal(ks[5], (HIDDEN, HIDDEN), dtype=jnp.float32)
    inp['b_z'] = jnp.zeros((HIDDEN,), dtype=jnp.float32)
    inp['W_r'] = 0.1 * jax.random.normal(ks[6], (HIDDEN, HIDDEN), dtype=jnp.float32)
    inp['U_r'] = 0.1 * jax.random.normal(ks[7], (HIDDEN, HIDDEN), dtype=jnp.float32)
    inp['b_r'] = jnp.zeros((HIDDEN,), dtype=jnp.float32)
    inp['W_h'] = 0.1 * jax.random.normal(ks[8], (HIDDEN, HIDDEN), dtype=jnp.float32)
    inp['U_h'] = 0.1 * jax.random.normal(ks[9], (HIDDEN, HIDDEN), dtype=jnp.float32)
    inp['b_h'] = jnp.zeros((HIDDEN,), dtype=jnp.float32)
    inp['W_out'] = 0.1 * jax.random.normal(ks[10], (NCLASS, HIDDEN), dtype=jnp.float32)
    inp['b_out'] = jnp.zeros((NCLASS,), dtype=jnp.float32)
    return inp


def reference(x_word, x_index, num_parent, tree, E, W_z, U_z, b_z, W_r, U_r, b_r, W_h, U_h, b_h, W_out, b_out):
    n_nodes = x_word.shape[0]

    def step(node_h, xs):
        word, idx, tr = xs
        parent_h = node_h[tr[0]]
        # child_xe = E[:, index] @ word  (gather columns of embedding table)
        child_xe = jnp.take(E, idx, axis=1) @ word
        # hard_sigmoid = Hardtanh(0, 1) = clip to [0, 1]
        z = jnp.clip(W_z @ child_xe + U_z @ parent_h + b_z, 0.0, 1.0)
        r = jnp.clip(W_r @ child_xe + U_r @ parent_h + b_r, 0.0, 1.0)
        c = jnp.tanh(W_h @ child_xe + U_h @ (parent_h * r) + b_h)
        h = (1.0 - z) * parent_h + z * c
        # scatter-overwrite the child node's hidden state in the memory
        node_h = node_h.at[tr[1]].set(h)
        return node_h, h

    node_h0 = jnp.zeros((n_nodes, HIDDEN), dtype=jnp.float32)
    _, child_hs = jax.lax.scan(step, node_h0, (x_word, x_index, tree))
    # child_hs[num_parent-1:][0].max(dim=0) == child_hs[num_parent-1]
    final_state = child_hs[num_parent - 1]
    pred_y = jax.nn.softmax(W_out @ final_state + b_out, axis=0)
    return pred_y

if __name__ == "__main__":
    import jax
    _d = setup_inputs()
    print(jax.jit(kernel)(*tuple(_d.values())))

</pallas_src>

<mosaic_0001>
#map = affine_map<(d0, d1) -> (0, 0)>
module attributes {stable_mosaic.version = 14 : i64} {
  func.func @body(%arg0: i32, %arg1: i32, %arg2: memref<30000x128xf32, #tpu.memory_space<hbm>>, %arg3: memref<16x1024xi32, #tpu.memory_space<hbm>>, %arg4: memref<16x1024xf32, #tpu.memory_space<hbm>>, %arg5: memref<32x128xf32, #tpu.memory_space<hbm>>, %arg6: memref<16x128xi32, #tpu.memory_space<vmem>>, %arg7: memref<16x128xf32, #tpu.memory_space<vmem>>, %arg8: memref<512xi32, #tpu.memory_space<vmem>>, %arg9: memref<512xf32, #tpu.memory_space<vmem>>, %arg10: memref<2x16x128xf32, #tpu.memory_space<vmem>>, %arg11: memref<2x128xf32, #tpu.memory_space<vmem>>, %arg12: memref<!tpu.dma_semaphore, #tpu.memory_space<semaphore_mem>>, %arg13: memref<!tpu.dma_semaphore, #tpu.memory_space<semaphore_mem>>, %arg14: memref<!tpu.dma_semaphore, #tpu.memory_space<semaphore_mem>>) attributes {dimension_semantics = [#tpu.dimension_semantics<core_parallel>, #tpu.dimension_semantics<subcore_parallel>], iteration_bounds = array<i64: 1, 16>, scalar_prefetch = 0 : i64, scratch_operands = 9 : i64, tpu.core_type = #tpu.core_type<sc_vector_subcore>, window_params = [{transform_indices = #map}, {transform_indices = #map}, {transform_indices = #map}, {transform_indices = #map}]} {
    %mul3A = arith.constant 16 : i32
    %mul3A_0 = arith.muli %arg0, %mul3A : i32
    %add3A = arith.addi %arg1, %mul3A_0 : i32
    %dma_start3A = arith.constant 0 : i32
    %dma_start3A_1 = arith.constant 0 : i32
    %dma_start3A_2 = tpu.memref_slice %arg3[%dma_start3A, %dma_start3A_1] : memref<16x1024xi32, #tpu.memory_space<hbm>> -> memref<16x128xi32, #tpu.memory_space<hbm>>
    %dma_start3A_3 = arith.constant 0 : i32
    %dma_start3A_4 = arith.constant 0 : i32
    %dma_start3A_5 = tpu.memref_slice %arg3[%dma_start3A_3, %dma_start3A_4] : memref<16x1024xi32, #tpu.memory_space<hbm>> -> memref<16x128xi32, #tpu.memory_space<hbm>>
    tpu.enqueue_dma source(%dma_start3A_5 : memref<16x128xi32, #tpu.memory_space<hbm>>) target(%arg6 : memref<16x128xi32, #tpu.memory_space<vmem>>) target_semaphore(%arg12 : memref<!tpu.dma_semaphore, #tpu.memory_space<semaphore_mem>>)
    %dma_start3A_6 = arith.constant 0 : i32
    %dma_start3A_7 = arith.constant 0 : i32
    %dma_start3A_8 = tpu.memref_slice %arg4[%dma_start3A_6, %dma_start3A_7] : memref<16x1024xf32, #tpu.memory_space<hbm>> -> memref<16x128xf32, #tpu.memory_space<hbm>>
    %dma_start3A_9 = arith.constant 0 : i32
    %dma_start3A_10 = arith.constant 0 : i32
    %dma_start3A_11 = tpu.memref_slice %arg4[%dma_start3A_9, %dma_start3A_10] : memref<16x1024xf32, #tpu.memory_space<hbm>> -> memref<16x128xf32, #tpu.memory_space<hbm>>
    tpu.enqueue_dma source(%dma_start3A_11 : memref<16x128xf32, #tpu.memory_space<hbm>>) target(%arg7 : memref<16x128xf32, #tpu.memory_space<vmem>>) target_semaphore(%arg13 : memref<!tpu.dma_semaphore, #tpu.memory_space<semaphore_mem>>)
    %dma_wait3A = arith.constant 0 : i32
    %dma_wait3A_12 = arith.constant 0 : i32
    %dma_wait3A_13 = tpu.memref_slice %arg3[%dma_wait3A, %dma_wait3A_12] : memref<16x1024xi32, #tpu.memory_space<hbm>> -> memref<16x128xi32, #tpu.memory_space<hbm>>
    %dma_wait3A_14 = arith.constant 0 : i32
    %dma_wait3A_15 = arith.constant 0 : i32
    %dma_wait3A_16 = tpu.memref_slice %arg3[%dma_wait3A_14, %dma_wait3A_15] : memref<16x1024xi32, #tpu.memory_space<hbm>> -> memref<16x128xi32, #tpu.memory_space<hbm>>
    tpu.wait_dma2 semaphore(%arg12 : memref<!tpu.dma_semaphore, #tpu.memory_space<semaphore_mem>>) src(%dma_wait3A_16 : memref<16x128xi32, #tpu.memory_space<hbm>>) dst(%arg6 : memref<16x128xi32, #tpu.memory_space<vmem>>)
    %scan3A = arith.constant 0 : i32
    %scan3A_17 = arith.constant 0 : i32
    %scan3A_18 = arith.constant 16 : i32
    %scan3A_19 = arith.addi %scan3A_17, %scan3A_18 : i32
    %scan3A_20 = arith.constant 1 : i32
    %scan3A_21 = scf.for %scan3A_203 = %scan3A_17 to %scan3A_19 step %scan3A_20 iter_args(%scan3A_204 = %scan3A) -> (i32)  : i32 {
      %get3A = arith.index_cast %scan3A_203 : i32 to index
      %get3A_205 = arith.constant 0 : index
      %get3A_206 = tpu.vector_load %arg6[%get3A, %get3A_205] {strides = array<i32>} : memref<16x128xi32, #tpu.memory_space<vmem>>, vector<16xi32>,
      %mul3A_207 = arith.constant 32 : i32
      %mul3A_208 = arith.muli %scan3A_203, %mul3A_207 : i32
      %add3A_209 = arith.constant 0 : i32
      %add3A_210 = arith.addi %mul3A_208, %add3A_209 : i32
      %swap3A_211 = arith.index_cast %add3A_210 : i32 to index
      %swap3A_212 = tpu.vector_load %arg8[%swap3A_211] {strides = array<i32>} : memref<512xi32, #tpu.memory_space<vmem>>, vector<16xi32>,
      tpu.vector_store %arg8[%swap3A_211], %get3A_206 {strides = array<i32>} : memref<512xi32, #tpu.memory_space<vmem>>, vector<16xi32>,
      %get3A_213 = arith.index_cast %scan3A_203 : i32 to index
      %get3A_214 = arith.constant 16 : index
      %get3A_215 = tpu.vector_load %arg6[%get3A_213, %get3A_214] {strides = array<i32>} : memref<16x128xi32, #tpu.memory_space<vmem>>, vector<16xi32>,
      %mul3A_216 = arith.constant 32 : i32
      %mul3A_217 = arith.muli %scan3A_203, %mul3A_216 : i32
      %add3A_218 = arith.constant 16 : i32
      %add3A_219 = arith.addi %mul3A_217, %add3A_218 : i32
      %swap3A_220 = arith.index_cast %add3A_219 : i32 to index
      %swap3A_221 = tpu.vector_load %arg8[%swap3A_220] {strides = array<i32>} : memref<512xi32, #tpu.memory_space<vmem>>, vector<16xi32>,
      tpu.vector_store %arg8[%swap3A_220], %get3A_215 {strides = array<i32>} : memref<512xi32, #tpu.memory_space<vmem>>, vector<16xi32>,
      %scan3A_222 = arith.constant 0 : i32
      scf.yield %scan3A_222 : i32
    }
    %scan3A_22 = arith.constant 16 : i32
    %iota3A = tpu.iota {dimensions = array<i32: 0>} : vector<16xi32>
    %dma_wait3A_23 = arith.constant 0 : i32
    %dma_wait3A_24 = arith.constant 0 : i32
    %dma_wait3A_25 = tpu.memref_slice %arg4[%dma_wait3A_23, %dma_wait3A_24] : memref<16x1024xf32, #tpu.memory_space<hbm>> -> memref<16x128xf32, #tpu.memory_space<hbm>>
    %dma_wait3A_26 = arith.constant 0 : i32
    %dma_wait3A_27 = arith.constant 0 : i32
    %dma_wait3A_28 = tpu.memref_slice %arg4[%dma_wait3A_26, %dma_wait3A_27] : memref<16x1024xf32, #tpu.memory_space<hbm>> -> memref<16x128xf32, #tpu.memory_space<hbm>>
    tpu.wait_dma2 semaphore(%arg13 : memref<!tpu.dma_semaphore, #tpu.memory_space<semaphore_mem>>) src(%dma_wait3A_28 : memref<16x128xf32, #tpu.memory_space<hbm>>) dst(%arg7 : memref<16x128xf32, #tpu.memory_space<vmem>>)
    %scan3A_29 = arith.constant 0 : i32
    %scan3A_30 = arith.constant 0 : i32
    %scan3A_31 = arith.constant 16 : i32
    %scan3A_32 = arith.addi %scan3A_30, %scan3A_31 : i32
    %scan3A_33 = arith.constant 1 : i32
    %scan3A_34 = scf.for %scan3A_203 = %scan3A_30 to %scan3A_32 step %scan3A_33 iter_args(%scan3A_204 = %scan3A_29) -> (i32)  : i32 {
      %get3A = arith.index_cast %scan3A_203 : i32 to index
      %get3A_205 = arith.constant 0 : index
      %get3A_206 = tpu.vector_load %arg7[%get3A, %get3A_205] {strides = array<i32>} : memref<16x128xf32, #tpu.memory_space<vmem>>, vector<16xf32>,
      %mul3A_207 = arith.constant 32 : i32
      %mul3A_208 = arith.muli %scan3A_203, %mul3A_207 : i32
      %add3A_209 = arith.constant 0 : i32
      %add3A_210 = arith.addi %mul3A_208, %add3A_209 : i32
      %swap3A_211 = arith.index_cast %add3A_210 : i32 to index
      %swap3A_212 = tpu.vector_load %arg9[%swap3A_211] {strides = array<i32>} : memref<512xf32, #tpu.memory_space<vmem>>, vector<16xf32>,
      tpu.vector_store %arg9[%swap3A_211], %get3A_206 {strides = array<i32>} : memref<512xf32, #tpu.memory_space<vmem>>, vector<16xf32>,
      %get3A_213 = arith.index_cast %scan3A_203 : i32 to index
      %get3A_214 = arith.constant 16 : index
      %get3A_215 = tpu.vector_load %arg7[%get3A_213, %get3A_214] {strides = array<i32>} : memref<16x128xf32, #tpu.memory_space<vmem>>, vector<16xf32>,
      %mul3A_216 = arith.constant 32 : i32
      %mul3A_217 = arith.muli %scan3A_203, %mul3A_216 : i32
      %add3A_218 = arith.constant 16 : i32
      %add3A_219 = arith.addi %mul3A_217, %add3A_218 : i32
      %swap3A_220 = arith.index_cast %add3A_219 : i32 to index
      %swap3A_221 = tpu.vector_load %arg9[%swap3A_220] {strides = array<i32>} : memref<512xf32, #tpu.memory_space<vmem>>, vector<16xf32>,
      tpu.vector_store %arg9[%swap3A_220], %get3A_215 {strides = array<i32>} : memref<512xf32, #tpu.memory_space<vmem>>, vector<16xf32>,
      %scan3A_222 = arith.constant 0 : i32
      scf.yield %scan3A_222 : i32
    }
    %scan3A_35 = arith.constant 16 : i32
    %mul3A_36 = arith.constant 32 : i32
    %mul3A_37 = vector.broadcast %mul3A_36 : i32 to vector<16xi32>
    %mul3A_38 = arith.muli %iota3A, %mul3A_37 : vector<16xi32>
    %mul3A_39 = arith.constant 2 : i32
    %mul3A_40 = arith.muli %add3A, %mul3A_39 : i32
    %add3A_41 = arith.constant 0 : i32
    %add3A_42 = arith.addi %mul3A_40, %add3A_41 : i32
    %add3A_43 = vector.broadcast %add3A_42 : i32 to vector<16xi32>
    %add3A_44 = arith.addi %mul3A_38, %add3A_43 : vector<16xi32>
    %gather3A = tpu.vector_load_idx %arg8[%add3A_44] : memref<512xi32, #tpu.memory_space<vmem>>[vector<16xi32>], vector<16xi32>,
    %dma_start3A_45 = arith.constant 0 : i32
    %dma_start3A_46 = arith.constant 0 : i32
    %dma_start3A_47 = arith.constant 0 : i32
    %dma_start3A_48 = tpu.memref_slice %arg10[%dma_start3A_45, %dma_start3A_46, %dma_start3A_47] : memref<2x16x128xf32, #tpu.memory_space<vmem>> -> memref<1x16x128xf32, #tpu.memory_space<vmem>>
    %dma_start3A_49 = tpu.memref_squeeze %dma_start3A_48 : memref<1x16x128xf32, #tpu.memory_space<vmem>> -> memref<16x128xf32, #tpu.memory_space<vmem>>
    %dma_start3A_50 = arith.constant 0 : i32
    %dma_start3A_51 = arith.constant 0 : i32
    %dma_start3A_52 = tpu.memref_slice %arg2[%dma_start3A_50, %dma_start3A_51] : memref<30000x128xf32, #tpu.memory_space<hbm>> -> memref<30000x128xf32, #tpu.memory_space<hbm>>
    tpu.enqueue_indirect_dma source(%dma_start3A_52 : memref<30000x128xf32, #tpu.memory_space<hbm>>) target(%dma_start3A_49 : memref<16x128xf32, #tpu.memory_space<vmem>>) offsets(%gather3A : vector<16xi32>) semaphore(%arg14 : memref<!tpu.dma_semaphore, #tpu.memory_space<semaphore_mem>>)
    %mul3A_53 = arith.constant 32 : i32
    %mul3A_54 = vector.broadcast %mul3A_53 : i32 to vector<16xi32>
    %mul3A_55 = arith.muli %iota3A, %mul3A_54 : vector<16xi32>
    %mul3A_56 = arith.constant 2 : i32
    %mul3A_57 = arith.muli %add3A, %mul3A_56 : i32
    %add3A_58 = arith.constant 1 : i32
    %add3A_59 = arith.addi %mul3A_57, %add3A_58 : i32
    %add3A_60 = vector.broadcast %add3A_59 : i32 to vector<16xi32>
    %add3A_61 = arith.addi %mul3A_55, %add3A_60 : vector<16xi32>
    %gather3A_62 = tpu.vector_load_idx %arg8[%add3A_61] : memref<512xi32, #tpu.memory_space<vmem>>[vector<16xi32>], vector<16xi32>,
    %dma_start3A_63 = arith.constant 1 : i32
    %dma_start3A_64 = arith.constant 0 : i32
    %dma_start3A_65 = arith.constant 0 : i32
    %dma_start3A_66 = tpu.memref_slice %arg10[%dma_start3A_63, %dma_start3A_64, %dma_start3A_65] : memref<2x16x128xf32, #tpu.memory_space<vmem>> -> memref<1x16x128xf32, #tpu.memory_space<vmem>>
    %dma_start3A_67 = tpu.memref_squeeze %dma_start3A_66 : memref<1x16x128xf32, #tpu.memory_space<vmem>> -> memref<16x128xf32, #tpu.memory_space<vmem>>
    %dma_start3A_68 = arith.constant 0 : i32
    %dma_start3A_69 = arith.constant 0 : i32
    %dma_start3A_70 = tpu.memref_slice %arg2[%dma_start3A_68, %dma_start3A_69] : memref<30000x128xf32, #tpu.memory_space<hbm>> -> memref<30000x128xf32, #tpu.memory_space<hbm>>
    tpu.enqueue_indirect_dma source(%dma_start3A_70 : memref<30000x128xf32, #tpu.memory_space<hbm>>) target(%dma_start3A_67 : memref<16x128xf32, #tpu.memory_space<vmem>>) offsets(%gather3A_62 : vector<16xi32>) semaphore(%arg14 : memref<!tpu.dma_semaphore, #tpu.memory_space<semaphore_mem>>)
    %mul3A_71 = arith.constant 2 : i32
    %mul3A_72 = arith.muli %add3A, %mul3A_71 : i32
    %add3A_73 = arith.constant 0 : i32
    %add3A_74 = arith.addi %mul3A_72, %add3A_73 : i32
    %dma_wait3A_75 = arith.constant 0 : i32
    %dma_wait3A_76 = arith.constant 0 : i32
    %dma_wait3A_77 = arith.constant 0 : i32
    %dma_wait3A_78 = tpu.memref_slice %arg10[%dma_wait3A_75, %dma_wait3A_76, %dma_wait3A_77] : memref<2x16x128xf32, #tpu.memory_space<vmem>> -> memref<1x16x128xf32, #tpu.memory_space<vmem>>
    %dma_wait3A_79 = tpu.memref_squeeze %dma_wait3A_78 : memref<1x16x128xf32, #tpu.memory_space<vmem>> -> memref<16x128xf32, #tpu.memory_space<vmem>>
    %dma_wait3A_80 = arith.constant 0 : i32
    %dma_wait3A_81 = arith.constant 0 : i32
    %dma_wait3A_82 = tpu.memref_slice %arg2[%dma_wait3A_80, %dma_wait3A_81] : memref<30000x128xf32, #tpu.memory_space<hbm>> -> memref<30000x128xf32, #tpu.memory_space<hbm>>
    tpu.wait_indirect_dma semaphore(%arg14 : memref<!tpu.dma_semaphore, #tpu.memory_space<semaphore_mem>>) src(%dma_wait3A_82 : memref<30000x128xf32, #tpu.memory_space<hbm>>) dst(%dma_wait3A_79 : memref<16x128xf32, #tpu.memory_space<vmem>>)
    %broadcast_in_dim3A = arith.constant 0.000000e+00 : f32
    %broadcast_in_dim3A_83 = vector.broadcast %broadcast_in_dim3A : f32 to vector<16xf32>
    %broadcast_in_dim3A_84 = arith.constant 0.000000e+00 : f32
    %broadcast_in_dim3A_85 = vector.broadcast %broadcast_in_dim3A_84 : f32 to vector<16xf32>
    %broadcast_in_dim3A_86 = arith.constant 0.000000e+00 : f32
    %broadcast_in_dim3A_87 = vector.broadcast %broadcast_in_dim3A_86 : f32 to vector<16xf32>
    %broadcast_in_dim3A_88 = arith.constant 0.000000e+00 : f32
    %broadcast_in_dim3A_89 = vector.broadcast %broadcast_in_dim3A_88 : f32 to vector<16xf32>
    %broadcast_in_dim3A_90 = arith.constant 0.000000e+00 : f32
    %broadcast_in_dim3A_91 = vector.broadcast %broadcast_in_dim3A_90 : f32 to vector<16xf32>
    %broadcast_in_dim3A_92 = arith.constant 0.000000e+00 : f32
    %broadcast_in_dim3A_93 = vector.broadcast %broadcast_in_dim3A_92 : f32 to vector<16xf32>
    %broadcast_in_dim3A_94 = arith.constant 0.000000e+00 : f32
    %broadcast_in_dim3A_95 = vector.broadcast %broadcast_in_dim3A_94 : f32 to vector<16xf32>
    %broadcast_in_dim3A_96 = arith.constant 0.000000e+00 : f32
    %broadcast_in_dim3A_97 = vector.broadcast %broadcast_in_dim3A_96 : f32 to vector<16xf32>
    %scan3A_98 = arith.constant 0 : i32
    %scan3A_99 = arith.constant 16 : i32
    %scan3A_100 = arith.addi %scan3A_98, %scan3A_99 : i32
    %scan3A_101 = arith.constant 1 : i32
    %scan3A_102:8 = scf.for %scan3A_203 = %scan3A_98 to %scan3A_100 step %scan3A_101 iter_args(%scan3A_204 = %broadcast_in_dim3A_83, %scan3A_205 = %broadcast_in_dim3A_85, %scan3A_206 = %broadcast_in_dim3A_87, %scan3A_207 = %broadcast_in_dim3A_89, %scan3A_208 = %broadcast_in_dim3A_91, %scan3A_209 = %broadcast_in_dim3A_93, %scan3A_210 = %broadcast_in_dim3A_95, %scan3A_211 = %broadcast_in_dim3A_97) -> (vector<16xf32>, vector<16xf32>, vector<16xf32>, vector<16xf32>, vector<16xf32>, vector<16xf32>, vector<16xf32>, vector<16xf32>)  : i32 {
      %broadcast_in_dim3A_212 = arith.constant 0 : i32
      %broadcast_in_dim3A_213 = vector.broadcast %broadcast_in_dim3A_212 : i32 to vector<16xi32>
      %mul3A_214 = arith.constant 32 : i32
      %mul3A_215 = arith.muli %scan3A_203, %mul3A_214 : i32
      %add3A_216 = arith.addi %mul3A_215, %add3A_74 : i32
      %add3A_217 = vector.broadcast %add3A_216 : i32 to vector<16xi32>
      %add3A_218 = arith.addi %broadcast_in_dim3A_213, %add3A_217 : vector<16xi32>
      %gather3A_219 = tpu.vector_load_idx %arg9[%add3A_218] : memref<512xf32, #tpu.memory_space<vmem>>[vector<16xi32>], vector<16xf32>,
      %get3A = arith.constant 0 : i32
      %get3A_220 = arith.index_cast %get3A : i32 to index
      %get3A_221 = arith.index_cast %scan3A_203 : i32 to index
      %get3A_222 = arith.constant 0 : index
      %get3A_223 = tpu.vector_load %arg10[%get3A_220, %get3A_221, %get3A_222] {strides = array<i32>} : memref<2x16x128xf32, #tpu.memory_space<vmem>>, vector<16xf32>,
      %mul3A_224 = arith.mulf %get3A_223, %gather3A_219 : vector<16xf32>
      %add3A_225 = arith.addf %scan3A_204, %mul3A_224 : vector<16xf32>
      %get3A_226 = arith.constant 0 : i32
      %get3A_227 = arith.index_cast %get3A_226 : i32 to index
      %get3A_228 = arith.index_cast %scan3A_203 : i32 to index
      %get3A_229 = arith.constant 16 : index
      %get3A_230 = tpu.vector_load %arg10[%get3A_227, %get3A_228, %get3A_229] {strides = array<i32>} : memref<2x16x128xf32, #tpu.memory_space<vmem>>, vector<16xf32>,
      %mul3A_231 = arith.mulf %get3A_230, %gather3A_219 : vector<16xf32>
      %add3A_232 = arith.addf %scan3A_205, %mul3A_231 : vector<16xf32>
      %get3A_233 = arith.constant 0 : i32
      %get3A_234 = arith.index_cast %get3A_233 : i32 to index
      %get3A_235 = arith.index_cast %scan3A_203 : i32 to index
      %get3A_236 = arith.constant 32 : index
      %get3A_237 = tpu.vector_load %arg10[%get3A_234, %get3A_235, %get3A_236] {strides = array<i32>} : memref<2x16x128xf32, #tpu.memory_space<vmem>>, vector<16xf32>,
      %mul3A_238 = arith.mulf %get3A_237, %gather3A_219 : vector<16xf32>
      %add3A_239 = arith.addf %scan3A_206, %mul3A_238 : vector<16xf32>
      %get3A_240 = arith.constant 0 : i32
      %get3A_241 = arith.index_cast %get3A_240 : i32 to index
      %get3A_242 = arith.index_cast %scan3A_203 : i32 to index
      %get3A_243 = arith.constant 48 : index
      %get3A_244 = tpu.vector_load %arg10[%get3A_241, %get3A_242, %get3A_243] {strides = array<i32>} : memref<2x16x128xf32, #tpu.memory_space<vmem>>, vector<16xf32>,
      %mul3A_245 = arith.mulf %get3A_244, %gather3A_219 : vector<16xf32>
      %add3A_246 = arith.addf %scan3A_207, %mul3A_245 : vector<16xf32>
      %get3A_247 = arith.constant 0 : i32
      %get3A_248 = arith.index_cast %get3A_247 : i32 to index
      %get3A_249 = arith.index_cast %scan3A_203 : i32 to index
      %get3A_250 = arith.constant 64 : index
      %get3A_251 = tpu.vector_load %arg10[%get3A_248, %get3A_249, %get3A_250] {strides = array<i32>} : memref<2x16x128xf32, #tpu.memory_space<vmem>>, vector<16xf32>,
      %mul3A_252 = arith.mulf %get3A_251, %gather3A_219 : vector<16xf32>
      %add3A_253 = arith.addf %scan3A_208, %mul3A_252 : vector<16xf32>
      %get3A_254 = arith.constant 0 : i32
      %get3A_255 = arith.index_cast %get3A_254 : i32 to index
      %get3A_256 = arith.index_cast %scan3A_203 : i32 to index
      %get3A_257 = arith.constant 80 : index
      %get3A_258 = tpu.vector_load %arg10[%get3A_255, %get3A_256, %get3A_257] {strides = array<i32>} : memref<2x16x128xf32, #tpu.memory_space<vmem>>, vector<16xf32>,
      %mul3A_259 = arith.mulf %get3A_258, %gather3A_219 : vector<16xf32>
      %add3A_260 = arith.addf %scan3A_209, %mul3A_259 : vector<16xf32>
      %get3A_261 = arith.constant 0 : i32
      %get3A_262 = arith.index_cast %get3A_261 : i32 to index
      %get3A_263 = arith.index_cast %scan3A_203 : i32 to index
      %get3A_264 = arith.constant 96 : index
      %get3A_265 = tpu.vector_load %arg10[%get3A_262, %get3A_263, %get3A_264] {strides = array<i32>} : memref<2x16x128xf32, #tpu.memory_space<vmem>>, vector<16xf32>,
      %mul3A_266 = arith.mulf %get3A_265, %gather3A_219 : vector<16xf32>
      %add3A_267 = arith.addf %scan3A_210, %mul3A_266 : vector<16xf32>
      %get3A_268 = arith.constant 0 : i32
      %get3A_269 = arith.index_cast %get3A_268 : i32 to index
      %get3A_270 = arith.index_cast %scan3A_203 : i32 to index
      %get3A_271 = arith.constant 112 : index
      %get3A_272 = tpu.vector_load %arg10[%get3A_269, %get3A_270, %get3A_271] {strides = array<i32>} : memref<2x16x128xf32, #tpu.memory_space<vmem>>, vector<16xf32>,
      %mul3A_273 = arith.mulf %get3A_272, %gather3A_219 : vector<16xf32>
      %add3A_274 = arith.addf %scan3A_211, %mul3A_273 : vector<16xf32>
      scf.yield %add3A_225, %add3A_232, %add3A_239, %add3A_246, %add3A_253, %add3A_260, %add3A_267, %add3A_274 : vector<16xf32>, vector<16xf32>, vector<16xf32>, vector<16xf32>, vector<16xf32>, vector<16xf32>, vector<16xf32>, vector<16xf32>
    }
    %scan3A_103 = arith.constant 16 : i32
    %swap3A = arith.constant 0 : i32
    %swap3A_104 = arith.index_cast %swap3A : i32 to index
    %swap3A_105 = arith.constant 0 : index
    %swap3A_106 = tpu.vector_load %arg11[%swap3A_104, %swap3A_105] {strides = array<i32>} : memref<2x128xf32, #tpu.memory_space<vmem>>, vector<16xf32>,
    tpu.vector_store %arg11[%swap3A_104, %swap3A_105], %scan3A_102#0 {strides = array<i32>} : memref<2x128xf32, #tpu.memory_space<vmem>>, vector<16xf32>,
    %swap3A_107 = arith.constant 0 : i32
    %swap3A_108 = arith.index_cast %swap3A_107 : i32 to index
    %swap3A_109 = arith.constant 16 : index
    %swap3A_110 = tpu.vector_load %arg11[%swap3A_108, %swap3A_109] {strides = array<i32>} : memref<2x128xf32, #tpu.memory_space<vmem>>, vector<16xf32>,
    tpu.vector_store %arg11[%swap3A_108, %swap3A_109], %scan3A_102#1 {strides = array<i32>} : memref<2x128xf32, #tpu.memory_space<vmem>>, vector<16xf32>,
    %swap3A_111 = arith.constant 0 : i32
    %swap3A_112 = arith.index_cast %swap3A_111 : i32 to index
    %swap3A_113 = arith.constant 32 : index
    %swap3A_114 = tpu.vector_load %arg11[%swap3A_112, %swap3A_113] {strides = array<i32>} : memref<2x128xf32, #tpu.memory_space<vmem>>, vector<16xf32>,
    tpu.vector_store %arg11[%swap3A_112, %swap3A_113], %scan3A_102#2 {strides = array<i32>} : memref<2x128xf32, #tpu.memory_space<vmem>>, vector<16xf32>,
    %swap3A_115 = arith.constant 0 : i32
    %swap3A_116 = arith.index_cast %swap3A_115 : i32 to index
    %swap3A_117 = arith.constant 48 : index
    %swap3A_118 = tpu.vector_load %arg11[%swap3A_116, %swap3A_117] {strides = array<i32>} : memref<2x128xf32, #tpu.memory_space<vmem>>, vector<16xf32>,
    tpu.vector_store %arg11[%swap3A_116, %swap3A_117], %scan3A_102#3 {strides = array<i32>} : memref<2x128xf32, #tpu.memory_space<vmem>>, vector<16xf32>,
    %swap3A_119 = arith.constant 0 : i32
    %swap3A_120 = arith.index_cast %swap3A_119 : i32 to index
    %swap3A_121 = arith.constant 64 : index
    %swap3A_122 = tpu.vector_load %arg11[%swap3A_120, %swap3A_121] {strides = array<i32>} : memref<2x128xf32, #tpu.memory_space<vmem>>, vector<16xf32>,
    tpu.vector_store %arg11[%swap3A_120, %swap3A_121], %scan3A_102#4 {strides = array<i32>} : memref<2x128xf32, #tpu.memory_space<vmem>>, vector<16xf32>,
    %swap3A_123 = arith.constant 0 : i32
    %swap3A_124 = arith.index_cast %swap3A_123 : i32 to index
    %swap3A_125 = arith.constant 80 : index
    %swap3A_126 = tpu.vector_load %arg11[%swap3A_124, %swap3A_125] {strides = array<i32>} : memref<2x128xf32, #tpu.memory_space<vmem>>, vector<16xf32>,
    tpu.vector_store %arg11[%swap3A_124, %swap3A_125], %scan3A_102#5 {strides = array<i32>} : memref<2x128xf32, #tpu.memory_space<vmem>>, vector<16xf32>,
    %swap3A_127 = arith.constant 0 : i32
    %swap3A_128 = arith.index_cast %swap3A_127 : i32 to index
    %swap3A_129 = arith.constant 96 : index
    %swap3A_130 = tpu.vector_load %arg11[%swap3A_128, %swap3A_129] {strides = array<i32>} : memref<2x128xf32, #tpu.memory_space<vmem>>, vector<16xf32>,
    tpu.vector_store %arg11[%swap3A_128, %swap3A_129], %scan3A_102#6 {strides = array<i32>} : memref<2x128xf32, #tpu.memory_space<vmem>>, vector<16xf32>,
    %swap3A_131 = arith.constant 0 : i32
    %swap3A_132 = arith.index_cast %swap3A_131 : i32 to index
    %swap3A_133 = arith.constant 112 : index
    %swap3A_134 = tpu.vector_load %arg11[%swap3A_132, %swap3A_133] {strides = array<i32>} : memref<2x128xf32, #tpu.memory_space<vmem>>, vector<16xf32>,
    tpu.vector_store %arg11[%swap3A_132, %swap3A_133], %scan3A_102#7 {strides = array<i32>} : memref<2x128xf32, #tpu.memory_space<vmem>>, vector<16xf32>,
    %mul3A_135 = arith.constant 2 : i32
    %mul3A_136 = arith.muli %add3A, %mul3A_135 : i32
    %add3A_137 = arith.constant 1 : i32
    %add3A_138 = arith.addi %mul3A_136, %add3A_137 : i32
    %dma_wait3A_139 = arith.constant 1 : i32
    %dma_wait3A_140 = arith.constant 0 : i32
    %dma_wait3A_141 = arith.constant 0 : i32
    %dma_wait3A_142 = tpu.memref_slice %arg10[%dma_wait3A_139, %dma_wait3A_140, %dma_wait3A_141] : memref<2x16x128xf32, #tpu.memory_space<vmem>> -> memref<1x16x128xf32, #tpu.memory_space<vmem>>
    %dma_wait3A_143 = tpu.memref_squeeze %dma_wait3A_142 : memref<1x16x128xf32, #tpu.memory_space<vmem>> -> memref<16x128xf32, #tpu.memory_space<vmem>>
    %dma_wait3A_144 = arith.constant 0 : i32
    %dma_wait3A_145 = arith.constant 0 : i32
    %dma_wait3A_146 = tpu.memref_slice %arg2[%dma_wait3A_144, %dma_wait3A_145] : memref<30000x128xf32, #tpu.memory_space<hbm>> -> memref<30000x128xf32, #tpu.memory_space<hbm>>
    tpu.wait_indirect_dma semaphore(%arg14 : memref<!tpu.dma_semaphore, #tpu.memory_space<semaphore_mem>>) src(%dma_wait3A_146 : memref<30000x128xf32, #tpu.memory_space<hbm>>) dst(%dma_wait3A_143 : memref<16x128xf32, #tpu.memory_space<vmem>>)
    %broadcast_in_dim3A_147 = arith.constant 0.000000e+00 : f32
    %broadcast_in_dim3A_148 = vector.broadcast %broadcast_in_dim3A_147 : f32 to vector<16xf32>
    %broadcast_in_dim3A_149 = arith.constant 0.000000e+00 : f32
    %broadcast_in_dim3A_150 = vector.broadcast %broadcast_in_dim3A_149 : f32 to vector<16xf32>
    %broadcast_in_dim3A_151 = arith.constant 0.000000e+00 : f32
    %broadcast_in_dim3A_152 = vector.broadcast %broadcast_in_dim3A_151 : f32 to vector<16xf32>
    %broadcast_in_dim3A_153 = arith.constant 0.000000e+00 : f32
    %broadcast_in_dim3A_154 = vector.broadcast %broadcast_in_dim3A_153 : f32 to vector<16xf32>
    %broadcast_in_dim3A_155 = arith.constant 0.000000e+00 : f32
    %broadcast_in_dim3A_156 = vector.broadcast %broadcast_in_dim3A_155 : f32 to vector<16xf32>
    %broadcast_in_dim3A_157 = arith.constant 0.000000e+00 : f32
    %broadcast_in_dim3A_158 = vector.broadcast %broadcast_in_dim3A_157 : f32 to vector<16xf32>
    %broadcast_in_dim3A_159 = arith.constant 0.000000e+00 : f32
    %broadcast_in_dim3A_160 = vector.broadcast %broadcast_in_dim3A_159 : f32 to vector<16xf32>
    %broadcast_in_dim3A_161 = arith.constant 0.000000e+00 : f32
    %broadcast_in_dim3A_162 = vector.broadcast %broadcast_in_dim3A_161 : f32 to vector<16xf32>
    %scan3A_163 = arith.constant 0 : i32
    %scan3A_164 = arith.constant 16 : i32
    %scan3A_165 = arith.addi %scan3A_163, %scan3A_164 : i32
    %scan3A_166 = arith.constant 1 : i32
    %scan3A_167:8 = scf.for %scan3A_203 = %scan3A_163 to %scan3A_165 step %scan3A_166 iter_args(%scan3A_204 = %broadcast_in_dim3A_148, %scan3A_205 = %broadcast_in_dim3A_150, %scan3A_206 = %broadcast_in_dim3A_152, %scan3A_207 = %broadcast_in_dim3A_154, %scan3A_208 = %broadcast_in_dim3A_156, %scan3A_209 = %broadcast_in_dim3A_158, %scan3A_210 = %broadcast_in_dim3A_160, %scan3A_211 = %broadcast_in_dim3A_162) -> (vector<16xf32>, vector<16xf32>, vector<16xf32>, vector<16xf32>, vector<16xf32>, vector<16xf32>, vector<16xf32>, vector<16xf32>)  : i32 {
      %broadcast_in_dim3A_212 = arith.constant 0 : i32
      %broadcast_in_dim3A_213 = vector.broadcast %broadcast_in_dim3A_212 : i32 to vector<16xi32>
      %mul3A_214 = arith.constant 32 : i32
      %mul3A_215 = arith.muli %scan3A_203, %mul3A_214 : i32
      %add3A_216 = arith.addi %mul3A_215, %add3A_138 : i32
      %add3A_217 = vector.broadcast %add3A_216 : i32 to vector<16xi32>
      %add3A_218 = arith.addi %broadcast_in_dim3A_213, %add3A_217 : vector<16xi32>
      %gather3A_219 = tpu.vector_load_idx %arg9[%add3A_218] : memref<512xf32, #tpu.memory_space<vmem>>[vector<16xi32>], vector<16xf32>,
      %get3A = arith.constant 1 : i32
      %get3A_220 = arith.index_cast %get3A : i32 to index
      %get3A_221 = arith.index_cast %scan3A_203 : i32 to index
      %get3A_222 = arith.constant 0 : index
      %get3A_223 = tpu.vector_load %arg10[%get3A_220, %get3A_221, %get3A_222] {strides = array<i32>} : memref<2x16x128xf32, #tpu.memory_space<vmem>>, vector<16xf32>,
      %mul3A_224 = arith.mulf %get3A_223, %gather3A_219 : vector<16xf32>
      %add3A_225 = arith.addf %scan3A_204, %mul3A_224 : vector<16xf32>
      %get3A_226 = arith.constant 1 : i32
      %get3A_227 = arith.index_cast %get3A_226 : i32 to index
      %get3A_228 = arith.index_cast %scan3A_203 : i32 to index
      %get3A_229 = arith.constant 16 : index
      %get3A_230 = tpu.vector_load %arg10[%get3A_227, %get3A_228, %get3A_229] {strides = array<i32>} : memref<2x16x128xf32, #tpu.memory_space<vmem>>, vector<16xf32>,
      %mul3A_231 = arith.mulf %get3A_230, %gather3A_219 : vector<16xf32>
      %add3A_232 = arith.addf %scan3A_205, %mul3A_231 : vector<16xf32>
      %get3A_233 = arith.constant 1 : i32
      %get3A_234 = arith.index_cast %get3A_233 : i32 to index
      %get3A_235 = arith.index_cast %scan3A_203 : i32 to index
      %get3A_236 = arith.constant 32 : index
      %get3A_237 = tpu.vector_load %arg10[%get3A_234, %get3A_235, %get3A_236] {strides = array<i32>} : memref<2x16x128xf32, #tpu.memory_space<vmem>>, vector<16xf32>,
      %mul3A_238 = arith.mulf %get3A_237, %gather3A_219 : vector<16xf32>
      %add3A_239 = arith.addf %scan3A_206, %mul3A_238 : vector<16xf32>
      %get3A_240 = arith.constant 1 : i32
      %get3A_241 = arith.index_cast %get3A_240 : i32 to index
      %get3A_242 = arith.index_cast %scan3A_203 : i32 to index
      %get3A_243 = arith.constant 48 : index
      %get3A_244 = tpu.vector_load %arg10[%get3A_241, %get3A_242, %get3A_243] {strides = array<i32>} : memref<2x16x128xf32, #tpu.memory_space<vmem>>, vector<16xf32>,
      %mul3A_245 = arith.mulf %get3A_244, %gather3A_219 : vector<16xf32>
      %add3A_246 = arith.addf %scan3A_207, %mul3A_245 : vector<16xf32>
      %get3A_247 = arith.constant 1 : i32
      %get3A_248 = arith.index_cast %get3A_247 : i32 to index
      %get3A_249 = arith.index_cast %scan3A_203 : i32 to index
      %get3A_250 = arith.constant 64 : index
      %get3A_251 = tpu.vector_load %arg10[%get3A_248, %get3A_249, %get3A_250] {strides = array<i32>} : memref<2x16x128xf32, #tpu.memory_space<vmem>>, vector<16xf32>,
      %mul3A_252 = arith.mulf %get3A_251, %gather3A_219 : vector<16xf32>
      %add3A_253 = arith.addf %scan3A_208, %mul3A_252 : vector<16xf32>
      %get3A_254 = arith.constant 1 : i32
      %get3A_255 = arith.index_cast %get3A_254 : i32 to index
      %get3A_256 = arith.index_cast %scan3A_203 : i32 to index
      %get3A_257 = arith.constant 80 : index
      %get3A_258 = tpu.vector_load %arg10[%get3A_255, %get3A_256, %get3A_257] {strides = array<i32>} : memref<2x16x128xf32, #tpu.memory_space<vmem>>, vector<16xf32>,
      %mul3A_259 = arith.mulf %get3A_258, %gather3A_219 : vector<16xf32>
      %add3A_260 = arith.addf %scan3A_209, %mul3A_259 : vector<16xf32>
      %get3A_261 = arith.constant 1 : i32
      %get3A_262 = arith.index_cast %get3A_261 : i32 to index
      %get3A_263 = arith.index_cast %scan3A_203 : i32 to index
      %get3A_264 = arith.constant 96 : index
      %get3A_265 = tpu.vector_load %arg10[%get3A_262, %get3A_263, %get3A_264] {strides = array<i32>} : memref<2x16x128xf32, #tpu.memory_space<vmem>>, vector<16xf32>,
      %mul3A_266 = arith.mulf %get3A_265, %gather3A_219 : vector<16xf32>
      %add3A_267 = arith.addf %scan3A_210, %mul3A_266 : vector<16xf32>
      %get3A_268 = arith.constant 1 : i32
      %get3A_269 = arith.index_cast %get3A_268 : i32 to index
      %get3A_270 = arith.index_cast %scan3A_203 : i32 to index
      %get3A_271 = arith.constant 112 : index
      %get3A_272 = tpu.vector_load %arg10[%get3A_269, %get3A_270, %get3A_271] {strides = array<i32>} : memref<2x16x128xf32, #tpu.memory_space<vmem>>, vector<16xf32>,
      %mul3A_273 = arith.mulf %get3A_272, %gather3A_219 : vector<16xf32>
      %add3A_274 = arith.addf %scan3A_211, %mul3A_273 : vector<16xf32>
      scf.yield %add3A_225, %add3A_232, %add3A_239, %add3A_246, %add3A_253, %add3A_260, %add3A_267, %add3A_274 : vector<16xf32>, vector<16xf32>, vector<16xf32>, vector<16xf32>, vector<16xf32>, vector<16xf32>, vector<16xf32>, vector<16xf32>
    }
    %scan3A_168 = arith.constant 16 : i32
    %swap3A_169 = arith.constant 1 : i32
    %swap3A_170 = arith.index_cast %swap3A_169 : i32 to index
    %swap3A_171 = arith.constant 0 : index
    %swap3A_172 = tpu.vector_load %arg11[%swap3A_170, %swap3A_171] {strides = array<i32>} : memref<2x128xf32, #tpu.memory_space<vmem>>, vector<16xf32>,
    tpu.vector_store %arg11[%swap3A_170, %swap3A_171], %scan3A_167#0 {strides = array<i32>} : memref<2x128xf32, #tpu.memory_space<vmem>>, vector<16xf32>,
    %swap3A_173 = arith.constant 1 : i32
    %swap3A_174 = arith.index_cast %swap3A_173 : i32 to index
    %swap3A_175 = arith.constant 16 : index
    %swap3A_176 = tpu.vector_load %arg11[%swap3A_174, %swap3A_175] {strides = array<i32>} : memref<2x128xf32, #tpu.memory_space<vmem>>, vector<16xf32>,
    tpu.vector_store %arg11[%swap3A_174, %swap3A_175], %scan3A_167#1 {strides = array<i32>} : memref<2x128xf32, #tpu.memory_space<vmem>>, vector<16xf32>,
    %swap3A_177 = arith.constant 1 : i32
    %swap3A_178 = arith.index_cast %swap3A_177 : i32 to index
    %swap3A_179 = arith.constant 32 : index
    %swap3A_180 = tpu.vector_load %arg11[%swap3A_178, %swap3A_179] {strides = array<i32>} : memref<2x128xf32, #tpu.memory_space<vmem>>, vector<16xf32>,
    tpu.vector_store %arg11[%swap3A_178, %swap3A_179], %scan3A_167#2 {strides = array<i32>} : memref<2x128xf32, #tpu.memory_space<vmem>>, vector<16xf32>,
    %swap3A_181 = arith.constant 1 : i32
    %swap3A_182 = arith.index_cast %swap3A_181 : i32 to index
    %swap3A_183 = arith.constant 48 : index
    %swap3A_184 = tpu.vector_load %arg11[%swap3A_182, %swap3A_183] {strides = array<i32>} : memref<2x128xf32, #tpu.memory_space<vmem>>, vector<16xf32>,
    tpu.vector_store %arg11[%swap3A_182, %swap3A_183], %scan3A_167#3 {strides = array<i32>} : memref<2x128xf32, #tpu.memory_space<vmem>>, vector<16xf32>,
    %swap3A_185 = arith.constant 1 : i32
    %swap3A_186 = arith.index_cast %swap3A_185 : i32 to index
    %swap3A_187 = arith.constant 64 : index
    %swap3A_188 = tpu.vector_load %arg11[%swap3A_186, %swap3A_187] {strides = array<i32>} : memref<2x128xf32, #tpu.memory_space<vmem>>, vector<16xf32>,
    tpu.vector_store %arg11[%swap3A_186, %swap3A_187], %scan3A_167#4 {strides = array<i32>} : memref<2x128xf32, #tpu.memory_space<vmem>>, vector<16xf32>,
    %swap3A_189 = arith.constant 1 : i32
    %swap3A_190 = arith.index_cast %swap3A_189 : i32 to index
    %swap3A_191 = arith.constant 80 : index
    %swap3A_192 = tpu.vector_load %arg11[%swap3A_190, %swap3A_191] {strides = array<i32>} : memref<2x128xf32, #tpu.memory_space<vmem>>, vector<16xf32>,
    tpu.vector_store %arg11[%swap3A_190, %swap3A_191], %scan3A_167#5 {strides = array<i32>} : memref<2x128xf32, #tpu.memory_space<vmem>>, vector<16xf32>,
    %swap3A_193 = arith.constant 1 : i32
    %swap3A_194 = arith.index_cast %swap3A_193 : i32 to index
    %swap3A_195 = arith.constant 96 : index
    %swap3A_196 = tpu.vector_load %arg11[%swap3A_194, %swap3A_195] {strides = array<i32>} : memref<2x128xf32, #tpu.memory_space<vmem>>, vector<16xf32>,
    tpu.vector_store %arg11[%swap3A_194, %swap3A_195], %scan3A_167#6 {strides = array<i32>} : memref<2x128xf32, #tpu.memory_space<vmem>>, vector<16xf32>,
    %swap3A_197 = arith.constant 1 : i32
    %swap3A_198 = arith.index_cast %swap3A_197 : i32 to index
    %swap3A_199 = arith.constant 112 : index
    %swap3A_200 = tpu.vector_load %arg11[%swap3A_198, %swap3A_199] {strides = array<i32>} : memref<2x128xf32, #tpu.memory_space<vmem>>, vector<16xf32>,
    tpu.vector_store %arg11[%swap3A_198, %swap3A_199], %scan3A_167#7 {strides = array<i32>} : memref<2x128xf32, #tpu.memory_space<vmem>>, vector<16xf32>,
    %mul3A_201 = arith.constant 2 : i32
    %mul3A_202 = arith.muli %add3A, %mul3A_201 : i32
    "tpu.region"() ({
      %run_scoped3A = tpu.sem_alloc : memref<!tpu.dma_semaphore, #tpu.memory_space<semaphore_mem>>
      %dma_start3A_203 = arith.constant 0 : i32
      %dma_start3A_204 = tpu.memref_slice %arg5[%mul3A_202, %dma_start3A_203] : memref<32x128xf32, #tpu.memory_space<hbm>> -> memref<2x128xf32, #tpu.memory_space<hbm>>
      %dma_start3A_205 = arith.constant 0 : i32
      %dma_start3A_206 = tpu.memref_slice %arg5[%mul3A_202, %dma_start3A_205] : memref<32x128xf32, #tpu.memory_space<hbm>> -> memref<2x128xf32, #tpu.memory_space<hbm>>
      tpu.enqueue_dma source(%arg11 : memref<2x128xf32, #tpu.memory_space<vmem>>) target(%dma_start3A_206 : memref<2x128xf32, #tpu.memory_space<hbm>>) target_semaphore(%run_scoped3A : memref<!tpu.dma_semaphore, #tpu.memory_space<semaphore_mem>>)
      %dma_wait3A_207 = arith.constant 0 : i32
      %dma_wait3A_208 = tpu.memref_slice %arg5[%mul3A_202, %dma_wait3A_207] : memref<32x128xf32, #tpu.memory_space<hbm>> -> memref<2x128xf32, #tpu.memory_space<hbm>>
      %dma_wait3A_209 = arith.constant 0 : i32
      %dma_wait3A_210 = tpu.memref_slice %arg5[%mul3A_202, %dma_wait3A_209] : memref<32x128xf32, #tpu.memory_space<hbm>> -> memref<2x128xf32, #tpu.memory_space<hbm>>
      tpu.wait_dma2 semaphore(%run_scoped3A : memref<!tpu.dma_semaphore, #tpu.memory_space<semaphore_mem>>) src(%arg11 : memref<2x128xf32, #tpu.memory_space<vmem>>) dst(%dma_wait3A_210 : memref<2x128xf32, #tpu.memory_space<hbm>>)
      tpu.yield
    }) : () -> ()
    return
  }
}

module attributes {stable_mosaic.version = 14 : i64} {
  func.func @body(%arg0: memref<32x128xf32, #tpu.memory_space<vmem>>, %arg1: memref<128x128xf32, #tpu.memory_space<vmem>>, %arg2: memref<128x128xf32, #tpu.memory_space<vmem>>, %arg3: memref<128x128xf32, #tpu.memory_space<vmem>>, %arg4: memref<128x128xf32, #tpu.memory_space<vmem>>, %arg5: memref<128x128xf32, #tpu.memory_space<vmem>>, %arg6: memref<128x128xf32, #tpu.memory_space<vmem>>, %arg7: memref<128xf32, #tpu.memory_space<vmem>>, %arg8: memref<128xf32, #tpu.memory_space<vmem>>, %arg9: memref<128xf32, #tpu.memory_space<vmem>>, %arg10: memref<32x2xi32, #tpu.memory_space<smem>>, %arg11: memref<4x128xf32, #tpu.memory_space<vmem>>, %arg12: memref<4xf32, #tpu.memory_space<vmem>>, %arg13: memref<1x4xf32, #tpu.memory_space<vmem>>, %arg14: memref<33x128xf32, #tpu.memory_space<vmem>>) attributes {dimension_semantics = [], scalar_prefetch = 0 : i64, scratch_operands = 1 : i64, tpu.core_type = #tpu.core_type<tc>} {
    %get3A = arith.constant 0 : index
    %get3A_0 = arith.constant 0 : index
    %get3A_1 = vector.load %arg1[%get3A, %get3A_0] : memref<128x128xf32, #tpu.memory_space<vmem>>, vector<128x128xf32>
    %get3A_2 = arith.constant 0 : index
    %get3A_3 = arith.constant 0 : index
    %get3A_4 = vector.load %arg2[%get3A_2, %get3A_3] : memref<128x128xf32, #tpu.memory_space<vmem>>, vector<128x128xf32>
    %get3A_5 = arith.constant 0 : index
    %get3A_6 = arith.constant 0 : index
    %get3A_7 = vector.load %arg3[%get3A_5, %get3A_6] : memref<128x128xf32, #tpu.memory_space<vmem>>, vector<128x128xf32>
    %concatenate3A = tpu.concatenate %get3A_1, %get3A_4, %get3A_7 in 0 : vector<128x128xf32>, vector<128x128xf32>, vector<128x128xf32> -> vector<384x128xf32>
    %get3A_8 = arith.constant 0 : index
    %get3A_9 = vector.load %arg7[%get3A_8] : memref<128xf32, #tpu.memory_space<vmem>>, vector<128xf32>
    %get3A_10 = arith.constant 0 : index
    %get3A_11 = vector.load %arg8[%get3A_10] : memref<128xf32, #tpu.memory_space<vmem>>, vector<128xf32>
    %get3A_12 = arith.constant 0 : index
    %get3A_13 = vector.load %arg9[%get3A_12] : memref<128xf32, #tpu.memory_space<vmem>>, vector<128xf32>
    %concatenate3A_14 = tpu.concatenate %get3A_9, %get3A_11, %get3A_13 in 0 : vector<128xf32>, vector<128xf32>, vector<128xf32> -> vector<384xf32>
    %get3A_15 = arith.constant 0 : index
    %get3A_16 = arith.constant 0 : index
    %get3A_17 = vector.load %arg0[%get3A_15, %get3A_16] : memref<32x128xf32, #tpu.memory_space<vmem>>, vector<32x128xf32>
    %dot_general3A = arith.constant dense<0.000000e+00> : vector<32x384xf32>
    %dot_general3A_18 = tpu.matmul %get3A_17, %concatenate3A, %dot_general3A {dimension_numbers = #tpu.dot_dimension_numbers<[1], [1], [0], [0], [0, 0, 1, 0], [], []>, transpose_lhs_hint = false} : vector<32x128xf32>, vector<384x128xf32>, vector<32x384xf32> -> vector<32x384xf32>
    %broadcast_in_dim3A = vector.shape_cast %concatenate3A_14 : vector<384xf32> to vector<1x384xf32>
    %add3A = vector.broadcast %broadcast_in_dim3A : vector<1x384xf32> to vector<32x384xf32>
    %add3A_19 = arith.addf %dot_general3A_18, %add3A : vector<32x384xf32>
    %slice3A = vector.extract_strided_slice %add3A_19 {offsets = [0, 0], sizes = [32, 128], strides = [1, 1]} : vector<32x384xf32> to vector<32x128xf32>
    %slice3A_20 = vector.extract_strided_slice %add3A_19 {offsets = [0, 128], sizes = [32, 128], strides = [1, 1]} : vector<32x384xf32> to vector<32x128xf32>
    %slice3A_21 = vector.extract_strided_slice %add3A_19 {offsets = [0, 256], sizes = [32, 128], strides = [1, 1]} : vector<32x384xf32> to vector<32x128xf32>
    %jit3A = arith.constant 0.000000e+00 : f32
    %jit3A_22 = arith.constant 1.000000e+00 : f32
    %max3A = vector.broadcast %jit3A : f32 to vector<32x128xf32>
    %max3A_23 = arith.maximumf %max3A, %slice3A : vector<32x128xf32>
    %min3A = vector.broadcast %jit3A_22 : f32 to vector<32x128xf32>
    %min3A_24 = arith.minimumf %min3A, %max3A_23 : vector<32x128xf32>
    %tanh3A = math.tanh %slice3A_21 : vector<32x128xf32>
    %mul3A = arith.mulf %min3A_24, %tanh3A : vector<32x128xf32>
    %get3A_25 = arith.constant 0 : index
    %get3A_26 = arith.constant 0 : index
    %get3A_27 = vector.load %arg4[%get3A_25, %get3A_26] : memref<128x128xf32, #tpu.memory_space<vmem>>, vector<128x128xf32>
    %get3A_28 = arith.constant 0 : index
    %get3A_29 = arith.constant 0 : index
    %get3A_30 = vector.load %arg5[%get3A_28, %get3A_29] : memref<128x128xf32, #tpu.memory_space<vmem>>, vector<128x128xf32>
    %concatenate3A_31 = tpu.concatenate %get3A_27, %get3A_30 in 0 : vector<128x128xf32>, vector<128x128xf32> -> vector<256x128xf32>
    %get3A_32 = arith.constant 0 : index
    %get3A_33 = arith.constant 0 : index
    %get3A_34 = vector.load %arg6[%get3A_32, %get3A_33] : memref<128x128xf32, #tpu.memory_space<vmem>>, vector<128x128xf32>
    %broadcast_in_dim3A_35 = arith.constant 0.000000e+00 : f32
    %broadcast_in_dim3A_36 = vector.broadcast %broadcast_in_dim3A_35 : f32 to vector<1x128xf32>
    %swap3A = arith.constant 0 : index
    %swap3A_37 = arith.constant 0 : index
    %swap3A_38 = vector.load %arg14[%swap3A, %swap3A_37] : memref<33x128xf32, #tpu.memory_space<vmem>>, vector<1x128xf32>
    tpu.vector_store %arg14[%swap3A, %swap3A_37], %broadcast_in_dim3A_36 {strides = array<i32>} : memref<33x128xf32, #tpu.memory_space<vmem>>, vector<1x128xf32>,
    %swap3A_39 = arith.constant 1 : index
    %swap3A_40 = arith.constant 0 : index
    %swap3A_41 = vector.load %arg14[%swap3A_39, %swap3A_40] : memref<33x128xf32, #tpu.memory_space<vmem>>, vector<32x128xf32>
    tpu.vector_store %arg14[%swap3A_39, %swap3A_40], %mul3A {strides = array<i32>} : memref<33x128xf32, #tpu.memory_space<vmem>>, vector<32x128xf32>,
    %get3A_42 = arith.constant 1 : index
    %get3A_43 = arith.constant 0 : index
    %get3A_44 = memref.load %arg10[%get3A_42, %get3A_43] : memref<32x2xi32, #tpu.memory_space<smem>>
    %get3A_45 = arith.constant 0 : index
    %get3A_46 = arith.constant 1 : index
    %get3A_47 = memref.load %arg10[%get3A_45, %get3A_46] : memref<32x2xi32, #tpu.memory_space<smem>>
    %mul3A_48 = arith.constant 0 : i32
    %mul3A_49 = arith.muli %get3A_47, %mul3A_48 : i32
    %get3A_50 = arith.constant 0 : index
    %get3A_51 = arith.constant 1 : index
    %get3A_52 = memref.load %arg10[%get3A_50, %get3A_51] : memref<32x2xi32, #tpu.memory_space<smem>>
    %eq3A = arith.cmpi eq, %get3A_52, %get3A_44 : i32
    %jit3A_53 = arith.constant 1 : i32
    %select_n3A = arith.select %eq3A, %jit3A_53, %mul3A_49 : i32
    %gt3A = arith.constant 0 : i32
    %gt3A_54 = arith.cmpi sgt, %select_n3A, %gt3A : i32
    %convert_element_type3A = arith.extui %gt3A_54 : i1 to i32
    %cond3A = arith.constant 0 : i32
    %cond3A_55 = arith.cmpi ne, %convert_element_type3A, %cond3A : i32
    scf.if %cond3A_55 {
      %get3A_3437 = arith.index_cast %select_n3A : i32 to index
      %get3A_3438 = arith.constant 0 : index
      %get3A_3439 = vector.load %arg14[%get3A_3437, %get3A_3438] : memref<33x128xf32, #tpu.memory_space<vmem>>, vector<1x128xf32>
      %dot_general3A_3440 = arith.constant dense<0.000000e+00> : vector<1x256xf32>
      %dot_general3A_3441 = tpu.matmul %get3A_3439, %concatenate3A_31, %dot_general3A_3440 {dimension_numbers = #tpu.dot_dimension_numbers<[1], [1], [0], [0], [0, 0, 1, 0], [], []>, transpose_lhs_hint = false} : vector<1x128xf32>, vector<256x128xf32>, vector<1x256xf32> -> vector<1x256xf32>
      %slice3A_3442 = vector.extract_strided_slice %slice3A {offsets = [1, 0], sizes = [1, 128], strides = [1, 1]} : vector<32x128xf32> to vector<1x128xf32>
      %slice3A_3443 = vector.extract_strided_slice %dot_general3A_3441 {offsets = [0, 0], sizes = [1, 128], strides = [1, 1]} : vector<1x256xf32> to vector<1x128xf32>
      %add3A_3444 = arith.addf %slice3A_3442, %slice3A_3443 : vector<1x128xf32>
      %jit3A_3445 = arith.constant 0.000000e+00 : f32
      %jit3A_3446 = arith.constant 1.000000e+00 : f32
      %max3A_3447 = vector.broadcast %jit3A_3445 : f32 to vector<1x128xf32>
      %max3A_3448 = arith.maximumf %max3A_3447, %add3A_3444 : vector<1x128xf32>
      %min3A_3449 = vector.broadcast %jit3A_3446 : f32 to vector<1x128xf32>
      %min3A_3450 = arith.minimumf %min3A_3449, %max3A_3448 : vector<1x128xf32>
      %slice3A_3451 = vector.extract_strided_slice %slice3A_20 {offsets = [1, 0], sizes = [1, 128], strides = [1, 1]} : vector<32x128xf32> to vector<1x128xf32>
      %slice3A_3452 = vector.extract_strided_slice %dot_general3A_3441 {offsets = [0, 128], sizes = [1, 128], strides = [1, 1]} : vector<1x256xf32> to vector<1x128xf32>
      %add3A_3453 = arith.addf %slice3A_3451, %slice3A_3452 : vector<1x128xf32>
      %jit3A_3454 = arith.constant 0.000000e+00 : f32
      %jit3A_3455 = arith.constant 1.000000e+00 : f32
      %max3A_3456 = vector.broadcast %jit3A_3454 : f32 to vector<1x128xf32>
      %max3A_3457 = arith.maximumf %max3A_3456, %add3A_3453 : vector<1x128xf32>
      %min3A_3458 = vector.broadcast %jit3A_3455 : f32 to vector<1x128xf32>
      %min3A_3459 = arith.minimumf %min3A_3458, %max3A_3457 : vector<1x128xf32>
      %slice3A_3460 = vector.extract_strided_slice %slice3A_21 {offsets = [1, 0], sizes = [1, 128], strides = [1, 1]} : vector<32x128xf32> to vector<1x128xf32>
      %mul3A_3461 = arith.mulf %get3A_3439, %min3A_3459 : vector<1x128xf32>
      %dot_general3A_3462 = arith.constant dense<0.000000e+00> : vector<1x128xf32>
      %dot_general3A_3463 = tpu.matmul %mul3A_3461, %get3A_34, %dot_general3A_3462 {dimension_numbers = #tpu.dot_dimension_numbers<[1], [1], [0], [0], [0, 0, 1, 0], [], []>, transpose_lhs_hint = false} : vector<1x128xf32>, vector<128x128xf32>, vector<1x128xf32> -> vector<1x128xf32>
      %add3A_3464 = arith.addf %slice3A_3460, %dot_general3A_3463 : vector<1x128xf32>
      %tanh3A_3465 = math.tanh %add3A_3464 : vector<1x128xf32>
      %sub3A_3466 = arith.constant 1.000000e+00 : f32
      %sub3A_3467 = vector.broadcast %sub3A_3466 : f32 to vector<1x128xf32>
      %sub3A_3468 = arith.subf %sub3A_3467, %min3A_3450 : vector<1x128xf32>
      %mul3A_3469 = arith.mulf %sub3A_3468, %get3A_3439 : vector<1x128xf32>
      %mul3A_3470 = arith.mulf %min3A_3450, %tanh3A_3465 : vector<1x128xf32>
      %add3A_3471 = arith.addf %mul3A_3469, %mul3A_3470 : vector<1x128xf32>
      %swap3A_3472 = arith.constant 2 : index
      %swap3A_3473 = arith.constant 0 : index
      %swap3A_3474 = vector.load %arg14[%swap3A_3472, %swap3A_3473] : memref<33x128xf32, #tpu.memory_space<vmem>>, vector<1x128xf32>
      tpu.vector_store %arg14[%swap3A_3472, %swap3A_3473], %add3A_3471 {strides = array<i32>} : memref<33x128xf32, #tpu.memory_space<vmem>>, vector<1x128xf32>,
    } else {
    }
    %get3A_56 = arith.constant 2 : index
    %get3A_57 = arith.constant 0 : index
    %get3A_58 = memref.load %arg10[%get3A_56, %get3A_57] : memref<32x2xi32, #tpu.memory_space<smem>>
    %get3A_59 = arith.constant 0 : index
    %get3A_60 = arith.constant 1 : index
    %get3A_61 = memref.load %arg10[%get3A_59, %get3A_60] : memref<32x2xi32, #tpu.memory_space<smem>>
    %mul3A_62 = arith.constant 0 : i32
    %mul3A_63 = arith.muli %get3A_61, %mul3A_62 : i32
    %get3A_64 = arith.constant 0 : index
    %get3A_65 = arith.constant 1 : index
    %get3A_66 = memref.load %arg10[%get3A_64, %get3A_65] : memref<32x2xi32, #tpu.memory_space<smem>>
    %eq3A_67 = arith.cmpi eq, %get3A_66, %get3A_58 : i32
    %jit3A_68 = arith.constant 1 : i32
    %select_n3A_69 = arith.select %eq3A_67, %jit3A_68, %mul3A_63 : i32
    %get3A_70 = arith.constant 1 : index
    %get3A_71 = arith.constant 1 : index
    %get3A_72 = memref.load %arg10[%get3A_70, %get3A_71] : memref<32x2xi32, #tpu.memory_space<smem>>
    %eq3A_73 = arith.cmpi eq, %get3A_72, %get3A_58 : i32
    %jit3A_74 = arith.constant 2 : i32
    %select_n3A_75 = arith.select %eq3A_73, %jit3A_74, %select_n3A_69 : i32
    %gt3A_76 = arith.constant 0 : i32
    %gt3A_77 = arith.cmpi sgt, %select_n3A_75, %gt3A_76 : i32
    %convert_element_type3A_78 = arith.extui %gt3A_77 : i1 to i32
    %cond3A_79 = arith.constant 0 : i32
    %cond3A_80 = arith.cmpi ne, %convert_element_type3A_78, %cond3A_79 : i32
    scf.if %cond3A_80 {
      %get3A_3437 = arith.index_cast %select_n3A_75 : i32 to index
      %get3A_3438 = arith.constant 0 : index
      %get3A_3439 = vector.load %arg14[%get3A_3437, %get3A_3438] : memref<33x128xf32, #tpu.memory_space<vmem>>, vector<1x128xf32>
      %dot_general3A_3440 = arith.constant dense<0.000000e+00> : vector<1x256xf32>
      %dot_general3A_3441 = tpu.matmul %get3A_3439, %concatenate3A_31, %dot_general3A_3440 {dimension_numbers = #tpu.dot_dimension_numbers<[1], [1], [0], [0], [0, 0, 1, 0], [], []>, transpose_lhs_hint = false} : vector<1x128xf32>, vector<256x128xf32>, vector<1x256xf32> -> vector<1x256xf32>
      %slice3A_3442 = vector.extract_strided_slice %slice3A {offsets = [2, 0], sizes = [1, 128], strides = [1, 1]} : vector<32x128xf32> to vector<1x128xf32>
      %slice3A_3443 = vector.extract_strided_slice %dot_general3A_3441 {offsets = [0, 0], sizes = [1, 128], strides = [1, 1]} : vector<1x256xf32> to vector<1x128xf32>
      %add3A_3444 = arith.addf %slice3A_3442, %slice3A_3443 : vector<1x128xf32>
      %jit3A_3445 = arith.constant 0.000000e+00 : f32
      %jit3A_3446 = arith.constant 1.000000e+00 : f32
      %max3A_3447 = vector.broadcast %jit3A_3445 : f32 to vector<1x128xf32>
      %max3A_3448 = arith.maximumf %max3A_3447, %add3A_3444 : vector<1x128xf32>
      %min3A_3449 = vector.broadcast %jit3A_3446 : f32 to vector<1x128xf32>
      %min3A_3450 = arith.minimumf %min3A_3449, %max3A_3448 : vector<1x128xf32>
      %slice3A_3451 = vector.extract_strided_slice %slice3A_20 {offsets = [2, 0], sizes = [1, 128], strides = [1, 1]} : vector<32x128xf32> to vector<1x128xf32>
      %slice3A_3452 = vector.extract_strided_slice %dot_general3A_3441 {offsets = [0, 128], sizes = [1, 128], strides = [1, 1]} : vector<1x256xf32> to vector<1x128xf32>
      %add3A_3453 = arith.addf %slice3A_3451, %slice3A_3452 : vector<1x128xf32>
      %jit3A_3454 = arith.constant 0.000000e+00 : f32
      %jit3A_3455 = arith.constant 1.000000e+00 : f32
      %max3A_3456 = vector.broadcast %jit3A_3454 : f32 to vector<1x128xf32>
      %max3A_3457 = arith.maximumf %max3A_3456, %add3A_3453 : vector<1x128xf32>
      %min3A_3458 = vector.broadcast %jit3A_3455 : f32 to vector<1x128xf32>
      %min3A_3459 = arith.minimumf %min3A_3458, %max3A_3457 : vector<1x128xf32>
      %slice3A_3460 = vector.extract_strided_slice %slice3A_21 {offsets = [2, 0], sizes = [1, 128], strides = [1, 1]} : vector<32x128xf32> to vector<1x128xf32>
      %mul3A_3461 = arith.mulf %get3A_3439, %min3A_3459 : vector<1x128xf32>
      %dot_general3A_3462 = arith.constant dense<0.000000e+00> : vector<1x128xf32>
      %dot_general3A_3463 = tpu.matmul %mul3A_3461, %get3A_34, %dot_general3A_3462 {dimension_numbers = #tpu.dot_dimension_numbers<[1], [1], [0], [0], [0, 0, 1, 0], [], []>, transpose_lhs_hint = false} : vector<1x128xf32>, vector<128x128xf32>, vector<1x128xf32> -> vector<1x128xf32>
      %add3A_3464 = arith.addf %slice3A_3460, %dot_general3A_3463 : vector<1x128xf32>
      %tanh3A_3465 = math.tanh %add3A_3464 : vector<1x128xf32>
      %sub3A_3466 = arith.constant 1.000000e+00 : f32
      %sub3A_3467 = vector.broadcast %sub3A_3466 : f32 to vector<1x128xf32>
      %sub3A_3468 = arith.subf %sub3A_3467, %min3A_3450 : vector<1x128xf32>
      %mul3A_3469 = arith.mulf %sub3A_3468, %get3A_3439 : vector<1x128xf32>
      %mul3A_3470 = arith.mulf %min3A_3450, %tanh3A_3465 : vector<1x128xf32>
      %add3A_3471 = arith.addf %mul3A_3469, %mul3A_3470 : vector<1x128xf32>
      %swap3A_3472 = arith.constant 3 : index
      %swap3A_3473 = arith.constant 0 : index
      %swap3A_3474 = vector.load %arg14[%swap3A_3472, %swap3A_3473] : memref<33x128xf32, #tpu.memory_space<vmem>>, vector<1x128xf32>
      tpu.vector_store %arg14[%swap3A_3472, %swap3A_3473], %add3A_3471 {strides = array<i32>} : memref<33x128xf32, #tpu.memory_space<vmem>>, vector<1x128xf32>,
    } else {
    }
    %get3A_81 = arith.constant 3 : index
    %get3A_82 = arith.constant 0 : index
    %get3A_83 = memref.load %arg10[%get3A_81, %get3A_82] : memref<32x2xi32, #tpu.memory_space<smem>>
    %get3A_84 = arith.constant 0 : index
    %get3A_85 = arith.constant 1 : index
    %get3A_86 = memref.load %arg10[%get3A_84, %get3A_85] : memref<32x2xi32, #tpu.memory_space<smem>>
    %mul3A_87 = arith.constant 0 : i32
    %mul3A_88 = arith.muli %get3A_86, %mul3A_87 : i32
    %get3A_89 = arith.constant 0 : index
    %get3A_90 = arith.constant 1 : index
    %get3A_91 = memref.load %arg10[%get3A_89, %get3A_90] : memref<32x2xi32, #tpu.memory_space<smem>>
    %eq3A_92 = arith.cmpi eq, %get3A_91, %get3A_83 : i32
    %jit3A_93 = arith.constant 1 : i32
    %select_n3A_94 = arith.select %eq3A_92, %jit3A_93, %mul3A_88 : i32
    %get3A_95 = arith.constant 1 : index
    %get3A_96 = arith.constant 1 : index
    %get3A_97 = memref.load %arg10[%get3A_95, %get3A_96] : memref<32x2xi32, #tpu.memory_space<smem>>
    %eq3A_98 = arith.cmpi eq, %get3A_97, %get3A_83 : i32
    %jit3A_99 = arith.constant 2 : i32
    %select_n3A_100 = arith.select %eq3A_98, %jit3A_99, %select_n3A_94 : i32
    %get3A_101 = arith.constant 2 : index
    %get3A_102 = arith.constant 1 : index
    %get3A_103 = memref.load %arg10[%get3A_101, %get3A_102] : memref<32x2xi32, #tpu.memory_space<smem>>
    %eq3A_104 = arith.cmpi eq, %get3A_103, %get3A_83 : i32
    %jit3A_105 = arith.constant 3 : i32
    %select_n3A_106 = arith.select %eq3A_104, %jit3A_105, %select_n3A_100 : i32
    %gt3A_107 = arith.constant 0 : i32
    %gt3A_108 = arith.cmpi sgt, %select_n3A_106, %gt3A_107 : i32
    %convert_element_type3A_109 = arith.extui %gt3A_108 : i1 to i32
    %cond3A_110 = arith.constant 0 : i32
    %cond3A_111 = arith.cmpi ne, %convert_element_type3A_109, %cond3A_110 : i32
    scf.if %cond3A_111 {
      %get3A_3437 = arith.index_cast %select_n3A_106 : i32 to index
      %get3A_3438 = arith.constant 0 : index
      %get3A_3439 = vector.load %arg14[%get3A_3437, %get3A_3438] : memref<33x128xf32, #tpu.memory_space<vmem>>, vector<1x128xf32>
      %dot_general3A_3440 = arith.constant dense<0.000000e+00> : vector<1x256xf32>
      %dot_general3A_3441 = tpu.matmul %get3A_3439, %concatenate3A_31, %dot_general3A_3440 {dimension_numbers = #tpu.dot_dimension_numbers<[1], [1], [0], [0], [0, 0, 1, 0], [], []>, transpose_lhs_hint = false} : vector<1x128xf32>, vector<256x128xf32>, vector<1x256xf32> -> vector<1x256xf32>
      %slice3A_3442 = vector.extract_strided_slice %slice3A {offsets = [3, 0], sizes = [1, 128], strides = [1, 1]} : vector<32x128xf32> to vector<1x128xf32>
      %slice3A_3443 = vector.extract_strided_slice %dot_general3A_3441 {offsets = [0, 0], sizes = [1, 128], strides = [1, 1]} : vector<1x256xf32> to vector<1x128xf32>
      %add3A_3444 = arith.addf %slice3A_3442, %slice3A_3443 : vector<1x128xf32>
      %jit3A_3445 = arith.constant 0.000000e+00 : f32
      %jit3A_3446 = arith.constant 1.000000e+00 : f32
      %max3A_3447 = vector.broadcast %jit3A_3445 : f32 to vector<1x128xf32>
      %max3A_3448 = arith.maximumf %max3A_3447, %add3A_3444 : vector<1x128xf32>
      %min3A_3449 = vector.broadcast %jit3A_3446 : f32 to vector<1x128xf32>
      %min3A_3450 = arith.minimumf %min3A_3449, %max3A_3448 : vector<1x128xf32>
      %slice3A_3451 = vector.extract_strided_slice %slice3A_20 {offsets = [3, 0], sizes = [1, 128], strides = [1, 1]} : vector<32x128xf32> to vector<1x128xf32>
      %slice3A_3452 = vector.extract_strided_slice %dot_general3A_3441 {offsets = [0, 128], sizes = [1, 128], strides = [1, 1]} : vector<1x256xf32> to vector<1x128xf32>
      %add3A_3453 = arith.addf %slice3A_3451, %slice3A_3452 : vector<1x128xf32>
      %jit3A_3454 = arith.constant 0.000000e+00 : f32
      %jit3A_3455 = arith.constant 1.000000e+00 : f32
      %max3A_3456 = vector.broadcast %jit3A_3454 : f32 to vector<1x128xf32>
      %max3A_3457 = arith.maximumf %max3A_3456, %add3A_3453 : vector<1x128xf32>
      %min3A_3458 = vector.broadcast %jit3A_3455 : f32 to vector<1x128xf32>
      %min3A_3459 = arith.minimumf %min3A_3458, %max3A_3457 : vector<1x128xf32>
      %slice3A_3460 = vector.extract_strided_slice %slice3A_21 {offsets = [3, 0], sizes = [1, 128], strides = [1, 1]} : vector<32x128xf32> to vector<1x128xf32>
      %mul3A_3461 = arith.mulf %get3A_3439, %min3A_3459 : vector<1x128xf32>
      %dot_general3A_3462 = arith.constant dense<0.000000e+00> : vector<1x128xf32>
      %dot_general3A_3463 = tpu.matmul %mul3A_3461, %get3A_34, %dot_general3A_3462 {dimension_numbers = #tpu.dot_dimension_numbers<[1], [1], [0], [0], [0, 0, 1, 0], [], []>, transpose_lhs_hint = false} : vector<1x128xf32>, vector<128x128xf32>, vector<1x128xf32> -> vector<1x128xf32>
      %add3A_3464 = arith.addf %slice3A_3460, %dot_general3A_3463 : vector<1x128xf32>
      %tanh3A_3465 = math.tanh %add3A_3464 : vector<1x128xf32>
      %sub3A_3466 = arith.constant 1.000000e+00 : f32
      %sub3A_3467 = vector.broadcast %sub3A_3466 : f32 to vector<1x128xf32>
      %sub3A_3468 = arith.subf %sub3A_3467, %min3A_3450 : vector<1x128xf32>
      %mul3A_3469 = arith.mulf %sub3A_3468, %get3A_3439 : vector<1x128xf32>
      %mul3A_3470 = arith.mulf %min3A_3450, %tanh3A_3465 : vector<1x128xf32>
      %add3A_3471 = arith.addf %mul3A_3469, %mul3A_3470 : vector<1x128xf32>
      %swap3A_3472 = arith.constant 4 : index
      %swap3A_3473 = arith.constant 0 : index
      %swap3A_3474 = vector.load %arg14[%swap3A_3472, %swap3A_3473] : memref<33x128xf32, #tpu.memory_space<vmem>>, vector<1x128xf32>
      tpu.vector_store %arg14[%swap3A_3472, %swap3A_3473], %add3A_3471 {strides = array<i32>} : memref<33x128xf32, #tpu.memory_space<vmem>>, vector<1x128xf32>,
    } else {
    }
    %get3A_112 = arith.constant 4 : index
    %get3A_113 = arith.constant 0 : index
    %get3A_114 = memref.load %arg10[%get3A_112, %get3A_113] : memref<32x2xi32, #tpu.memory_space<smem>>
    %get3A_115 = arith.constant 0 : index
    %get3A_116 = arith.constant 1 : index
    %get3A_117 = memref.load %arg10[%get3A_115, %get3A_116] : memref<32x2xi32, #tpu.memory_space<smem>>
    %mul3A_118 = arith.constant 0 : i32
    %mul3A_119 = arith.muli %get3A_117, %mul3A_118 : i32
    %get3A_120 = arith.constant 0 : index
    %get3A_121 = arith.constant 1 : index
    %get3A_122 = memref.load %arg10[%get3A_120, %get3A_121] : memref<32x2xi32, #tpu.memory_space<smem>>
    %eq3A_123 = arith.cmpi eq, %get3A_122, %get3A_114 : i32
    %jit3A_124 = arith.constant 1 : i32
    %select_n3A_125 = arith.select %eq3A_123, %jit3A_124, %mul3A_119 : i32
    %get3A_126 = arith.constant 1 : index
    %get3A_127 = arith.constant 1 : index
    %get3A_128 = memref.load %arg10[%get3A_126, %get3A_127] : memref<32x2xi32, #tpu.memory_space<smem>>
    %eq3A_129 = arith.cmpi eq, %get3A_128, %get3A_114 : i32
    %jit3A_130 = arith.constant 2 : i32
    %select_n3A_131 = arith.select %eq3A_129, %jit3A_130, %select_n3A_125 : i32
    %get3A_132 = arith.constant 2 : index
    %get3A_133 = arith.constant 1 : index
    %get3A_134 = memref.load %arg10[%get3A_132, %get3A_133] : memref<32x2xi32, #tpu.memory_space<smem>>
    %eq3A_135 = arith.cmpi eq, %get3A_134, %get3A_114 : i32
    %jit3A_136 = arith.constant 3 : i32
    %select_n3A_137 = arith.select %eq3A_135, %jit3A_136, %select_n3A_131 : i32
    %get3A_138 = arith.constant 3 : index
    %get3A_139 = arith.constant 1 : index
    %get3A_140 = memref.load %arg10[%get3A_138, %get3A_139] : memref<32x2xi32, #tpu.memory_space<smem>>
    %eq3A_141 = arith.cmpi eq, %get3A_140, %get3A_114 : i32
    %jit3A_142 = arith.constant 4 : i32
    %select_n3A_143 = arith.select %eq3A_141, %jit3A_142, %select_n3A_137 : i32
    %gt3A_144 = arith.constant 0 : i32
    %gt3A_145 = arith.cmpi sgt, %select_n3A_143, %gt3A_144 : i32
    %convert_element_type3A_146 = arith.extui %gt3A_145 : i1 to i32
    %cond3A_147 = arith.constant 0 : i32
    %cond3A_148 = arith.cmpi ne, %convert_element_type3A_146, %cond3A_147 : i32
    scf.if %cond3A_148 {
      %get3A_3437 = arith.index_cast %select_n3A_143 : i32 to index
      %get3A_3438 = arith.constant 0 : index
      %get3A_3439 = vector.load %arg14[%get3A_3437, %get3A_3438] : memref<33x128xf32, #tpu.memory_space<vmem>>, vector<1x128xf32>
      %dot_general3A_3440 = arith.constant dense<0.000000e+00> : vector<1x256xf32>
      %dot_general3A_3441 = tpu.matmul %get3A_3439, %concatenate3A_31, %dot_general3A_3440 {dimension_numbers = #tpu.dot_dimension_numbers<[1], [1], [0], [0], [0, 0, 1, 0], [], []>, transpose_lhs_hint = false} : vector<1x128xf32>, vector<256x128xf32>, vector<1x256xf32> -> vector<1x256xf32>
      %slice3A_3442 = vector.extract_strided_slice %slice3A {offsets = [4, 0], sizes = [1, 128], strides = [1, 1]} : vector<32x128xf32> to vector<1x128xf32>
      %slice3A_3443 = vector.extract_strided_slice %dot_general3A_3441 {offsets = [0, 0], sizes = [1, 128], strides = [1, 1]} : vector<1x256xf32> to vector<1x128xf32>
      %add3A_3444 = arith.addf %slice3A_3442, %slice3A_3443 : vector<1x128xf32>
      %jit3A_3445 = arith.constant 0.000000e+00 : f32
      %jit3A_3446 = arith.constant 1.000000e+00 : f32
      %max3A_3447 = vector.broadcast %jit3A_3445 : f32 to vector<1x128xf32>
      %max3A_3448 = arith.maximumf %max3A_3447, %add3A_3444 : vector<1x128xf32>
      %min3A_3449 = vector.broadcast %jit3A_3446 : f32 to vector<1x128xf32>
      %min3A_3450 = arith.minimumf %min3A_3449, %max3A_3448 : vector<1x128xf32>
      %slice3A_3451 = vector.extract_strided_slice %slice3A_20 {offsets = [4, 0], sizes = [1, 128], strides = [1, 1]} : vector<32x128xf32> to vector<1x128xf32>
      %slice3A_3452 = vector.extract_strided_slice %dot_general3A_3441 {offsets = [0, 128], sizes = [1, 128], strides = [1, 1]} : vector<1x256xf32> to vector<1x128xf32>
      %add3A_3453 = arith.addf %slice3A_3451, %slice3A_3452 : vector<1x128xf32>
      %jit3A_3454 = arith.constant 0.000000e+00 : f32
      %jit3A_3455 = arith.constant 1.000000e+00 : f32
      %max3A_3456 = vector.broadcast %jit3A_3454 : f32 to vector<1x128xf32>
      %max3A_3457 = arith.maximumf %max3A_3456, %add3A_3453 : vector<1x128xf32>
      %min3A_3458 = vector.broadcast %jit3A_3455 : f32 to vector<1x128xf32>
      %min3A_3459 = arith.minimumf %min3A_3458, %max3A_3457 : vector<1x128xf32>
      %slice3A_3460 = vector.extract_strided_slice %slice3A_21 {offsets = [4, 0], sizes = [1, 128], strides = [1, 1]} : vector<32x128xf32> to vector<1x128xf32>
      %mul3A_3461 = arith.mulf %get3A_3439, %min3A_3459 : vector<1x128xf32>
      %dot_general3A_3462 = arith.constant dense<0.000000e+00> : vector<1x128xf32>
      %dot_general3A_3463 = tpu.matmul %mul3A_3461, %get3A_34, %dot_general3A_3462 {dimension_numbers = #tpu.dot_dimension_numbers<[1], [1], [0], [0], [0, 0, 1, 0], [], []>, transpose_lhs_hint = false} : vector<1x128xf32>, vector<128x128xf32>, vector<1x128xf32> -> vector<1x128xf32>
      %add3A_3464 = arith.addf %slice3A_3460, %dot_general3A_3463 : vector<1x128xf32>
      %tanh3A_3465 = math.tanh %add3A_3464 : vector<1x128xf32>
      %sub3A_3466 = arith.constant 1.000000e+00 : f32
      %sub3A_3467 = vector.broadcast %sub3A_3466 : f32 to vector<1x128xf32>
      %sub3A_3468 = arith.subf %sub3A_3467, %min3A_3450 : vector<1x128xf32>
      %mul3A_3469 = arith.mulf %sub3A_3468, %get3A_3439 : vector<1x128xf32>
      %mul3A_3470 = arith.mulf %min3A_3450, %tanh3A_3465 : vector<1x128xf32>
      %add3A_3471 = arith.addf %mul3A_3469, %mul3A_3470 : vector<1x128xf32>
      %swap3A_3472 = arith.constant 5 : index
      %swap3A_3473 = arith.constant 0 : index
      %swap3A_3474 = vector.load %arg14[%swap3A_3472, %swap3A_3473] : memref<33x128xf32, #tpu.memory_space<vmem>>, vector<1x128xf32>
      tpu.vector_store %arg14[%swap3A_3472, %swap3A_3473], %add3A_3471 {strides = array<i32>} : memref<33x128xf32, #tpu.memory_space<vmem>>, vector<1x128xf32>,
    } else {
    }
    %get3A_149 = arith.constant 5 : index
    %get3A_150 = arith.constant 0 : index
    %get3A_151 = memref.load %arg10[%get3A_149, %get3A_150] : memref<32x2xi32, #tpu.memory_space<smem>>
    %get3A_152 = arith.constant 0 : index
    %get3A_153 = arith.constant 1 : index
    %get3A_154 = memref.load %arg10[%get3A_152, %get3A_153] : memref<32x2xi32, #tpu.memory_space<smem>>
    %mul3A_155 = arith.constant 0 : i32
    %mul3A_156 = arith.muli %get3A_154, %mul3A_155 : i32
    %get3A_157 = arith.constant 0 : index
    %get3A_158 = arith.constant 1 : index
    %get3A_159 = memref.load %arg10[%get3A_157, %get3A_158] : memref<32x2xi32, #tpu.memory_space<smem>>
    %eq3A_160 = arith.cmpi eq, %get3A_159, %get3A_151 : i32
    %jit3A_161 = arith.constant 1 : i32
    %select_n3A_162 = arith.select %eq3A_160, %jit3A_161, %mul3A_156 : i32
    %get3A_163 = arith.constant 1 : index
    %get3A_164 = arith.constant 1 : index
    %get3A_165 = memref.load %arg10[%get3A_163, %get3A_164] : memref<32x2xi32, #tpu.memory_space<smem>>
    %eq3A_166 = arith.cmpi eq, %get3A_165, %get3A_151 : i32
    %jit3A_167 = arith.constant 2 : i32
    %select_n3A_168 = arith.select %eq3A_166, %jit3A_167, %select_n3A_162 : i32
    %get3A_169 = arith.constant 2 : index
    %get3A_170 = arith.constant 1 : index
    %get3A_171 = memref.load %arg10[%get3A_169, %get3A_170] : memref<32x2xi32, #tpu.memory_space<smem>>
    %eq3A_172 = arith.cmpi eq, %get3A_171, %get3A_151 : i32
    %jit3A_173 = arith.constant 3 : i32
    %select_n3A_174 = arith.select %eq3A_172, %jit3A_173, %select_n3A_168 : i32
    %get3A_175 = arith.constant 3 : index
    %get3A_176 = arith.constant 1 : index
    %get3A_177 = memref.load %arg10[%get3A_175, %get3A_176] : memref<32x2xi32, #tpu.memory_space<smem>>
    %eq3A_178 = arith.cmpi eq, %get3A_177, %get3A_151 : i32
    %jit3A_179 = arith.constant 4 : i32
    %select_n3A_180 = arith.select %eq3A_178, %jit3A_179, %select_n3A_174 : i32
    %get3A_181 = arith.constant 4 : index
    %get3A_182 = arith.constant 1 : index
    %get3A_183 = memref.load %arg10[%get3A_181, %get3A_182] : memref<32x2xi32, #tpu.memory_space<smem>>
    %eq3A_184 = arith.cmpi eq, %get3A_183, %get3A_151 : i32
    %jit3A_185 = arith.constant 5 : i32
    %select_n3A_186 = arith.select %eq3A_184, %jit3A_185, %select_n3A_180 : i32
    %gt3A_187 = arith.constant 0 : i32
    %gt3A_188 = arith.cmpi sgt, %select_n3A_186, %gt3A_187 : i32
    %convert_element_type3A_189 = arith.extui %gt3A_188 : i1 to i32
    %cond3A_190 = arith.constant 0 : i32
    %cond3A_191 = arith.cmpi ne, %convert_element_type3A_189, %cond3A_190 : i32
    scf.if %cond3A_191 {
      %get3A_3437 = arith.index_cast %select_n3A_186 : i32 to index
      %get3A_3438 = arith.constant 0 : index
      %get3A_3439 = vector.load %arg14[%get3A_3437, %get3A_3438] : memref<33x128xf32, #tpu.memory_space<vmem>>, vector<1x128xf32>
      %dot_general3A_3440 = arith.constant dense<0.000000e+00> : vector<1x256xf32>
      %dot_general3A_3441 = tpu.matmul %get3A_3439, %concatenate3A_31, %dot_general3A_3440 {dimension_numbers = #tpu.dot_dimension_numbers<[1], [1], [0], [0], [0, 0, 1, 0], [], []>, transpose_lhs_hint = false} : vector<1x128xf32>, vector<256x128xf32>, vector<1x256xf32> -> vector<1x256xf32>
      %slice3A_3442 = vector.extract_strided_slice %slice3A {offsets = [5, 0], sizes = [1, 128], strides = [1, 1]} : vector<32x128xf32> to vector<1x128xf32>
      %slice3A_3443 = vector.extract_strided_slice %dot_general3A_3441 {offsets = [0, 0], sizes = [1, 128], strides = [1, 1]} : vector<1x256xf32> to vector<1x128xf32>
      %add3A_3444 = arith.addf %slice3A_3442, %slice3A_3443 : vector<1x128xf32>
      %jit3A_3445 = arith.constant 0.000000e+00 : f32
      %jit3A_3446 = arith.constant 1.000000e+00 : f32
      %max3A_3447 = vector.broadcast %jit3A_3445 : f32 to vector<1x128xf32>
      %max3A_3448 = arith.maximumf %max3A_3447, %add3A_3444 : vector<1x128xf32>
      %min3A_3449 = vector.broadcast %jit3A_3446 : f32 to vector<1x128xf32>
      %min3A_3450 = arith.minimumf %min3A_3449, %max3A_3448 : vector<1x128xf32>
      %slice3A_3451 = vector.extract_strided_slice %slice3A_20 {offsets = [5, 0], sizes = [1, 128], strides = [1, 1]} : vector<32x128xf32> to vector<1x128xf32>
      %slice3A_3452 = vector.extract_strided_slice %dot_general3A_3441 {offsets = [0, 128], sizes = [1, 128], strides = [1, 1]} : vector<1x256xf32> to vector<1x128xf32>
      %add3A_3453 = arith.addf %slice3A_3451, %slice3A_3452 : vector<1x128xf32>
      %jit3A_3454 = arith.constant 0.000000e+00 : f32
      %jit3A_3455 = arith.constant 1.000000e+00 : f32
      %max3A_3456 = vector.broadcast %jit3A_3454 : f32 to vector<1x128xf32>
      %max3A_3457 = arith.maximumf %max3A_3456, %add3A_3453 : vector<1x128xf32>
      %min3A_3458 = vector.broadcast %jit3A_3455 : f32 to vector<1x128xf32>
      %min3A_3459 = arith.minimumf %min3A_3458, %max3A_3457 : vector<1x128xf32>
      %slice3A_3460 = vector.extract_strided_slice %slice3A_21 {offsets = [5, 0], sizes = [1, 128], strides = [1, 1]} : vector<32x128xf32> to vector<1x128xf32>
      %mul3A_3461 = arith.mulf %get3A_3439, %min3A_3459 : vector<1x128xf32>
      %dot_general3A_3462 = arith.constant dense<0.000000e+00> : vector<1x128xf32>
      %dot_general3A_3463 = tpu.matmul %mul3A_3461, %get3A_34, %dot_general3A_3462 {dimension_numbers = #tpu.dot_dimension_numbers<[1], [1], [0], [0], [0, 0, 1, 0], [], []>, transpose_lhs_hint = false} : vector<1x128xf32>, vector<128x128xf32>, vector<1x128xf32> -> vector<1x128xf32>
      %add3A_3464 = arith.addf %slice3A_3460, %dot_general3A_3463 : vector<1x128xf32>
      %tanh3A_3465 = math.tanh %add3A_3464 : vector<1x128xf32>
      %sub3A_3466 = arith.constant 1.000000e+00 : f32
      %sub3A_3467 = vector.broadcast %sub3A_3466 : f32 to vector<1x128xf32>
      %sub3A_3468 = arith.subf %sub3A_3467, %min3A_3450 : vector<1x128xf32>
      %mul3A_3469 = arith.mulf %sub3A_3468, %get3A_3439 : vector<1x128xf32>
      %mul3A_3470 = arith.mulf %min3A_3450, %tanh3A_3465 : vector<1x128xf32>
      %add3A_3471 = arith.addf %mul3A_3469, %mul3A_3470 : vector<1x128xf32>
      %swap3A_3472 = arith.constant 6 : index
      %swap3A_3473 = arith.constant 0 : index
      %swap3A_3474 = vector.load %arg14[%swap3A_3472, %swap3A_3473] : memref<33x128xf32, #tpu.memory_space<vmem>>, vector<1x128xf32>
      tpu.vector_store %arg14[%swap3A_3472, %swap3A_3473], %add3A_3471 {strides = array<i32>} : memref<33x128xf32, #tpu.memory_space<vmem>>, vector<1x128xf32>,
    } else {
    }
    %get3A_192 = arith.constant 6 : index
    %get3A_193 = arith.constant 0 : index
    %get3A_194 = memref.load %arg10[%get3A_192, %get3A_193] : memref<32x2xi32, #tpu.memory_space<smem>>
    %get3A_195 = arith.constant 0 : index
    %get3A_196 = arith.constant 1 : index
    %get3A_197 = memref.load %arg10[%get3A_195, %get3A_196] : memref<32x2xi32, #tpu.memory_space<smem>>
    %mul3A_198 = arith.constant 0 : i32
    %mul3A_199 = arith.muli %get3A_197, %mul3A_198 : i32
    %get3A_200 = arith.constant 0 : index
    %get3A_201 = arith.constant 1 : index
    %get3A_202 = memref.load %arg10[%get3A_200, %get3A_201] : memref<32x2xi32, #tpu.memory_space<smem>>
    %eq3A_203 = arith.cmpi eq, %get3A_202, %get3A_194 : i32
    %jit3A_204 = arith.constant 1 : i32
    %select_n3A_205 = arith.select %eq3A_203, %jit3A_204, %mul3A_199 : i32
    %get3A_206 = arith.constant 1 : index
    %get3A_207 = arith.constant 1 : index
    %get3A_208 = memref.load %arg10[%get3A_206, %get3A_207] : memref<32x2xi32, #tpu.memory_space<smem>>
    %eq3A_209 = arith.cmpi eq, %get3A_208, %get3A_194 : i32
    %jit3A_210 = arith.constant 2 : i32
    %select_n3A_211 = arith.select %eq3A_209, %jit3A_210, %select_n3A_205 : i32
    %get3A_212 = arith.constant 2 : index
    %get3A_213 = arith.constant 1 : index
    %get3A_214 = memref.load %arg10[%get3A_212, %get3A_213] : memref<32x2xi32, #tpu.memory_space<smem>>
    %eq3A_215 = arith.cmpi eq, %get3A_214, %get3A_194 : i32
    %jit3A_216 = arith.constant 3 : i32
    %select_n3A_217 = arith.select %eq3A_215, %jit3A_216, %select_n3A_211 : i32
    %get3A_218 = arith.constant 3 : index
    %get3A_219 = arith.constant 1 : index
    %get3A_220 = memref.load %arg10[%get3A_218, %get3A_219] : memref<32x2xi32, #tpu.memory_space<smem>>
    %eq3A_221 = arith.cmpi eq, %get3A_220, %get3A_194 : i32
    %jit3A_222 = arith.constant 4 : i32
    %select_n3A_223 = arith.select %eq3A_221, %jit3A_222, %select_n3A_217 : i32
    %get3A_224 = arith.constant 4 : index
    %get3A_225 = arith.constant 1 : index
    %get3A_226 = memref.load %arg10[%get3A_224, %get3A_225] : memref<32x2xi32, #tpu.memory_space<smem>>
    %eq3A_227 = arith.cmpi eq, %get3A_226, %get3A_194 : i32
    %jit3A_228 = arith.constant 5 : i32
    %select_n3A_229 = arith.select %eq3A_227, %jit3A_228, %select_n3A_223 : i32
    %get3A_230 = arith.constant 5 : index
    %get3A_231 = arith.constant 1 : index
    %get3A_232 = memref.load %arg10[%get3A_230, %get3A_231] : memref<32x2xi32, #tpu.memory_space<smem>>
    %eq3A_233 = arith.cmpi eq, %get3A_232, %get3A_194 : i32
    %jit3A_234 = arith.constant 6 : i32
    %select_n3A_235 = arith.select %eq3A_233, %jit3A_234, %select_n3A_229 : i32
    %gt3A_236 = arith.constant 0 : i32
    %gt3A_237 = arith.cmpi sgt, %select_n3A_235, %gt3A_236 : i32
    %convert_element_type3A_238 = arith.extui %gt3A_237 : i1 to i32
    %cond3A_239 = arith.constant 0 : i32
    %cond3A_240 = arith.cmpi ne, %convert_element_type3A_238, %cond3A_239 : i32
    scf.if %cond3A_240 {
      %get3A_3437 = arith.index_cast %select_n3A_235 : i32 to index
      %get3A_3438 = arith.constant 0 : index
      %get3A_3439 = vector.load %arg14[%get3A_3437, %get3A_3438] : memref<33x128xf32, #tpu.memory_space<vmem>>, vector<1x128xf32>
      %dot_general3A_3440 = arith.constant dense<0.000000e+00> : vector<1x256xf32>
      %dot_general3A_3441 = tpu.matmul %get3A_3439, %concatenate3A_31, %dot_general3A_3440 {dimension_numbers = #tpu.dot_dimension_numbers<[1], [1], [0], [0], [0, 0, 1, 0], [], []>, transpose_lhs_hint = false} : vector<1x128xf32>, vector<256x128xf32>, vector<1x256xf32> -> vector<1x256xf32>
      %slice3A_3442 = vector.extract_strided_slice %slice3A {offsets = [6, 0], sizes = [1, 128], strides = [1, 1]} : vector<32x128xf32> to vector<1x128xf32>
      %slice3A_3443 = vector.extract_strided_slice %dot_general3A_3441 {offsets = [0, 0], sizes = [1, 128], strides = [1, 1]} : vector<1x256xf32> to vector<1x128xf32>
      %add3A_3444 = arith.addf %slice3A_3442, %slice3A_3443 : vector<1x128xf32>
      %jit3A_3445 = arith.constant 0.000000e+00 : f32
      %jit3A_3446 = arith.constant 1.000000e+00 : f32
      %max3A_3447 = vector.broadcast %jit3A_3445 : f32 to vector<1x128xf32>
      %max3A_3448 = arith.maximumf %max3A_3447, %add3A_3444 : vector<1x128xf32>
      %min3A_3449 = vector.broadcast %jit3A_3446 : f32 to vector<1x128xf32>
      %min3A_3450 = arith.minimumf %min3A_3449, %max3A_3448 : vector<1x128xf32>
      %slice3A_3451 = vector.extract_strided_slice %slice3A_20 {offsets = [6, 0], sizes = [1, 128], strides = [1, 1]} : vector<32x128xf32> to vector<1x128xf32>
      %slice3A_3452 = vector.extract_strided_slice %dot_general3A_3441 {offsets = [0, 128], sizes = [1, 128], strides = [1, 1]} : vector<1x256xf32> to vector<1x128xf32>
      %add3A_3453 = arith.addf %slice3A_3451, %slice3A_3452 : vector<1x128xf32>
      %jit3A_3454 = arith.constant 0.000000e+00 : f32
      %jit3A_3455 = arith.constant 1.000000e+00 : f32
      %max3A_3456 = vector.broadcast %jit3A_3454 : f32 to vector<1x128xf32>
      %max3A_3457 = arith.maximumf %max3A_3456, %add3A_3453 : vector<1x128xf32>
      %min3A_3458 = vector.broadcast %jit3A_3455 : f32 to vector<1x128xf32>
      %min3A_3459 = arith.minimumf %min3A_3458, %max3A_3457 : vector<1x128xf32>
      %slice3A_3460 = vector.extract_strided_slice %slice3A_21 {offsets = [6, 0], sizes = [1, 128], strides = [1, 1]} : vector<32x128xf32> to vector<1x128xf32>
      %mul3A_3461 = arith.mulf %get3A_3439, %min3A_3459 : vector<1x128xf32>
      %dot_general3A_3462 = arith.constant dense<0.000000e+00> : vector<1x128xf32>
      %dot_general3A_3463 = tpu.matmul %mul3A_3461, %get3A_34, %dot_general3A_3462 {dimension_numbers = #tpu.dot_dimension_numbers<[1], [1], [0], [0], [0, 0, 1, 0], [], []>, transpose_lhs_hint = false} : vector<1x128xf32>, vector<128x128xf32>, vector<1x128xf32> -> vector<1x128xf32>
      %add3A_3464 = arith.addf %slice3A_3460, %dot_general3A_3463 : vector<1x128xf32>
      %tanh3A_3465 = math.tanh %add3A_3464 : vector<1x128xf32>
      %sub3A_3466 = arith.constant 1.000000e+00 : f32
      %sub3A_3467 = vector.broadcast %sub3A_3466 : f32 to vector<1x128xf32>
      %sub3A_3468 = arith.subf %sub3A_3467, %min3A_3450 : vector<1x128xf32>
      %mul3A_3469 = arith.mulf %sub3A_3468, %get3A_3439 : vector<1x128xf32>
      %mul3A_3470 = arith.mulf %min3A_3450, %tanh3A_3465 : vector<1x128xf32>
      %add3A_3471 = arith.addf %mul3A_3469, %mul3A_3470 : vector<1x128xf32>
      %swap3A_3472 = arith.constant 7 : index
      %swap3A_3473 = arith.constant 0 : index
      %swap3A_3474 = vector.load %arg14[%swap3A_3472, %swap3A_3473] : memref<33x128xf32, #tpu.memory_space<vmem>>, vector<1x128xf32>
      tpu.vector_store %arg14[%swap3A_3472, %swap3A_3473], %add3A_3471 {strides = array<i32>} : memref<33x128xf32, #tpu.memory_space<vmem>>, vector<1x128xf32>,
    } else {
    }
    %get3A_241 = arith.constant 7 : index
    %get3A_242 = arith.constant 0 : index
    %get3A_243 = memref.load %arg10[%get3A_241, %get3A_242] : memref<32x2xi32, #tpu.memory_space<smem>>
    %get3A_244 = arith.constant 0 : index
    %get3A_245 = arith.constant 1 : index
    %get3A_246 = memref.load %arg10[%get3A_244, %get3A_245] : memref<32x2xi32, #tpu.memory_space<smem>>
    %mul3A_247 = arith.constant 0 : i32
    %mul3A_248 = arith.muli %get3A_246, %mul3A_247 : i32
    %get3A_249 = arith.constant 0 : index
    %get3A_250 = arith.constant 1 : index
    %get3A_251 = memref.load %arg10[%get3A_249, %get3A_250] : memref<32x2xi32, #tpu.memory_space<smem>>
    %eq3A_252 = arith.cmpi eq, %get3A_251, %get3A_243 : i32
    %jit3A_253 = arith.constant 1 : i32
    %select_n3A_254 = arith.select %eq3A_252, %jit3A_253, %mul3A_248 : i32
    %get3A_255 = arith.constant 1 : index
    %get3A_256 = arith.constant 1 : index
    %get3A_257 = memref.load %arg10[%get3A_255, %get3A_256] : memref<32x2xi32, #tpu.memory_space<smem>>
    %eq3A_258 = arith.cmpi eq, %get3A_257, %get3A_243 : i32
    %jit3A_259 = arith.constant 2 : i32
    %select_n3A_260 = arith.select %eq3A_258, %jit3A_259, %select_n3A_254 : i32
    %get3A_261 = arith.constant 2 : index
    %get3A_262 = arith.constant 1 : index
    %get3A_263 = memref.load %arg10[%get3A_261, %get3A_262] : memref<32x2xi32, #tpu.memory_space<smem>>
    %eq3A_264 = arith.cmpi eq, %get3A_263, %get3A_243 : i32
    %jit3A_265 = arith.constant 3 : i32
    %select_n3A_266 = arith.select %eq3A_264, %jit3A_265, %select_n3A_260 : i32
    %get3A_267 = arith.constant 3 : index
    %get3A_268 = arith.constant 1 : index
    %get3A_269 = memref.load %arg10[%get3A_267, %get3A_268] : memref<32x2xi32, #tpu.memory_space<smem>>
    %eq3A_270 = arith.cmpi eq, %get3A_269, %get3A_243 : i32
    %jit3A_271 = arith.constant 4 : i32
    %select_n3A_272 = arith.select %eq3A_270, %jit3A_271, %select_n3A_266 : i32
    %get3A_273 = arith.constant 4 : index
    %get3A_274 = arith.constant 1 : index
    %get3A_275 = memref.load %arg10[%get3A_273, %get3A_274] : memref<32x2xi32, #tpu.memory_space<smem>>
    %eq3A_276 = arith.cmpi eq, %get3A_275, %get3A_243 : i32
    %jit3A_277 = arith.constant 5 : i32
    %select_n3A_278 = arith.select %eq3A_276, %jit3A_277, %select_n3A_272 : i32
    %get3A_279 = arith.constant 5 : index
    %get3A_280 = arith.constant 1 : index
    %get3A_281 = memref.load %arg10[%get3A_279, %get3A_280] : memref<32x2xi32, #tpu.memory_space<smem>>
    %eq3A_282 = arith.cmpi eq, %get3A_281, %get3A_243 : i32
    %jit3A_283 = arith.constant 6 : i32
    %select_n3A_284 = arith.select %eq3A_282, %jit3A_283, %select_n3A_278 : i32
    %get3A_285 = arith.constant 6 : index
    %get3A_286 = arith.constant 1 : index
    %get3A_287 = memref.load %arg10[%get3A_285, %get3A_286] : memref<32x2xi32, #tpu.memory_space<smem>>
    %eq3A_288 = arith.cmpi eq, %get3A_287, %get3A_243 : i32
    %jit3A_289 = arith.constant 7 : i32
    %select_n3A_290 = arith.select %eq3A_288, %jit3A_289, %select_n3A_284 : i32
    %gt3A_291 = arith.constant 0 : i32
    %gt3A_292 = arith.cmpi sgt, %select_n3A_290, %gt3A_291 : i32
    %convert_element_type3A_293 = arith.extui %gt3A_292 : i1 to i32
    %cond3A_294 = arith.constant 0 : i32
    %cond3A_295 = arith.cmpi ne, %convert_element_type3A_293, %cond3A_294 : i32
    scf.if %cond3A_295 {
      %get3A_3437 = arith.index_cast %select_n3A_290 : i32 to index
      %get3A_3438 = arith.constant 0 : index
      %get3A_3439 = vector.load %arg14[%get3A_3437, %get3A_3438] : memref<33x128xf32, #tpu.memory_space<vmem>>, vector<1x128xf32>
      %dot_general3A_3440 = arith.constant dense<0.000000e+00> : vector<1x256xf32>
      %dot_general3A_3441 = tpu.matmul %get3A_3439, %concatenate3A_31, %dot_general3A_3440 {dimension_numbers = #tpu.dot_dimension_numbers<[1], [1], [0], [0], [0, 0, 1, 0], [], []>, transpose_lhs_hint = false} : vector<1x128xf32>, vector<256x128xf32>, vector<1x256xf32> -> vector<1x256xf32>
      %slice3A_3442 = vector.extract_strided_slice %slice3A {offsets = [7, 0], sizes = [1, 128], strides = [1, 1]} : vector<32x128xf32> to vector<1x128xf32>
      %slice3A_3443 = vector.extract_strided_slice %dot_general3A_3441 {offsets = [0, 0], sizes = [1, 128], strides = [1, 1]} : vector<1x256xf32> to vector<1x128xf32>
      %add3A_3444 = arith.addf %slice3A_3442, %slice3A_3443 : vector<1x128xf32>
      %jit3A_3445 = arith.constant 0.000000e+00 : f32
      %jit3A_3446 = arith.constant 1.000000e+00 : f32
      %max3A_3447 = vector.broadcast %jit3A_3445 : f32 to vector<1x128xf32>
      %max3A_3448 = arith.maximumf %max3A_3447, %add3A_3444 : vector<1x128xf32>
      %min3A_3449 = vector.broadcast %jit3A_3446 : f32 to vector<1x128xf32>
      %min3A_3450 = arith.minimumf %min3A_3449, %max3A_3448 : vector<1x128xf32>
      %slice3A_3451 = vector.extract_strided_slice %slice3A_20 {offsets = [7, 0], sizes = [1, 128], strides = [1, 1]} : vector<32x128xf32> to vector<1x128xf32>
      %slice3A_3452 = vector.extract_strided_slice %dot_general3A_3441 {offsets = [0, 128], sizes = [1, 128], strides = [1, 1]} : vector<1x256xf32> to vector<1x128xf32>
      %add3A_3453 = arith.addf %slice3A_3451, %slice3A_3452 : vector<1x128xf32>
      %jit3A_3454 = arith.constant 0.000000e+00 : f32
      %jit3A_3455 = arith.constant 1.000000e+00 : f32
      %max3A_3456 = vector.broadcast %jit3A_3454 : f32 to vector<1x128xf32>
      %max3A_3457 = arith.maximumf %max3A_3456, %add3A_3453 : vector<1x128xf32>
      %min3A_3458 = vector.broadcast %jit3A_3455 : f32 to vector<1x128xf32>
      %min3A_3459 = arith.minimumf %min3A_3458, %max3A_3457 : vector<1x128xf32>
      %slice3A_3460 = vector.extract_strided_slice %slice3A_21 {offsets = [7, 0], sizes = [1, 128], strides = [1, 1]} : vector<32x128xf32> to vector<1x128xf32>
      %mul3A_3461 = arith.mulf %get3A_3439, %min3A_3459 : vector<1x128xf32>
      %dot_general3A_3462 = arith.constant dense<0.000000e+00> : vector<1x128xf32>
      %dot_general3A_3463 = tpu.matmul %mul3A_3461, %get3A_34, %dot_general3A_3462 {dimension_numbers = #tpu.dot_dimension_numbers<[1], [1], [0], [0], [0, 0, 1, 0], [], []>, transpose_lhs_hint = false} : vector<1x128xf32>, vector<128x128xf32>, vector<1x128xf32> -> vector<1x128xf32>
      %add3A_3464 = arith.addf %slice3A_3460, %dot_general3A_3463 : vector<1x128xf32>
      %tanh3A_3465 = math.tanh %add3A_3464 : vector<1x128xf32>
      %sub3A_3466 = arith.constant 1.000000e+00 : f32
      %sub3A_3467 = vector.broadcast %sub3A_3466 : f32 to vector<1x128xf32>
      %sub3A_3468 = arith.subf %sub3A_3467, %min3A_3450 : vector<1x128xf32>
      %mul3A_3469 = arith.mulf %sub3A_3468, %get3A_3439 : vector<1x128xf32>
      %mul3A_3470 = arith.mulf %min3A_3450, %tanh3A_3465 : vector<1x128xf32>
      %add3A_3471 = arith.addf %mul3A_3469, %mul3A_3470 : vector<1x128xf32>
      %swap3A_3472 = arith.constant 8 : index
      %swap3A_3473 = arith.constant 0 : index
      %swap3A_3474 = vector.load %arg14[%swap3A_3472, %swap3A_3473] : memref<33x128xf32, #tpu.memory_space<vmem>>, vector<1x128xf32>
      tpu.vector_store %arg14[%swap3A_3472, %swap3A_3473], %add3A_3471 {strides = array<i32>} : memref<33x128xf32, #tpu.memory_space<vmem>>, vector<1x128xf32>,
    } else {
    }
    %get3A_296 = arith.constant 8 : index
    %get3A_297 = arith.constant 0 : index
    %get3A_298 = memref.load %arg10[%get3A_296, %get3A_297] : memref<32x2xi32, #tpu.memory_space<smem>>
    %get3A_299 = arith.constant 0 : index
    %get3A_300 = arith.constant 1 : index
    %get3A_301 = memref.load %arg10[%get3A_299, %get3A_300] : memref<32x2xi32, #tpu.memory_space<smem>>
    %mul3A_302 = arith.constant 0 : i32
    %mul3A_303 = arith.muli %get3A_301, %mul3A_302 : i32
    %get3A_304 = arith.constant 0 : index
    %get3A_305 = arith.constant 1 : index
    %get3A_306 = memref.load %arg10[%get3A_304, %get3A_305] : memref<32x2xi32, #tpu.memory_space<smem>>
    %eq3A_307 = arith.cmpi eq, %get3A_306, %get3A_298 : i32
    %jit3A_308 = arith.constant 1 : i32
    %select_n3A_309 = arith.select %eq3A_307, %jit3A_308, %mul3A_303 : i32
    %get3A_310 = arith.constant 1 : index
    %get3A_311 = arith.constant 1 : index
    %get3A_312 = memref.load %arg10[%get3A_310, %get3A_311] : memref<32x2xi32, #tpu.memory_space<smem>>
    %eq3A_313 = arith.cmpi eq, %get3A_312, %get3A_298 : i32
    %jit3A_314 = arith.constant 2 : i32
    %select_n3A_315 = arith.select %eq3A_313, %jit3A_314, %select_n3A_309 : i32
    %get3A_316 = arith.constant 2 : index
    %get3A_317 = arith.constant 1 : index
    %get3A_318 = memref.load %arg10[%get3A_316, %get3A_317] : memref<32x2xi32, #tpu.memory_space<smem>>
    %eq3A_319 = arith.cmpi eq, %get3A_318, %get3A_298 : i32
    %jit3A_320 = arith.constant 3 : i32
    %select_n3A_321 = arith.select %eq3A_319, %jit3A_320, %select_n3A_315 : i32
    %get3A_322 = arith.constant 3 : index
    %get3A_323 = arith.constant 1 : index
    %get3A_324 = memref.load %arg10[%get3A_322, %get3A_323] : memref<32x2xi32, #tpu.memory_space<smem>>
    %eq3A_325 = arith.cmpi eq, %get3A_324, %get3A_298 : i32
    %jit3A_326 = arith.constant 4 : i32
    %select_n3A_327 = arith.select %eq3A_325, %jit3A_326, %select_n3A_321 : i32
    %get3A_328 = arith.constant 4 : index
    %get3A_329 = arith.constant 1 : index
    %get3A_330 = memref.load %arg10[%get3A_328, %get3A_329] : memref<32x2xi32, #tpu.memory_space<smem>>
    %eq3A_331 = arith.cmpi eq, %get3A_330, %get3A_298 : i32
    %jit3A_332 = arith.constant 5 : i32
    %select_n3A_333 = arith.select %eq3A_331, %jit3A_332, %select_n3A_327 : i32
    %get3A_334 = arith.constant 5 : index
    %get3A_335 = arith.constant 1 : index
    %get3A_336 = memref.load %arg10[%get3A_334, %get3A_335] : memref<32x2xi32, #tpu.memory_space<smem>>
    %eq3A_337 = arith.cmpi eq, %get3A_336, %get3A_298 : i32
    %jit3A_338 = arith.constant 6 : i32
    %select_n3A_339 = arith.select %eq3A_337, %jit3A_338, %select_n3A_333 : i32
    %get3A_340 = arith.constant 6 : index
    %get3A_341 = arith.constant 1 : index
    %get3A_342 = memref.load %arg10[%get3A_340, %get3A_341] : memref<32x2xi32, #tpu.memory_space<smem>>
    %eq3A_343 = arith.cmpi eq, %get3A_342, %get3A_298 : i32
    %jit3A_344 = arith.constant 7 : i32
    %select_n3A_345 = arith.select %eq3A_343, %jit3A_344, %select_n3A_339 : i32
    %get3A_346 = arith.constant 7 : index
    %get3A_347 = arith.constant 1 : index
    %get3A_348 = memref.load %arg10[%get3A_346, %get3A_347] : memref<32x2xi32, #tpu.memory_space<smem>>
    %eq3A_349 = arith.cmpi eq, %get3A_348, %get3A_298 : i32
    %jit3A_350 = arith.constant 8 : i32
    %select_n3A_351 = arith.select %eq3A_349, %jit3A_350, %select_n3A_345 : i32
    %gt3A_352 = arith.constant 0 : i32
    %gt3A_353 = arith.cmpi sgt, %select_n3A_351, %gt3A_352 : i32
    %convert_element_type3A_354 = arith.extui %gt3A_353 : i1 to i32
    %cond3A_355 = arith.constant 0 : i32
    %cond3A_356 = arith.cmpi ne, %convert_element_type3A_354, %cond3A_355 : i32
    scf.if %cond3A_356 {
      %get3A_3437 = arith.index_cast %select_n3A_351 : i32 to index
      %get3A_3438 = arith.constant 0 : index
      %get3A_3439 = vector.load %arg14[%get3A_3437, %get3A_3438] : memref<33x128xf32, #tpu.memory_space<vmem>>, vector<1x128xf32>
      %dot_general3A_3440 = arith.constant dense<0.000000e+00> : vector<1x256xf32>
      %dot_general3A_3441 = tpu.matmul %get3A_3439, %concatenate3A_31, %dot_general3A_3440 {dimension_numbers = #tpu.dot_dimension_numbers<[1], [1], [0], [0], [0, 0, 1, 0], [], []>, transpose_lhs_hint = false} : vector<1x128xf32>, vector<256x128xf32>, vector<1x256xf32> -> vector<1x256xf32>
      %slice3A_3442 = vector.extract_strided_slice %slice3A {offsets = [8, 0], sizes = [1, 128], strides = [1, 1]} : vector<32x128xf32> to vector<1x128xf32>
      %slice3A_3443 = vector.extract_strided_slice %dot_general3A_3441 {offsets = [0, 0], sizes = [1, 128], strides = [1, 1]} : vector<1x256xf32> to vector<1x128xf32>
      %add3A_3444 = arith.addf %slice3A_3442, %slice3A_3443 : vector<1x128xf32>
      %jit3A_3445 = arith.constant 0.000000e+00 : f32
      %jit3A_3446 = arith.constant 1.000000e+00 : f32
      %max3A_3447 = vector.broadcast %jit3A_3445 : f32 to vector<1x128xf32>
      %max3A_3448 = arith.maximumf %max3A_3447, %add3A_3444 : vector<1x128xf32>
      %min3A_3449 = vector.broadcast %jit3A_3446 : f32 to vector<1x128xf32>
      %min3A_3450 = arith.minimumf %min3A_3449, %max3A_3448 : vector<1x128xf32>
      %slice3A_3451 = vector.extract_strided_slice %slice3A_20 {offsets = [8, 0], sizes = [1, 128], strides = [1, 1]} : vector<32x128xf32> to vector<1x128xf32>
      %slice3A_3452 = vector.extract_strided_slice %dot_general3A_3441 {offsets = [0, 128], sizes = [1, 128], strides = [1, 1]} : vector<1x256xf32> to vector<1x128xf32>
      %add3A_3453 = arith.addf %slice3A_3451, %slice3A_3452 : vector<1x128xf32>
      %jit3A_3454 = arith.constant 0.000000e+00 : f32
      %jit3A_3455 = arith.constant 1.000000e+00 : f32
      %max3A_3456 = vector.broadcast %jit3A_3454 : f32 to vector<1x128xf32>
      %max3A_3457 = arith.maximumf %max3A_3456, %add3A_3453 : vector<1x128xf32>
      %min3A_3458 = vector.broadcast %jit3A_3455 : f32 to vector<1x128xf32>
      %min3A_3459 = arith.minimumf %min3A_3458, %max3A_3457 : vector<1x128xf32>
      %slice3A_3460 = vector.extract_strided_slice %slice3A_21 {offsets = [8, 0], sizes = [1, 128], strides = [1, 1]} : vector<32x128xf32> to vector<1x128xf32>
      %mul3A_3461 = arith.mulf %get3A_3439, %min3A_3459 : vector<1x128xf32>
      %dot_general3A_3462 = arith.constant dense<0.000000e+00> : vector<1x128xf32>
      %dot_general3A_3463 = tpu.matmul %mul3A_3461, %get3A_34, %dot_general3A_3462 {dimension_numbers = #tpu.dot_dimension_numbers<[1], [1], [0], [0], [0, 0, 1, 0], [], []>, transpose_lhs_hint = false} : vector<1x128xf32>, vector<128x128xf32>, vector<1x128xf32> -> vector<1x128xf32>
      %add3A_3464 = arith.addf %slice3A_3460, %dot_general3A_3463 : vector<1x128xf32>
      %tanh3A_3465 = math.tanh %add3A_3464 : vector<1x128xf32>
      %sub3A_3466 = arith.constant 1.000000e+00 : f32
      %sub3A_3467 = vector.broadcast %sub3A_3466 : f32 to vector<1x128xf32>
      %sub3A_3468 = arith.subf %sub3A_3467, %min3A_3450 : vector<1x128xf32>
      %mul3A_3469 = arith.mulf %sub3A_3468, %get3A_3439 : vector<1x128xf32>
      %mul3A_3470 = arith.mulf %min3A_3450, %tanh3A_3465 : vector<1x128xf32>
      %add3A_3471 = arith.addf %mul3A_3469, %mul3A_3470 : vector<1x128xf32>
      %swap3A_3472 = arith.constant 9 : index
      %swap3A_3473 = arith.constant 0 : index
      %swap3A_3474 = vector.load %arg14[%swap3A_3472, %swap3A_3473] : memref<33x128xf32, #tpu.memory_space<vmem>>, vector<1x128xf32>
      tpu.vector_store %arg14[%swap3A_3472, %swap3A_3473], %add3A_3471 {strides = array<i32>} : memref<33x128xf32, #tpu.memory_space<vmem>>, vector<1x128xf32>,
    } else {
    }
    %get3A_357 = arith.constant 9 : index
    %get3A_358 = arith.constant 0 : index
    %get3A_359 = memref.load %arg10[%get3A_357, %get3A_358] : memref<32x2xi32, #tpu.memory_space<smem>>
    %get3A_360 = arith.constant 0 : index
    %get3A_361 = arith.constant 1 : index
    %get3A_362 = memref.load %arg10[%get3A_360, %get3A_361] : memref<32x2xi32, #tpu.memory_space<smem>>
    %mul3A_363 = arith.constant 0 : i32
    %mul3A_364 = arith.muli %get3A_362, %mul3A_363 : i32
    %get3A_365 = arith.constant 0 : index
    %get3A_366 = arith.constant 1 : index
    %get3A_367 = memref.load %arg10[%get3A_365, %get3A_366] : memref<32x2xi32, #tpu.memory_space<smem>>
    %eq3A_368 = arith.cmpi eq, %get3A_367, %get3A_359 : i32
    %jit3A_369 = arith.constant 1 : i32
    %select_n3A_370 = arith.select %eq3A_368, %jit3A_369, %mul3A_364 : i32
    %get3A_371 = arith.constant 1 : index
    %get3A_372 = arith.constant 1 : index
    %get3A_373 = memref.load %arg10[%get3A_371, %get3A_372] : memref<32x2xi32, #tpu.memory_space<smem>>
    %eq3A_374 = arith.cmpi eq, %get3A_373, %get3A_359 : i32
    %jit3A_375 = arith.constant 2 : i32
    %select_n3A_376 = arith.select %eq3A_374, %jit3A_375, %select_n3A_370 : i32
    %get3A_377 = arith.constant 2 : index
    %get3A_378 = arith.constant 1 : index
    %get3A_379 = memref.load %arg10[%get3A_377, %get3A_378] : memref<32x2xi32, #tpu.memory_space<smem>>
    %eq3A_380 = arith.cmpi eq, %get3A_379, %get3A_359 : i32
    %jit3A_381 = arith.constant 3 : i32
    %select_n3A_382 = arith.select %eq3A_380, %jit3A_381, %select_n3A_376 : i32
    %get3A_383 = arith.constant 3 : index
    %get3A_384 = arith.constant 1 : index
    %get3A_385 = memref.load %arg10[%get3A_383, %get3A_384] : memref<32x2xi32, #tpu.memory_space<smem>>
    %eq3A_386 = arith.cmpi eq, %get3A_385, %get3A_359 : i32
    %jit3A_387 = arith.constant 4 : i32
    %select_n3A_388 = arith.select %eq3A_386, %jit3A_387, %select_n3A_382 : i32
    %get3A_389 = arith.constant 4 : index
    %get3A_390 = arith.constant 1 : index
    %get3A_391 = memref.load %arg10[%get3A_389, %get3A_390] : memref<32x2xi32, #tpu.memory_space<smem>>
    %eq3A_392 = arith.cmpi eq, %get3A_391, %get3A_359 : i32
    %jit3A_393 = arith.constant 5 : i32
    %select_n3A_394 = arith.select %eq3A_392, %jit3A_393, %select_n3A_388 : i32
    %get3A_395 = arith.constant 5 : index
    %get3A_396 = arith.constant 1 : index
    %get3A_397 = memref.load %arg10[%get3A_395, %get3A_396] : memref<32x2xi32, #tpu.memory_space<smem>>
    %eq3A_398 = arith.cmpi eq, %get3A_397, %get3A_359 : i32
    %jit3A_399 = arith.constant 6 : i32
    %select_n3A_400 = arith.select %eq3A_398, %jit3A_399, %select_n3A_394 : i32
    %get3A_401 = arith.constant 6 : index
    %get3A_402 = arith.constant 1 : index
    %get3A_403 = memref.load %arg10[%get3A_401, %get3A_402] : memref<32x2xi32, #tpu.memory_space<smem>>
    %eq3A_404 = arith.cmpi eq, %get3A_403, %get3A_359 : i32
    %jit3A_405 = arith.constant 7 : i32
    %select_n3A_406 = arith.select %eq3A_404, %jit3A_405, %select_n3A_400 : i32
    %get3A_407 = arith.constant 7 : index
    %get3A_408 = arith.constant 1 : index
    %get3A_409 = memref.load %arg10[%get3A_407, %get3A_408] : memref<32x2xi32, #tpu.memory_space<smem>>
    %eq3A_410 = arith.cmpi eq, %get3A_409, %get3A_359 : i32
    %jit3A_411 = arith.constant 8 : i32
    %select_n3A_412 = arith.select %eq3A_410, %jit3A_411, %select_n3A_406 : i32
    %get3A_413 = arith.constant 8 : index
    %get3A_414 = arith.constant 1 : index
    %get3A_415 = memref.load %arg10[%get3A_413, %get3A_414] : memref<32x2xi32, #tpu.memory_space<smem>>
    %eq3A_416 = arith.cmpi eq, %get3A_415, %get3A_359 : i32
    %jit3A_417 = arith.constant 9 : i32
    %select_n3A_418 = arith.select %eq3A_416, %jit3A_417, %select_n3A_412 : i32
    %gt3A_419 = arith.constant 0 : i32
    %gt3A_420 = arith.cmpi sgt, %select_n3A_418, %gt3A_419 : i32
    %convert_element_type3A_421 = arith.extui %gt3A_420 : i1 to i32
    %cond3A_422 = arith.constant 0 : i32
    %cond3A_423 = arith.cmpi ne, %convert_element_type3A_421, %cond3A_422 : i32
    scf.if %cond3A_423 {
      %get3A_3437 = arith.index_cast %select_n3A_418 : i32 to index
      %get3A_3438 = arith.constant 0 : index
      %get3A_3439 = vector.load %arg14[%get3A_3437, %get3A_3438] : memref<33x128xf32, #tpu.memory_space<vmem>>, vector<1x128xf32>
      %dot_general3A_3440 = arith.constant dense<0.000000e+00> : vector<1x256xf32>
      %dot_general3A_3441 = tpu.matmul %get3A_3439, %concatenate3A_31, %dot_general3A_3440 {dimension_numbers = #tpu.dot_dimension_numbers<[1], [1], [0], [0], [0, 0, 1, 0], [], []>, transpose_lhs_hint = false} : vector<1x128xf32>, vector<256x128xf32>, vector<1x256xf32> -> vector<1x256xf32>
      %slice3A_3442 = vector.extract_strided_slice %slice3A {offsets = [9, 0], sizes = [1, 128], strides = [1, 1]} : vector<32x128xf32> to vector<1x128xf32>
      %slice3A_3443 = vector.extract_strided_slice %dot_general3A_3441 {offsets = [0, 0], sizes = [1, 128], strides = [1, 1]} : vector<1x256xf32> to vector<1x128xf32>
      %add3A_3444 = arith.addf %slice3A_3442, %slice3A_3443 : vector<1x128xf32>
      %jit3A_3445 = arith.constant 0.000000e+00 : f32
      %jit3A_3446 = arith.constant 1.000000e+00 : f32
      %max3A_3447 = vector.broadcast %jit3A_3445 : f32 to vector<1x128xf32>
      %max3A_3448 = arith.maximumf %max3A_3447, %add3A_3444 : vector<1x128xf32>
      %min3A_3449 = vector.broadcast %jit3A_3446 : f32 to vector<1x128xf32>
      %min3A_3450 = arith.minimumf %min3A_3449, %max3A_3448 : vector<1x128xf32>
      %slice3A_3451 = vector.extract_strided_slice %slice3A_20 {offsets = [9, 0], sizes = [1, 128], strides = [1, 1]} : vector<32x128xf32> to vector<1x128xf32>
      %slice3A_3452 = vector.extract_strided_slice %dot_general3A_3441 {offsets = [0, 128], sizes = [1, 128], strides = [1, 1]} : vector<1x256xf32> to vector<1x128xf32>
      %add3A_3453 = arith.addf %slice3A_3451, %slice3A_3452 : vector<1x128xf32>
      %jit3A_3454 = arith.constant 0.000000e+00 : f32
      %jit3A_3455 = arith.constant 1.000000e+00 : f32
      %max3A_3456 = vector.broadcast %jit3A_3454 : f32 to vector<1x128xf32>
      %max3A_3457 = arith.maximumf %max3A_3456, %add3A_3453 : vector<1x128xf32>
      %min3A_3458 = vector.broadcast %jit3A_3455 : f32 to vector<1x128xf32>
      %min3A_3459 = arith.minimumf %min3A_3458, %max3A_3457 : vector<1x128xf32>
      %slice3A_3460 = vector.extract_strided_slice %slice3A_21 {offsets = [9, 0], sizes = [1, 128], strides = [1, 1]} : vector<32x128xf32> to vector<1x128xf32>
      %mul3A_3461 = arith.mulf %get3A_3439, %min3A_3459 : vector<1x128xf32>
      %dot_general3A_3462 = arith.constant dense<0.000000e+00> : vector<1x128xf32>
      %dot_general3A_3463 = tpu.matmul %mul3A_3461, %get3A_34, %dot_general3A_3462 {dimension_numbers = #tpu.dot_dimension_numbers<[1], [1], [0], [0], [0, 0, 1, 0], [], []>, transpose_lhs_hint = false} : vector<1x128xf32>, vector<128x128xf32>, vector<1x128xf32> -> vector<1x128xf32>
      %add3A_3464 = arith.addf %slice3A_3460, %dot_general3A_3463 : vector<1x128xf32>
      %tanh3A_3465 = math.tanh %add3A_3464 : vector<1x128xf32>
      %sub3A_3466 = arith.constant 1.000000e+00 : f32
      %sub3A_3467 = vector.broadcast %sub3A_3466 : f32 to vector<1x128xf32>
      %sub3A_3468 = arith.subf %sub3A_3467, %min3A_3450 : vector<1x128xf32>
      %mul3A_3469 = arith.mulf %sub3A_3468, %get3A_3439 : vector<1x128xf32>
      %mul3A_3470 = arith.mulf %min3A_3450, %tanh3A_3465 : vector<1x128xf32>
      %add3A_3471 = arith.addf %mul3A_3469, %mul3A_3470 : vector<1x128xf32>
      %swap3A_3472 = arith.constant 10 : index
      %swap3A_3473 = arith.constant 0 : index
      %swap3A_3474 = vector.load %arg14[%swap3A_3472, %swap3A_3473] : memref<33x128xf32, #tpu.memory_space<vmem>>, vector<1x128xf32>
      tpu.vector_store %arg14[%swap3A_3472, %swap3A_3473], %add3A_3471 {strides = array<i32>} : memref<33x128xf32, #tpu.memory_space<vmem>>, vector<1x128xf32>,
    } else {
    }
    %get3A_424 = arith.constant 10 : index
    %get3A_425 = arith.constant 0 : index
    %get3A_426 = memref.load %arg10[%get3A_424, %get3A_425] : memref<32x2xi32, #tpu.memory_space<smem>>
    %get3A_427 = arith.constant 0 : index
    %get3A_428 = arith.constant 1 : index
    %get3A_429 = memref.load %arg10[%get3A_427, %get3A_428] : memref<32x2xi32, #tpu.memory_space<smem>>
    %mul3A_430 = arith.constant 0 : i32
    %mul3A_431 = arith.muli %get3A_429, %mul3A_430 : i32
    %get3A_432 = arith.constant 0 : index
    %get3A_433 = arith.constant 1 : index
    %get3A_434 = memref.load %arg10[%get3A_432, %get3A_433] : memref<32x2xi32, #tpu.memory_space<smem>>
    %eq3A_435 = arith.cmpi eq, %get3A_434, %get3A_426 : i32
    %jit3A_436 = arith.constant 1 : i32
    %select_n3A_437 = arith.select %eq3A_435, %jit3A_436, %mul3A_431 : i32
    %get3A_438 = arith.constant 1 : index
    %get3A_439 = arith.constant 1 : index
    %get3A_440 = memref.load %arg10[%get3A_438, %get3A_439] : memref<32x2xi32, #tpu.memory_space<smem>>
    %eq3A_441 = arith.cmpi eq, %get3A_440, %get3A_426 : i32
    %jit3A_442 = arith.constant 2 : i32
    %select_n3A_443 = arith.select %eq3A_441, %jit3A_442, %select_n3A_437 : i32
    %get3A_444 = arith.constant 2 : index
    %get3A_445 = arith.constant 1 : index
    %get3A_446 = memref.load %arg10[%get3A_444, %get3A_445] : memref<32x2xi32, #tpu.memory_space<smem>>
    %eq3A_447 = arith.cmpi eq, %get3A_446, %get3A_426 : i32
    %jit3A_448 = arith.constant 3 : i32
    %select_n3A_449 = arith.select %eq3A_447, %jit3A_448, %select_n3A_443 : i32
    %get3A_450 = arith.constant 3 : index
    %get3A_451 = arith.constant 1 : index
    %get3A_452 = memref.load %arg10[%get3A_450, %get3A_451] : memref<32x2xi32, #tpu.memory_space<smem>>
    %eq3A_453 = arith.cmpi eq, %get3A_452, %get3A_426 : i32
    %jit3A_454 = arith.constant 4 : i32
    %select_n3A_455 = arith.select %eq3A_453, %jit3A_454, %select_n3A_449 : i32
    %get3A_456 = arith.constant 4 : index
    %get3A_457 = arith.constant 1 : index
    %get3A_458 = memref.load %arg10[%get3A_456, %get3A_457] : memref<32x2xi32, #tpu.memory_space<smem>>
    %eq3A_459 = arith.cmpi eq, %get3A_458, %get3A_426 : i32
    %jit3A_460 = arith.constant 5 : i32
    %select_n3A_461 = arith.select %eq3A_459, %jit3A_460, %select_n3A_455 : i32
    %get3A_462 = arith.constant 5 : index
    %get3A_463 = arith.constant 1 : index
    %get3A_464 = memref.load %arg10[%get3A_462, %get3A_463] : memref<32x2xi32, #tpu.memory_space<smem>>
    %eq3A_465 = arith.cmpi eq, %get3A_464, %get3A_426 : i32
    %jit3A_466 = arith.constant 6 : i32
    %select_n3A_467 = arith.select %eq3A_465, %jit3A_466, %select_n3A_461 : i32
    %get3A_468 = arith.constant 6 : index
    %get3A_469 = arith.constant 1 : index
    %get3A_470 = memref.load %arg10[%get3A_468, %get3A_469] : memref<32x2xi32, #tpu.memory_space<smem>>
    %eq3A_471 = arith.cmpi eq, %get3A_470, %get3A_426 : i32
    %jit3A_472 = arith.constant 7 : i32
    %select_n3A_473 = arith.select %eq3A_471, %jit3A_472, %select_n3A_467 : i32
    %get3A_474 = arith.constant 7 : index
    %get3A_475 = arith.constant 1 : index
    %get3A_476 = memref.load %arg10[%get3A_474, %get3A_475] : memref<32x2xi32, #tpu.memory_space<smem>>
    %eq3A_477 = arith.cmpi eq, %get3A_476, %get3A_426 : i32
    %jit3A_478 = arith.constant 8 : i32
    %select_n3A_479 = arith.select %eq3A_477, %jit3A_478, %select_n3A_473 : i32
    %get3A_480 = arith.constant 8 : index
    %get3A_481 = arith.constant 1 : index
    %get3A_482 = memref.load %arg10[%get3A_480, %get3A_481] : memref<32x2xi32, #tpu.memory_space<smem>>
    %eq3A_483 = arith.cmpi eq, %get3A_482, %get3A_426 : i32
    %jit3A_484 = arith.constant 9 : i32
    %select_n3A_485 = arith.select %eq3A_483, %jit3A_484, %select_n3A_479 : i32
    %get3A_486 = arith.constant 9 : index
    %get3A_487 = arith.constant 1 : index
    %get3A_488 = memref.load %arg10[%get3A_486, %get3A_487] : memref<32x2xi32, #tpu.memory_space<smem>>
    %eq3A_489 = arith.cmpi eq, %get3A_488, %get3A_426 : i32
    %jit3A_490 = arith.constant 10 : i32
    %select_n3A_491 = arith.select %eq3A_489, %jit3A_490, %select_n3A_485 : i32
    %gt3A_492 = arith.constant 0 : i32
    %gt3A_493 = arith.cmpi sgt, %select_n3A_491, %gt3A_492 : i32
    %convert_element_type3A_494 = arith.extui %gt3A_493 : i1 to i32
    %cond3A_495 = arith.constant 0 : i32
    %cond3A_496 = arith.cmpi ne, %convert_element_type3A_494, %cond3A_495 : i32
    scf.if %cond3A_496 {
      %get3A_3437 = arith.index_cast %select_n3A_491 : i32 to index
      %get3A_3438 = arith.constant 0 : index
      %get3A_3439 = vector.load %arg14[%get3A_3437, %get3A_3438] : memref<33x128xf32, #tpu.memory_space<vmem>>, vector<1x128xf32>
      %dot_general3A_3440 = arith.constant dense<0.000000e+00> : vector<1x256xf32>
      %dot_general3A_3441 = tpu.matmul %get3A_3439, %concatenate3A_31, %dot_general3A_3440 {dimension_numbers = #tpu.dot_dimension_numbers<[1], [1], [0], [0], [0, 0, 1, 0], [], []>, transpose_lhs_hint = false} : vector<1x128xf32>, vector<256x128xf32>, vector<1x256xf32> -> vector<1x256xf32>
      %slice3A_3442 = vector.extract_strided_slice %slice3A {offsets = [10, 0], sizes = [1, 128], strides = [1, 1]} : vector<32x128xf32> to vector<1x128xf32>
      %slice3A_3443 = vector.extract_strided_slice %dot_general3A_3441 {offsets = [0, 0], sizes = [1, 128], strides = [1, 1]} : vector<1x256xf32> to vector<1x128xf32>
      %add3A_3444 = arith.addf %slice3A_3442, %slice3A_3443 : vector<1x128xf32>
      %jit3A_3445 = arith.constant 0.000000e+00 : f32
      %jit3A_3446 = arith.constant 1.000000e+00 : f32
      %max3A_3447 = vector.broadcast %jit3A_3445 : f32 to vector<1x128xf32>
      %max3A_3448 = arith.maximumf %max3A_3447, %add3A_3444 : vector<1x128xf32>
      %min3A_3449 = vector.broadcast %jit3A_3446 : f32 to vector<1x128xf32>
      %min3A_3450 = arith.minimumf %min3A_3449, %max3A_3448 : vector<1x128xf32>
      %slice3A_3451 = vector.extract_strided_slice %slice3A_20 {offsets = [10, 0], sizes = [1, 128], strides = [1, 1]} : vector<32x128xf32> to vector<1x128xf32>
      %slice3A_3452 = vector.extract_strided_slice %dot_general3A_3441 {offsets = [0, 128], sizes = [1, 128], strides = [1, 1]} : vector<1x256xf32> to vector<1x128xf32>
      %add3A_3453 = arith.addf %slice3A_3451, %slice3A_3452 : vector<1x128xf32>
      %jit3A_3454 = arith.constant 0.000000e+00 : f32
      %jit3A_3455 = arith.constant 1.000000e+00 : f32
      %max3A_3456 = vector.broadcast %jit3A_3454 : f32 to vector<1x128xf32>
      %max3A_3457 = arith.maximumf %max3A_3456, %add3A_3453 : vector<1x128xf32>
      %min3A_3458 = vector.broadcast %jit3A_3455 : f32 to vector<1x128xf32>
      %min3A_3459 = arith.minimumf %min3A_3458, %max3A_3457 : vector<1x128xf32>
      %slice3A_3460 = vector.extract_strided_slice %slice3A_21 {offsets = [10, 0], sizes = [1, 128], strides = [1, 1]} : vector<32x128xf32> to vector<1x128xf32>
      %mul3A_3461 = arith.mulf %get3A_3439, %min3A_3459 : vector<1x128xf32>
      %dot_general3A_3462 = arith.constant dense<0.000000e+00> : vector<1x128xf32>
      %dot_general3A_3463 = tpu.matmul %mul3A_3461, %get3A_34, %dot_general3A_3462 {dimension_numbers = #tpu.dot_dimension_numbers<[1], [1], [0], [0], [0, 0, 1, 0], [], []>, transpose_lhs_hint = false} : vector<1x128xf32>, vector<128x128xf32>, vector<1x128xf32> -> vector<1x128xf32>
      %add3A_3464 = arith.addf %slice3A_3460, %dot_general3A_3463 : vector<1x128xf32>
      %tanh3A_3465 = math.tanh %add3A_3464 : vector<1x128xf32>
      %sub3A_3466 = arith.constant 1.000000e+00 : f32
      %sub3A_3467 = vector.broadcast %sub3A_3466 : f32 to vector<1x128xf32>
      %sub3A_3468 = arith.subf %sub3A_3467, %min3A_3450 : vector<1x128xf32>
      %mul3A_3469 = arith.mulf %sub3A_3468, %get3A_3439 : vector<1x128xf32>
      %mul3A_3470 = arith.mulf %min3A_3450, %tanh3A_3465 : vector<1x128xf32>
      %add3A_3471 = arith.addf %mul3A_3469, %mul3A_3470 : vector<1x128xf32>
      %swap3A_3472 = arith.constant 11 : index
      %swap3A_3473 = arith.constant 0 : index
      %swap3A_3474 = vector.load %arg14[%swap3A_3472, %swap3A_3473] : memref<33x128xf32, #tpu.memory_space<vmem>>, vector<1x128xf32>
      tpu.vector_store %arg14[%swap3A_3472, %swap3A_3473], %add3A_3471 {strides = array<i32>} : memref<33x128xf32, #tpu.memory_space<vmem>>, vector<1x128xf32>,
    } else {
    }
    %get3A_497 = arith.constant 11 : index
    %get3A_498 = arith.constant 0 : index
    %get3A_499 = memref.load %arg10[%get3A_497, %get3A_498] : memref<32x2xi32, #tpu.memory_space<smem>>
    %get3A_500 = arith.constant 0 : index
    %get3A_501 = arith.constant 1 : index
    %get3A_502 = memref.load %arg10[%get3A_500, %get3A_501] : memref<32x2xi32, #tpu.memory_space<smem>>
    %mul3A_503 = arith.constant 0 : i32
    %mul3A_504 = arith.muli %get3A_502, %mul3A_503 : i32
    %get3A_505 = arith.constant 0 : index
    %get3A_506 = arith.constant 1 : index
    %get3A_507 = memref.load %arg10[%get3A_505, %get3A_506] : memref<32x2xi32, #tpu.memory_space<smem>>
    %eq3A_508 = arith.cmpi eq, %get3A_507, %get3A_499 : i32
    %jit3A_509 = arith.constant 1 : i32
    %select_n3A_510 = arith.select %eq3A_508, %jit3A_509, %mul3A_504 : i32
    %get3A_511 = arith.constant 1 : index
    %get3A_512 = arith.constant 1 : index
    %get3A_513 = memref.load %arg10[%get3A_511, %get3A_512] : memref<32x2xi32, #tpu.memory_space<smem>>
    %eq3A_514 = arith.cmpi eq, %get3A_513, %get3A_499 : i32
    %jit3A_515 = arith.constant 2 : i32
    %select_n3A_516 = arith.select %eq3A_514, %jit3A_515, %select_n3A_510 : i32
    %get3A_517 = arith.constant 2 : index
    %get3A_518 = arith.constant 1 : index
    %get3A_519 = memref.load %arg10[%get3A_517, %get3A_518] : memref<32x2xi32, #tpu.memory_space<smem>>
    %eq3A_520 = arith.cmpi eq, %get3A_519, %get3A_499 : i32
    %jit3A_521 = arith.constant 3 : i32
    %select_n3A_522 = arith.select %eq3A_520, %jit3A_521, %select_n3A_516 : i32
    %get3A_523 = arith.constant 3 : index
    %get3A_524 = arith.constant 1 : index
    %get3A_525 = memref.load %arg10[%get3A_523, %get3A_524] : memref<32x2xi32, #tpu.memory_space<smem>>
    %eq3A_526 = arith.cmpi eq, %get3A_525, %get3A_499 : i32
    %jit3A_527 = arith.constant 4 : i32
    %select_n3A_528 = arith.select %eq3A_526, %jit3A_527, %select_n3A_522 : i32
    %get3A_529 = arith.constant 4 : index
    %get3A_530 = arith.constant 1 : index
    %get3A_531 = memref.load %arg10[%get3A_529, %get3A_530] : memref<32x2xi32, #tpu.memory_space<smem>>
    %eq3A_532 = arith.cmpi eq, %get3A_531, %get3A_499 : i32
    %jit3A_533 = arith.constant 5 : i32
    %select_n3A_534 = arith.select %eq3A_532, %jit3A_533, %select_n3A_528 : i32
    %get3A_535 = arith.constant 5 : index
    %get3A_536 = arith.constant 1 : index
    %get3A_537 = memref.load %arg10[%get3A_535, %get3A_536] : memref<32x2xi32, #tpu.memory_space<smem>>
    %eq3A_538 = arith.cmpi eq, %get3A_537, %get3A_499 : i32
    %jit3A_539 = arith.constant 6 : i32
    %select_n3A_540 = arith.select %eq3A_538, %jit3A_539, %select_n3A_534 : i32
    %get3A_541 = arith.constant 6 : index
    %get3A_542 = arith.constant 1 : index
    %get3A_543 = memref.load %arg10[%get3A_541, %get3A_542] : memref<32x2xi32, #tpu.memory_space<smem>>
    %eq3A_544 = arith.cmpi eq, %get3A_543, %get3A_499 : i32
    %jit3A_545 = arith.constant 7 : i32
    %select_n3A_546 = arith.select %eq3A_544, %jit3A_545, %select_n3A_540 : i32
    %get3A_547 = arith.constant 7 : index
    %get3A_548 = arith.constant 1 : index
    %get3A_549 = memref.load %arg10[%get3A_547, %get3A_548] : memref<32x2xi32, #tpu.memory_space<smem>>
    %eq3A_550 = arith.cmpi eq, %get3A_549, %get3A_499 : i32
    %jit3A_551 = arith.constant 8 : i32
    %select_n3A_552 = arith.select %eq3A_550, %jit3A_551, %select_n3A_546 : i32
    %get3A_553 = arith.constant 8 : index
    %get3A_554 = arith.constant 1 : index
    %get3A_555 = memref.load %arg10[%get3A_553, %get3A_554] : memref<32x2xi32, #tpu.memory_space<smem>>
    %eq3A_556 = arith.cmpi eq, %get3A_555, %get3A_499 : i32
    %jit3A_557 = arith.constant 9 : i32
    %select_n3A_558 = arith.select %eq3A_556, %jit3A_557, %select_n3A_552 : i32
    %get3A_559 = arith.constant 9 : index
    %get3A_560 = arith.constant 1 : index
    %get3A_561 = memref.load %arg10[%get3A_559, %get3A_560] : memref<32x2xi32, #tpu.memory_space<smem>>
    %eq3A_562 = arith.cmpi eq, %get3A_561, %get3A_499 : i32
    %jit3A_563 = arith.constant 10 : i32
    %select_n3A_564 = arith.select %eq3A_562, %jit3A_563, %select_n3A_558 : i32
    %get3A_565 = arith.constant 10 : index
    %get3A_566 = arith.constant 1 : index
    %get3A_567 = memref.load %arg10[%get3A_565, %get3A_566] : memref<32x2xi32, #tpu.memory_space<smem>>
    %eq3A_568 = arith.cmpi eq, %get3A_567, %get3A_499 : i32
    %jit3A_569 = arith.constant 11 : i32
    %select_n3A_570 = arith.select %eq3A_568, %jit3A_569, %select_n3A_564 : i32
    %gt3A_571 = arith.constant 0 : i32
    %gt3A_572 = arith.cmpi sgt, %select_n3A_570, %gt3A_571 : i32
    %convert_element_type3A_573 = arith.extui %gt3A_572 : i1 to i32
    %cond3A_574 = arith.constant 0 : i32
    %cond3A_575 = arith.cmpi ne, %convert_element_type3A_573, %cond3A_574 : i32
    scf.if %cond3A_575 {
      %get3A_3437 = arith.index_cast %select_n3A_570 : i32 to index
      %get3A_3438 = arith.constant 0 : index
      %get3A_3439 = vector.load %arg14[%get3A_3437, %get3A_3438] : memref<33x128xf32, #tpu.memory_space<vmem>>, vector<1x128xf32>
      %dot_general3A_3440 = arith.constant dense<0.000000e+00> : vector<1x256xf32>
      %dot_general3A_3441 = tpu.matmul %get3A_3439, %concatenate3A_31, %dot_general3A_3440 {dimension_numbers = #tpu.dot_dimension_numbers<[1], [1], [0], [0], [0, 0, 1, 0], [], []>, transpose_lhs_hint = false} : vector<1x128xf32>, vector<256x128xf32>, vector<1x256xf32> -> vector<1x256xf32>
      %slice3A_3442 = vector.extract_strided_slice %slice3A {offsets = [11, 0], sizes = [1, 128], strides = [1, 1]} : vector<32x128xf32> to vector<1x128xf32>
      %slice3A_3443 = vector.extract_strided_slice %dot_general3A_3441 {offsets = [0, 0], sizes = [1, 128], strides = [1, 1]} : vector<1x256xf32> to vector<1x128xf32>
      %add3A_3444 = arith.addf %slice3A_3442, %slice3A_3443 : vector<1x128xf32>
      %jit3A_3445 = arith.constant 0.000000e+00 : f32
      %jit3A_3446 = arith.constant 1.000000e+00 : f32
      %max3A_3447 = vector.broadcast %jit3A_3445 : f32 to vector<1x128xf32>
      %max3A_3448 = arith.maximumf %max3A_3447, %add3A_3444 : vector<1x128xf32>
      %min3A_3449 = vector.broadcast %jit3A_3446 : f32 to vector<1x128xf32>
      %min3A_3450 = arith.minimumf %min3A_3449, %max3A_3448 : vector<1x128xf32>
      %slice3A_3451 = vector.extract_strided_slice %slice3A_20 {offsets = [11, 0], sizes = [1, 128], strides = [1, 1]} : vector<32x128xf32> to vector<1x128xf32>
      %slice3A_3452 = vector.extract_strided_slice %dot_general3A_3441 {offsets = [0, 128], sizes = [1, 128], strides = [1, 1]} : vector<1x256xf32> to vector<1x128xf32>
      %add3A_3453 = arith.addf %slice3A_3451, %slice3A_3452 : vector<1x128xf32>
      %jit3A_3454 = arith.constant 0.000000e+00 : f32
      %jit3A_3455 = arith.constant 1.000000e+00 : f32
      %max3A_3456 = vector.broadcast %jit3A_3454 : f32 to vector<1x128xf32>
      %max3A_3457 = arith.maximumf %max3A_3456, %add3A_3453 : vector<1x128xf32>
      %min3A_3458 = vector.broadcast %jit3A_3455 : f32 to vector<1x128xf32>
      %min3A_3459 = arith.minimumf %min3A_3458, %max3A_3457 : vector<1x128xf32>
      %slice3A_3460 = vector.extract_strided_slice %slice3A_21 {offsets = [11, 0], sizes = [1, 128], strides = [1, 1]} : vector<32x128xf32> to vector<1x128xf32>
      %mul3A_3461 = arith.mulf %get3A_3439, %min3A_3459 : vector<1x128xf32>
      %dot_general3A_3462 = arith.constant dense<0.000000e+00> : vector<1x128xf32>
      %dot_general3A_3463 = tpu.matmul %mul3A_3461, %get3A_34, %dot_general3A_3462 {dimension_numbers = #tpu.dot_dimension_numbers<[1], [1], [0], [0], [0, 0, 1, 0], [], []>, transpose_lhs_hint = false} : vector<1x128xf32>, vector<128x128xf32>, vector<1x128xf32> -> vector<1x128xf32>
      %add3A_3464 = arith.addf %slice3A_3460, %dot_general3A_3463 : vector<1x128xf32>
      %tanh3A_3465 = math.tanh %add3A_3464 : vector<1x128xf32>
      %sub3A_3466 = arith.constant 1.000000e+00 : f32
      %sub3A_3467 = vector.broadcast %sub3A_3466 : f32 to vector<1x128xf32>
      %sub3A_3468 = arith.subf %sub3A_3467, %min3A_3450 : vector<1x128xf32>
      %mul3A_3469 = arith.mulf %sub3A_3468, %get3A_3439 : vector<1x128xf32>
      %mul3A_3470 = arith.mulf %min3A_3450, %tanh3A_3465 : vector<1x128xf32>
      %add3A_3471 = arith.addf %mul3A_3469, %mul3A_3470 : vector<1x128xf32>
      %swap3A_3472 = arith.constant 12 : index
      %swap3A_3473 = arith.constant 0 : index
      %swap3A_3474 = vector.load %arg14[%swap3A_3472, %swap3A_3473] : memref<33x128xf32, #tpu.memory_space<vmem>>, vector<1x128xf32>
      tpu.vector_store %arg14[%swap3A_3472, %swap3A_3473], %add3A_3471 {strides = array<i32>} : memref<33x128xf32, #tpu.memory_space<vmem>>, vector<1x128xf32>,
    } else {
    }
    %get3A_576 = arith.constant 12 : index
    %get3A_577 = arith.constant 0 : index
    %get3A_578 = memref.load %arg10[%get3A_576, %get3A_577] : memref<32x2xi32, #tpu.memory_space<smem>>
    %get3A_579 = arith.constant 0 : index
    %get3A_580 = arith.constant 1 : index
    %get3A_581 = memref.load %arg10[%get3A_579, %get3A_580] : memref<32x2xi32, #tpu.memory_space<smem>>
    %mul3A_582 = arith.constant 0 : i32
    %mul3A_583 = arith.muli %get3A_581, %mul3A_582 : i32
    %get3A_584 = arith.constant 0 : index
    %get3A_585 = arith.constant 1 : index
    %get3A_586 = memref.load %arg10[%get3A_584, %get3A_585] : memref<32x2xi32, #tpu.memory_space<smem>>
    %eq3A_587 = arith.cmpi eq, %get3A_586, %get3A_578 : i32
    %jit3A_588 = arith.constant 1 : i32
    %select_n3A_589 = arith.select %eq3A_587, %jit3A_588, %mul3A_583 : i32
    %get3A_590 = arith.constant 1 : index
    %get3A_591 = arith.constant 1 : index
    %get3A_592 = memref.load %arg10[%get3A_590, %get3A_591] : memref<32x2xi32, #tpu.memory_space<smem>>
    %eq3A_593 = arith.cmpi eq, %get3A_592, %get3A_578 : i32
    %jit3A_594 = arith.constant 2 : i32
    %select_n3A_595 = arith.select %eq3A_593, %jit3A_594, %select_n3A_589 : i32
    %get3A_596 = arith.constant 2 : index
    %get3A_597 = arith.constant 1 : index
    %get3A_598 = memref.load %arg10[%get3A_596, %get3A_597] : memref<32x2xi32, #tpu.memory_space<smem>>
    %eq3A_599 = arith.cmpi eq, %get3A_598, %get3A_578 : i32
    %jit3A_600 = arith.constant 3 : i32
    %select_n3A_601 = arith.select %eq3A_599, %jit3A_600, %select_n3A_595 : i32
    %get3A_602 = arith.constant 3 : index
    %get3A_603 = arith.constant 1 : index
    %get3A_604 = memref.load %arg10[%get3A_602, %get3A_603] : memref<32x2xi32, #tpu.memory_space<smem>>
    %eq3A_605 = arith.cmpi eq, %get3A_604, %get3A_578 : i32
    %jit3A_606 = arith.constant 4 : i32
    %select_n3A_607 = arith.select %eq3A_605, %jit3A_606, %select_n3A_601 : i32
    %get3A_608 = arith.constant 4 : index
    %get3A_609 = arith.constant 1 : index
    %get3A_610 = memref.load %arg10[%get3A_608, %get3A_609] : memref<32x2xi32, #tpu.memory_space<smem>>
    %eq3A_611 = arith.cmpi eq, %get3A_610, %get3A_578 : i32
    %jit3A_612 = arith.constant 5 : i32
    %select_n3A_613 = arith.select %eq3A_611, %jit3A_612, %select_n3A_607 : i32
    %get3A_614 = arith.constant 5 : index
    %get3A_615 = arith.constant 1 : index
    %get3A_616 = memref.load %arg10[%get3A_614, %get3A_615] : memref<32x2xi32, #tpu.memory_space<smem>>
    %eq3A_617 = arith.cmpi eq, %get3A_616, %get3A_578 : i32
    %jit3A_618 = arith.constant 6 : i32
    %select_n3A_619 = arith.select %eq3A_617, %jit3A_618, %select_n3A_613 : i32
    %get3A_620 = arith.constant 6 : index
    %get3A_621 = arith.constant 1 : index
    %get3A_622 = memref.load %arg10[%get3A_620, %get3A_621] : memref<32x2xi32, #tpu.memory_space<smem>>
    %eq3A_623 = arith.cmpi eq, %get3A_622, %get3A_578 : i32
    %jit3A_624 = arith.constant 7 : i32
    %select_n3A_625 = arith.select %eq3A_623, %jit3A_624, %select_n3A_619 : i32
    %get3A_626 = arith.constant 7 : index
    %get3A_627 = arith.constant 1 : index
    %get3A_628 = memref.load %arg10[%get3A_626, %get3A_627] : memref<32x2xi32, #tpu.memory_space<smem>>
    %eq3A_629 = arith.cmpi eq, %get3A_628, %get3A_578 : i32
    %jit3A_630 = arith.constant 8 : i32
    %select_n3A_631 = arith.select %eq3A_629, %jit3A_630, %select_n3A_625 : i32
    %get3A_632 = arith.constant 8 : index
    %get3A_633 = arith.constant 1 : index
    %get3A_634 = memref.load %arg10[%get3A_632, %get3A_633] : memref<32x2xi32, #tpu.memory_space<smem>>
    %eq3A_635 = arith.cmpi eq, %get3A_634, %get3A_578 : i32
    %jit3A_636 = arith.constant 9 : i32
    %select_n3A_637 = arith.select %eq3A_635, %jit3A_636, %select_n3A_631 : i32
    %get3A_638 = arith.constant 9 : index
    %get3A_639 = arith.constant 1 : index
    %get3A_640 = memref.load %arg10[%get3A_638, %get3A_639] : memref<32x2xi32, #tpu.memory_space<smem>>
    %eq3A_641 = arith.cmpi eq, %get3A_640, %get3A_578 : i32
    %jit3A_642 = arith.constant 10 : i32
    %select_n3A_643 = arith.select %eq3A_641, %jit3A_642, %select_n3A_637 : i32
    %get3A_644 = arith.constant 10 : index
    %get3A_645 = arith.constant 1 : index
    %get3A_646 = memref.load %arg10[%get3A_644, %get3A_645] : memref<32x2xi32, #tpu.memory_space<smem>>
    %eq3A_647 = arith.cmpi eq, %get3A_646, %get3A_578 : i32
    %jit3A_648 = arith.constant 11 : i32
    %select_n3A_649 = arith.select %eq3A_647, %jit3A_648, %select_n3A_643 : i32
    %get3A_650 = arith.constant 11 : index
    %get3A_651 = arith.constant 1 : index
    %get3A_652 = memref.load %arg10[%get3A_650, %get3A_651] : memref<32x2xi32, #tpu.memory_space<smem>>
    %eq3A_653 = arith.cmpi eq, %get3A_652, %get3A_578 : i32
    %jit3A_654 = arith.constant 12 : i32
    %select_n3A_655 = arith.select %eq3A_653, %jit3A_654, %select_n3A_649 : i32
    %gt3A_656 = arith.constant 0 : i32
    %gt3A_657 = arith.cmpi sgt, %select_n3A_655, %gt3A_656 : i32
    %convert_element_type3A_658 = arith.extui %gt3A_657 : i1 to i32
    %cond3A_659 = arith.constant 0 : i32
    %cond3A_660 = arith.cmpi ne, %convert_element_type3A_658, %cond3A_659 : i32
    scf.if %cond3A_660 {
      %get3A_3437 = arith.index_cast %select_n3A_655 : i32 to index
      %get3A_3438 = arith.constant 0 : index
      %get3A_3439 = vector.load %arg14[%get3A_3437, %get3A_3438] : memref<33x128xf32, #tpu.memory_space<vmem>>, vector<1x128xf32>
      %dot_general3A_3440 = arith.constant dense<0.000000e+00> : vector<1x256xf32>
      %dot_general3A_3441 = tpu.matmul %get3A_3439, %concatenate3A_31, %dot_general3A_3440 {dimension_numbers = #tpu.dot_dimension_numbers<[1], [1], [0], [0], [0, 0, 1, 0], [], []>, transpose_lhs_hint = false} : vector<1x128xf32>, vector<256x128xf32>, vector<1x256xf32> -> vector<1x256xf32>
      %slice3A_3442 = vector.extract_strided_slice %slice3A {offsets = [12, 0], sizes = [1, 128], strides = [1, 1]} : vector<32x128xf32> to vector<1x128xf32>
      %slice3A_3443 = vector.extract_strided_slice %dot_general3A_3441 {offsets = [0, 0], sizes = [1, 128], strides = [1, 1]} : vector<1x256xf32> to vector<1x128xf32>
      %add3A_3444 = arith.addf %slice3A_3442, %slice3A_3443 : vector<1x128xf32>
      %jit3A_3445 = arith.constant 0.000000e+00 : f32
      %jit3A_3446 = arith.constant 1.000000e+00 : f32
      %max3A_3447 = vector.broadcast %jit3A_3445 : f32 to vector<1x128xf32>
      %max3A_3448 = arith.maximumf %max3A_3447, %add3A_3444 : vector<1x128xf32>
      %min3A_3449 = vector.broadcast %jit3A_3446 : f32 to vector<1x128xf32>
      %min3A_3450 = arith.minimumf %min3A_3449, %max3A_3448 : vector<1x128xf32>
      %slice3A_3451 = vector.extract_strided_slice %slice3A_20 {offsets = [12, 0], sizes = [1, 128], strides = [1, 1]} : vector<32x128xf32> to vector<1x128xf32>
      %slice3A_3452 = vector.extract_strided_slice %dot_general3A_3441 {offsets = [0, 128], sizes = [1, 128], strides = [1, 1]} : vector<1x256xf32> to vector<1x128xf32>
      %add3A_3453 = arith.addf %slice3A_3451, %slice3A_3452 : vector<1x128xf32>
      %jit3A_3454 = arith.constant 0.000000e+00 : f32
      %jit3A_3455 = arith.constant 1.000000e+00 : f32
      %max3A_3456 = vector.broadcast %jit3A_3454 : f32 to vector<1x128xf32>
      %max3A_3457 = arith.maximumf %max3A_3456, %add3A_3453 : vector<1x128xf32>
      %min3A_3458 = vector.broadcast %jit3A_3455 : f32 to vector<1x128xf32>
      %min3A_3459 = arith.minimumf %min3A_3458, %max3A_3457 : vector<1x128xf32>
      %slice3A_3460 = vector.extract_strided_slice %slice3A_21 {offsets = [12, 0], sizes = [1, 128], strides = [1, 1]} : vector<32x128xf32> to vector<1x128xf32>
      %mul3A_3461 = arith.mulf %get3A_3439, %min3A_3459 : vector<1x128xf32>
      %dot_general3A_3462 = arith.constant dense<0.000000e+00> : vector<1x128xf32>
      %dot_general3A_3463 = tpu.matmul %mul3A_3461, %get3A_34, %dot_general3A_3462 {dimension_numbers = #tpu.dot_dimension_numbers<[1], [1], [0], [0], [0, 0, 1, 0], [], []>, transpose_lhs_hint = false} : vector<1x128xf32>, vector<128x128xf32>, vector<1x128xf32> -> vector<1x128xf32>
      %add3A_3464 = arith.addf %slice3A_3460, %dot_general3A_3463 : vector<1x128xf32>
      %tanh3A_3465 = math.tanh %add3A_3464 : vector<1x128xf32>
      %sub3A_3466 = arith.constant 1.000000e+00 : f32
      %sub3A_3467 = vector.broadcast %sub3A_3466 : f32 to vector<1x128xf32>
      %sub3A_3468 = arith.subf %sub3A_3467, %min3A_3450 : vector<1x128xf32>
      %mul3A_3469 = arith.mulf %sub3A_3468, %get3A_3439 : vector<1x128xf32>
      %mul3A_3470 = arith.mulf %min3A_3450, %tanh3A_3465 : vector<1x128xf32>
      %add3A_3471 = arith.addf %mul3A_3469, %mul3A_3470 : vector<1x128xf32>
      %swap3A_3472 = arith.constant 13 : index
      %swap3A_3473 = arith.constant 0 : index
      %swap3A_3474 = vector.load %arg14[%swap3A_3472, %swap3A_3473] : memref<33x128xf32, #tpu.memory_space<vmem>>, vector<1x128xf32>
      tpu.vector_store %arg14[%swap3A_3472, %swap3A_3473], %add3A_3471 {strides = array<i32>} : memref<33x128xf32, #tpu.memory_space<vmem>>, vector<1x128xf32>,
    } else {
    }
    %get3A_661 = arith.constant 13 : index
    %get3A_662 = arith.constant 0 : index
    %get3A_663 = memref.load %arg10[%get3A_661, %get3A_662] : memref<32x2xi32, #tpu.memory_space<smem>>
    %get3A_664 = arith.constant 0 : index
    %get3A_665 = arith.constant 1 : index
    %get3A_666 = memref.load %arg10[%get3A_664, %get3A_665] : memref<32x2xi32, #tpu.memory_space<smem>>
    %mul3A_667 = arith.constant 0 : i32
    %mul3A_668 = arith.muli %get3A_666, %mul3A_667 : i32
    %get3A_669 = arith.constant 0 : index
    %get3A_670 = arith.constant 1 : index
    %get3A_671 = memref.load %arg10[%get3A_669, %get3A_670] : memref<32x2xi32, #tpu.memory_space<smem>>
    %eq3A_672 = arith.cmpi eq, %get3A_671, %get3A_663 : i32
    %jit3A_673 = arith.constant 1 : i32
    %select_n3A_674 = arith.select %eq3A_672, %jit3A_673, %mul3A_668 : i32
    %get3A_675 = arith.constant 1 : index
    %get3A_676 = arith.constant 1 : index
    %get3A_677 = memref.load %arg10[%get3A_675, %get3A_676] : memref<32x2xi32, #tpu.memory_space<smem>>
    %eq3A_678 = arith.cmpi eq, %get3A_677, %get3A_663 : i32
    %jit3A_679 = arith.constant 2 : i32
    %select_n3A_680 = arith.select %eq3A_678, %jit3A_679, %select_n3A_674 : i32
    %get3A_681 = arith.constant 2 : index
    %get3A_682 = arith.constant 1 : index
    %get3A_683 = memref.load %arg10[%get3A_681, %get3A_682] : memref<32x2xi32, #tpu.memory_space<smem>>
    %eq3A_684 = arith.cmpi eq, %get3A_683, %get3A_663 : i32
    %jit3A_685 = arith.constant 3 : i32
    %select_n3A_686 = arith.select %eq3A_684, %jit3A_685, %select_n3A_680 : i32
    %get3A_687 = arith.constant 3 : index
    %get3A_688 = arith.constant 1 : index
    %get3A_689 = memref.load %arg10[%get3A_687, %get3A_688] : memref<32x2xi32, #tpu.memory_space<smem>>
    %eq3A_690 = arith.cmpi eq, %get3A_689, %get3A_663 : i32
    %jit3A_691 = arith.constant 4 : i32
    %select_n3A_692 = arith.select %eq3A_690, %jit3A_691, %select_n3A_686 : i32
    %get3A_693 = arith.constant 4 : index
    %get3A_694 = arith.constant 1 : index
    %get3A_695 = memref.load %arg10[%get3A_693, %get3A_694] : memref<32x2xi32, #tpu.memory_space<smem>>
    %eq3A_696 = arith.cmpi eq, %get3A_695, %get3A_663 : i32
    %jit3A_697 = arith.constant 5 : i32
    %select_n3A_698 = arith.select %eq3A_696, %jit3A_697, %select_n3A_692 : i32
    %get3A_699 = arith.constant 5 : index
    %get3A_700 = arith.constant 1 : index
    %get3A_701 = memref.load %arg10[%get3A_699, %get3A_700] : memref<32x2xi32, #tpu.memory_space<smem>>
    %eq3A_702 = arith.cmpi eq, %get3A_701, %get3A_663 : i32
    %jit3A_703 = arith.constant 6 : i32
    %select_n3A_704 = arith.select %eq3A_702, %jit3A_703, %select_n3A_698 : i32
    %get3A_705 = arith.constant 6 : index
    %get3A_706 = arith.constant 1 : index
    %get3A_707 = memref.load %arg10[%get3A_705, %get3A_706] : memref<32x2xi32, #tpu.memory_space<smem>>
    %eq3A_708 = arith.cmpi eq, %get3A_707, %get3A_663 : i32
    %jit3A_709 = arith.constant 7 : i32
    %select_n3A_710 = arith.select %eq3A_708, %jit3A_709, %select_n3A_704 : i32
    %get3A_711 = arith.constant 7 : index
    %get3A_712 = arith.constant 1 : index
    %get3A_713 = memref.load %arg10[%get3A_711, %get3A_712] : memref<32x2xi32, #tpu.memory_space<smem>>
    %eq3A_714 = arith.cmpi eq, %get3A_713, %get3A_663 : i32
    %jit3A_715 = arith.constant 8 : i32
    %select_n3A_716 = arith.select %eq3A_714, %jit3A_715, %select_n3A_710 : i32
    %get3A_717 = arith.constant 8 : index
    %get3A_718 = arith.constant 1 : index
    %get3A_719 = memref.load %arg10[%get3A_717, %get3A_718] : memref<32x2xi32, #tpu.memory_space<smem>>
    %eq3A_720 = arith.cmpi eq, %get3A_719, %get3A_663 : i32
    %jit3A_721 = arith.constant 9 : i32
    %select_n3A_722 = arith.select %eq3A_720, %jit3A_721, %select_n3A_716 : i32
    %get3A_723 = arith.constant 9 : index
    %get3A_724 = arith.constant 1 : index
    %get3A_725 = memref.load %arg10[%get3A_723, %get3A_724] : memref<32x2xi32, #tpu.memory_space<smem>>
    %eq3A_726 = arith.cmpi eq, %get3A_725, %get3A_663 : i32
    %jit3A_727 = arith.constant 10 : i32
    %select_n3A_728 = arith.select %eq3A_726, %jit3A_727, %select_n3A_722 : i32
    %get3A_729 = arith.constant 10 : index
    %get3A_730 = arith.constant 1 : index
    %get3A_731 = memref.load %arg10[%get3A_729, %get3A_730] : memref<32x2xi32, #tpu.memory_space<smem>>
    %eq3A_732 = arith.cmpi eq, %get3A_731, %get3A_663 : i32
    %jit3A_733 = arith.constant 11 : i32
    %select_n3A_734 = arith.select %eq3A_732, %jit3A_733, %select_n3A_728 : i32
    %get3A_735 = arith.constant 11 : index
    %get3A_736 = arith.constant 1 : index
    %get3A_737 = memref.load %arg10[%get3A_735, %get3A_736] : memref<32x2xi32, #tpu.memory_space<smem>>
    %eq3A_738 = arith.cmpi eq, %get3A_737, %get3A_663 : i32
    %jit3A_739 = arith.constant 12 : i32
    %select_n3A_740 = arith.select %eq3A_738, %jit3A_739, %select_n3A_734 : i32
    %get3A_741 = arith.constant 12 : index
    %get3A_742 = arith.constant 1 : index
    %get3A_743 = memref.load %arg10[%get3A_741, %get3A_742] : memref<32x2xi32, #tpu.memory_space<smem>>
    %eq3A_744 = arith.cmpi eq, %get3A_743, %get3A_663 : i32
    %jit3A_745 = arith.constant 13 : i32
    %select_n3A_746 = arith.select %eq3A_744, %jit3A_745, %select_n3A_740 : i32
    %gt3A_747 = arith.constant 0 : i32
    %gt3A_748 = arith.cmpi sgt, %select_n3A_746, %gt3A_747 : i32
    %convert_element_type3A_749 = arith.extui %gt3A_748 : i1 to i32
    %cond3A_750 = arith.constant 0 : i32
    %cond3A_751 = arith.cmpi ne, %convert_element_type3A_749, %cond3A_750 : i32
    scf.if %cond3A_751 {
      %get3A_3437 = arith.index_cast %select_n3A_746 : i32 to index
      %get3A_3438 = arith.constant 0 : index
      %get3A_3439 = vector.load %arg14[%get3A_3437, %get3A_3438] : memref<33x128xf32, #tpu.memory_space<vmem>>, vector<1x128xf32>
      %dot_general3A_3440 = arith.constant dense<0.000000e+00> : vector<1x256xf32>
      %dot_general3A_3441 = tpu.matmul %get3A_3439, %concatenate3A_31, %dot_general3A_3440 {dimension_numbers = #tpu.dot_dimension_numbers<[1], [1], [0], [0], [0, 0, 1, 0], [], []>, transpose_lhs_hint = false} : vector<1x128xf32>, vector<256x128xf32>, vector<1x256xf32> -> vector<1x256xf32>
      %slice3A_3442 = vector.extract_strided_slice %slice3A {offsets = [13, 0], sizes = [1, 128], strides = [1, 1]} : vector<32x128xf32> to vector<1x128xf32>
      %slice3A_3443 = vector.extract_strided_slice %dot_general3A_3441 {offsets = [0, 0], sizes = [1, 128], strides = [1, 1]} : vector<1x256xf32> to vector<1x128xf32>
      %add3A_3444 = arith.addf %slice3A_3442, %slice3A_3443 : vector<1x128xf32>
      %jit3A_3445 = arith.constant 0.000000e+00 : f32
      %jit3A_3446 = arith.constant 1.000000e+00 : f32
      %max3A_3447 = vector.broadcast %jit3A_3445 : f32 to vector<1x128xf32>
      %max3A_3448 = arith.maximumf %max3A_3447, %add3A_3444 : vector<1x128xf32>
      %min3A_3449 = vector.broadcast %jit3A_3446 : f32 to vector<1x128xf32>
      %min3A_3450 = arith.minimumf %min3A_3449, %max3A_3448 : vector<1x128xf32>
      %slice3A_3451 = vector.extract_strided_slice %slice3A_20 {offsets = [13, 0], sizes = [1, 128], strides = [1, 1]} : vector<32x128xf32> to vector<1x128xf32>
      %slice3A_3452 = vector.extract_strided_slice %dot_general3A_3441 {offsets = [0, 128], sizes = [1, 128], strides = [1, 1]} : vector<1x256xf32> to vector<1x128xf32>
      %add3A_3453 = arith.addf %slice3A_3451, %slice3A_3452 : vector<1x128xf32>
      %jit3A_3454 = arith.constant 0.000000e+00 : f32
      %jit3A_3455 = arith.constant 1.000000e+00 : f32
      %max3A_3456 = vector.broadcast %jit3A_3454 : f32 to vector<1x128xf32>
      %max3A_3457 = arith.maximumf %max3A_3456, %add3A_3453 : vector<1x128xf32>
      %min3A_3458 = vector.broadcast %jit3A_3455 : f32 to vector<1x128xf32>
      %min3A_3459 = arith.minimumf %min3A_3458, %max3A_3457 : vector<1x128xf32>
      %slice3A_3460 = vector.extract_strided_slice %slice3A_21 {offsets = [13, 0], sizes = [1, 128], strides = [1, 1]} : vector<32x128xf32> to vector<1x128xf32>
      %mul3A_3461 = arith.mulf %get3A_3439, %min3A_3459 : vector<1x128xf32>
      %dot_general3A_3462 = arith.constant dense<0.000000e+00> : vector<1x128xf32>
      %dot_general3A_3463 = tpu.matmul %mul3A_3461, %get3A_34, %dot_general3A_3462 {dimension_numbers = #tpu.dot_dimension_numbers<[1], [1], [0], [0], [0, 0, 1, 0], [], []>, transpose_lhs_hint = false} : vector<1x128xf32>, vector<128x128xf32>, vector<1x128xf32> -> vector<1x128xf32>
      %add3A_3464 = arith.addf %slice3A_3460, %dot_general3A_3463 : vector<1x128xf32>
      %tanh3A_3465 = math.tanh %add3A_3464 : vector<1x128xf32>
      %sub3A_3466 = arith.constant 1.000000e+00 : f32
      %sub3A_3467 = vector.broadcast %sub3A_3466 : f32 to vector<1x128xf32>
      %sub3A_3468 = arith.subf %sub3A_3467, %min3A_3450 : vector<1x128xf32>
      %mul3A_3469 = arith.mulf %sub3A_3468, %get3A_3439 : vector<1x128xf32>
      %mul3A_3470 = arith.mulf %min3A_3450, %tanh3A_3465 : vector<1x128xf32>
      %add3A_3471 = arith.addf %mul3A_3469, %mul3A_3470 : vector<1x128xf32>
      %swap3A_3472 = arith.constant 14 : index
      %swap3A_3473 = arith.constant 0 : index
      %swap3A_3474 = vector.load %arg14[%swap3A_3472, %swap3A_3473] : memref<33x128xf32, #tpu.memory_space<vmem>>, vector<1x128xf32>
      tpu.vector_store %arg14[%swap3A_3472, %swap3A_3473], %add3A_3471 {strides = array<i32>} : memref<33x128xf32, #tpu.memory_space<vmem>>, vector<1x128xf32>,
    } else {
    }
    %get3A_752 = arith.constant 14 : index
    %get3A_753 = arith.constant 0 : index
    %get3A_754 = memref.load %arg10[%get3A_752, %get3A_753] : memref<32x2xi32, #tpu.memory_space<smem>>
    %get3A_755 = arith.constant 0 : index
    %get3A_756 = arith.constant 1 : index
    %get3A_757 = memref.load %arg10[%get3A_755, %get3A_756] : memref<32x2xi32, #tpu.memory_space<smem>>
    %mul3A_758 = arith.constant 0 : i32
    %mul3A_759 = arith.muli %get3A_757, %mul3A_758 : i32
    %get3A_760 = arith.constant 0 : index
    %get3A_761 = arith.constant 1 : index
    %get3A_762 = memref.load %arg10[%get3A_760, %get3A_761] : memref<32x2xi32, #tpu.memory_space<smem>>
    %eq3A_763 = arith.cmpi eq, %get3A_762, %get3A_754 : i32
    %jit3A_764 = arith.constant 1 : i32
    %select_n3A_765 = arith.select %eq3A_763, %jit3A_764, %mul3A_759 : i32
    %get3A_766 = arith.constant 1 : index
    %get3A_767 = arith.constant 1 : index
    %get3A_768 = memref.load %arg10[%get3A_766, %get3A_767] : memref<32x2xi32, #tpu.memory_space<smem>>
    %eq3A_769 = arith.cmpi eq, %get3A_768, %get3A_754 : i32
    %jit3A_770 = arith.constant 2 : i32
    %select_n3A_771 = arith.select %eq3A_769, %jit3A_770, %select_n3A_765 : i32
    %get3A_772 = arith.constant 2 : index
    %get3A_773 = arith.constant 1 : index
    %get3A_774 = memref.load %arg10[%get3A_772, %get3A_773] : memref<32x2xi32, #tpu.memory_space<smem>>
    %eq3A_775 = arith.cmpi eq, %get3A_774, %get3A_754 : i32
    %jit3A_776 = arith.constant 3 : i32
    %select_n3A_777 = arith.select %eq3A_775, %jit3A_776, %select_n3A_771 : i32
    %get3A_778 = arith.constant 3 : index
    %get3A_779 = arith.constant 1 : index
    %get3A_780 = memref.load %arg10[%get3A_778, %get3A_779] : memref<32x2xi32, #tpu.memory_space<smem>>
    %eq3A_781 = arith.cmpi eq, %get3A_780, %get3A_754 : i32
    %jit3A_782 = arith.constant 4 : i32
    %select_n3A_783 = arith.select %eq3A_781, %jit3A_782, %select_n3A_777 : i32
    %get3A_784 = arith.constant 4 : index
    %get3A_785 = arith.constant 1 : index
    %get3A_786 = memref.load %arg10[%get3A_784, %get3A_785] : memref<32x2xi32, #tpu.memory_space<smem>>
    %eq3A_787 = arith.cmpi eq, %get3A_786, %get3A_754 : i32
    %jit3A_788 = arith.constant 5 : i32
    %select_n3A_789 = arith.select %eq3A_787, %jit3A_788, %select_n3A_783 : i32
    %get3A_790 = arith.constant 5 : index
    %get3A_791 = arith.constant 1 : index
    %get3A_792 = memref.load %arg10[%get3A_790, %get3A_791] : memref<32x2xi32, #tpu.memory_space<smem>>
    %eq3A_793 = arith.cmpi eq, %get3A_792, %get3A_754 : i32
    %jit3A_794 = arith.constant 6 : i32
    %select_n3A_795 = arith.select %eq3A_793, %jit3A_794, %select_n3A_789 : i32
    %get3A_796 = arith.constant 6 : index
    %get3A_797 = arith.constant 1 : index
    %get3A_798 = memref.load %arg10[%get3A_796, %get3A_797] : memref<32x2xi32, #tpu.memory_space<smem>>
    %eq3A_799 = arith.cmpi eq, %get3A_798, %get3A_754 : i32
    %jit3A_800 = arith.constant 7 : i32
    %select_n3A_801 = arith.select %eq3A_799, %jit3A_800, %select_n3A_795 : i32
    %get3A_802 = arith.constant 7 : index
    %get3A_803 = arith.constant 1 : index
    %get3A_804 = memref.load %arg10[%get3A_802, %get3A_803] : memref<32x2xi32, #tpu.memory_space<smem>>
    %eq3A_805 = arith.cmpi eq, %get3A_804, %get3A_754 : i32
    %jit3A_806 = arith.constant 8 : i32
    %select_n3A_807 = arith.select %eq3A_805, %jit3A_806, %select_n3A_801 : i32
    %get3A_808 = arith.constant 8 : index
    %get3A_809 = arith.constant 1 : index
    %get3A_810 = memref.load %arg10[%get3A_808, %get3A_809] : memref<32x2xi32, #tpu.memory_space<smem>>
    %eq3A_811 = arith.cmpi eq, %get3A_810, %get3A_754 : i32
    %jit3A_812 = arith.constant 9 : i32
    %select_n3A_813 = arith.select %eq3A_811, %jit3A_812, %select_n3A_807 : i32
    %get3A_814 = arith.constant 9 : index
    %get3A_815 = arith.constant 1 : index
    %get3A_816 = memref.load %arg10[%get3A_814, %get3A_815] : memref<32x2xi32, #tpu.memory_space<smem>>
    %eq3A_817 = arith.cmpi eq, %get3A_816, %get3A_754 : i32
    %jit3A_818 = arith.constant 10 : i32
    %select_n3A_819 = arith.select %eq3A_817, %jit3A_818, %select_n3A_813 : i32
    %get3A_820 = arith.constant 10 : index
    %get3A_821 = arith.constant 1 : index
    %get3A_822 = memref.load %arg10[%get3A_820, %get3A_821] : memref<32x2xi32, #tpu.memory_space<smem>>
    %eq3A_823 = arith.cmpi eq, %get3A_822, %get3A_754 : i32
    %jit3A_824 = arith.constant 11 : i32
    %select_n3A_825 = arith.select %eq3A_823, %jit3A_824, %select_n3A_819 : i32
    %get3A_826 = arith.constant 11 : index
    %get3A_827 = arith.constant 1 : index
    %get3A_828 = memref.load %arg10[%get3A_826, %get3A_827] : memref<32x2xi32, #tpu.memory_space<smem>>
    %eq3A_829 = arith.cmpi eq, %get3A_828, %get3A_754 : i32
    %jit3A_830 = arith.constant 12 : i32
    %select_n3A_831 = arith.select %eq3A_829, %jit3A_830, %select_n3A_825 : i32
    %get3A_832 = arith.constant 12 : index
    %get3A_833 = arith.constant 1 : index
    %get3A_834 = memref.load %arg10[%get3A_832, %get3A_833] : memref<32x2xi32, #tpu.memory_space<smem>>
    %eq3A_835 = arith.cmpi eq, %get3A_834, %get3A_754 : i32
    %jit3A_836 = arith.constant 13 : i32
    %select_n3A_837 = arith.select %eq3A_835, %jit3A_836, %select_n3A_831 : i32
    %get3A_838 = arith.constant 13 : index
    %get3A_839 = arith.constant 1 : index
    %get3A_840 = memref.load %arg10[%get3A_838, %get3A_839] : memref<32x2xi32, #tpu.memory_space<smem>>
    %eq3A_841 = arith.cmpi eq, %get3A_840, %get3A_754 : i32
    %jit3A_842 = arith.constant 14 : i32
    %select_n3A_843 = arith.select %eq3A_841, %jit3A_842, %select_n3A_837 : i32
    %gt3A_844 = arith.constant 0 : i32
    %gt3A_845 = arith.cmpi sgt, %select_n3A_843, %gt3A_844 : i32
    %convert_element_type3A_846 = arith.extui %gt3A_845 : i1 to i32
    %cond3A_847 = arith.constant 0 : i32
    %cond3A_848 = arith.cmpi ne, %convert_element_type3A_846, %cond3A_847 : i32
    scf.if %cond3A_848 {
      %get3A_3437 = arith.index_cast %select_n3A_843 : i32 to index
      %get3A_3438 = arith.constant 0 : index
      %get3A_3439 = vector.load %arg14[%get3A_3437, %get3A_3438] : memref<33x128xf32, #tpu.memory_space<vmem>>, vector<1x128xf32>
      %dot_general3A_3440 = arith.constant dense<0.000000e+00> : vector<1x256xf32>
      %dot_general3A_3441 = tpu.matmul %get3A_3439, %concatenate3A_31, %dot_general3A_3440 {dimension_numbers = #tpu.dot_dimension_numbers<[1], [1], [0], [0], [0, 0, 1, 0], [], []>, transpose_lhs_hint = false} : vector<1x128xf32>, vector<256x128xf32>, vector<1x256xf32> -> vector<1x256xf32>
      %slice3A_3442 = vector.extract_strided_slice %slice3A {offsets = [14, 0], sizes = [1, 128], strides = [1, 1]} : vector<32x128xf32> to vector<1x128xf32>
      %slice3A_3443 = vector.extract_strided_slice %dot_general3A_3441 {offsets = [0, 0], sizes = [1, 128], strides = [1, 1]} : vector<1x256xf32> to vector<1x128xf32>
      %add3A_3444 = arith.addf %slice3A_3442, %slice3A_3443 : vector<1x128xf32>
      %jit3A_3445 = arith.constant 0.000000e+00 : f32
      %jit3A_3446 = arith.constant 1.000000e+00 : f32
      %max3A_3447 = vector.broadcast %jit3A_3445 : f32 to vector<1x128xf32>
      %max3A_3448 = arith.maximumf %max3A_3447, %add3A_3444 : vector<1x128xf32>
      %min3A_3449 = vector.broadcast %jit3A_3446 : f32 to vector<1x128xf32>
      %min3A_3450 = arith.minimumf %min3A_3449, %max3A_3448 : vector<1x128xf32>
      %slice3A_3451 = vector.extract_strided_slice %slice3A_20 {offsets = [14, 0], sizes = [1, 128], strides = [1, 1]} : vector<32x128xf32> to vector<1x128xf32>
      %slice3A_3452 = vector.extract_strided_slice %dot_general3A_3441 {offsets = [0, 128], sizes = [1, 128], strides = [1, 1]} : vector<1x256xf32> to vector<1x128xf32>
      %add3A_3453 = arith.addf %slice3A_3451, %slice3A_3452 : vector<1x128xf32>
      %jit3A_3454 = arith.constant 0.000000e+00 : f32
      %jit3A_3455 = arith.constant 1.000000e+00 : f32
      %max3A_3456 = vector.broadcast %jit3A_3454 : f32 to vector<1x128xf32>
      %max3A_3457 = arith.maximumf %max3A_3456, %add3A_3453 : vector<1x128xf32>
      %min3A_3458 = vector.broadcast %jit3A_3455 : f32 to vector<1x128xf32>
      %min3A_3459 = arith.minimumf %min3A_3458, %max3A_3457 : vector<1x128xf32>
      %slice3A_3460 = vector.extract_strided_slice %slice3A_21 {offsets = [14, 0], sizes = [1, 128], strides = [1, 1]} : vector<32x128xf32> to vector<1x128xf32>
      %mul3A_3461 = arith.mulf %get3A_3439, %min3A_3459 : vector<1x128xf32>
      %dot_general3A_3462 = arith.constant dense<0.000000e+00> : vector<1x128xf32>
      %dot_general3A_3463 = tpu.matmul %mul3A_3461, %get3A_34, %dot_general3A_3462 {dimension_numbers = #tpu.dot_dimension_numbers<[1], [1], [0], [0], [0, 0, 1, 0], [], []>, transpose_lhs_hint = false} : vector<1x128xf32>, vector<128x128xf32>, vector<1x128xf32> -> vector<1x128xf32>
      %add3A_3464 = arith.addf %slice3A_3460, %dot_general3A_3463 : vector<1x128xf32>
      %tanh3A_3465 = math.tanh %add3A_3464 : vector<1x128xf32>
      %sub3A_3466 = arith.constant 1.000000e+00 : f32
      %sub3A_3467 = vector.broadcast %sub3A_3466 : f32 to vector<1x128xf32>
      %sub3A_3468 = arith.subf %sub3A_3467, %min3A_3450 : vector<1x128xf32>
      %mul3A_3469 = arith.mulf %sub3A_3468, %get3A_3439 : vector<1x128xf32>
      %mul3A_3470 = arith.mulf %min3A_3450, %tanh3A_3465 : vector<1x128xf32>
      %add3A_3471 = arith.addf %mul3A_3469, %mul3A_3470 : vector<1x128xf32>
      %swap3A_3472 = arith.constant 15 : index
      %swap3A_3473 = arith.constant 0 : index
      %swap3A_3474 = vector.load %arg14[%swap3A_3472, %swap3A_3473] : memref<33x128xf32, #tpu.memory_space<vmem>>, vector<1x128xf32>
      tpu.vector_store %arg14[%swap3A_3472, %swap3A_3473], %add3A_3471 {strides = array<i32>} : memref<33x128xf32, #tpu.memory_space<vmem>>, vector<1x128xf32>,
    } else {
    }
    %get3A_849 = arith.constant 15 : index
    %get3A_850 = arith.constant 0 : index
    %get3A_851 = memref.load %arg10[%get3A_849, %get3A_850] : memref<32x2xi32, #tpu.memory_space<smem>>
    %get3A_852 = arith.constant 0 : index
    %get3A_853 = arith.constant 1 : index
    %get3A_854 = memref.load %arg10[%get3A_852, %get3A_853] : memref<32x2xi32, #tpu.memory_space<smem>>
    %mul3A_855 = arith.constant 0 : i32
    %mul3A_856 = arith.muli %get3A_854, %mul3A_855 : i32
    %get3A_857 = arith.constant 0 : index
    %get3A_858 = arith.constant 1 : index
    %get3A_859 = memref.load %arg10[%get3A_857, %get3A_858] : memref<32x2xi32, #tpu.memory_space<smem>>
    %eq3A_860 = arith.cmpi eq, %get3A_859, %get3A_851 : i32
    %jit3A_861 = arith.constant 1 : i32
    %select_n3A_862 = arith.select %eq3A_860, %jit3A_861, %mul3A_856 : i32
    %get3A_863 = arith.constant 1 : index
    %get3A_864 = arith.constant 1 : index
    %get3A_865 = memref.load %arg10[%get3A_863, %get3A_864] : memref<32x2xi32, #tpu.memory_space<smem>>
    %eq3A_866 = arith.cmpi eq, %get3A_865, %get3A_851 : i32
    %jit3A_867 = arith.constant 2 : i32
    %select_n3A_868 = arith.select %eq3A_866, %jit3A_867, %select_n3A_862 : i32
    %get3A_869 = arith.constant 2 : index
    %get3A_870 = arith.constant 1 : index
    %get3A_871 = memref.load %arg10[%get3A_869, %get3A_870] : memref<32x2xi32, #tpu.memory_space<smem>>
    %eq3A_872 = arith.cmpi eq, %get3A_871, %get3A_851 : i32
    %jit3A_873 = arith.constant 3 : i32
    %select_n3A_874 = arith.select %eq3A_872, %jit3A_873, %select_n3A_868 : i32
    %get3A_875 = arith.constant 3 : index
    %get3A_876 = arith.constant 1 : index
    %get3A_877 = memref.load %arg10[%get3A_875, %get3A_876] : memref<32x2xi32, #tpu.memory_space<smem>>
    %eq3A_878 = arith.cmpi eq, %get3A_877, %get3A_851 : i32
    %jit3A_879 = arith.constant 4 : i32
    %select_n3A_880 = arith.select %eq3A_878, %jit3A_879, %select_n3A_874 : i32
    %get3A_881 = arith.constant 4 : index
    %get3A_882 = arith.constant 1 : index
    %get3A_883 = memref.load %arg10[%get3A_881, %get3A_882] : memref<32x2xi32, #tpu.memory_space<smem>>
    %eq3A_884 = arith.cmpi eq, %get3A_883, %get3A_851 : i32
    %jit3A_885 = arith.constant 5 : i32
    %select_n3A_886 = arith.select %eq3A_884, %jit3A_885, %select_n3A_880 : i32
    %get3A_887 = arith.constant 5 : index
    %get3A_888 = arith.constant 1 : index
    %get3A_889 = memref.load %arg10[%get3A_887, %get3A_888] : memref<32x2xi32, #tpu.memory_space<smem>>
    %eq3A_890 = arith.cmpi eq, %get3A_889, %get3A_851 : i32
    %jit3A_891 = arith.constant 6 : i32
    %select_n3A_892 = arith.select %eq3A_890, %jit3A_891, %select_n3A_886 : i32
    %get3A_893 = arith.constant 6 : index
    %get3A_894 = arith.constant 1 : index
    %get3A_895 = memref.load %arg10[%get3A_893, %get3A_894] : memref<32x2xi32, #tpu.memory_space<smem>>
    %eq3A_896 = arith.cmpi eq, %get3A_895, %get3A_851 : i32
    %jit3A_897 = arith.constant 7 : i32
    %select_n3A_898 = arith.select %eq3A_896, %jit3A_897, %select_n3A_892 : i32
    %get3A_899 = arith.constant 7 : index
    %get3A_900 = arith.constant 1 : index
    %get3A_901 = memref.load %arg10[%get3A_899, %get3A_900] : memref<32x2xi32, #tpu.memory_space<smem>>
    %eq3A_902 = arith.cmpi eq, %get3A_901, %get3A_851 : i32
    %jit3A_903 = arith.constant 8 : i32
    %select_n3A_904 = arith.select %eq3A_902, %jit3A_903, %select_n3A_898 : i32
    %get3A_905 = arith.constant 8 : index
    %get3A_906 = arith.constant 1 : index
    %get3A_907 = memref.load %arg10[%get3A_905, %get3A_906] : memref<32x2xi32, #tpu.memory_space<smem>>
    %eq3A_908 = arith.cmpi eq, %get3A_907, %get3A_851 : i32
    %jit3A_909 = arith.constant 9 : i32
    %select_n3A_910 = arith.select %eq3A_908, %jit3A_909, %select_n3A_904 : i32
    %get3A_911 = arith.constant 9 : index
    %get3A_912 = arith.constant 1 : index
    %get3A_913 = memref.load %arg10[%get3A_911, %get3A_912] : memref<32x2xi32, #tpu.memory_space<smem>>
    %eq3A_914 = arith.cmpi eq, %get3A_913, %get3A_851 : i32
    %jit3A_915 = arith.constant 10 : i32
    %select_n3A_916 = arith.select %eq3A_914, %jit3A_915, %select_n3A_910 : i32
    %get3A_917 = arith.constant 10 : index
    %get3A_918 = arith.constant 1 : index
    %get3A_919 = memref.load %arg10[%get3A_917, %get3A_918] : memref<32x2xi32, #tpu.memory_space<smem>>
    %eq3A_920 = arith.cmpi eq, %get3A_919, %get3A_851 : i32
    %jit3A_921 = arith.constant 11 : i32
    %select_n3A_922 = arith.select %eq3A_920, %jit3A_921, %select_n3A_916 : i32
    %get3A_923 = arith.constant 11 : index
    %get3A_924 = arith.constant 1 : index
    %get3A_925 = memref.load %arg10[%get3A_923, %get3A_924] : memref<32x2xi32, #tpu.memory_space<smem>>
    %eq3A_926 = arith.cmpi eq, %get3A_925, %get3A_851 : i32
    %jit3A_927 = arith.constant 12 : i32
    %select_n3A_928 = arith.select %eq3A_926, %jit3A_927, %select_n3A_922 : i32
    %get3A_929 = arith.constant 12 : index
    %get3A_930 = arith.constant 1 : index
    %get3A_931 = memref.load %arg10[%get3A_929, %get3A_930] : memref<32x2xi32, #tpu.memory_space<smem>>
    %eq3A_932 = arith.cmpi eq, %get3A_931, %get3A_851 : i32
    %jit3A_933 = arith.constant 13 : i32
    %select_n3A_934 = arith.select %eq3A_932, %jit3A_933, %select_n3A_928 : i32
    %get3A_935 = arith.constant 13 : index
    %get3A_936 = arith.constant 1 : index
    %get3A_937 = memref.load %arg10[%get3A_935, %get3A_936] : memref<32x2xi32, #tpu.memory_space<smem>>
    %eq3A_938 = arith.cmpi eq, %get3A_937, %get3A_851 : i32
    %jit3A_939 = arith.constant 14 : i32
    %select_n3A_940 = arith.select %eq3A_938, %jit3A_939, %select_n3A_934 : i32
    %get3A_941 = arith.constant 14 : index
    %get3A_942 = arith.constant 1 : index
    %get3A_943 = memref.load %arg10[%get3A_941, %get3A_942] : memref<32x2xi32, #tpu.memory_space<smem>>
    %eq3A_944 = arith.cmpi eq, %get3A_943, %get3A_851 : i32
    %jit3A_945 = arith.constant 15 : i32
    %select_n3A_946 = arith.select %eq3A_944, %jit3A_945, %select_n3A_940 : i32
    %gt3A_947 = arith.constant 0 : i32
    %gt3A_948 = arith.cmpi sgt, %select_n3A_946, %gt3A_947 : i32
    %convert_element_type3A_949 = arith.extui %gt3A_948 : i1 to i32
    %cond3A_950 = arith.constant 0 : i32
    %cond3A_951 = arith.cmpi ne, %convert_element_type3A_949, %cond3A_950 : i32
    scf.if %cond3A_951 {
      %get3A_3437 = arith.index_cast %select_n3A_946 : i32 to index
      %get3A_3438 = arith.constant 0 : index
      %get3A_3439 = vector.load %arg14[%get3A_3437, %get3A_3438] : memref<33x128xf32, #tpu.memory_space<vmem>>, vector<1x128xf32>
      %dot_general3A_3440 = arith.constant dense<0.000000e+00> : vector<1x256xf32>
      %dot_general3A_3441 = tpu.matmul %get3A_3439, %concatenate3A_31, %dot_general3A_3440 {dimension_numbers = #tpu.dot_dimension_numbers<[1], [1], [0], [0], [0, 0, 1, 0], [], []>, transpose_lhs_hint = false} : vector<1x128xf32>, vector<256x128xf32>, vector<1x256xf32> -> vector<1x256xf32>
      %slice3A_3442 = vector.extract_strided_slice %slice3A {offsets = [15, 0], sizes = [1, 128], strides = [1, 1]} : vector<32x128xf32> to vector<1x128xf32>
      %slice3A_3443 = vector.extract_strided_slice %dot_general3A_3441 {offsets = [0, 0], sizes = [1, 128], strides = [1, 1]} : vector<1x256xf32> to vector<1x128xf32>
      %add3A_3444 = arith.addf %slice3A_3442, %slice3A_3443 : vector<1x128xf32>
      %jit3A_3445 = arith.constant 0.000000e+00 : f32
      %jit3A_3446 = arith.constant 1.000000e+00 : f32
      %max3A_3447 = vector.broadcast %jit3A_3445 : f32 to vector<1x128xf32>
      %max3A_3448 = arith.maximumf %max3A_3447, %add3A_3444 : vector<1x128xf32>
      %min3A_3449 = vector.broadcast %jit3A_3446 : f32 to vector<1x128xf32>
      %min3A_3450 = arith.minimumf %min3A_3449, %max3A_3448 : vector<1x128xf32>
      %slice3A_3451 = vector.extract_strided_slice %slice3A_20 {offsets = [15, 0], sizes = [1, 128], strides = [1, 1]} : vector<32x128xf32> to vector<1x128xf32>
      %slice3A_3452 = vector.extract_strided_slice %dot_general3A_3441 {offsets = [0, 128], sizes = [1, 128], strides = [1, 1]} : vector<1x256xf32> to vector<1x128xf32>
      %add3A_3453 = arith.addf %slice3A_3451, %slice3A_3452 : vector<1x128xf32>
      %jit3A_3454 = arith.constant 0.000000e+00 : f32
      %jit3A_3455 = arith.constant 1.000000e+00 : f32
      %max3A_3456 = vector.broadcast %jit3A_3454 : f32 to vector<1x128xf32>
      %max3A_3457 = arith.maximumf %max3A_3456, %add3A_3453 : vector<1x128xf32>
      %min3A_3458 = vector.broadcast %jit3A_3455 : f32 to vector<1x128xf32>
      %min3A_3459 = arith.minimumf %min3A_3458, %max3A_3457 : vector<1x128xf32>
      %slice3A_3460 = vector.extract_strided_slice %slice3A_21 {offsets = [15, 0], sizes = [1, 128], strides = [1, 1]} : vector<32x128xf32> to vector<1x128xf32>
      %mul3A_3461 = arith.mulf %get3A_3439, %min3A_3459 : vector<1x128xf32>
      %dot_general3A_3462 = arith.constant dense<0.000000e+00> : vector<1x128xf32>
      %dot_general3A_3463 = tpu.matmul %mul3A_3461, %get3A_34, %dot_general3A_3462 {dimension_numbers = #tpu.dot_dimension_numbers<[1], [1], [0], [0], [0, 0, 1, 0], [], []>, transpose_lhs_hint = false} : vector<1x128xf32>, vector<128x128xf32>, vector<1x128xf32> -> vector<1x128xf32>
      %add3A_3464 = arith.addf %slice3A_3460, %dot_general3A_3463 : vector<1x128xf32>
      %tanh3A_3465 = math.tanh %add3A_3464 : vector<1x128xf32>
      %sub3A_3466 = arith.constant 1.000000e+00 : f32
      %sub3A_3467 = vector.broadcast %sub3A_3466 : f32 to vector<1x128xf32>
      %sub3A_3468 = arith.subf %sub3A_3467, %min3A_3450 : vector<1x128xf32>
      %mul3A_3469 = arith.mulf %sub3A_3468, %get3A_3439 : vector<1x128xf32>
      %mul3A_3470 = arith.mulf %min3A_3450, %tanh3A_3465 : vector<1x128xf32>
      %add3A_3471 = arith.addf %mul3A_3469, %mul3A_3470 : vector<1x128xf32>
      %swap3A_3472 = arith.constant 16 : index
      %swap3A_3473 = arith.constant 0 : index
      %swap3A_3474 = vector.load %arg14[%swap3A_3472, %swap3A_3473] : memref<33x128xf32, #tpu.memory_space<vmem>>, vector<1x128xf32>
      tpu.vector_store %arg14[%swap3A_3472, %swap3A_3473], %add3A_3471 {strides = array<i32>} : memref<33x128xf32, #tpu.memory_space<vmem>>, vector<1x128xf32>,
    } else {
    }
    %get3A_952 = arith.constant 16 : index
    %get3A_953 = arith.constant 0 : index
    %get3A_954 = memref.load %arg10[%get3A_952, %get3A_953] : memref<32x2xi32, #tpu.memory_space<smem>>
    %get3A_955 = arith.constant 0 : index
    %get3A_956 = arith.constant 1 : index
    %get3A_957 = memref.load %arg10[%get3A_955, %get3A_956] : memref<32x2xi32, #tpu.memory_space<smem>>
    %mul3A_958 = arith.constant 0 : i32
    %mul3A_959 = arith.muli %get3A_957, %mul3A_958 : i32
    %get3A_960 = arith.constant 0 : index
    %get3A_961 = arith.constant 1 : index
    %get3A_962 = memref.load %arg10[%get3A_960, %get3A_961] : memref<32x2xi32, #tpu.memory_space<smem>>
    %eq3A_963 = arith.cmpi eq, %get3A_962, %get3A_954 : i32
    %jit3A_964 = arith.constant 1 : i32
    %select_n3A_965 = arith.select %eq3A_963, %jit3A_964, %mul3A_959 : i32
    %get3A_966 = arith.constant 1 : index
    %get3A_967 = arith.constant 1 : index
    %get3A_968 = memref.load %arg10[%get3A_966, %get3A_967] : memref<32x2xi32, #tpu.memory_space<smem>>
    %eq3A_969 = arith.cmpi eq, %get3A_968, %get3A_954 : i32
    %jit3A_970 = arith.constant 2 : i32
    %select_n3A_971 = arith.select %eq3A_969, %jit3A_970, %select_n3A_965 : i32
    %get3A_972 = arith.constant 2 : index
    %get3A_973 = arith.constant 1 : index
    %get3A_974 = memref.load %arg10[%get3A_972, %get3A_973] : memref<32x2xi32, #tpu.memory_space<smem>>
    %eq3A_975 = arith.cmpi eq, %get3A_974, %get3A_954 : i32
    %jit3A_976 = arith.constant 3 : i32
    %select_n3A_977 = arith.select %eq3A_975, %jit3A_976, %select_n3A_971 : i32
    %get3A_978 = arith.constant 3 : index
    %get3A_979 = arith.constant 1 : index
    %get3A_980 = memref.load %arg10[%get3A_978, %get3A_979] : memref<32x2xi32, #tpu.memory_space<smem>>
    %eq3A_981 = arith.cmpi eq, %get3A_980, %get3A_954 : i32
    %jit3A_982 = arith.constant 4 : i32
    %select_n3A_983 = arith.select %eq3A_981, %jit3A_982, %select_n3A_977 : i32
    %get3A_984 = arith.constant 4 : index
    %get3A_985 = arith.constant 1 : index
    %get3A_986 = memref.load %arg10[%get3A_984, %get3A_985] : memref<32x2xi32, #tpu.memory_space<smem>>
    %eq3A_987 = arith.cmpi eq, %get3A_986, %get3A_954 : i32
    %jit3A_988 = arith.constant 5 : i32
    %select_n3A_989 = arith.select %eq3A_987, %jit3A_988, %select_n3A_983 : i32
    %get3A_990 = arith.constant 5 : index
    %get3A_991 = arith.constant 1 : index
    %get3A_992 = memref.load %arg10[%get3A_990, %get3A_991] : memref<32x2xi32, #tpu.memory_space<smem>>
    %eq3A_993 = arith.cmpi eq, %get3A_992, %get3A_954 : i32
    %jit3A_994 = arith.constant 6 : i32
    %select_n3A_995 = arith.select %eq3A_993, %jit3A_994, %select_n3A_989 : i32
    %get3A_996 = arith.constant 6 : index
    %get3A_997 = arith.constant 1 : index
    %get3A_998 = memref.load %arg10[%get3A_996, %get3A_997] : memref<32x2xi32, #tpu.memory_space<smem>>
    %eq3A_999 = arith.cmpi eq, %get3A_998, %get3A_954 : i32
    %jit3A_1000 = arith.constant 7 : i32
    %select_n3A_1001 = arith.select %eq3A_999, %jit3A_1000, %select_n3A_995 : i32
    %get3A_1002 = arith.constant 7 : index
    %get3A_1003 = arith.constant 1 : index
    %get3A_1004 = memref.load %arg10[%get3A_1002, %get3A_1003] : memref<32x2xi32, #tpu.memory_space<smem>>
    %eq3A_1005 = arith.cmpi eq, %get3A_1004, %get3A_954 : i32
    %jit3A_1006 = arith.constant 8 : i32
    %select_n3A_1007 = arith.select %eq3A_1005, %jit3A_1006, %select_n3A_1001 : i32
    %get3A_1008 = arith.constant 8 : index
    %get3A_1009 = arith.constant 1 : index
    %get3A_1010 = memref.load %arg10[%get3A_1008, %get3A_1009] : memref<32x2xi32, #tpu.memory_space<smem>>
    %eq3A_1011 = arith.cmpi eq, %get3A_1010, %get3A_954 : i32
    %jit3A_1012 = arith.constant 9 : i32
    %select_n3A_1013 = arith.select %eq3A_1011, %jit3A_1012, %select_n3A_1007 : i32
    %get3A_1014 = arith.constant 9 : index
    %get3A_1015 = arith.constant 1 : index
    %get3A_1016 = memref.load %arg10[%get3A_1014, %get3A_1015] : memref<32x2xi32, #tpu.memory_space<smem>>
    %eq3A_1017 = arith.cmpi eq, %get3A_1016, %get3A_954 : i32
    %jit3A_1018 = arith.constant 10 : i32
    %select_n3A_1019 = arith.select %eq3A_1017, %jit3A_1018, %select_n3A_1013 : i32
    %get3A_1020 = arith.constant 10 : index
    %get3A_1021 = arith.constant 1 : index
    %get3A_1022 = memref.load %arg10[%get3A_1020, %get3A_1021] : memref<32x2xi32, #tpu.memory_space<smem>>
    %eq3A_1023 = arith.cmpi eq, %get3A_1022, %get3A_954 : i32
    %jit3A_1024 = arith.constant 11 : i32
    %select_n3A_1025 = arith.select %eq3A_1023, %jit3A_1024, %select_n3A_1019 : i32
    %get3A_1026 = arith.constant 11 : index
    %get3A_1027 = arith.constant 1 : index
    %get3A_1028 = memref.load %arg10[%get3A_1026, %get3A_1027] : memref<32x2xi32, #tpu.memory_space<smem>>
    %eq3A_1029 = arith.cmpi eq, %get3A_1028, %get3A_954 : i32
    %jit3A_1030 = arith.constant 12 : i32
    %select_n3A_1031 = arith.select %eq3A_1029, %jit3A_1030, %select_n3A_1025 : i32
    %get3A_1032 = arith.constant 12 : index
    %get3A_1033 = arith.constant 1 : index
    %get3A_1034 = memref.load %arg10[%get3A_1032, %get3A_1033] : memref<32x2xi32, #tpu.memory_space<smem>>
    %eq3A_1035 = arith.cmpi eq, %get3A_1034, %get3A_954 : i32
    %jit3A_1036 = arith.constant 13 : i32
    %select_n3A_1037 = arith.select %eq3A_1035, %jit3A_1036, %select_n3A_1031 : i32
    %get3A_1038 = arith.constant 13 : index
    %get3A_1039 = arith.constant 1 : index
    %get3A_1040 = memref.load %arg10[%get3A_1038, %get3A_1039] : memref<32x2xi32, #tpu.memory_space<smem>>
    %eq3A_1041 = arith.cmpi eq, %get3A_1040, %get3A_954 : i32
    %jit3A_1042 = arith.constant 14 : i32
    %select_n3A_1043 = arith.select %eq3A_1041, %jit3A_1042, %select_n3A_1037 : i32
    %get3A_1044 = arith.constant 14 : index
    %get3A_1045 = arith.constant 1 : index
    %get3A_1046 = memref.load %arg10[%get3A_1044, %get3A_1045] : memref<32x2xi32, #tpu.memory_space<smem>>
    %eq3A_1047 = arith.cmpi eq, %get3A_1046, %get3A_954 : i32
    %jit3A_1048 = arith.constant 15 : i32
    %select_n3A_1049 = arith.select %eq3A_1047, %jit3A_1048, %select_n3A_1043 : i32
    %get3A_1050 = arith.constant 15 : index
    %get3A_1051 = arith.constant 1 : index
    %get3A_1052 = memref.load %arg10[%get3A_1050, %get3A_1051] : memref<32x2xi32, #tpu.memory_space<smem>>
    %eq3A_1053 = arith.cmpi eq, %get3A_1052, %get3A_954 : i32
    %jit3A_1054 = arith.constant 16 : i32
    %select_n3A_1055 = arith.select %eq3A_1053, %jit3A_1054, %select_n3A_1049 : i32
    %gt3A_1056 = arith.constant 0 : i32
    %gt3A_1057 = arith.cmpi sgt, %select_n3A_1055, %gt3A_1056 : i32
    %convert_element_type3A_1058 = arith.extui %gt3A_1057 : i1 to i32
    %cond3A_1059 = arith.constant 0 : i32
    %cond3A_1060 = arith.cmpi ne, %convert_element_type3A_1058, %cond3A_1059 : i32
    scf.if %cond3A_1060 {
      %get3A_3437 = arith.index_cast %select_n3A_1055 : i32 to index
      %get3A_3438 = arith.constant 0 : index
      %get3A_3439 = vector.load %arg14[%get3A_3437, %get3A_3438] : memref<33x128xf32, #tpu.memory_space<vmem>>, vector<1x128xf32>
      %dot_general3A_3440 = arith.constant dense<0.000000e+00> : vector<1x256xf32>
      %dot_general3A_3441 = tpu.matmul %get3A_3439, %concatenate3A_31, %dot_general3A_3440 {dimension_numbers = #tpu.dot_dimension_numbers<[1], [1], [0], [0], [0, 0, 1, 0], [], []>, transpose_lhs_hint = false} : vector<1x128xf32>, vector<256x128xf32>, vector<1x256xf32> -> vector<1x256xf32>
      %slice3A_3442 = vector.extract_strided_slice %slice3A {offsets = [16, 0], sizes = [1, 128], strides = [1, 1]} : vector<32x128xf32> to vector<1x128xf32>
      %slice3A_3443 = vector.extract_strided_slice %dot_general3A_3441 {offsets = [0, 0], sizes = [1, 128], strides = [1, 1]} : vector<1x256xf32> to vector<1x128xf32>
      %add3A_3444 = arith.addf %slice3A_3442, %slice3A_3443 : vector<1x128xf32>
      %jit3A_3445 = arith.constant 0.000000e+00 : f32
      %jit3A_3446 = arith.constant 1.000000e+00 : f32
      %max3A_3447 = vector.broadcast %jit3A_3445 : f32 to vector<1x128xf32>
      %max3A_3448 = arith.maximumf %max3A_3447, %add3A_3444 : vector<1x128xf32>
      %min3A_3449 = vector.broadcast %jit3A_3446 : f32 to vector<1x128xf32>
      %min3A_3450 = arith.minimumf %min3A_3449, %max3A_3448 : vector<1x128xf32>
      %slice3A_3451 = vector.extract_strided_slice %slice3A_20 {offsets = [16, 0], sizes = [1, 128], strides = [1, 1]} : vector<32x128xf32> to vector<1x128xf32>
      %slice3A_3452 = vector.extract_strided_slice %dot_general3A_3441 {offsets = [0, 128], sizes = [1, 128], strides = [1, 1]} : vector<1x256xf32> to vector<1x128xf32>
      %add3A_3453 = arith.addf %slice3A_3451, %slice3A_3452 : vector<1x128xf32>
      %jit3A_3454 = arith.constant 0.000000e+00 : f32
      %jit3A_3455 = arith.constant 1.000000e+00 : f32
      %max3A_3456 = vector.broadcast %jit3A_3454 : f32 to vector<1x128xf32>
      %max3A_3457 = arith.maximumf %max3A_3456, %add3A_3453 : vector<1x128xf32>
      %min3A_3458 = vector.broadcast %jit3A_3455 : f32 to vector<1x128xf32>
      %min3A_3459 = arith.minimumf %min3A_3458, %max3A_3457 : vector<1x128xf32>
      %slice3A_3460 = vector.extract_strided_slice %slice3A_21 {offsets = [16, 0], sizes = [1, 128], strides = [1, 1]} : vector<32x128xf32> to vector<1x128xf32>
      %mul3A_3461 = arith.mulf %get3A_3439, %min3A_3459 : vector<1x128xf32>
      %dot_general3A_3462 = arith.constant dense<0.000000e+00> : vector<1x128xf32>
      %dot_general3A_3463 = tpu.matmul %mul3A_3461, %get3A_34, %dot_general3A_3462 {dimension_numbers = #tpu.dot_dimension_numbers<[1], [1], [0], [0], [0, 0, 1, 0], [], []>, transpose_lhs_hint = false} : vector<1x128xf32>, vector<128x128xf32>, vector<1x128xf32> -> vector<1x128xf32>
      %add3A_3464 = arith.addf %slice3A_3460, %dot_general3A_3463 : vector<1x128xf32>
      %tanh3A_3465 = math.tanh %add3A_3464 : vector<1x128xf32>
      %sub3A_3466 = arith.constant 1.000000e+00 : f32
      %sub3A_3467 = vector.broadcast %sub3A_3466 : f32 to vector<1x128xf32>
      %sub3A_3468 = arith.subf %sub3A_3467, %min3A_3450 : vector<1x128xf32>
      %mul3A_3469 = arith.mulf %sub3A_3468, %get3A_3439 : vector<1x128xf32>
      %mul3A_3470 = arith.mulf %min3A_3450, %tanh3A_3465 : vector<1x128xf32>
      %add3A_3471 = arith.addf %mul3A_3469, %mul3A_3470 : vector<1x128xf32>
      %swap3A_3472 = arith.constant 17 : index
      %swap3A_3473 = arith.constant 0 : index
      %swap3A_3474 = vector.load %arg14[%swap3A_3472, %swap3A_3473] : memref<33x128xf32, #tpu.memory_space<vmem>>, vector<1x128xf32>
      tpu.vector_store %arg14[%swap3A_3472, %swap3A_3473], %add3A_3471 {strides = array<i32>} : memref<33x128xf32, #tpu.memory_space<vmem>>, vector<1x128xf32>,
    } else {
    }
    %get3A_1061 = arith.constant 17 : index
    %get3A_1062 = arith.constant 0 : index
    %get3A_1063 = memref.load %arg10[%get3A_1061, %get3A_1062] : memref<32x2xi32, #tpu.memory_space<smem>>
    %get3A_1064 = arith.constant 0 : index
    %get3A_1065 = arith.constant 1 : index
    %get3A_1066 = memref.load %arg10[%get3A_1064, %get3A_1065] : memref<32x2xi32, #tpu.memory_space<smem>>
    %mul3A_1067 = arith.constant 0 : i32
    %mul3A_1068 = arith.muli %get3A_1066, %mul3A_1067 : i32
    %get3A_1069 = arith.constant 0 : index
    %get3A_1070 = arith.constant 1 : index
    %get3A_1071 = memref.load %arg10[%get3A_1069, %get3A_1070] : memref<32x2xi32, #tpu.memory_space<smem>>
    %eq3A_1072 = arith.cmpi eq, %get3A_1071, %get3A_1063 : i32
    %jit3A_1073 = arith.constant 1 : i32
    %select_n3A_1074 = arith.select %eq3A_1072, %jit3A_1073, %mul3A_1068 : i32
    %get3A_1075 = arith.constant 1 : index
    %get3A_1076 = arith.constant 1 : index
    %get3A_1077 = memref.load %arg10[%get3A_1075, %get3A_1076] : memref<32x2xi32, #tpu.memory_space<smem>>
    %eq3A_1078 = arith.cmpi eq, %get3A_1077, %get3A_1063 : i32
    %jit3A_1079 = arith.constant 2 : i32
    %select_n3A_1080 = arith.select %eq3A_1078, %jit3A_1079, %select_n3A_1074 : i32
    %get3A_1081 = arith.constant 2 : index
    %get3A_1082 = arith.constant 1 : index
    %get3A_1083 = memref.load %arg10[%get3A_1081, %get3A_1082] : memref<32x2xi32, #tpu.memory_space<smem>>
    %eq3A_1084 = arith.cmpi eq, %get3A_1083, %get3A_1063 : i32
    %jit3A_1085 = arith.constant 3 : i32
    %select_n3A_1086 = arith.select %eq3A_1084, %jit3A_1085, %select_n3A_1080 : i32
    %get3A_1087 = arith.constant 3 : index
    %get3A_1088 = arith.constant 1 : index
    %get3A_1089 = memref.load %arg10[%get3A_1087, %get3A_1088] : memref<32x2xi32, #tpu.memory_space<smem>>
    %eq3A_1090 = arith.cmpi eq, %get3A_1089, %get3A_1063 : i32
    %jit3A_1091 = arith.constant 4 : i32
    %select_n3A_1092 = arith.select %eq3A_1090, %jit3A_1091, %select_n3A_1086 : i32
    %get3A_1093 = arith.constant 4 : index
    %get3A_1094 = arith.constant 1 : index
    %get3A_1095 = memref.load %arg10[%get3A_1093, %get3A_1094] : memref<32x2xi32, #tpu.memory_space<smem>>
    %eq3A_1096 = arith.cmpi eq, %get3A_1095, %get3A_1063 : i32
    %jit3A_1097 = arith.constant 5 : i32
    %select_n3A_1098 = arith.select %eq3A_1096, %jit3A_1097, %select_n3A_1092 : i32
    %get3A_1099 = arith.constant 5 : index
    %get3A_1100 = arith.constant 1 : index
    %get3A_1101 = memref.load %arg10[%get3A_1099, %get3A_1100] : memref<32x2xi32, #tpu.memory_space<smem>>
    %eq3A_1102 = arith.cmpi eq, %get3A_1101, %get3A_1063 : i32
    %jit3A_1103 = arith.constant 6 : i32
    %select_n3A_1104 = arith.select %eq3A_1102, %jit3A_1103, %select_n3A_1098 : i32
    %get3A_1105 = arith.constant 6 : index
    %get3A_1106 = arith.constant 1 : index
    %get3A_1107 = memref.load %arg10[%get3A_1105, %get3A_1106] : memref<32x2xi32, #tpu.memory_space<smem>>
    %eq3A_1108 = arith.cmpi eq, %get3A_1107, %get3A_1063 : i32
    %jit3A_1109 = arith.constant 7 : i32
    %select_n3A_1110 = arith.select %eq3A_1108, %jit3A_1109, %select_n3A_1104 : i32
    %get3A_1111 = arith.constant 7 : index
    %get3A_1112 = arith.constant 1 : index
    %get3A_1113 = memref.load %arg10[%get3A_1111, %get3A_1112] : memref<32x2xi32, #tpu.memory_space<smem>>
    %eq3A_1114 = arith.cmpi eq, %get3A_1113, %get3A_1063 : i32
    %jit3A_1115 = arith.constant 8 : i32
    %select_n3A_1116 = arith.select %eq3A_1114, %jit3A_1115, %select_n3A_1110 : i32
    %get3A_1117 = arith.constant 8 : index
    %get3A_1118 = arith.constant 1 : index
    %get3A_1119 = memref.load %arg10[%get3A_1117, %get3A_1118] : memref<32x2xi32, #tpu.memory_space<smem>>
    %eq3A_1120 = arith.cmpi eq, %get3A_1119, %get3A_1063 : i32
    %jit3A_1121 = arith.constant 9 : i32
    %select_n3A_1122 = arith.select %eq3A_1120, %jit3A_1121, %select_n3A_1116 : i32
    %get3A_1123 = arith.constant 9 : index
    %get3A_1124 = arith.constant 1 : index
    %get3A_1125 = memref.load %arg10[%get3A_1123, %get3A_1124] : memref<32x2xi32, #tpu.memory_space<smem>>
    %eq3A_1126 = arith.cmpi eq, %get3A_1125, %get3A_1063 : i32
    %jit3A_1127 = arith.constant 10 : i32
    %select_n3A_1128 = arith.select %eq3A_1126, %jit3A_1127, %select_n3A_1122 : i32
    %get3A_1129 = arith.constant 10 : index
    %get3A_1130 = arith.constant 1 : index
    %get3A_1131 = memref.load %arg10[%get3A_1129, %get3A_1130] : memref<32x2xi32, #tpu.memory_space<smem>>
    %eq3A_1132 = arith.cmpi eq, %get3A_1131, %get3A_1063 : i32
    %jit3A_1133 = arith.constant 11 : i32
    %select_n3A_1134 = arith.select %eq3A_1132, %jit3A_1133, %select_n3A_1128 : i32
    %get3A_1135 = arith.constant 11 : index
    %get3A_1136 = arith.constant 1 : index
    %get3A_1137 = memref.load %arg10[%get3A_1135, %get3A_1136] : memref<32x2xi32, #tpu.memory_space<smem>>
    %eq3A_1138 = arith.cmpi eq, %get3A_1137, %get3A_1063 : i32
    %jit3A_1139 = arith.constant 12 : i32
    %select_n3A_1140 = arith.select %eq3A_1138, %jit3A_1139, %select_n3A_1134 : i32
    %get3A_1141 = arith.constant 12 : index
    %get3A_1142 = arith.constant 1 : index
    %get3A_1143 = memref.load %arg10[%get3A_1141, %get3A_1142] : memref<32x2xi32, #tpu.memory_space<smem>>
    %eq3A_1144 = arith.cmpi eq, %get3A_1143, %get3A_1063 : i32
    %jit3A_1145 = arith.constant 13 : i32
    %select_n3A_1146 = arith.select %eq3A_1144, %jit3A_1145, %select_n3A_1140 : i32
    %get3A_1147 = arith.constant 13 : index
    %get3A_1148 = arith.constant 1 : index
    %get3A_1149 = memref.load %arg10[%get3A_1147, %get3A_1148] : memref<32x2xi32, #tpu.memory_space<smem>>
    %eq3A_1150 = arith.cmpi eq, %get3A_1149, %get3A_1063 : i32
    %jit3A_1151 = arith.constant 14 : i32
    %select_n3A_1152 = arith.select %eq3A_1150, %jit3A_1151, %select_n3A_1146 : i32
    %get3A_1153 = arith.constant 14 : index
    %get3A_1154 = arith.constant 1 : index
    %get3A_1155 = memref.load %arg10[%get3A_1153, %get3A_1154] : memref<32x2xi32, #tpu.memory_space<smem>>
    %eq3A_1156 = arith.cmpi eq, %get3A_1155, %get3A_1063 : i32
    %jit3A_1157 = arith.constant 15 : i32
    %select_n3A_1158 = arith.select %eq3A_1156, %jit3A_1157, %select_n3A_1152 : i32
    %get3A_1159 = arith.constant 15 : index
    %get3A_1160 = arith.constant 1 : index
    %get3A_1161 = memref.load %arg10[%get3A_1159, %get3A_1160] : memref<32x2xi32, #tpu.memory_space<smem>>
    %eq3A_1162 = arith.cmpi eq, %get3A_1161, %get3A_1063 : i32
    %jit3A_1163 = arith.constant 16 : i32
    %select_n3A_1164 = arith.select %eq3A_1162, %jit3A_1163, %select_n3A_1158 : i32
    %get3A_1165 = arith.constant 16 : index
    %get3A_1166 = arith.constant 1 : index
    %get3A_1167 = memref.load %arg10[%get3A_1165, %get3A_1166] : memref<32x2xi32, #tpu.memory_space<smem>>
    %eq3A_1168 = arith.cmpi eq, %get3A_1167, %get3A_1063 : i32
    %jit3A_1169 = arith.constant 17 : i32
    %select_n3A_1170 = arith.select %eq3A_1168, %jit3A_1169, %select_n3A_1164 : i32
    %gt3A_1171 = arith.constant 0 : i32
    %gt3A_1172 = arith.cmpi sgt, %select_n3A_1170, %gt3A_1171 : i32
    %convert_element_type3A_1173 = arith.extui %gt3A_1172 : i1 to i32
    %cond3A_1174 = arith.constant 0 : i32
    %cond3A_1175 = arith.cmpi ne, %convert_element_type3A_1173, %cond3A_1174 : i32
    scf.if %cond3A_1175 {
      %get3A_3437 = arith.index_cast %select_n3A_1170 : i32 to index
      %get3A_3438 = arith.constant 0 : index
      %get3A_3439 = vector.load %arg14[%get3A_3437, %get3A_3438] : memref<33x128xf32, #tpu.memory_space<vmem>>, vector<1x128xf32>
      %dot_general3A_3440 = arith.constant dense<0.000000e+00> : vector<1x256xf32>
      %dot_general3A_3441 = tpu.matmul %get3A_3439, %concatenate3A_31, %dot_general3A_3440 {dimension_numbers = #tpu.dot_dimension_numbers<[1], [1], [0], [0], [0, 0, 1, 0], [], []>, transpose_lhs_hint = false} : vector<1x128xf32>, vector<256x128xf32>, vector<1x256xf32> -> vector<1x256xf32>
      %slice3A_3442 = vector.extract_strided_slice %slice3A {offsets = [17, 0], sizes = [1, 128], strides = [1, 1]} : vector<32x128xf32> to vector<1x128xf32>
      %slice3A_3443 = vector.extract_strided_slice %dot_general3A_3441 {offsets = [0, 0], sizes = [1, 128], strides = [1, 1]} : vector<1x256xf32> to vector<1x128xf32>
      %add3A_3444 = arith.addf %slice3A_3442, %slice3A_3443 : vector<1x128xf32>
      %jit3A_3445 = arith.constant 0.000000e+00 : f32
      %jit3A_3446 = arith.constant 1.000000e+00 : f32
      %max3A_3447 = vector.broadcast %jit3A_3445 : f32 to vector<1x128xf32>
      %max3A_3448 = arith.maximumf %max3A_3447, %add3A_3444 : vector<1x128xf32>
      %min3A_3449 = vector.broadcast %jit3A_3446 : f32 to vector<1x128xf32>
      %min3A_3450 = arith.minimumf %min3A_3449, %max3A_3448 : vector<1x128xf32>
      %slice3A_3451 = vector.extract_strided_slice %slice3A_20 {offsets = [17, 0], sizes = [1, 128], strides = [1, 1]} : vector<32x128xf32> to vector<1x128xf32>
      %slice3A_3452 = vector.extract_strided_slice %dot_general3A_3441 {offsets = [0, 128], sizes = [1, 128], strides = [1, 1]} : vector<1x256xf32> to vector<1x128xf32>
      %add3A_3453 = arith.addf %slice3A_3451, %slice3A_3452 : vector<1x128xf32>
      %jit3A_3454 = arith.constant 0.000000e+00 : f32
      %jit3A_3455 = arith.constant 1.000000e+00 : f32
      %max3A_3456 = vector.broadcast %jit3A_3454 : f32 to vector<1x128xf32>
      %max3A_3457 = arith.maximumf %max3A_3456, %add3A_3453 : vector<1x128xf32>
      %min3A_3458 = vector.broadcast %jit3A_3455 : f32 to vector<1x128xf32>
      %min3A_3459 = arith.minimumf %min3A_3458, %max3A_3457 : vector<1x128xf32>
      %slice3A_3460 = vector.extract_strided_slice %slice3A_21 {offsets = [17, 0], sizes = [1, 128], strides = [1, 1]} : vector<32x128xf32> to vector<1x128xf32>
      %mul3A_3461 = arith.mulf %get3A_3439, %min3A_3459 : vector<1x128xf32>
      %dot_general3A_3462 = arith.constant dense<0.000000e+00> : vector<1x128xf32>
      %dot_general3A_3463 = tpu.matmul %mul3A_3461, %get3A_34, %dot_general3A_3462 {dimension_numbers = #tpu.dot_dimension_numbers<[1], [1], [0], [0], [0, 0, 1, 0], [], []>, transpose_lhs_hint = false} : vector<1x128xf32>, vector<128x128xf32>, vector<1x128xf32> -> vector<1x128xf32>
      %add3A_3464 = arith.addf %slice3A_3460, %dot_general3A_3463 : vector<1x128xf32>
      %tanh3A_3465 = math.tanh %add3A_3464 : vector<1x128xf32>
      %sub3A_3466 = arith.constant 1.000000e+00 : f32
      %sub3A_3467 = vector.broadcast %sub3A_3466 : f32 to vector<1x128xf32>
      %sub3A_3468 = arith.subf %sub3A_3467, %min3A_3450 : vector<1x128xf32>
      %mul3A_3469 = arith.mulf %sub3A_3468, %get3A_3439 : vector<1x128xf32>
      %mul3A_3470 = arith.mulf %min3A_3450, %tanh3A_3465 : vector<1x128xf32>
      %add3A_3471 = arith.addf %mul3A_3469, %mul3A_3470 : vector<1x128xf32>
      %swap3A_3472 = arith.constant 18 : index
      %swap3A_3473 = arith.constant 0 : index
      %swap3A_3474 = vector.load %arg14[%swap3A_3472, %swap3A_3473] : memref<33x128xf32, #tpu.memory_space<vmem>>, vector<1x128xf32>
      tpu.vector_store %arg14[%swap3A_3472, %swap3A_3473], %add3A_3471 {strides = array<i32>} : memref<33x128xf32, #tpu.memory_space<vmem>>, vector<1x128xf32>,
    } else {
    }
    %get3A_1176 = arith.constant 18 : index
    %get3A_1177 = arith.constant 0 : index
    %get3A_1178 = memref.load %arg10[%get3A_1176, %get3A_1177] : memref<32x2xi32, #tpu.memory_space<smem>>
    %get3A_1179 = arith.constant 0 : index
    %get3A_1180 = arith.constant 1 : index
    %get3A_1181 = memref.load %arg10[%get3A_1179, %get3A_1180] : memref<32x2xi32, #tpu.memory_space<smem>>
    %mul3A_1182 = arith.constant 0 : i32
    %mul3A_1183 = arith.muli %get3A_1181, %mul3A_1182 : i32
    %get3A_1184 = arith.constant 0 : index
    %get3A_1185 = arith.constant 1 : index
    %get3A_1186 = memref.load %arg10[%get3A_1184, %get3A_1185] : memref<32x2xi32, #tpu.memory_space<smem>>
    %eq3A_1187 = arith.cmpi eq, %get3A_1186, %get3A_1178 : i32
    %jit3A_1188 = arith.constant 1 : i32
    %select_n3A_1189 = arith.select %eq3A_1187, %jit3A_1188, %mul3A_1183 : i32
    %get3A_1190 = arith.constant 1 : index
    %get3A_1191 = arith.constant 1 : index
    %get3A_1192 = memref.load %arg10[%get3A_1190, %get3A_1191] : memref<32x2xi32, #tpu.memory_space<smem>>
    %eq3A_1193 = arith.cmpi eq, %get3A_1192, %get3A_1178 : i32
    %jit3A_1194 = arith.constant 2 : i32
    %select_n3A_1195 = arith.select %eq3A_1193, %jit3A_1194, %select_n3A_1189 : i32
    %get3A_1196 = arith.constant 2 : index
    %get3A_1197 = arith.constant 1 : index
    %get3A_1198 = memref.load %arg10[%get3A_1196, %get3A_1197] : memref<32x2xi32, #tpu.memory_space<smem>>
    %eq3A_1199 = arith.cmpi eq, %get3A_1198, %get3A_1178 : i32
    %jit3A_1200 = arith.constant 3 : i32
    %select_n3A_1201 = arith.select %eq3A_1199, %jit3A_1200, %select_n3A_1195 : i32
    %get3A_1202 = arith.constant 3 : index
    %get3A_1203 = arith.constant 1 : index
    %get3A_1204 = memref.load %arg10[%get3A_1202, %get3A_1203] : memref<32x2xi32, #tpu.memory_space<smem>>
    %eq3A_1205 = arith.cmpi eq, %get3A_1204, %get3A_1178 : i32
    %jit3A_1206 = arith.constant 4 : i32
    %select_n3A_1207 = arith.select %eq3A_1205, %jit3A_1206, %select_n3A_1201 : i32
    %get3A_1208 = arith.constant 4 : index
    %get3A_1209 = arith.constant 1 : index
    %get3A_1210 = memref.load %arg10[%get3A_1208, %get3A_1209] : memref<32x2xi32, #tpu.memory_space<smem>>
    %eq3A_1211 = arith.cmpi eq, %get3A_1210, %get3A_1178 : i32
    %jit3A_1212 = arith.constant 5 : i32
    %select_n3A_1213 = arith.select %eq3A_1211, %jit3A_1212, %select_n3A_1207 : i32
    %get3A_1214 = arith.constant 5 : index
    %get3A_1215 = arith.constant 1 : index
    %get3A_1216 = memref.load %arg10[%get3A_1214, %get3A_1215] : memref<32x2xi32, #tpu.memory_space<smem>>
    %eq3A_1217 = arith.cmpi eq, %get3A_1216, %get3A_1178 : i32
    %jit3A_1218 = arith.constant 6 : i32
    %select_n3A_1219 = arith.select %eq3A_1217, %jit3A_1218, %select_n3A_1213 : i32
    %get3A_1220 = arith.constant 6 : index
    %get3A_1221 = arith.constant 1 : index
    %get3A_1222 = memref.load %arg10[%get3A_1220, %get3A_1221] : memref<32x2xi32, #tpu.memory_space<smem>>
    %eq3A_1223 = arith.cmpi eq, %get3A_1222, %get3A_1178 : i32
    %jit3A_1224 = arith.constant 7 : i32
    %select_n3A_1225 = arith.select %eq3A_1223, %jit3A_1224, %select_n3A_1219 : i32
    %get3A_1226 = arith.constant 7 : index
    %get3A_1227 = arith.constant 1 : index
    %get3A_1228 = memref.load %arg10[%get3A_1226, %get3A_1227] : memref<32x2xi32, #tpu.memory_space<smem>>
    %eq3A_1229 = arith.cmpi eq, %get3A_1228, %get3A_1178 : i32
    %jit3A_1230 = arith.constant 8 : i32
    %select_n3A_1231 = arith.select %eq3A_1229, %jit3A_1230, %select_n3A_1225 : i32
    %get3A_1232 = arith.constant 8 : index
    %get3A_1233 = arith.constant 1 : index
    %get3A_1234 = memref.load %arg10[%get3A_1232, %get3A_1233] : memref<32x2xi32, #tpu.memory_space<smem>>
    %eq3A_1235 = arith.cmpi eq, %get3A_1234, %get3A_1178 : i32
    %jit3A_1236 = arith.constant 9 : i32
    %select_n3A_1237 = arith.select %eq3A_1235, %jit3A_1236, %select_n3A_1231 : i32
    %get3A_1238 = arith.constant 9 : index
    %get3A_1239 = arith.constant 1 : index
    %get3A_1240 = memref.load %arg10[%get3A_1238, %get3A_1239] : memref<32x2xi32, #tpu.memory_space<smem>>
    %eq3A_1241 = arith.cmpi eq, %get3A_1240, %get3A_1178 : i32
    %jit3A_1242 = arith.constant 10 : i32
    %select_n3A_1243 = arith.select %eq3A_1241, %jit3A_1242, %select_n3A_1237 : i32
    %get3A_1244 = arith.constant 10 : index
    %get3A_1245 = arith.constant 1 : index
    %get3A_1246 = memref.load %arg10[%get3A_1244, %get3A_1245] : memref<32x2xi32, #tpu.memory_space<smem>>
    %eq3A_1247 = arith.cmpi eq, %get3A_1246, %get3A_1178 : i32
    %jit3A_1248 = arith.constant 11 : i32
    %select_n3A_1249 = arith.select %eq3A_1247, %jit3A_1248, %select_n3A_1243 : i32
    %get3A_1250 = arith.constant 11 : index
    %get3A_1251 = arith.constant 1 : index
    %get3A_1252 = memref.load %arg10[%get3A_1250, %get3A_1251] : memref<32x2xi32, #tpu.memory_space<smem>>
    %eq3A_1253 = arith.cmpi eq, %get3A_1252, %get3A_1178 : i32
    %jit3A_1254 = arith.constant 12 : i32
    %select_n3A_1255 = arith.select %eq3A_1253, %jit3A_1254, %select_n3A_1249 : i32
    %get3A_1256 = arith.constant 12 : index
    %get3A_1257 = arith.constant 1 : index
    %get3A_1258 = memref.load %arg10[%get3A_1256, %get3A_1257] : memref<32x2xi32, #tpu.memory_space<smem>>
    %eq3A_1259 = arith.cmpi eq, %get3A_1258, %get3A_1178 : i32
    %jit3A_1260 = arith.constant 13 : i32
    %select_n3A_1261 = arith.select %eq3A_1259, %jit3A_1260, %select_n3A_1255 : i32
    %get3A_1262 = arith.constant 13 : index
    %get3A_1263 = arith.constant 1 : index
    %get3A_1264 = memref.load %arg10[%get3A_1262, %get3A_1263] : memref<32x2xi32, #tpu.memory_space<smem>>
    %eq3A_1265 = arith.cmpi eq, %get3A_1264, %get3A_1178 : i32
    %jit3A_1266 = arith.constant 14 : i32
    %select_n3A_1267 = arith.select %eq3A_1265, %jit3A_1266, %select_n3A_1261 : i32
    %get3A_1268 = arith.constant 14 : index
    %get3A_1269 = arith.constant 1 : index
    %get3A_1270 = memref.load %arg10[%get3A_1268, %get3A_1269] : memref<32x2xi32, #tpu.memory_space<smem>>
    %eq3A_1271 = arith.cmpi eq, %get3A_1270, %get3A_1178 : i32
    %jit3A_1272 = arith.constant 15 : i32
    %select_n3A_1273 = arith.select %eq3A_1271, %jit3A_1272, %select_n3A_1267 : i32
    %get3A_1274 = arith.constant 15 : index
    %get3A_1275 = arith.constant 1 : index
    %get3A_1276 = memref.load %arg10[%get3A_1274, %get3A_1275] : memref<32x2xi32, #tpu.memory_space<smem>>
    %eq3A_1277 = arith.cmpi eq, %get3A_1276, %get3A_1178 : i32
    %jit3A_1278 = arith.constant 16 : i32
    %select_n3A_1279 = arith.select %eq3A_1277, %jit3A_1278, %select_n3A_1273 : i32
    %get3A_1280 = arith.constant 16 : index
    %get3A_1281 = arith.constant 1 : index
    %get3A_1282 = memref.load %arg10[%get3A_1280, %get3A_1281] : memref<32x2xi32, #tpu.memory_space<smem>>
    %eq3A_1283 = arith.cmpi eq, %get3A_1282, %get3A_1178 : i32
    %jit3A_1284 = arith.constant 17 : i32
    %select_n3A_1285 = arith.select %eq3A_1283, %jit3A_1284, %select_n3A_1279 : i32
    %get3A_1286 = arith.constant 17 : index
    %get3A_1287 = arith.constant 1 : index
    %get3A_1288 = memref.load %arg10[%get3A_1286, %get3A_1287] : memref<32x2xi32, #tpu.memory_space<smem>>
    %eq3A_1289 = arith.cmpi eq, %get3A_1288, %get3A_1178 : i32
    %jit3A_1290 = arith.constant 18 : i32
    %select_n3A_1291 = arith.select %eq3A_1289, %jit3A_1290, %select_n3A_1285 : i32
    %gt3A_1292 = arith.constant 0 : i32
    %gt3A_1293 = arith.cmpi sgt, %select_n3A_1291, %gt3A_1292 : i32
    %convert_element_type3A_1294 = arith.extui %gt3A_1293 : i1 to i32
    %cond3A_1295 = arith.constant 0 : i32
    %cond3A_1296 = arith.cmpi ne, %convert_element_type3A_1294, %cond3A_1295 : i32
    scf.if %cond3A_1296 {
      %get3A_3437 = arith.index_cast %select_n3A_1291 : i32 to index
      %get3A_3438 = arith.constant 0 : index
      %get3A_3439 = vector.load %arg14[%get3A_3437, %get3A_3438] : memref<33x128xf32, #tpu.memory_space<vmem>>, vector<1x128xf32>
      %dot_general3A_3440 = arith.constant dense<0.000000e+00> : vector<1x256xf32>
      %dot_general3A_3441 = tpu.matmul %get3A_3439, %concatenate3A_31, %dot_general3A_3440 {dimension_numbers = #tpu.dot_dimension_numbers<[1], [1], [0], [0], [0, 0, 1, 0], [], []>, transpose_lhs_hint = false} : vector<1x128xf32>, vector<256x128xf32>, vector<1x256xf32> -> vector<1x256xf32>
      %slice3A_3442 = vector.extract_strided_slice %slice3A {offsets = [18, 0], sizes = [1, 128], strides = [1, 1]} : vector<32x128xf32> to vector<1x128xf32>
      %slice3A_3443 = vector.extract_strided_slice %dot_general3A_3441 {offsets = [0, 0], sizes = [1, 128], strides = [1, 1]} : vector<1x256xf32> to vector<1x128xf32>
      %add3A_3444 = arith.addf %slice3A_3442, %slice3A_3443 : vector<1x128xf32>
      %jit3A_3445 = arith.constant 0.000000e+00 : f32
      %jit3A_3446 = arith.constant 1.000000e+00 : f32
      %max3A_3447 = vector.broadcast %jit3A_3445 : f32 to vector<1x128xf32>
      %max3A_3448 = arith.maximumf %max3A_3447, %add3A_3444 : vector<1x128xf32>
      %min3A_3449 = vector.broadcast %jit3A_3446 : f32 to vector<1x128xf32>
      %min3A_3450 = arith.minimumf %min3A_3449, %max3A_3448 : vector<1x128xf32>
      %slice3A_3451 = vector.extract_strided_slice %slice3A_20 {offsets = [18, 0], sizes = [1, 128], strides = [1, 1]} : vector<32x128xf32> to vector<1x128xf32>
      %slice3A_3452 = vector.extract_strided_slice %dot_general3A_3441 {offsets = [0, 128], sizes = [1, 128], strides = [1, 1]} : vector<1x256xf32> to vector<1x128xf32>
      %add3A_3453 = arith.addf %slice3A_3451, %slice3A_3452 : vector<1x128xf32>
      %jit3A_3454 = arith.constant 0.000000e+00 : f32
      %jit3A_3455 = arith.constant 1.000000e+00 : f32
      %max3A_3456 = vector.broadcast %jit3A_3454 : f32 to vector<1x128xf32>
      %max3A_3457 = arith.maximumf %max3A_3456, %add3A_3453 : vector<1x128xf32>
      %min3A_3458 = vector.broadcast %jit3A_3455 : f32 to vector<1x128xf32>
      %min3A_3459 = arith.minimumf %min3A_3458, %max3A_3457 : vector<1x128xf32>
      %slice3A_3460 = vector.extract_strided_slice %slice3A_21 {offsets = [18, 0], sizes = [1, 128], strides = [1, 1]} : vector<32x128xf32> to vector<1x128xf32>
      %mul3A_3461 = arith.mulf %get3A_3439, %min3A_3459 : vector<1x128xf32>
      %dot_general3A_3462 = arith.constant dense<0.000000e+00> : vector<1x128xf32>
      %dot_general3A_3463 = tpu.matmul %mul3A_3461, %get3A_34, %dot_general3A_3462 {dimension_numbers = #tpu.dot_dimension_numbers<[1], [1], [0], [0], [0, 0, 1, 0], [], []>, transpose_lhs_hint = false} : vector<1x128xf32>, vector<128x128xf32>, vector<1x128xf32> -> vector<1x128xf32>
      %add3A_3464 = arith.addf %slice3A_3460, %dot_general3A_3463 : vector<1x128xf32>
      %tanh3A_3465 = math.tanh %add3A_3464 : vector<1x128xf32>
      %sub3A_3466 = arith.constant 1.000000e+00 : f32
      %sub3A_3467 = vector.broadcast %sub3A_3466 : f32 to vector<1x128xf32>
      %sub3A_3468 = arith.subf %sub3A_3467, %min3A_3450 : vector<1x128xf32>
      %mul3A_3469 = arith.mulf %sub3A_3468, %get3A_3439 : vector<1x128xf32>
      %mul3A_3470 = arith.mulf %min3A_3450, %tanh3A_3465 : vector<1x128xf32>
      %add3A_3471 = arith.addf %mul3A_3469, %mul3A_3470 : vector<1x128xf32>
      %swap3A_3472 = arith.constant 19 : index
      %swap3A_3473 = arith.constant 0 : index
      %swap3A_3474 = vector.load %arg14[%swap3A_3472, %swap3A_3473] : memref<33x128xf32, #tpu.memory_space<vmem>>, vector<1x128xf32>
      tpu.vector_store %arg14[%swap3A_3472, %swap3A_3473], %add3A_3471 {strides = array<i32>} : memref<33x128xf32, #tpu.memory_space<vmem>>, vector<1x128xf32>,
    } else {
    }
    %get3A_1297 = arith.constant 19 : index
    %get3A_1298 = arith.constant 0 : index
    %get3A_1299 = memref.load %arg10[%get3A_1297, %get3A_1298] : memref<32x2xi32, #tpu.memory_space<smem>>
    %get3A_1300 = arith.constant 0 : index
    %get3A_1301 = arith.constant 1 : index
    %get3A_1302 = memref.load %arg10[%get3A_1300, %get3A_1301] : memref<32x2xi32, #tpu.memory_space<smem>>
    %mul3A_1303 = arith.constant 0 : i32
    %mul3A_1304 = arith.muli %get3A_1302, %mul3A_1303 : i32
    %get3A_1305 = arith.constant 0 : index
    %get3A_1306 = arith.constant 1 : index
    %get3A_1307 = memref.load %arg10[%get3A_1305, %get3A_1306] : memref<32x2xi32, #tpu.memory_space<smem>>
    %eq3A_1308 = arith.cmpi eq, %get3A_1307, %get3A_1299 : i32
    %jit3A_1309 = arith.constant 1 : i32
    %select_n3A_1310 = arith.select %eq3A_1308, %jit3A_1309, %mul3A_1304 : i32
    %get3A_1311 = arith.constant 1 : index
    %get3A_1312 = arith.constant 1 : index
    %get3A_1313 = memref.load %arg10[%get3A_1311, %get3A_1312] : memref<32x2xi32, #tpu.memory_space<smem>>
    %eq3A_1314 = arith.cmpi eq, %get3A_1313, %get3A_1299 : i32
    %jit3A_1315 = arith.constant 2 : i32
    %select_n3A_1316 = arith.select %eq3A_1314, %jit3A_1315, %select_n3A_1310 : i32
    %get3A_1317 = arith.constant 2 : index
    %get3A_1318 = arith.constant 1 : index
    %get3A_1319 = memref.load %arg10[%get3A_1317, %get3A_1318] : memref<32x2xi32, #tpu.memory_space<smem>>
    %eq3A_1320 = arith.cmpi eq, %get3A_1319, %get3A_1299 : i32
    %jit3A_1321 = arith.constant 3 : i32
    %select_n3A_1322 = arith.select %eq3A_1320, %jit3A_1321, %select_n3A_1316 : i32
    %get3A_1323 = arith.constant 3 : index
    %get3A_1324 = arith.constant 1 : index
    %get3A_1325 = memref.load %arg10[%get3A_1323, %get3A_1324] : memref<32x2xi32, #tpu.memory_space<smem>>
    %eq3A_1326 = arith.cmpi eq, %get3A_1325, %get3A_1299 : i32
    %jit3A_1327 = arith.constant 4 : i32
    %select_n3A_1328 = arith.select %eq3A_1326, %jit3A_1327, %select_n3A_1322 : i32
    %get3A_1329 = arith.constant 4 : index
    %get3A_1330 = arith.constant 1 : index
    %get3A_1331 = memref.load %arg10[%get3A_1329, %get3A_1330] : memref<32x2xi32, #tpu.memory_space<smem>>
    %eq3A_1332 = arith.cmpi eq, %get3A_1331, %get3A_1299 : i32
    %jit3A_1333 = arith.constant 5 : i32
    %select_n3A_1334 = arith.select %eq3A_1332, %jit3A_1333, %select_n3A_1328 : i32
    %get3A_1335 = arith.constant 5 : index
    %get3A_1336 = arith.constant 1 : index
    %get3A_1337 = memref.load %arg10[%get3A_1335, %get3A_1336] : memref<32x2xi32, #tpu.memory_space<smem>>
    %eq3A_1338 = arith.cmpi eq, %get3A_1337, %get3A_1299 : i32
    %jit3A_1339 = arith.constant 6 : i32
    %select_n3A_1340 = arith.select %eq3A_1338, %jit3A_1339, %select_n3A_1334 : i32
    %get3A_1341 = arith.constant 6 : index
    %get3A_1342 = arith.constant 1 : index
    %get3A_1343 = memref.load %arg10[%get3A_1341, %get3A_1342] : memref<32x2xi32, #tpu.memory_space<smem>>
    %eq3A_1344 = arith.cmpi eq, %get3A_1343, %get3A_1299 : i32
    %jit3A_1345 = arith.constant 7 : i32
    %select_n3A_1346 = arith.select %eq3A_1344, %jit3A_1345, %select_n3A_1340 : i32
    %get3A_1347 = arith.constant 7 : index
    %get3A_1348 = arith.constant 1 : index
    %get3A_1349 = memref.load %arg10[%get3A_1347, %get3A_1348] : memref<32x2xi32, #tpu.memory_space<smem>>
    %eq3A_1350 = arith.cmpi eq, %get3A_1349, %get3A_1299 : i32
    %jit3A_1351 = arith.constant 8 : i32
    %select_n3A_1352 = arith.select %eq3A_1350, %jit3A_1351, %select_n3A_1346 : i32
    %get3A_1353 = arith.constant 8 : index
    %get3A_1354 = arith.constant 1 : index
    %get3A_1355 = memref.load %arg10[%get3A_1353, %get3A_1354] : memref<32x2xi32, #tpu.memory_space<smem>>
    %eq3A_1356 = arith.cmpi eq, %get3A_1355, %get3A_1299 : i32
    %jit3A_1357 = arith.constant 9 : i32
    %select_n3A_1358 = arith.select %eq3A_1356, %jit3A_1357, %select_n3A_1352 : i32
    %get3A_1359 = arith.constant 9 : index
    %get3A_1360 = arith.constant 1 : index
    %get3A_1361 = memref.load %arg10[%get3A_1359, %get3A_1360] : memref<32x2xi32, #tpu.memory_space<smem>>
    %eq3A_1362 = arith.cmpi eq, %get3A_1361, %get3A_1299 : i32
    %jit3A_1363 = arith.constant 10 : i32
    %select_n3A_1364 = arith.select %eq3A_1362, %jit3A_1363, %select_n3A_1358 : i32
    %get3A_1365 = arith.constant 10 : index
    %get3A_1366 = arith.constant 1 : index
    %get3A_1367 = memref.load %arg10[%get3A_1365, %get3A_1366] : memref<32x2xi32, #tpu.memory_space<smem>>
    %eq3A_1368 = arith.cmpi eq, %get3A_1367, %get3A_1299 : i32
    %jit3A_1369 = arith.constant 11 : i32
    %select_n3A_1370 = arith.select %eq3A_1368, %jit3A_1369, %select_n3A_1364 : i32
    %get3A_1371 = arith.constant 11 : index
    %get3A_1372 = arith.constant 1 : index
    %get3A_1373 = memref.load %arg10[%get3A_1371, %get3A_1372] : memref<32x2xi32, #tpu.memory_space<smem>>
    %eq3A_1374 = arith.cmpi eq, %get3A_1373, %get3A_1299 : i32
    %jit3A_1375 = arith.constant 12 : i32
    %select_n3A_1376 = arith.select %eq3A_1374, %jit3A_1375, %select_n3A_1370 : i32
    %get3A_1377 = arith.constant 12 : index
    %get3A_1378 = arith.constant 1 : index
    %get3A_1379 = memref.load %arg10[%get3A_1377, %get3A_1378] : memref<32x2xi32, #tpu.memory_space<smem>>
    %eq3A_1380 = arith.cmpi eq, %get3A_1379, %get3A_1299 : i32
    %jit3A_1381 = arith.constant 13 : i32
    %select_n3A_1382 = arith.select %eq3A_1380, %jit3A_1381, %select_n3A_1376 : i32
    %get3A_1383 = arith.constant 13 : index
    %get3A_1384 = arith.constant 1 : index
    %get3A_1385 = memref.load %arg10[%get3A_1383, %get3A_1384] : memref<32x2xi32, #tpu.memory_space<smem>>
    %eq3A_1386 = arith.cmpi eq, %get3A_1385, %get3A_1299 : i32
    %jit3A_1387 = arith.constant 14 : i32
    %select_n3A_1388 = arith.select %eq3A_1386, %jit3A_1387, %select_n3A_1382 : i32
    %get3A_1389 = arith.constant 14 : index
    %get3A_1390 = arith.constant 1 : index
    %get3A_1391 = memref.load %arg10[%get3A_1389, %get3A_1390] : memref<32x2xi32, #tpu.memory_space<smem>>
    %eq3A_1392 = arith.cmpi eq, %get3A_1391, %get3A_1299 : i32
    %jit3A_1393 = arith.constant 15 : i32
    %select_n3A_1394 = arith.select %eq3A_1392, %jit3A_1393, %select_n3A_1388 : i32
    %get3A_1395 = arith.constant 15 : index
    %get3A_1396 = arith.constant 1 : index
    %get3A_1397 = memref.load %arg10[%get3A_1395, %get3A_1396] : memref<32x2xi32, #tpu.memory_space<smem>>
    %eq3A_1398 = arith.cmpi eq, %get3A_1397, %get3A_1299 : i32
    %jit3A_1399 = arith.constant 16 : i32
    %select_n3A_1400 = arith.select %eq3A_1398, %jit3A_1399, %select_n3A_1394 : i32
    %get3A_1401 = arith.constant 16 : index
    %get3A_1402 = arith.constant 1 : index
    %get3A_1403 = memref.load %arg10[%get3A_1401, %get3A_1402] : memref<32x2xi32, #tpu.memory_space<smem>>
    %eq3A_1404 = arith.cmpi eq, %get3A_1403, %get3A_1299 : i32
    %jit3A_1405 = arith.constant 17 : i32
    %select_n3A_1406 = arith.select %eq3A_1404, %jit3A_1405, %select_n3A_1400 : i32
    %get3A_1407 = arith.constant 17 : index
    %get3A_1408 = arith.constant 1 : index
    %get3A_1409 = memref.load %arg10[%get3A_1407, %get3A_1408] : memref<32x2xi32, #tpu.memory_space<smem>>
    %eq3A_1410 = arith.cmpi eq, %get3A_1409, %get3A_1299 : i32
    %jit3A_1411 = arith.constant 18 : i32
    %select_n3A_1412 = arith.select %eq3A_1410, %jit3A_1411, %select_n3A_1406 : i32
    %get3A_1413 = arith.constant 18 : index
    %get3A_1414 = arith.constant 1 : index
    %get3A_1415 = memref.load %arg10[%get3A_1413, %get3A_1414] : memref<32x2xi32, #tpu.memory_space<smem>>
    %eq3A_1416 = arith.cmpi eq, %get3A_1415, %get3A_1299 : i32
    %jit3A_1417 = arith.constant 19 : i32
    %select_n3A_1418 = arith.select %eq3A_1416, %jit3A_1417, %select_n3A_1412 : i32
    %gt3A_1419 = arith.constant 0 : i32
    %gt3A_1420 = arith.cmpi sgt, %select_n3A_1418, %gt3A_1419 : i32
    %convert_element_type3A_1421 = arith.extui %gt3A_1420 : i1 to i32
    %cond3A_1422 = arith.constant 0 : i32
    %cond3A_1423 = arith.cmpi ne, %convert_element_type3A_1421, %cond3A_1422 : i32
    scf.if %cond3A_1423 {
      %get3A_3437 = arith.index_cast %select_n3A_1418 : i32 to index
      %get3A_3438 = arith.constant 0 : index
      %get3A_3439 = vector.load %arg14[%get3A_3437, %get3A_3438] : memref<33x128xf32, #tpu.memory_space<vmem>>, vector<1x128xf32>
      %dot_general3A_3440 = arith.constant dense<0.000000e+00> : vector<1x256xf32>
      %dot_general3A_3441 = tpu.matmul %get3A_3439, %concatenate3A_31, %dot_general3A_3440 {dimension_numbers = #tpu.dot_dimension_numbers<[1], [1], [0], [0], [0, 0, 1, 0], [], []>, transpose_lhs_hint = false} : vector<1x128xf32>, vector<256x128xf32>, vector<1x256xf32> -> vector<1x256xf32>
      %slice3A_3442 = vector.extract_strided_slice %slice3A {offsets = [19, 0], sizes = [1, 128], strides = [1, 1]} : vector<32x128xf32> to vector<1x128xf32>
      %slice3A_3443 = vector.extract_strided_slice %dot_general3A_3441 {offsets = [0, 0], sizes = [1, 128], strides = [1, 1]} : vector<1x256xf32> to vector<1x128xf32>
      %add3A_3444 = arith.addf %slice3A_3442, %slice3A_3443 : vector<1x128xf32>
      %jit3A_3445 = arith.constant 0.000000e+00 : f32
      %jit3A_3446 = arith.constant 1.000000e+00 : f32
      %max3A_3447 = vector.broadcast %jit3A_3445 : f32 to vector<1x128xf32>
      %max3A_3448 = arith.maximumf %max3A_3447, %add3A_3444 : vector<1x128xf32>
      %min3A_3449 = vector.broadcast %jit3A_3446 : f32 to vector<1x128xf32>
      %min3A_3450 = arith.minimumf %min3A_3449, %max3A_3448 : vector<1x128xf32>
      %slice3A_3451 = vector.extract_strided_slice %slice3A_20 {offsets = [19, 0], sizes = [1, 128], strides = [1, 1]} : vector<32x128xf32> to vector<1x128xf32>
      %slice3A_3452 = vector.extract_strided_slice %dot_general3A_3441 {offsets = [0, 128], sizes = [1, 128], strides = [1, 1]} : vector<1x256xf32> to vector<1x128xf32>
      %add3A_3453 = arith.addf %slice3A_3451, %slice3A_3452 : vector<1x128xf32>
      %jit3A_3454 = arith.constant 0.000000e+00 : f32
      %jit3A_3455 = arith.constant 1.000000e+00 : f32
      %max3A_3456 = vector.broadcast %jit3A_3454 : f32 to vector<1x128xf32>
      %max3A_3457 = arith.maximumf %max3A_3456, %add3A_3453 : vector<1x128xf32>
      %min3A_3458 = vector.broadcast %jit3A_3455 : f32 to vector<1x128xf32>
      %min3A_3459 = arith.minimumf %min3A_3458, %max3A_3457 : vector<1x128xf32>
      %slice3A_3460 = vector.extract_strided_slice %slice3A_21 {offsets = [19, 0], sizes = [1, 128], strides = [1, 1]} : vector<32x128xf32> to vector<1x128xf32>
      %mul3A_3461 = arith.mulf %get3A_3439, %min3A_3459 : vector<1x128xf32>
      %dot_general3A_3462 = arith.constant dense<0.000000e+00> : vector<1x128xf32>
      %dot_general3A_3463 = tpu.matmul %mul3A_3461, %get3A_34, %dot_general3A_3462 {dimension_numbers = #tpu.dot_dimension_numbers<[1], [1], [0], [0], [0, 0, 1, 0], [], []>, transpose_lhs_hint = false} : vector<1x128xf32>, vector<128x128xf32>, vector<1x128xf32> -> vector<1x128xf32>
      %add3A_3464 = arith.addf %slice3A_3460, %dot_general3A_3463 : vector<1x128xf32>
      %tanh3A_3465 = math.tanh %add3A_3464 : vector<1x128xf32>
      %sub3A_3466 = arith.constant 1.000000e+00 : f32
      %sub3A_3467 = vector.broadcast %sub3A_3466 : f32 to vector<1x128xf32>
      %sub3A_3468 = arith.subf %sub3A_3467, %min3A_3450 : vector<1x128xf32>
      %mul3A_3469 = arith.mulf %sub3A_3468, %get3A_3439 : vector<1x128xf32>
      %mul3A_3470 = arith.mulf %min3A_3450, %tanh3A_3465 : vector<1x128xf32>
      %add3A_3471 = arith.addf %mul3A_3469, %mul3A_3470 : vector<1x128xf32>
      %swap3A_3472 = arith.constant 20 : index
      %swap3A_3473 = arith.constant 0 : index
      %swap3A_3474 = vector.load %arg14[%swap3A_3472, %swap3A_3473] : memref<33x128xf32, #tpu.memory_space<vmem>>, vector<1x128xf32>
      tpu.vector_store %arg14[%swap3A_3472, %swap3A_3473], %add3A_3471 {strides = array<i32>} : memref<33x128xf32, #tpu.memory_space<vmem>>, vector<1x128xf32>,
    } else {
    }
    %get3A_1424 = arith.constant 20 : index
    %get3A_1425 = arith.constant 0 : index
    %get3A_1426 = memref.load %arg10[%get3A_1424, %get3A_1425] : memref<32x2xi32, #tpu.memory_space<smem>>
    %get3A_1427 = arith.constant 0 : index
    %get3A_1428 = arith.constant 1 : index
    %get3A_1429 = memref.load %arg10[%get3A_1427, %get3A_1428] : memref<32x2xi32, #tpu.memory_space<smem>>
    %mul3A_1430 = arith.constant 0 : i32
    %mul3A_1431 = arith.muli %get3A_1429, %mul3A_1430 : i32
    %get3A_1432 = arith.constant 0 : index
    %get3A_1433 = arith.constant 1 : index
    %get3A_1434 = memref.load %arg10[%get3A_1432, %get3A_1433] : memref<32x2xi32, #tpu.memory_space<smem>>
    %eq3A_1435 = arith.cmpi eq, %get3A_1434, %get3A_1426 : i32
    %jit3A_1436 = arith.constant 1 : i32
    %select_n3A_1437 = arith.select %eq3A_1435, %jit3A_1436, %mul3A_1431 : i32
    %get3A_1438 = arith.constant 1 : index
    %get3A_1439 = arith.constant 1 : index
    %get3A_1440 = memref.load %arg10[%get3A_1438, %get3A_1439] : memref<32x2xi32, #tpu.memory_space<smem>>
    %eq3A_1441 = arith.cmpi eq, %get3A_1440, %get3A_1426 : i32
    %jit3A_1442 = arith.constant 2 : i32
    %select_n3A_1443 = arith.select %eq3A_1441, %jit3A_1442, %select_n3A_1437 : i32
    %get3A_1444 = arith.constant 2 : index
    %get3A_1445 = arith.constant 1 : index
    %get3A_1446 = memref.load %arg10[%get3A_1444, %get3A_1445] : memref<32x2xi32, #tpu.memory_space<smem>>
    %eq3A_1447 = arith.cmpi eq, %get3A_1446, %get3A_1426 : i32
    %jit3A_1448 = arith.constant 3 : i32
    %select_n3A_1449 = arith.select %eq3A_1447, %jit3A_1448, %select_n3A_1443 : i32
    %get3A_1450 = arith.constant 3 : index
    %get3A_1451 = arith.constant 1 : index
    %get3A_1452 = memref.load %arg10[%get3A_1450, %get3A_1451] : memref<32x2xi32, #tpu.memory_space<smem>>
    %eq3A_1453 = arith.cmpi eq, %get3A_1452, %get3A_1426 : i32
    %jit3A_1454 = arith.constant 4 : i32
    %select_n3A_1455 = arith.select %eq3A_1453, %jit3A_1454, %select_n3A_1449 : i32
    %get3A_1456 = arith.constant 4 : index
    %get3A_1457 = arith.constant 1 : index
    %get3A_1458 = memref.load %arg10[%get3A_1456, %get3A_1457] : memref<32x2xi32, #tpu.memory_space<smem>>
    %eq3A_1459 = arith.cmpi eq, %get3A_1458, %get3A_1426 : i32
    %jit3A_1460 = arith.constant 5 : i32
    %select_n3A_1461 = arith.select %eq3A_1459, %jit3A_1460, %select_n3A_1455 : i32
    %get3A_1462 = arith.constant 5 : index
    %get3A_1463 = arith.constant 1 : index
    %get3A_1464 = memref.load %arg10[%get3A_1462, %get3A_1463] : memref<32x2xi32, #tpu.memory_space<smem>>
    %eq3A_1465 = arith.cmpi eq, %get3A_1464, %get3A_1426 : i32
    %jit3A_1466 = arith.constant 6 : i32
    %select_n3A_1467 = arith.select %eq3A_1465, %jit3A_1466, %select_n3A_1461 : i32
    %get3A_1468 = arith.constant 6 : index
    %get3A_1469 = arith.constant 1 : index
    %get3A_1470 = memref.load %arg10[%get3A_1468, %get3A_1469] : memref<32x2xi32, #tpu.memory_space<smem>>
    %eq3A_1471 = arith.cmpi eq, %get3A_1470, %get3A_1426 : i32
    %jit3A_1472 = arith.constant 7 : i32
    %select_n3A_1473 = arith.select %eq3A_1471, %jit3A_1472, %select_n3A_1467 : i32
    %get3A_1474 = arith.constant 7 : index
    %get3A_1475 = arith.constant 1 : index
    %get3A_1476 = memref.load %arg10[%get3A_1474, %get3A_1475] : memref<32x2xi32, #tpu.memory_space<smem>>
    %eq3A_1477 = arith.cmpi eq, %get3A_1476, %get3A_1426 : i32
    %jit3A_1478 = arith.constant 8 : i32
    %select_n3A_1479 = arith.select %eq3A_1477, %jit3A_1478, %select_n3A_1473 : i32
    %get3A_1480 = arith.constant 8 : index
    %get3A_1481 = arith.constant 1 : index
    %get3A_1482 = memref.load %arg10[%get3A_1480, %get3A_1481] : memref<32x2xi32, #tpu.memory_space<smem>>
    %eq3A_1483 = arith.cmpi eq, %get3A_1482, %get3A_1426 : i32
    %jit3A_1484 = arith.constant 9 : i32
    %select_n3A_1485 = arith.select %eq3A_1483, %jit3A_1484, %select_n3A_1479 : i32
    %get3A_1486 = arith.constant 9 : index
    %get3A_1487 = arith.constant 1 : index
    %get3A_1488 = memref.load %arg10[%get3A_1486, %get3A_1487] : memref<32x2xi32, #tpu.memory_space<smem>>
    %eq3A_1489 = arith.cmpi eq, %get3A_1488, %get3A_1426 : i32
    %jit3A_1490 = arith.constant 10 : i32
    %select_n3A_1491 = arith.select %eq3A_1489, %jit3A_1490, %select_n3A_1485 : i32
    %get3A_1492 = arith.constant 10 : index
    %get3A_1493 = arith.constant 1 : index
    %get3A_1494 = memref.load %arg10[%get3A_1492, %get3A_1493] : memref<32x2xi32, #tpu.memory_space<smem>>
    %eq3A_1495 = arith.cmpi eq, %get3A_1494, %get3A_1426 : i32
    %jit3A_1496 = arith.constant 11 : i32
    %select_n3A_1497 = arith.select %eq3A_1495, %jit3A_1496, %select_n3A_1491 : i32
    %get3A_1498 = arith.constant 11 : index
    %get3A_1499 = arith.constant 1 : index
    %get3A_1500 = memref.load %arg10[%get3A_1498, %get3A_1499] : memref<32x2xi32, #tpu.memory_space<smem>>
    %eq3A_1501 = arith.cmpi eq, %get3A_1500, %get3A_1426 : i32
    %jit3A_1502 = arith.constant 12 : i32
    %select_n3A_1503 = arith.select %eq3A_1501, %jit3A_1502, %select_n3A_1497 : i32
    %get3A_1504 = arith.constant 12 : index
    %get3A_1505 = arith.constant 1 : index
    %get3A_1506 = memref.load %arg10[%get3A_1504, %get3A_1505] : memref<32x2xi32, #tpu.memory_space<smem>>
    %eq3A_1507 = arith.cmpi eq, %get3A_1506, %get3A_1426 : i32
    %jit3A_1508 = arith.constant 13 : i32
    %select_n3A_1509 = arith.select %eq3A_1507, %jit3A_1508, %select_n3A_1503 : i32
    %get3A_1510 = arith.constant 13 : index
    %get3A_1511 = arith.constant 1 : index
    %get3A_1512 = memref.load %arg10[%get3A_1510, %get3A_1511] : memref<32x2xi32, #tpu.memory_space<smem>>
    %eq3A_1513 = arith.cmpi eq, %get3A_1512, %get3A_1426 : i32
    %jit3A_1514 = arith.constant 14 : i32
    %select_n3A_1515 = arith.select %eq3A_1513, %jit3A_1514, %select_n3A_1509 : i32
    %get3A_1516 = arith.constant 14 : index
    %get3A_1517 = arith.constant 1 : index
    %get3A_1518 = memref.load %arg10[%get3A_1516, %get3A_1517] : memref<32x2xi32, #tpu.memory_space<smem>>
    %eq3A_1519 = arith.cmpi eq, %get3A_1518, %get3A_1426 : i32
    %jit3A_1520 = arith.constant 15 : i32
    %select_n3A_1521 = arith.select %eq3A_1519, %jit3A_1520, %select_n3A_1515 : i32
    %get3A_1522 = arith.constant 15 : index
    %get3A_1523 = arith.constant 1 : index
    %get3A_1524 = memref.load %arg10[%get3A_1522, %get3A_1523] : memref<32x2xi32, #tpu.memory_space<smem>>
    %eq3A_1525 = arith.cmpi eq, %get3A_1524, %get3A_1426 : i32
    %jit3A_1526 = arith.constant 16 : i32
    %select_n3A_1527 = arith.select %eq3A_1525, %jit3A_1526, %select_n3A_1521 : i32
    %get3A_1528 = arith.constant 16 : index
    %get3A_1529 = arith.constant 1 : index
    %get3A_1530 = memref.load %arg10[%get3A_1528, %get3A_1529] : memref<32x2xi32, #tpu.memory_space<smem>>
    %eq3A_1531 = arith.cmpi eq, %get3A_1530, %get3A_1426 : i32
    %jit3A_1532 = arith.constant 17 : i32
    %select_n3A_1533 = arith.select %eq3A_1531, %jit3A_1532, %select_n3A_1527 : i32
    %get3A_1534 = arith.constant 17 : index
    %get3A_1535 = arith.constant 1 : index
    %get3A_1536 = memref.load %arg10[%get3A_1534, %get3A_1535] : memref<32x2xi32, #tpu.memory_space<smem>>
    %eq3A_1537 = arith.cmpi eq, %get3A_1536, %get3A_1426 : i32
    %jit3A_1538 = arith.constant 18 : i32
    %select_n3A_1539 = arith.select %eq3A_1537, %jit3A_1538, %select_n3A_1533 : i32
    %get3A_1540 = arith.constant 18 : index
    %get3A_1541 = arith.constant 1 : index
    %get3A_1542 = memref.load %arg10[%get3A_1540, %get3A_1541] : memref<32x2xi32, #tpu.memory_space<smem>>
    %eq3A_1543 = arith.cmpi eq, %get3A_1542, %get3A_1426 : i32
    %jit3A_1544 = arith.constant 19 : i32
    %select_n3A_1545 = arith.select %eq3A_1543, %jit3A_1544, %select_n3A_1539 : i32
    %get3A_1546 = arith.constant 19 : index
    %get3A_1547 = arith.constant 1 : index
    %get3A_1548 = memref.load %arg10[%get3A_1546, %get3A_1547] : memref<32x2xi32, #tpu.memory_space<smem>>
    %eq3A_1549 = arith.cmpi eq, %get3A_1548, %get3A_1426 : i32
    %jit3A_1550 = arith.constant 20 : i32
    %select_n3A_1551 = arith.select %eq3A_1549, %jit3A_1550, %select_n3A_1545 : i32
    %gt3A_1552 = arith.constant 0 : i32
    %gt3A_1553 = arith.cmpi sgt, %select_n3A_1551, %gt3A_1552 : i32
    %convert_element_type3A_1554 = arith.extui %gt3A_1553 : i1 to i32
    %cond3A_1555 = arith.constant 0 : i32
    %cond3A_1556 = arith.cmpi ne, %convert_element_type3A_1554, %cond3A_1555 : i32
    scf.if %cond3A_1556 {
      %get3A_3437 = arith.index_cast %select_n3A_1551 : i32 to index
      %get3A_3438 = arith.constant 0 : index
      %get3A_3439 = vector.load %arg14[%get3A_3437, %get3A_3438] : memref<33x128xf32, #tpu.memory_space<vmem>>, vector<1x128xf32>
      %dot_general3A_3440 = arith.constant dense<0.000000e+00> : vector<1x256xf32>
      %dot_general3A_3441 = tpu.matmul %get3A_3439, %concatenate3A_31, %dot_general3A_3440 {dimension_numbers = #tpu.dot_dimension_numbers<[1], [1], [0], [0], [0, 0, 1, 0], [], []>, transpose_lhs_hint = false} : vector<1x128xf32>, vector<256x128xf32>, vector<1x256xf32> -> vector<1x256xf32>
      %slice3A_3442 = vector.extract_strided_slice %slice3A {offsets = [20, 0], sizes = [1, 128], strides = [1, 1]} : vector<32x128xf32> to vector<1x128xf32>
      %slice3A_3443 = vector.extract_strided_slice %dot_general3A_3441 {offsets = [0, 0], sizes = [1, 128], strides = [1, 1]} : vector<1x256xf32> to vector<1x128xf32>
      %add3A_3444 = arith.addf %slice3A_3442, %slice3A_3443 : vector<1x128xf32>
      %jit3A_3445 = arith.constant 0.000000e+00 : f32
      %jit3A_3446 = arith.constant 1.000000e+00 : f32
      %max3A_3447 = vector.broadcast %jit3A_3445 : f32 to vector<1x128xf32>
      %max3A_3448 = arith.maximumf %max3A_3447, %add3A_3444 : vector<1x128xf32>
      %min3A_3449 = vector.broadcast %jit3A_3446 : f32 to vector<1x128xf32>
      %min3A_3450 = arith.minimumf %min3A_3449, %max3A_3448 : vector<1x128xf32>
      %slice3A_3451 = vector.extract_strided_slice %slice3A_20 {offsets = [20, 0], sizes = [1, 128], strides = [1, 1]} : vector<32x128xf32> to vector<1x128xf32>
      %slice3A_3452 = vector.extract_strided_slice %dot_general3A_3441 {offsets = [0, 128], sizes = [1, 128], strides = [1, 1]} : vector<1x256xf32> to vector<1x128xf32>
      %add3A_3453 = arith.addf %slice3A_3451, %slice3A_3452 : vector<1x128xf32>
      %jit3A_3454 = arith.constant 0.000000e+00 : f32
      %jit3A_3455 = arith.constant 1.000000e+00 : f32
      %max3A_3456 = vector.broadcast %jit3A_3454 : f32 to vector<1x128xf32>
      %max3A_3457 = arith.maximumf %max3A_3456, %add3A_3453 : vector<1x128xf32>
      %min3A_3458 = vector.broadcast %jit3A_3455 : f32 to vector<1x128xf32>
      %min3A_3459 = arith.minimumf %min3A_3458, %max3A_3457 : vector<1x128xf32>
      %slice3A_3460 = vector.extract_strided_slice %slice3A_21 {offsets = [20, 0], sizes = [1, 128], strides = [1, 1]} : vector<32x128xf32> to vector<1x128xf32>
      %mul3A_3461 = arith.mulf %get3A_3439, %min3A_3459 : vector<1x128xf32>
      %dot_general3A_3462 = arith.constant dense<0.000000e+00> : vector<1x128xf32>
      %dot_general3A_3463 = tpu.matmul %mul3A_3461, %get3A_34, %dot_general3A_3462 {dimension_numbers = #tpu.dot_dimension_numbers<[1], [1], [0], [0], [0, 0, 1, 0], [], []>, transpose_lhs_hint = false} : vector<1x128xf32>, vector<128x128xf32>, vector<1x128xf32> -> vector<1x128xf32>
      %add3A_3464 = arith.addf %slice3A_3460, %dot_general3A_3463 : vector<1x128xf32>
      %tanh3A_3465 = math.tanh %add3A_3464 : vector<1x128xf32>
      %sub3A_3466 = arith.constant 1.000000e+00 : f32
      %sub3A_3467 = vector.broadcast %sub3A_3466 : f32 to vector<1x128xf32>
      %sub3A_3468 = arith.subf %sub3A_3467, %min3A_3450 : vector<1x128xf32>
      %mul3A_3469 = arith.mulf %sub3A_3468, %get3A_3439 : vector<1x128xf32>
      %mul3A_3470 = arith.mulf %min3A_3450, %tanh3A_3465 : vector<1x128xf32>
      %add3A_3471 = arith.addf %mul3A_3469, %mul3A_3470 : vector<1x128xf32>
      %swap3A_3472 = arith.constant 21 : index
      %swap3A_3473 = arith.constant 0 : index
      %swap3A_3474 = vector.load %arg14[%swap3A_3472, %swap3A_3473] : memref<33x128xf32, #tpu.memory_space<vmem>>, vector<1x128xf32>
      tpu.vector_store %arg14[%swap3A_3472, %swap3A_3473], %add3A_3471 {strides = array<i32>} : memref<33x128xf32, #tpu.memory_space<vmem>>, vector<1x128xf32>,
    } else {
    }
    %get3A_1557 = arith.constant 21 : index
    %get3A_1558 = arith.constant 0 : index
    %get3A_1559 = memref.load %arg10[%get3A_1557, %get3A_1558] : memref<32x2xi32, #tpu.memory_space<smem>>
    %get3A_1560 = arith.constant 0 : index
    %get3A_1561 = arith.constant 1 : index
    %get3A_1562 = memref.load %arg10[%get3A_1560, %get3A_1561] : memref<32x2xi32, #tpu.memory_space<smem>>
    %mul3A_1563 = arith.constant 0 : i32
    %mul3A_1564 = arith.muli %get3A_1562, %mul3A_1563 : i32
    %get3A_1565 = arith.constant 0 : index
    %get3A_1566 = arith.constant 1 : index
    %get3A_1567 = memref.load %arg10[%get3A_1565, %get3A_1566] : memref<32x2xi32, #tpu.memory_space<smem>>
    %eq3A_1568 = arith.cmpi eq, %get3A_1567, %get3A_1559 : i32
    %jit3A_1569 = arith.constant 1 : i32
    %select_n3A_1570 = arith.select %eq3A_1568, %jit3A_1569, %mul3A_1564 : i32
    %get3A_1571 = arith.constant 1 : index
    %get3A_1572 = arith.constant 1 : index
    %get3A_1573 = memref.load %arg10[%get3A_1571, %get3A_1572] : memref<32x2xi32, #tpu.memory_space<smem>>
    %eq3A_1574 = arith.cmpi eq, %get3A_1573, %get3A_1559 : i32
    %jit3A_1575 = arith.constant 2 : i32
    %select_n3A_1576 = arith.select %eq3A_1574, %jit3A_1575, %select_n3A_1570 : i32
    %get3A_1577 = arith.constant 2 : index
    %get3A_1578 = arith.constant 1 : index
    %get3A_1579 = memref.load %arg10[%get3A_1577, %get3A_1578] : memref<32x2xi32, #tpu.memory_space<smem>>
    %eq3A_1580 = arith.cmpi eq, %get3A_1579, %get3A_1559 : i32
    %jit3A_1581 = arith.constant 3 : i32
    %select_n3A_1582 = arith.select %eq3A_1580, %jit3A_1581, %select_n3A_1576 : i32
    %get3A_1583 = arith.constant 3 : index
    %get3A_1584 = arith.constant 1 : index
    %get3A_1585 = memref.load %arg10[%get3A_1583, %get3A_1584] : memref<32x2xi32, #tpu.memory_space<smem>>
    %eq3A_1586 = arith.cmpi eq, %get3A_1585, %get3A_1559 : i32
    %jit3A_1587 = arith.constant 4 : i32
    %select_n3A_1588 = arith.select %eq3A_1586, %jit3A_1587, %select_n3A_1582 : i32
    %get3A_1589 = arith.constant 4 : index
    %get3A_1590 = arith.constant 1 : index
    %get3A_1591 = memref.load %arg10[%get3A_1589, %get3A_1590] : memref<32x2xi32, #tpu.memory_space<smem>>
    %eq3A_1592 = arith.cmpi eq, %get3A_1591, %get3A_1559 : i32
    %jit3A_1593 = arith.constant 5 : i32
    %select_n3A_1594 = arith.select %eq3A_1592, %jit3A_1593, %select_n3A_1588 : i32
    %get3A_1595 = arith.constant 5 : index
    %get3A_1596 = arith.constant 1 : index
    %get3A_1597 = memref.load %arg10[%get3A_1595, %get3A_1596] : memref<32x2xi32, #tpu.memory_space<smem>>
    %eq3A_1598 = arith.cmpi eq, %get3A_1597, %get3A_1559 : i32
    %jit3A_1599 = arith.constant 6 : i32
    %select_n3A_1600 = arith.select %eq3A_1598, %jit3A_1599, %select_n3A_1594 : i32
    %get3A_1601 = arith.constant 6 : index
    %get3A_1602 = arith.constant 1 : index
    %get3A_1603 = memref.load %arg10[%get3A_1601, %get3A_1602] : memref<32x2xi32, #tpu.memory_space<smem>>
    %eq3A_1604 = arith.cmpi eq, %get3A_1603, %get3A_1559 : i32
    %jit3A_1605 = arith.constant 7 : i32
    %select_n3A_1606 = arith.select %eq3A_1604, %jit3A_1605, %select_n3A_1600 : i32
    %get3A_1607 = arith.constant 7 : index
    %get3A_1608 = arith.constant 1 : index
    %get3A_1609 = memref.load %arg10[%get3A_1607, %get3A_1608] : memref<32x2xi32, #tpu.memory_space<smem>>
    %eq3A_1610 = arith.cmpi eq, %get3A_1609, %get3A_1559 : i32
    %jit3A_1611 = arith.constant 8 : i32
    %select_n3A_1612 = arith.select %eq3A_1610, %jit3A_1611, %select_n3A_1606 : i32
    %get3A_1613 = arith.constant 8 : index
    %get3A_1614 = arith.constant 1 : index
    %get3A_1615 = memref.load %arg10[%get3A_1613, %get3A_1614] : memref<32x2xi32, #tpu.memory_space<smem>>
    %eq3A_1616 = arith.cmpi eq, %get3A_1615, %get3A_1559 : i32
    %jit3A_1617 = arith.constant 9 : i32
    %select_n3A_1618 = arith.select %eq3A_1616, %jit3A_1617, %select_n3A_1612 : i32
    %get3A_1619 = arith.constant 9 : index
    %get3A_1620 = arith.constant 1 : index
    %get3A_1621 = memref.load %arg10[%get3A_1619, %get3A_1620] : memref<32x2xi32, #tpu.memory_space<smem>>
    %eq3A_1622 = arith.cmpi eq, %get3A_1621, %get3A_1559 : i32
    %jit3A_1623 = arith.constant 10 : i32
    %select_n3A_1624 = arith.select %eq3A_1622, %jit3A_1623, %select_n3A_1618 : i32
    %get3A_1625 = arith.constant 10 : index
    %get3A_1626 = arith.constant 1 : index
    %get3A_1627 = memref.load %arg10[%get3A_1625, %get3A_1626] : memref<32x2xi32, #tpu.memory_space<smem>>
    %eq3A_1628 = arith.cmpi eq, %get3A_1627, %get3A_1559 : i32
    %jit3A_1629 = arith.constant 11 : i32
    %select_n3A_1630 = arith.select %eq3A_1628, %jit3A_1629, %select_n3A_1624 : i32
    %get3A_1631 = arith.constant 11 : index
    %get3A_1632 = arith.constant 1 : index
    %get3A_1633 = memref.load %arg10[%get3A_1631, %get3A_1632] : memref<32x2xi32, #tpu.memory_space<smem>>
    %eq3A_1634 = arith.cmpi eq, %get3A_1633, %get3A_1559 : i32
    %jit3A_1635 = arith.constant 12 : i32
    %select_n3A_1636 = arith.select %eq3A_1634, %jit3A_1635, %select_n3A_1630 : i32
    %get3A_1637 = arith.constant 12 : index
    %get3A_1638 = arith.constant 1 : index
    %get3A_1639 = memref.load %arg10[%get3A_1637, %get3A_1638] : memref<32x2xi32, #tpu.memory_space<smem>>
    %eq3A_1640 = arith.cmpi eq, %get3A_1639, %get3A_1559 : i32
    %jit3A_1641 = arith.constant 13 : i32
    %select_n3A_1642 = arith.select %eq3A_1640, %jit3A_1641, %select_n3A_1636 : i32
    %get3A_1643 = arith.constant 13 : index
    %get3A_1644 = arith.constant 1 : index
    %get3A_1645 = memref.load %arg10[%get3A_1643, %get3A_1644] : memref<32x2xi32, #tpu.memory_space<smem>>
    %eq3A_1646 = arith.cmpi eq, %get3A_1645, %get3A_1559 : i32
    %jit3A_1647 = arith.constant 14 : i32
    %select_n3A_1648 = arith.select %eq3A_1646, %jit3A_1647, %select_n3A_1642 : i32
    %get3A_1649 = arith.constant 14 : index
    %get3A_1650 = arith.constant 1 : index
    %get3A_1651 = memref.load %arg10[%get3A_1649, %get3A_1650] : memref<32x2xi32, #tpu.memory_space<smem>>
    %eq3A_1652 = arith.cmpi eq, %get3A_1651, %get3A_1559 : i32
    %jit3A_1653 = arith.constant 15 : i32
    %select_n3A_1654 = arith.select %eq3A_1652, %jit3A_1653, %select_n3A_1648 : i32
    %get3A_1655 = arith.constant 15 : index
    %get3A_1656 = arith.constant 1 : index
    %get3A_1657 = memref.load %arg10[%get3A_1655, %get3A_1656] : memref<32x2xi32, #tpu.memory_space<smem>>
    %eq3A_1658 = arith.cmpi eq, %get3A_1657, %get3A_1559 : i32
    %jit3A_1659 = arith.constant 16 : i32
    %select_n3A_1660 = arith.select %eq3A_1658, %jit3A_1659, %select_n3A_1654 : i32
    %get3A_1661 = arith.constant 16 : index
    %get3A_1662 = arith.constant 1 : index
    %get3A_1663 = memref.load %arg10[%get3A_1661, %get3A_1662] : memref<32x2xi32, #tpu.memory_space<smem>>
    %eq3A_1664 = arith.cmpi eq, %get3A_1663, %get3A_1559 : i32
    %jit3A_1665 = arith.constant 17 : i32
    %select_n3A_1666 = arith.select %eq3A_1664, %jit3A_1665, %select_n3A_1660 : i32
    %get3A_1667 = arith.constant 17 : index
    %get3A_1668 = arith.constant 1 : index
    %get3A_1669 = memref.load %arg10[%get3A_1667, %get3A_1668] : memref<32x2xi32, #tpu.memory_space<smem>>
    %eq3A_1670 = arith.cmpi eq, %get3A_1669, %get3A_1559 : i32
    %jit3A_1671 = arith.constant 18 : i32
    %select_n3A_1672 = arith.select %eq3A_1670, %jit3A_1671, %select_n3A_1666 : i32
    %get3A_1673 = arith.constant 18 : index
    %get3A_1674 = arith.constant 1 : index
    %get3A_1675 = memref.load %arg10[%get3A_1673, %get3A_1674] : memref<32x2xi32, #tpu.memory_space<smem>>
    %eq3A_1676 = arith.cmpi eq, %get3A_1675, %get3A_1559 : i32
    %jit3A_1677 = arith.constant 19 : i32
    %select_n3A_1678 = arith.select %eq3A_1676, %jit3A_1677, %select_n3A_1672 : i32
    %get3A_1679 = arith.constant 19 : index
    %get3A_1680 = arith.constant 1 : index
    %get3A_1681 = memref.load %arg10[%get3A_1679, %get3A_1680] : memref<32x2xi32, #tpu.memory_space<smem>>
    %eq3A_1682 = arith.cmpi eq, %get3A_1681, %get3A_1559 : i32
    %jit3A_1683 = arith.constant 20 : i32
    %select_n3A_1684 = arith.select %eq3A_1682, %jit3A_1683, %select_n3A_1678 : i32
    %get3A_1685 = arith.constant 20 : index
    %get3A_1686 = arith.constant 1 : index
    %get3A_1687 = memref.load %arg10[%get3A_1685, %get3A_1686] : memref<32x2xi32, #tpu.memory_space<smem>>
    %eq3A_1688 = arith.cmpi eq, %get3A_1687, %get3A_1559 : i32
    %jit3A_1689 = arith.constant 21 : i32
    %select_n3A_1690 = arith.select %eq3A_1688, %jit3A_1689, %select_n3A_1684 : i32
    %gt3A_1691 = arith.constant 0 : i32
    %gt3A_1692 = arith.cmpi sgt, %select_n3A_1690, %gt3A_1691 : i32
    %convert_element_type3A_1693 = arith.extui %gt3A_1692 : i1 to i32
    %cond3A_1694 = arith.constant 0 : i32
    %cond3A_1695 = arith.cmpi ne, %convert_element_type3A_1693, %cond3A_1694 : i32
    scf.if %cond3A_1695 {
      %get3A_3437 = arith.index_cast %select_n3A_1690 : i32 to index
      %get3A_3438 = arith.constant 0 : index
      %get3A_3439 = vector.load %arg14[%get3A_3437, %get3A_3438] : memref<33x128xf32, #tpu.memory_space<vmem>>, vector<1x128xf32>
      %dot_general3A_3440 = arith.constant dense<0.000000e+00> : vector<1x256xf32>
      %dot_general3A_3441 = tpu.matmul %get3A_3439, %concatenate3A_31, %dot_general3A_3440 {dimension_numbers = #tpu.dot_dimension_numbers<[1], [1], [0], [0], [0, 0, 1, 0], [], []>, transpose_lhs_hint = false} : vector<1x128xf32>, vector<256x128xf32>, vector<1x256xf32> -> vector<1x256xf32>
      %slice3A_3442 = vector.extract_strided_slice %slice3A {offsets = [21, 0], sizes = [1, 128], strides = [1, 1]} : vector<32x128xf32> to vector<1x128xf32>
      %slice3A_3443 = vector.extract_strided_slice %dot_general3A_3441 {offsets = [0, 0], sizes = [1, 128], strides = [1, 1]} : vector<1x256xf32> to vector<1x128xf32>
      %add3A_3444 = arith.addf %slice3A_3442, %slice3A_3443 : vector<1x128xf32>
      %jit3A_3445 = arith.constant 0.000000e+00 : f32
      %jit3A_3446 = arith.constant 1.000000e+00 : f32
      %max3A_3447 = vector.broadcast %jit3A_3445 : f32 to vector<1x128xf32>
      %max3A_3448 = arith.maximumf %max3A_3447, %add3A_3444 : vector<1x128xf32>
      %min3A_3449 = vector.broadcast %jit3A_3446 : f32 to vector<1x128xf32>
      %min3A_3450 = arith.minimumf %min3A_3449, %max3A_3448 : vector<1x128xf32>
      %slice3A_3451 = vector.extract_strided_slice %slice3A_20 {offsets = [21, 0], sizes = [1, 128], strides = [1, 1]} : vector<32x128xf32> to vector<1x128xf32>
      %slice3A_3452 = vector.extract_strided_slice %dot_general3A_3441 {offsets = [0, 128], sizes = [1, 128], strides = [1, 1]} : vector<1x256xf32> to vector<1x128xf32>
      %add3A_3453 = arith.addf %slice3A_3451, %slice3A_3452 : vector<1x128xf32>
      %jit3A_3454 = arith.constant 0.000000e+00 : f32
      %jit3A_3455 = arith.constant 1.000000e+00 : f32
      %max3A_3456 = vector.broadcast %jit3A_3454 : f32 to vector<1x128xf32>
      %max3A_3457 = arith.maximumf %max3A_3456, %add3A_3453 : vector<1x128xf32>
      %min3A_3458 = vector.broadcast %jit3A_3455 : f32 to vector<1x128xf32>
      %min3A_3459 = arith.minimumf %min3A_3458, %max3A_3457 : vector<1x128xf32>
      %slice3A_3460 = vector.extract_strided_slice %slice3A_21 {offsets = [21, 0], sizes = [1, 128], strides = [1, 1]} : vector<32x128xf32> to vector<1x128xf32>
      %mul3A_3461 = arith.mulf %get3A_3439, %min3A_3459 : vector<1x128xf32>
      %dot_general3A_3462 = arith.constant dense<0.000000e+00> : vector<1x128xf32>
      %dot_general3A_3463 = tpu.matmul %mul3A_3461, %get3A_34, %dot_general3A_3462 {dimension_numbers = #tpu.dot_dimension_numbers<[1], [1], [0], [0], [0, 0, 1, 0], [], []>, transpose_lhs_hint = false} : vector<1x128xf32>, vector<128x128xf32>, vector<1x128xf32> -> vector<1x128xf32>
      %add3A_3464 = arith.addf %slice3A_3460, %dot_general3A_3463 : vector<1x128xf32>
      %tanh3A_3465 = math.tanh %add3A_3464 : vector<1x128xf32>
      %sub3A_3466 = arith.constant 1.000000e+00 : f32
      %sub3A_3467 = vector.broadcast %sub3A_3466 : f32 to vector<1x128xf32>
      %sub3A_3468 = arith.subf %sub3A_3467, %min3A_3450 : vector<1x128xf32>
      %mul3A_3469 = arith.mulf %sub3A_3468, %get3A_3439 : vector<1x128xf32>
      %mul3A_3470 = arith.mulf %min3A_3450, %tanh3A_3465 : vector<1x128xf32>
      %add3A_3471 = arith.addf %mul3A_3469, %mul3A_3470 : vector<1x128xf32>
      %swap3A_3472 = arith.constant 22 : index
      %swap3A_3473 = arith.constant 0 : index
      %swap3A_3474 = vector.load %arg14[%swap3A_3472, %swap3A_3473] : memref<33x128xf32, #tpu.memory_space<vmem>>, vector<1x128xf32>
      tpu.vector_store %arg14[%swap3A_3472, %swap3A_3473], %add3A_3471 {strides = array<i32>} : memref<33x128xf32, #tpu.memory_space<vmem>>, vector<1x128xf32>,
    } else {
    }
    %get3A_1696 = arith.constant 22 : index
    %get3A_1697 = arith.constant 0 : index
    %get3A_1698 = memref.load %arg10[%get3A_1696, %get3A_1697] : memref<32x2xi32, #tpu.memory_space<smem>>
    %get3A_1699 = arith.constant 0 : index
    %get3A_1700 = arith.constant 1 : index
    %get3A_1701 = memref.load %arg10[%get3A_1699, %get3A_1700] : memref<32x2xi32, #tpu.memory_space<smem>>
    %mul3A_1702 = arith.constant 0 : i32
    %mul3A_1703 = arith.muli %get3A_1701, %mul3A_1702 : i32
    %get3A_1704 = arith.constant 0 : index
    %get3A_1705 = arith.constant 1 : index
    %get3A_1706 = memref.load %arg10[%get3A_1704, %get3A_1705] : memref<32x2xi32, #tpu.memory_space<smem>>
    %eq3A_1707 = arith.cmpi eq, %get3A_1706, %get3A_1698 : i32
    %jit3A_1708 = arith.constant 1 : i32
    %select_n3A_1709 = arith.select %eq3A_1707, %jit3A_1708, %mul3A_1703 : i32
    %get3A_1710 = arith.constant 1 : index
    %get3A_1711 = arith.constant 1 : index
    %get3A_1712 = memref.load %arg10[%get3A_1710, %get3A_1711] : memref<32x2xi32, #tpu.memory_space<smem>>
    %eq3A_1713 = arith.cmpi eq, %get3A_1712, %get3A_1698 : i32
    %jit3A_1714 = arith.constant 2 : i32
    %select_n3A_1715 = arith.select %eq3A_1713, %jit3A_1714, %select_n3A_1709 : i32
    %get3A_1716 = arith.constant 2 : index
    %get3A_1717 = arith.constant 1 : index
    %get3A_1718 = memref.load %arg10[%get3A_1716, %get3A_1717] : memref<32x2xi32, #tpu.memory_space<smem>>
    %eq3A_1719 = arith.cmpi eq, %get3A_1718, %get3A_1698 : i32
    %jit3A_1720 = arith.constant 3 : i32
    %select_n3A_1721 = arith.select %eq3A_1719, %jit3A_1720, %select_n3A_1715 : i32
    %get3A_1722 = arith.constant 3 : index
    %get3A_1723 = arith.constant 1 : index
    %get3A_1724 = memref.load %arg10[%get3A_1722, %get3A_1723] : memref<32x2xi32, #tpu.memory_space<smem>>
    %eq3A_1725 = arith.cmpi eq, %get3A_1724, %get3A_1698 : i32
    %jit3A_1726 = arith.constant 4 : i32
    %select_n3A_1727 = arith.select %eq3A_1725, %jit3A_1726, %select_n3A_1721 : i32
    %get3A_1728 = arith.constant 4 : index
    %get3A_1729 = arith.constant 1 : index
    %get3A_1730 = memref.load %arg10[%get3A_1728, %get3A_1729] : memref<32x2xi32, #tpu.memory_space<smem>>
    %eq3A_1731 = arith.cmpi eq, %get3A_1730, %get3A_1698 : i32
    %jit3A_1732 = arith.constant 5 : i32
    %select_n3A_1733 = arith.select %eq3A_1731, %jit3A_1732, %select_n3A_1727 : i32
    %get3A_1734 = arith.constant 5 : index
    %get3A_1735 = arith.constant 1 : index
    %get3A_1736 = memref.load %arg10[%get3A_1734, %get3A_1735] : memref<32x2xi32, #tpu.memory_space<smem>>
    %eq3A_1737 = arith.cmpi eq, %get3A_1736, %get3A_1698 : i32
    %jit3A_1738 = arith.constant 6 : i32
    %select_n3A_1739 = arith.select %eq3A_1737, %jit3A_1738, %select_n3A_1733 : i32
    %get3A_1740 = arith.constant 6 : index
    %get3A_1741 = arith.constant 1 : index
    %get3A_1742 = memref.load %arg10[%get3A_1740, %get3A_1741] : memref<32x2xi32, #tpu.memory_space<smem>>
    %eq3A_1743 = arith.cmpi eq, %get3A_1742, %get3A_1698 : i32
    %jit3A_1744 = arith.constant 7 : i32
    %select_n3A_1745 = arith.select %eq3A_1743, %jit3A_1744, %select_n3A_1739 : i32
    %get3A_1746 = arith.constant 7 : index
    %get3A_1747 = arith.constant 1 : index
    %get3A_1748 = memref.load %arg10[%get3A_1746, %get3A_1747] : memref<32x2xi32, #tpu.memory_space<smem>>
    %eq3A_1749 = arith.cmpi eq, %get3A_1748, %get3A_1698 : i32
    %jit3A_1750 = arith.constant 8 : i32
    %select_n3A_1751 = arith.select %eq3A_1749, %jit3A_1750, %select_n3A_1745 : i32
    %get3A_1752 = arith.constant 8 : index
    %get3A_1753 = arith.constant 1 : index
    %get3A_1754 = memref.load %arg10[%get3A_1752, %get3A_1753] : memref<32x2xi32, #tpu.memory_space<smem>>
    %eq3A_1755 = arith.cmpi eq, %get3A_1754, %get3A_1698 : i32
    %jit3A_1756 = arith.constant 9 : i32
    %select_n3A_1757 = arith.select %eq3A_1755, %jit3A_1756, %select_n3A_1751 : i32
    %get3A_1758 = arith.constant 9 : index
    %get3A_1759 = arith.constant 1 : index
    %get3A_1760 = memref.load %arg10[%get3A_1758, %get3A_1759] : memref<32x2xi32, #tpu.memory_space<smem>>
    %eq3A_1761 = arith.cmpi eq, %get3A_1760, %get3A_1698 : i32
    %jit3A_1762 = arith.constant 10 : i32
    %select_n3A_1763 = arith.select %eq3A_1761, %jit3A_1762, %select_n3A_1757 : i32
    %get3A_1764 = arith.constant 10 : index
    %get3A_1765 = arith.constant 1 : index
    %get3A_1766 = memref.load %arg10[%get3A_1764, %get3A_1765] : memref<32x2xi32, #tpu.memory_space<smem>>
    %eq3A_1767 = arith.cmpi eq, %get3A_1766, %get3A_1698 : i32
    %jit3A_1768 = arith.constant 11 : i32
    %select_n3A_1769 = arith.select %eq3A_1767, %jit3A_1768, %select_n3A_1763 : i32
    %get3A_1770 = arith.constant 11 : index
    %get3A_1771 = arith.constant 1 : index
    %get3A_1772 = memref.load %arg10[%get3A_1770, %get3A_1771] : memref<32x2xi32, #tpu.memory_space<smem>>
    %eq3A_1773 = arith.cmpi eq, %get3A_1772, %get3A_1698 : i32
    %jit3A_1774 = arith.constant 12 : i32
    %select_n3A_1775 = arith.select %eq3A_1773, %jit3A_1774, %select_n3A_1769 : i32
    %get3A_1776 = arith.constant 12 : index
    %get3A_1777 = arith.constant 1 : index
    %get3A_1778 = memref.load %arg10[%get3A_1776, %get3A_1777] : memref<32x2xi32, #tpu.memory_space<smem>>
    %eq3A_1779 = arith.cmpi eq, %get3A_1778, %get3A_1698 : i32
    %jit3A_1780 = arith.constant 13 : i32
    %select_n3A_1781 = arith.select %eq3A_1779, %jit3A_1780, %select_n3A_1775 : i32
    %get3A_1782 = arith.constant 13 : index
    %get3A_1783 = arith.constant 1 : index
    %get3A_1784 = memref.load %arg10[%get3A_1782, %get3A_1783] : memref<32x2xi32, #tpu.memory_space<smem>>
    %eq3A_1785 = arith.cmpi eq, %get3A_1784, %get3A_1698 : i32
    %jit3A_1786 = arith.constant 14 : i32
    %select_n3A_1787 = arith.select %eq3A_1785, %jit3A_1786, %select_n3A_1781 : i32
    %get3A_1788 = arith.constant 14 : index
    %get3A_1789 = arith.constant 1 : index
    %get3A_1790 = memref.load %arg10[%get3A_1788, %get3A_1789] : memref<32x2xi32, #tpu.memory_space<smem>>
    %eq3A_1791 = arith.cmpi eq, %get3A_1790, %get3A_1698 : i32
    %jit3A_1792 = arith.constant 15 : i32
    %select_n3A_1793 = arith.select %eq3A_1791, %jit3A_1792, %select_n3A_1787 : i32
    %get3A_1794 = arith.constant 15 : index
    %get3A_1795 = arith.constant 1 : index
    %get3A_1796 = memref.load %arg10[%get3A_1794, %get3A_1795] : memref<32x2xi32, #tpu.memory_space<smem>>
    %eq3A_1797 = arith.cmpi eq, %get3A_1796, %get3A_1698 : i32
    %jit3A_1798 = arith.constant 16 : i32
    %select_n3A_1799 = arith.select %eq3A_1797, %jit3A_1798, %select_n3A_1793 : i32
    %get3A_1800 = arith.constant 16 : index
    %get3A_1801 = arith.constant 1 : index
    %get3A_1802 = memref.load %arg10[%get3A_1800, %get3A_1801] : memref<32x2xi32, #tpu.memory_space<smem>>
    %eq3A_1803 = arith.cmpi eq, %get3A_1802, %get3A_1698 : i32
    %jit3A_1804 = arith.constant 17 : i32
    %select_n3A_1805 = arith.select %eq3A_1803, %jit3A_1804, %select_n3A_1799 : i32
    %get3A_1806 = arith.constant 17 : index
    %get3A_1807 = arith.constant 1 : index
    %get3A_1808 = memref.load %arg10[%get3A_1806, %get3A_1807] : memref<32x2xi32, #tpu.memory_space<smem>>
    %eq3A_1809 = arith.cmpi eq, %get3A_1808, %get3A_1698 : i32
    %jit3A_1810 = arith.constant 18 : i32
    %select_n3A_1811 = arith.select %eq3A_1809, %jit3A_1810, %select_n3A_1805 : i32
    %get3A_1812 = arith.constant 18 : index
    %get3A_1813 = arith.constant 1 : index
    %get3A_1814 = memref.load %arg10[%get3A_1812, %get3A_1813] : memref<32x2xi32, #tpu.memory_space<smem>>
    %eq3A_1815 = arith.cmpi eq, %get3A_1814, %get3A_1698 : i32
    %jit3A_1816 = arith.constant 19 : i32
    %select_n3A_1817 = arith.select %eq3A_1815, %jit3A_1816, %select_n3A_1811 : i32
    %get3A_1818 = arith.constant 19 : index
    %get3A_1819 = arith.constant 1 : index
    %get3A_1820 = memref.load %arg10[%get3A_1818, %get3A_1819] : memref<32x2xi32, #tpu.memory_space<smem>>
    %eq3A_1821 = arith.cmpi eq, %get3A_1820, %get3A_1698 : i32
    %jit3A_1822 = arith.constant 20 : i32
    %select_n3A_1823 = arith.select %eq3A_1821, %jit3A_1822, %select_n3A_1817 : i32
    %get3A_1824 = arith.constant 20 : index
    %get3A_1825 = arith.constant 1 : index
    %get3A_1826 = memref.load %arg10[%get3A_1824, %get3A_1825] : memref<32x2xi32, #tpu.memory_space<smem>>
    %eq3A_1827 = arith.cmpi eq, %get3A_1826, %get3A_1698 : i32
    %jit3A_1828 = arith.constant 21 : i32
    %select_n3A_1829 = arith.select %eq3A_1827, %jit3A_1828, %select_n3A_1823 : i32
    %get3A_1830 = arith.constant 21 : index
    %get3A_1831 = arith.constant 1 : index
    %get3A_1832 = memref.load %arg10[%get3A_1830, %get3A_1831] : memref<32x2xi32, #tpu.memory_space<smem>>
    %eq3A_1833 = arith.cmpi eq, %get3A_1832, %get3A_1698 : i32
    %jit3A_1834 = arith.constant 22 : i32
    %select_n3A_1835 = arith.select %eq3A_1833, %jit3A_1834, %select_n3A_1829 : i32
    %gt3A_1836 = arith.constant 0 : i32
    %gt3A_1837 = arith.cmpi sgt, %select_n3A_1835, %gt3A_1836 : i32
    %convert_element_type3A_1838 = arith.extui %gt3A_1837 : i1 to i32
    %cond3A_1839 = arith.constant 0 : i32
    %cond3A_1840 = arith.cmpi ne, %convert_element_type3A_1838, %cond3A_1839 : i32
    scf.if %cond3A_1840 {
      %get3A_3437 = arith.index_cast %select_n3A_1835 : i32 to index
      %get3A_3438 = arith.constant 0 : index
      %get3A_3439 = vector.load %arg14[%get3A_3437, %get3A_3438] : memref<33x128xf32, #tpu.memory_space<vmem>>, vector<1x128xf32>
      %dot_general3A_3440 = arith.constant dense<0.000000e+00> : vector<1x256xf32>
      %dot_general3A_3441 = tpu.matmul %get3A_3439, %concatenate3A_31, %dot_general3A_3440 {dimension_numbers = #tpu.dot_dimension_numbers<[1], [1], [0], [0], [0, 0, 1, 0], [], []>, transpose_lhs_hint = false} : vector<1x128xf32>, vector<256x128xf32>, vector<1x256xf32> -> vector<1x256xf32>
      %slice3A_3442 = vector.extract_strided_slice %slice3A {offsets = [22, 0], sizes = [1, 128], strides = [1, 1]} : vector<32x128xf32> to vector<1x128xf32>
      %slice3A_3443 = vector.extract_strided_slice %dot_general3A_3441 {offsets = [0, 0], sizes = [1, 128], strides = [1, 1]} : vector<1x256xf32> to vector<1x128xf32>
      %add3A_3444 = arith.addf %slice3A_3442, %slice3A_3443 : vector<1x128xf32>
      %jit3A_3445 = arith.constant 0.000000e+00 : f32
      %jit3A_3446 = arith.constant 1.000000e+00 : f32
      %max3A_3447 = vector.broadcast %jit3A_3445 : f32 to vector<1x128xf32>
      %max3A_3448 = arith.maximumf %max3A_3447, %add3A_3444 : vector<1x128xf32>
      %min3A_3449 = vector.broadcast %jit3A_3446 : f32 to vector<1x128xf32>
      %min3A_3450 = arith.minimumf %min3A_3449, %max3A_3448 : vector<1x128xf32>
      %slice3A_3451 = vector.extract_strided_slice %slice3A_20 {offsets = [22, 0], sizes = [1, 128], strides = [1, 1]} : vector<32x128xf32> to vector<1x128xf32>
      %slice3A_3452 = vector.extract_strided_slice %dot_general3A_3441 {offsets = [0, 128], sizes = [1, 128], strides = [1, 1]} : vector<1x256xf32> to vector<1x128xf32>
      %add3A_3453 = arith.addf %slice3A_3451, %slice3A_3452 : vector<1x128xf32>
      %jit3A_3454 = arith.constant 0.000000e+00 : f32
      %jit3A_3455 = arith.constant 1.000000e+00 : f32
      %max3A_3456 = vector.broadcast %jit3A_3454 : f32 to vector<1x128xf32>
      %max3A_3457 = arith.maximumf %max3A_3456, %add3A_3453 : vector<1x128xf32>
      %min3A_3458 = vector.broadcast %jit3A_3455 : f32 to vector<1x128xf32>
      %min3A_3459 = arith.minimumf %min3A_3458, %max3A_3457 : vector<1x128xf32>
      %slice3A_3460 = vector.extract_strided_slice %slice3A_21 {offsets = [22, 0], sizes = [1, 128], strides = [1, 1]} : vector<32x128xf32> to vector<1x128xf32>
      %mul3A_3461 = arith.mulf %get3A_3439, %min3A_3459 : vector<1x128xf32>
      %dot_general3A_3462 = arith.constant dense<0.000000e+00> : vector<1x128xf32>
      %dot_general3A_3463 = tpu.matmul %mul3A_3461, %get3A_34, %dot_general3A_3462 {dimension_numbers = #tpu.dot_dimension_numbers<[1], [1], [0], [0], [0, 0, 1, 0], [], []>, transpose_lhs_hint = false} : vector<1x128xf32>, vector<128x128xf32>, vector<1x128xf32> -> vector<1x128xf32>
      %add3A_3464 = arith.addf %slice3A_3460, %dot_general3A_3463 : vector<1x128xf32>
      %tanh3A_3465 = math.tanh %add3A_3464 : vector<1x128xf32>
      %sub3A_3466 = arith.constant 1.000000e+00 : f32
      %sub3A_3467 = vector.broadcast %sub3A_3466 : f32 to vector<1x128xf32>
      %sub3A_3468 = arith.subf %sub3A_3467, %min3A_3450 : vector<1x128xf32>
      %mul3A_3469 = arith.mulf %sub3A_3468, %get3A_3439 : vector<1x128xf32>
      %mul3A_3470 = arith.mulf %min3A_3450, %tanh3A_3465 : vector<1x128xf32>
      %add3A_3471 = arith.addf %mul3A_3469, %mul3A_3470 : vector<1x128xf32>
      %swap3A_3472 = arith.constant 23 : index
      %swap3A_3473 = arith.constant 0 : index
      %swap3A_3474 = vector.load %arg14[%swap3A_3472, %swap3A_3473] : memref<33x128xf32, #tpu.memory_space<vmem>>, vector<1x128xf32>
      tpu.vector_store %arg14[%swap3A_3472, %swap3A_3473], %add3A_3471 {strides = array<i32>} : memref<33x128xf32, #tpu.memory_space<vmem>>, vector<1x128xf32>,
    } else {
    }
    %get3A_1841 = arith.constant 23 : index
    %get3A_1842 = arith.constant 0 : index
    %get3A_1843 = memref.load %arg10[%get3A_1841, %get3A_1842] : memref<32x2xi32, #tpu.memory_space<smem>>
    %get3A_1844 = arith.constant 0 : index
    %get3A_1845 = arith.constant 1 : index
    %get3A_1846 = memref.load %arg10[%get3A_1844, %get3A_1845] : memref<32x2xi32, #tpu.memory_space<smem>>
    %mul3A_1847 = arith.constant 0 : i32
    %mul3A_1848 = arith.muli %get3A_1846, %mul3A_1847 : i32
    %get3A_1849 = arith.constant 0 : index
    %get3A_1850 = arith.constant 1 : index
    %get3A_1851 = memref.load %arg10[%get3A_1849, %get3A_1850] : memref<32x2xi32, #tpu.memory_space<smem>>
    %eq3A_1852 = arith.cmpi eq, %get3A_1851, %get3A_1843 : i32
    %jit3A_1853 = arith.constant 1 : i32
    %select_n3A_1854 = arith.select %eq3A_1852, %jit3A_1853, %mul3A_1848 : i32
    %get3A_1855 = arith.constant 1 : index
    %get3A_1856 = arith.constant 1 : index
    %get3A_1857 = memref.load %arg10[%get3A_1855, %get3A_1856] : memref<32x2xi32, #tpu.memory_space<smem>>
    %eq3A_1858 = arith.cmpi eq, %get3A_1857, %get3A_1843 : i32
    %jit3A_1859 = arith.constant 2 : i32
    %select_n3A_1860 = arith.select %eq3A_1858, %jit3A_1859, %select_n3A_1854 : i32
    %get3A_1861 = arith.constant 2 : index
    %get3A_1862 = arith.constant 1 : index
    %get3A_1863 = memref.load %arg10[%get3A_1861, %get3A_1862] : memref<32x2xi32, #tpu.memory_space<smem>>
    %eq3A_1864 = arith.cmpi eq, %get3A_1863, %get3A_1843 : i32
    %jit3A_1865 = arith.constant 3 : i32
    %select_n3A_1866 = arith.select %eq3A_1864, %jit3A_1865, %select_n3A_1860 : i32
    %get3A_1867 = arith.constant 3 : index
    %get3A_1868 = arith.constant 1 : index
    %get3A_1869 = memref.load %arg10[%get3A_1867, %get3A_1868] : memref<32x2xi32, #tpu.memory_space<smem>>
    %eq3A_1870 = arith.cmpi eq, %get3A_1869, %get3A_1843 : i32
    %jit3A_1871 = arith.constant 4 : i32
    %select_n3A_1872 = arith.select %eq3A_1870, %jit3A_1871, %select_n3A_1866 : i32
    %get3A_1873 = arith.constant 4 : index
    %get3A_1874 = arith.constant 1 : index
    %get3A_1875 = memref.load %arg10[%get3A_1873, %get3A_1874] : memref<32x2xi32, #tpu.memory_space<smem>>
    %eq3A_1876 = arith.cmpi eq, %get3A_1875, %get3A_1843 : i32
    %jit3A_1877 = arith.constant 5 : i32
    %select_n3A_1878 = arith.select %eq3A_1876, %jit3A_1877, %select_n3A_1872 : i32
    %get3A_1879 = arith.constant 5 : index
    %get3A_1880 = arith.constant 1 : index
    %get3A_1881 = memref.load %arg10[%get3A_1879, %get3A_1880] : memref<32x2xi32, #tpu.memory_space<smem>>
    %eq3A_1882 = arith.cmpi eq, %get3A_1881, %get3A_1843 : i32
    %jit3A_1883 = arith.constant 6 : i32
    %select_n3A_1884 = arith.select %eq3A_1882, %jit3A_1883, %select_n3A_1878 : i32
    %get3A_1885 = arith.constant 6 : index
    %get3A_1886 = arith.constant 1 : index
    %get3A_1887 = memref.load %arg10[%get3A_1885, %get3A_1886] : memref<32x2xi32, #tpu.memory_space<smem>>
    %eq3A_1888 = arith.cmpi eq, %get3A_1887, %get3A_1843 : i32
    %jit3A_1889 = arith.constant 7 : i32
    %select_n3A_1890 = arith.select %eq3A_1888, %jit3A_1889, %select_n3A_1884 : i32
    %get3A_1891 = arith.constant 7 : index
    %get3A_1892 = arith.constant 1 : index
    %get3A_1893 = memref.load %arg10[%get3A_1891, %get3A_1892] : memref<32x2xi32, #tpu.memory_space<smem>>
    %eq3A_1894 = arith.cmpi eq, %get3A_1893, %get3A_1843 : i32
    %jit3A_1895 = arith.constant 8 : i32
    %select_n3A_1896 = arith.select %eq3A_1894, %jit3A_1895, %select_n3A_1890 : i32
    %get3A_1897 = arith.constant 8 : index
    %get3A_1898 = arith.constant 1 : index
    %get3A_1899 = memref.load %arg10[%get3A_1897, %get3A_1898] : memref<32x2xi32, #tpu.memory_space<smem>>
    %eq3A_1900 = arith.cmpi eq, %get3A_1899, %get3A_1843 : i32
    %jit3A_1901 = arith.constant 9 : i32
    %select_n3A_1902 = arith.select %eq3A_1900, %jit3A_1901, %select_n3A_1896 : i32
    %get3A_1903 = arith.constant 9 : index
    %get3A_1904 = arith.constant 1 : index
    %get3A_1905 = memref.load %arg10[%get3A_1903, %get3A_1904] : memref<32x2xi32, #tpu.memory_space<smem>>
    %eq3A_1906 = arith.cmpi eq, %get3A_1905, %get3A_1843 : i32
    %jit3A_1907 = arith.constant 10 : i32
    %select_n3A_1908 = arith.select %eq3A_1906, %jit3A_1907, %select_n3A_1902 : i32
    %get3A_1909 = arith.constant 10 : index
    %get3A_1910 = arith.constant 1 : index
    %get3A_1911 = memref.load %arg10[%get3A_1909, %get3A_1910] : memref<32x2xi32, #tpu.memory_space<smem>>
    %eq3A_1912 = arith.cmpi eq, %get3A_1911, %get3A_1843 : i32
    %jit3A_1913 = arith.constant 11 : i32
    %select_n3A_1914 = arith.select %eq3A_1912, %jit3A_1913, %select_n3A_1908 : i32
    %get3A_1915 = arith.constant 11 : index
    %get3A_1916 = arith.constant 1 : index
    %get3A_1917 = memref.load %arg10[%get3A_1915, %get3A_1916] : memref<32x2xi32, #tpu.memory_space<smem>>
    %eq3A_1918 = arith.cmpi eq, %get3A_1917, %get3A_1843 : i32
    %jit3A_1919 = arith.constant 12 : i32
    %select_n3A_1920 = arith.select %eq3A_1918, %jit3A_1919, %select_n3A_1914 : i32
    %get3A_1921 = arith.constant 12 : index
    %get3A_1922 = arith.constant 1 : index
    %get3A_1923 = memref.load %arg10[%get3A_1921, %get3A_1922] : memref<32x2xi32, #tpu.memory_space<smem>>
    %eq3A_1924 = arith.cmpi eq, %get3A_1923, %get3A_1843 : i32
    %jit3A_1925 = arith.constant 13 : i32
    %select_n3A_1926 = arith.select %eq3A_1924, %jit3A_1925, %select_n3A_1920 : i32
    %get3A_1927 = arith.constant 13 : index
    %get3A_1928 = arith.constant 1 : index
    %get3A_1929 = memref.load %arg10[%get3A_1927, %get3A_1928] : memref<32x2xi32, #tpu.memory_space<smem>>
    %eq3A_1930 = arith.cmpi eq, %get3A_1929, %get3A_1843 : i32
    %jit3A_1931 = arith.constant 14 : i32
    %select_n3A_1932 = arith.select %eq3A_1930, %jit3A_1931, %select_n3A_1926 : i32
    %get3A_1933 = arith.constant 14 : index
    %get3A_1934 = arith.constant 1 : index
    %get3A_1935 = memref.load %arg10[%get3A_1933, %get3A_1934] : memref<32x2xi32, #tpu.memory_space<smem>>
    %eq3A_1936 = arith.cmpi eq, %get3A_1935, %get3A_1843 : i32
    %jit3A_1937 = arith.constant 15 : i32
    %select_n3A_1938 = arith.select %eq3A_1936, %jit3A_1937, %select_n3A_1932 : i32
    %get3A_1939 = arith.constant 15 : index
    %get3A_1940 = arith.constant 1 : index
    %get3A_1941 = memref.load %arg10[%get3A_1939, %get3A_1940] : memref<32x2xi32, #tpu.memory_space<smem>>
    %eq3A_1942 = arith.cmpi eq, %get3A_1941, %get3A_1843 : i32
    %jit3A_1943 = arith.constant 16 : i32
    %select_n3A_1944 = arith.select %eq3A_1942, %jit3A_1943, %select_n3A_1938 : i32
    %get3A_1945 = arith.constant 16 : index
    %get3A_1946 = arith.constant 1 : index
    %get3A_1947 = memref.load %arg10[%get3A_1945, %get3A_1946] : memref<32x2xi32, #tpu.memory_space<smem>>
    %eq3A_1948 = arith.cmpi eq, %get3A_1947, %get3A_1843 : i32
    %jit3A_1949 = arith.constant 17 : i32
    %select_n3A_1950 = arith.select %eq3A_1948, %jit3A_1949, %select_n3A_1944 : i32
    %get3A_1951 = arith.constant 17 : index
    %get3A_1952 = arith.constant 1 : index
    %get3A_1953 = memref.load %arg10[%get3A_1951, %get3A_1952] : memref<32x2xi32, #tpu.memory_space<smem>>
    %eq3A_1954 = arith.cmpi eq, %get3A_1953, %get3A_1843 : i32
    %jit3A_1955 = arith.constant 18 : i32
    %select_n3A_1956 = arith.select %eq3A_1954, %jit3A_1955, %select_n3A_1950 : i32
    %get3A_1957 = arith.constant 18 : index
    %get3A_1958 = arith.constant 1 : index
    %get3A_1959 = memref.load %arg10[%get3A_1957, %get3A_1958] : memref<32x2xi32, #tpu.memory_space<smem>>
    %eq3A_1960 = arith.cmpi eq, %get3A_1959, %get3A_1843 : i32
    %jit3A_1961 = arith.constant 19 : i32
    %select_n3A_1962 = arith.select %eq3A_1960, %jit3A_1961, %select_n3A_1956 : i32
    %get3A_1963 = arith.constant 19 : index
    %get3A_1964 = arith.constant 1 : index
    %get3A_1965 = memref.load %arg10[%get3A_1963, %get3A_1964] : memref<32x2xi32, #tpu.memory_space<smem>>
    %eq3A_1966 = arith.cmpi eq, %get3A_1965, %get3A_1843 : i32
    %jit3A_1967 = arith.constant 20 : i32
    %select_n3A_1968 = arith.select %eq3A_1966, %jit3A_1967, %select_n3A_1962 : i32
    %get3A_1969 = arith.constant 20 : index
    %get3A_1970 = arith.constant 1 : index
    %get3A_1971 = memref.load %arg10[%get3A_1969, %get3A_1970] : memref<32x2xi32, #tpu.memory_space<smem>>
    %eq3A_1972 = arith.cmpi eq, %get3A_1971, %get3A_1843 : i32
    %jit3A_1973 = arith.constant 21 : i32
    %select_n3A_1974 = arith.select %eq3A_1972, %jit3A_1973, %select_n3A_1968 : i32
    %get3A_1975 = arith.constant 21 : index
    %get3A_1976 = arith.constant 1 : index
    %get3A_1977 = memref.load %arg10[%get3A_1975, %get3A_1976] : memref<32x2xi32, #tpu.memory_space<smem>>
    %eq3A_1978 = arith.cmpi eq, %get3A_1977, %get3A_1843 : i32
    %jit3A_1979 = arith.constant 22 : i32
    %select_n3A_1980 = arith.select %eq3A_1978, %jit3A_1979, %select_n3A_1974 : i32
    %get3A_1981 = arith.constant 22 : index
    %get3A_1982 = arith.constant 1 : index
    %get3A_1983 = memref.load %arg10[%get3A_1981, %get3A_1982] : memref<32x2xi32, #tpu.memory_space<smem>>
    %eq3A_1984 = arith.cmpi eq, %get3A_1983, %get3A_1843 : i32
    %jit3A_1985 = arith.constant 23 : i32
    %select_n3A_1986 = arith.select %eq3A_1984, %jit3A_1985, %select_n3A_1980 : i32
    %gt3A_1987 = arith.constant 0 : i32
    %gt3A_1988 = arith.cmpi sgt, %select_n3A_1986, %gt3A_1987 : i32
    %convert_element_type3A_1989 = arith.extui %gt3A_1988 : i1 to i32
    %cond3A_1990 = arith.constant 0 : i32
    %cond3A_1991 = arith.cmpi ne, %convert_element_type3A_1989, %cond3A_1990 : i32
    scf.if %cond3A_1991 {
      %get3A_3437 = arith.index_cast %select_n3A_1986 : i32 to index
      %get3A_3438 = arith.constant 0 : index
      %get3A_3439 = vector.load %arg14[%get3A_3437, %get3A_3438] : memref<33x128xf32, #tpu.memory_space<vmem>>, vector<1x128xf32>
      %dot_general3A_3440 = arith.constant dense<0.000000e+00> : vector<1x256xf32>
      %dot_general3A_3441 = tpu.matmul %get3A_3439, %concatenate3A_31, %dot_general3A_3440 {dimension_numbers = #tpu.dot_dimension_numbers<[1], [1], [0], [0], [0, 0, 1, 0], [], []>, transpose_lhs_hint = false} : vector<1x128xf32>, vector<256x128xf32>, vector<1x256xf32> -> vector<1x256xf32>
      %slice3A_3442 = vector.extract_strided_slice %slice3A {offsets = [23, 0], sizes = [1, 128], strides = [1, 1]} : vector<32x128xf32> to vector<1x128xf32>
      %slice3A_3443 = vector.extract_strided_slice %dot_general3A_3441 {offsets = [0, 0], sizes = [1, 128], strides = [1, 1]} : vector<1x256xf32> to vector<1x128xf32>
      %add3A_3444 = arith.addf %slice3A_3442, %slice3A_3443 : vector<1x128xf32>
      %jit3A_3445 = arith.constant 0.000000e+00 : f32
      %jit3A_3446 = arith.constant 1.000000e+00 : f32
      %max3A_3447 = vector.broadcast %jit3A_3445 : f32 to vector<1x128xf32>
      %max3A_3448 = arith.maximumf %max3A_3447, %add3A_3444 : vector<1x128xf32>
      %min3A_3449 = vector.broadcast %jit3A_3446 : f32 to vector<1x128xf32>
      %min3A_3450 = arith.minimumf %min3A_3449, %max3A_3448 : vector<1x128xf32>
      %slice3A_3451 = vector.extract_strided_slice %slice3A_20 {offsets = [23, 0], sizes = [1, 128], strides = [1, 1]} : vector<32x128xf32> to vector<1x128xf32>
      %slice3A_3452 = vector.extract_strided_slice %dot_general3A_3441 {offsets = [0, 128], sizes = [1, 128], strides = [1, 1]} : vector<1x256xf32> to vector<1x128xf32>
      %add3A_3453 = arith.addf %slice3A_3451, %slice3A_3452 : vector<1x128xf32>
      %jit3A_3454 = arith.constant 0.000000e+00 : f32
      %jit3A_3455 = arith.constant 1.000000e+00 : f32
      %max3A_3456 = vector.broadcast %jit3A_3454 : f32 to vector<1x128xf32>
      %max3A_3457 = arith.maximumf %max3A_3456, %add3A_3453 : vector<1x128xf32>
      %min3A_3458 = vector.broadcast %jit3A_3455 : f32 to vector<1x128xf32>
      %min3A_3459 = arith.minimumf %min3A_3458, %max3A_3457 : vector<1x128xf32>
      %slice3A_3460 = vector.extract_strided_slice %slice3A_21 {offsets = [23, 0], sizes = [1, 128], strides = [1, 1]} : vector<32x128xf32> to vector<1x128xf32>
      %mul3A_3461 = arith.mulf %get3A_3439, %min3A_3459 : vector<1x128xf32>
      %dot_general3A_3462 = arith.constant dense<0.000000e+00> : vector<1x128xf32>
      %dot_general3A_3463 = tpu.matmul %mul3A_3461, %get3A_34, %dot_general3A_3462 {dimension_numbers = #tpu.dot_dimension_numbers<[1], [1], [0], [0], [0, 0, 1, 0], [], []>, transpose_lhs_hint = false} : vector<1x128xf32>, vector<128x128xf32>, vector<1x128xf32> -> vector<1x128xf32>
      %add3A_3464 = arith.addf %slice3A_3460, %dot_general3A_3463 : vector<1x128xf32>
      %tanh3A_3465 = math.tanh %add3A_3464 : vector<1x128xf32>
      %sub3A_3466 = arith.constant 1.000000e+00 : f32
      %sub3A_3467 = vector.broadcast %sub3A_3466 : f32 to vector<1x128xf32>
      %sub3A_3468 = arith.subf %sub3A_3467, %min3A_3450 : vector<1x128xf32>
      %mul3A_3469 = arith.mulf %sub3A_3468, %get3A_3439 : vector<1x128xf32>
      %mul3A_3470 = arith.mulf %min3A_3450, %tanh3A_3465 : vector<1x128xf32>
      %add3A_3471 = arith.addf %mul3A_3469, %mul3A_3470 : vector<1x128xf32>
      %swap3A_3472 = arith.constant 24 : index
      %swap3A_3473 = arith.constant 0 : index
      %swap3A_3474 = vector.load %arg14[%swap3A_3472, %swap3A_3473] : memref<33x128xf32, #tpu.memory_space<vmem>>, vector<1x128xf32>
      tpu.vector_store %arg14[%swap3A_3472, %swap3A_3473], %add3A_3471 {strides = array<i32>} : memref<33x128xf32, #tpu.memory_space<vmem>>, vector<1x128xf32>,
    } else {
    }
    %get3A_1992 = arith.constant 24 : index
    %get3A_1993 = arith.constant 0 : index
    %get3A_1994 = memref.load %arg10[%get3A_1992, %get3A_1993] : memref<32x2xi32, #tpu.memory_space<smem>>
    %get3A_1995 = arith.constant 0 : index
    %get3A_1996 = arith.constant 1 : index
    %get3A_1997 = memref.load %arg10[%get3A_1995, %get3A_1996] : memref<32x2xi32, #tpu.memory_space<smem>>
    %mul3A_1998 = arith.constant 0 : i32
    %mul3A_1999 = arith.muli %get3A_1997, %mul3A_1998 : i32
    %get3A_2000 = arith.constant 0 : index
    %get3A_2001 = arith.constant 1 : index
    %get3A_2002 = memref.load %arg10[%get3A_2000, %get3A_2001] : memref<32x2xi32, #tpu.memory_space<smem>>
    %eq3A_2003 = arith.cmpi eq, %get3A_2002, %get3A_1994 : i32
    %jit3A_2004 = arith.constant 1 : i32
    %select_n3A_2005 = arith.select %eq3A_2003, %jit3A_2004, %mul3A_1999 : i32
    %get3A_2006 = arith.constant 1 : index
    %get3A_2007 = arith.constant 1 : index
    %get3A_2008 = memref.load %arg10[%get3A_2006, %get3A_2007] : memref<32x2xi32, #tpu.memory_space<smem>>
    %eq3A_2009 = arith.cmpi eq, %get3A_2008, %get3A_1994 : i32
    %jit3A_2010 = arith.constant 2 : i32
    %select_n3A_2011 = arith.select %eq3A_2009, %jit3A_2010, %select_n3A_2005 : i32
    %get3A_2012 = arith.constant 2 : index
    %get3A_2013 = arith.constant 1 : index
    %get3A_2014 = memref.load %arg10[%get3A_2012, %get3A_2013] : memref<32x2xi32, #tpu.memory_space<smem>>
    %eq3A_2015 = arith.cmpi eq, %get3A_2014, %get3A_1994 : i32
    %jit3A_2016 = arith.constant 3 : i32
    %select_n3A_2017 = arith.select %eq3A_2015, %jit3A_2016, %select_n3A_2011 : i32
    %get3A_2018 = arith.constant 3 : index
    %get3A_2019 = arith.constant 1 : index
    %get3A_2020 = memref.load %arg10[%get3A_2018, %get3A_2019] : memref<32x2xi32, #tpu.memory_space<smem>>
    %eq3A_2021 = arith.cmpi eq, %get3A_2020, %get3A_1994 : i32
    %jit3A_2022 = arith.constant 4 : i32
    %select_n3A_2023 = arith.select %eq3A_2021, %jit3A_2022, %select_n3A_2017 : i32
    %get3A_2024 = arith.constant 4 : index
    %get3A_2025 = arith.constant 1 : index
    %get3A_2026 = memref.load %arg10[%get3A_2024, %get3A_2025] : memref<32x2xi32, #tpu.memory_space<smem>>
    %eq3A_2027 = arith.cmpi eq, %get3A_2026, %get3A_1994 : i32
    %jit3A_2028 = arith.constant 5 : i32
    %select_n3A_2029 = arith.select %eq3A_2027, %jit3A_2028, %select_n3A_2023 : i32
    %get3A_2030 = arith.constant 5 : index
    %get3A_2031 = arith.constant 1 : index
    %get3A_2032 = memref.load %arg10[%get3A_2030, %get3A_2031] : memref<32x2xi32, #tpu.memory_space<smem>>
    %eq3A_2033 = arith.cmpi eq, %get3A_2032, %get3A_1994 : i32
    %jit3A_2034 = arith.constant 6 : i32
    %select_n3A_2035 = arith.select %eq3A_2033, %jit3A_2034, %select_n3A_2029 : i32
    %get3A_2036 = arith.constant 6 : index
    %get3A_2037 = arith.constant 1 : index
    %get3A_2038 = memref.load %arg10[%get3A_2036, %get3A_2037] : memref<32x2xi32, #tpu.memory_space<smem>>
    %eq3A_2039 = arith.cmpi eq, %get3A_2038, %get3A_1994 : i32
    %jit3A_2040 = arith.constant 7 : i32
    %select_n3A_2041 = arith.select %eq3A_2039, %jit3A_2040, %select_n3A_2035 : i32
    %get3A_2042 = arith.constant 7 : index
    %get3A_2043 = arith.constant 1 : index
    %get3A_2044 = memref.load %arg10[%get3A_2042, %get3A_2043] : memref<32x2xi32, #tpu.memory_space<smem>>
    %eq3A_2045 = arith.cmpi eq, %get3A_2044, %get3A_1994 : i32
    %jit3A_2046 = arith.constant 8 : i32
    %select_n3A_2047 = arith.select %eq3A_2045, %jit3A_2046, %select_n3A_2041 : i32
    %get3A_2048 = arith.constant 8 : index
    %get3A_2049 = arith.constant 1 : index
    %get3A_2050 = memref.load %arg10[%get3A_2048, %get3A_2049] : memref<32x2xi32, #tpu.memory_space<smem>>
    %eq3A_2051 = arith.cmpi eq, %get3A_2050, %get3A_1994 : i32
    %jit3A_2052 = arith.constant 9 : i32
    %select_n3A_2053 = arith.select %eq3A_2051, %jit3A_2052, %select_n3A_2047 : i32
    %get3A_2054 = arith.constant 9 : index
    %get3A_2055 = arith.constant 1 : index
    %get3A_2056 = memref.load %arg10[%get3A_2054, %get3A_2055] : memref<32x2xi32, #tpu.memory_space<smem>>
    %eq3A_2057 = arith.cmpi eq, %get3A_2056, %get3A_1994 : i32
    %jit3A_2058 = arith.constant 10 : i32
    %select_n3A_2059 = arith.select %eq3A_2057, %jit3A_2058, %select_n3A_2053 : i32
    %get3A_2060 = arith.constant 10 : index
    %get3A_2061 = arith.constant 1 : index
    %get3A_2062 = memref.load %arg10[%get3A_2060, %get3A_2061] : memref<32x2xi32, #tpu.memory_space<smem>>
    %eq3A_2063 = arith.cmpi eq, %get3A_2062, %get3A_1994 : i32
    %jit3A_2064 = arith.constant 11 : i32
    %select_n3A_2065 = arith.select %eq3A_2063, %jit3A_2064, %select_n3A_2059 : i32
    %get3A_2066 = arith.constant 11 : index
    %get3A_2067 = arith.constant 1 : index
    %get3A_2068 = memref.load %arg10[%get3A_2066, %get3A_2067] : memref<32x2xi32, #tpu.memory_space<smem>>
    %eq3A_2069 = arith.cmpi eq, %get3A_2068, %get3A_1994 : i32
    %jit3A_2070 = arith.constant 12 : i32
    %select_n3A_2071 = arith.select %eq3A_2069, %jit3A_2070, %select_n3A_2065 : i32
    %get3A_2072 = arith.constant 12 : index
    %get3A_2073 = arith.constant 1 : index
    %get3A_2074 = memref.load %arg10[%get3A_2072, %get3A_2073] : memref<32x2xi32, #tpu.memory_space<smem>>
    %eq3A_2075 = arith.cmpi eq, %get3A_2074, %get3A_1994 : i32
    %jit3A_2076 = arith.constant 13 : i32
    %select_n3A_2077 = arith.select %eq3A_2075, %jit3A_2076, %select_n3A_2071 : i32
    %get3A_2078 = arith.constant 13 : index
    %get3A_2079 = arith.constant 1 : index
    %get3A_2080 = memref.load %arg10[%get3A_2078, %get3A_2079] : memref<32x2xi32, #tpu.memory_space<smem>>
    %eq3A_2081 = arith.cmpi eq, %get3A_2080, %get3A_1994 : i32
    %jit3A_2082 = arith.constant 14 : i32
    %select_n3A_2083 = arith.select %eq3A_2081, %jit3A_2082, %select_n3A_2077 : i32
    %get3A_2084 = arith.constant 14 : index
    %get3A_2085 = arith.constant 1 : index
    %get3A_2086 = memref.load %arg10[%get3A_2084, %get3A_2085] : memref<32x2xi32, #tpu.memory_space<smem>>
    %eq3A_2087 = arith.cmpi eq, %get3A_2086, %get3A_1994 : i32
    %jit3A_2088 = arith.constant 15 : i32
    %select_n3A_2089 = arith.select %eq3A_2087, %jit3A_2088, %select_n3A_2083 : i32
    %get3A_2090 = arith.constant 15 : index
    %get3A_2091 = arith.constant 1 : index
    %get3A_2092 = memref.load %arg10[%get3A_2090, %get3A_2091] : memref<32x2xi32, #tpu.memory_space<smem>>
    %eq3A_2093 = arith.cmpi eq, %get3A_2092, %get3A_1994 : i32
    %jit3A_2094 = arith.constant 16 : i32
    %select_n3A_2095 = arith.select %eq3A_2093, %jit3A_2094, %select_n3A_2089 : i32
    %get3A_2096 = arith.constant 16 : index
    %get3A_2097 = arith.constant 1 : index
    %get3A_2098 = memref.load %arg10[%get3A_2096, %get3A_2097] : memref<32x2xi32, #tpu.memory_space<smem>>
    %eq3A_2099 = arith.cmpi eq, %get3A_2098, %get3A_1994 : i32
    %jit3A_2100 = arith.constant 17 : i32
    %select_n3A_2101 = arith.select %eq3A_2099, %jit3A_2100, %select_n3A_2095 : i32
    %get3A_2102 = arith.constant 17 : index
    %get3A_2103 = arith.constant 1 : index
    %get3A_2104 = memref.load %arg10[%get3A_2102, %get3A_2103] : memref<32x2xi32, #tpu.memory_space<smem>>
    %eq3A_2105 = arith.cmpi eq, %get3A_2104, %get3A_1994 : i32
    %jit3A_2106 = arith.constant 18 : i32
    %select_n3A_2107 = arith.select %eq3A_2105, %jit3A_2106, %select_n3A_2101 : i32
    %get3A_2108 = arith.constant 18 : index
    %get3A_2109 = arith.constant 1 : index
    %get3A_2110 = memref.load %arg10[%get3A_2108, %get3A_2109] : memref<32x2xi32, #tpu.memory_space<smem>>
    %eq3A_2111 = arith.cmpi eq, %get3A_2110, %get3A_1994 : i32
    %jit3A_2112 = arith.constant 19 : i32
    %select_n3A_2113 = arith.select %eq3A_2111, %jit3A_2112, %select_n3A_2107 : i32
    %get3A_2114 = arith.constant 19 : index
    %get3A_2115 = arith.constant 1 : index
    %get3A_2116 = memref.load %arg10[%get3A_2114, %get3A_2115] : memref<32x2xi32, #tpu.memory_space<smem>>
    %eq3A_2117 = arith.cmpi eq, %get3A_2116, %get3A_1994 : i32
    %jit3A_2118 = arith.constant 20 : i32
    %select_n3A_2119 = arith.select %eq3A_2117, %jit3A_2118, %select_n3A_2113 : i32
    %get3A_2120 = arith.constant 20 : index
    %get3A_2121 = arith.constant 1 : index
    %get3A_2122 = memref.load %arg10[%get3A_2120, %get3A_2121] : memref<32x2xi32, #tpu.memory_space<smem>>
    %eq3A_2123 = arith.cmpi eq, %get3A_2122, %get3A_1994 : i32
    %jit3A_2124 = arith.constant 21 : i32
    %select_n3A_2125 = arith.select %eq3A_2123, %jit3A_2124, %select_n3A_2119 : i32
    %get3A_2126 = arith.constant 21 : index
    %get3A_2127 = arith.constant 1 : index
    %get3A_2128 = memref.load %arg10[%get3A_2126, %get3A_2127] : memref<32x2xi32, #tpu.memory_space<smem>>
    %eq3A_2129 = arith.cmpi eq, %get3A_2128, %get3A_1994 : i32
    %jit3A_2130 = arith.constant 22 : i32
    %select_n3A_2131 = arith.select %eq3A_2129, %jit3A_2130, %select_n3A_2125 : i32
    %get3A_2132 = arith.constant 22 : index
    %get3A_2133 = arith.constant 1 : index
    %get3A_2134 = memref.load %arg10[%get3A_2132, %get3A_2133] : memref<32x2xi32, #tpu.memory_space<smem>>
    %eq3A_2135 = arith.cmpi eq, %get3A_2134, %get3A_1994 : i32
    %jit3A_2136 = arith.constant 23 : i32
    %select_n3A_2137 = arith.select %eq3A_2135, %jit3A_2136, %select_n3A_2131 : i32
    %get3A_2138 = arith.constant 23 : index
    %get3A_2139 = arith.constant 1 : index
    %get3A_2140 = memref.load %arg10[%get3A_2138, %get3A_2139] : memref<32x2xi32, #tpu.memory_space<smem>>
    %eq3A_2141 = arith.cmpi eq, %get3A_2140, %get3A_1994 : i32
    %jit3A_2142 = arith.constant 24 : i32
    %select_n3A_2143 = arith.select %eq3A_2141, %jit3A_2142, %select_n3A_2137 : i32
    %gt3A_2144 = arith.constant 0 : i32
    %gt3A_2145 = arith.cmpi sgt, %select_n3A_2143, %gt3A_2144 : i32
    %convert_element_type3A_2146 = arith.extui %gt3A_2145 : i1 to i32
    %cond3A_2147 = arith.constant 0 : i32
    %cond3A_2148 = arith.cmpi ne, %convert_element_type3A_2146, %cond3A_2147 : i32
    scf.if %cond3A_2148 {
      %get3A_3437 = arith.index_cast %select_n3A_2143 : i32 to index
      %get3A_3438 = arith.constant 0 : index
      %get3A_3439 = vector.load %arg14[%get3A_3437, %get3A_3438] : memref<33x128xf32, #tpu.memory_space<vmem>>, vector<1x128xf32>
      %dot_general3A_3440 = arith.constant dense<0.000000e+00> : vector<1x256xf32>
      %dot_general3A_3441 = tpu.matmul %get3A_3439, %concatenate3A_31, %dot_general3A_3440 {dimension_numbers = #tpu.dot_dimension_numbers<[1], [1], [0], [0], [0, 0, 1, 0], [], []>, transpose_lhs_hint = false} : vector<1x128xf32>, vector<256x128xf32>, vector<1x256xf32> -> vector<1x256xf32>
      %slice3A_3442 = vector.extract_strided_slice %slice3A {offsets = [24, 0], sizes = [1, 128], strides = [1, 1]} : vector<32x128xf32> to vector<1x128xf32>
      %slice3A_3443 = vector.extract_strided_slice %dot_general3A_3441 {offsets = [0, 0], sizes = [1, 128], strides = [1, 1]} : vector<1x256xf32> to vector<1x128xf32>
      %add3A_3444 = arith.addf %slice3A_3442, %slice3A_3443 : vector<1x128xf32>
      %jit3A_3445 = arith.constant 0.000000e+00 : f32
      %jit3A_3446 = arith.constant 1.000000e+00 : f32
      %max3A_3447 = vector.broadcast %jit3A_3445 : f32 to vector<1x128xf32>
      %max3A_3448 = arith.maximumf %max3A_3447, %add3A_3444 : vector<1x128xf32>
      %min3A_3449 = vector.broadcast %jit3A_3446 : f32 to vector<1x128xf32>
      %min3A_3450 = arith.minimumf %min3A_3449, %max3A_3448 : vector<1x128xf32>
      %slice3A_3451 = vector.extract_strided_slice %slice3A_20 {offsets = [24, 0], sizes = [1, 128], strides = [1, 1]} : vector<32x128xf32> to vector<1x128xf32>
      %slice3A_3452 = vector.extract_strided_slice %dot_general3A_3441 {offsets = [0, 128], sizes = [1, 128], strides = [1, 1]} : vector<1x256xf32> to vector<1x128xf32>
      %add3A_3453 = arith.addf %slice3A_3451, %slice3A_3452 : vector<1x128xf32>
      %jit3A_3454 = arith.constant 0.000000e+00 : f32
      %jit3A_3455 = arith.constant 1.000000e+00 : f32
      %max3A_3456 = vector.broadcast %jit3A_3454 : f32 to vector<1x128xf32>
      %max3A_3457 = arith.maximumf %max3A_3456, %add3A_3453 : vector<1x128xf32>
      %min3A_3458 = vector.broadcast %jit3A_3455 : f32 to vector<1x128xf32>
      %min3A_3459 = arith.minimumf %min3A_3458, %max3A_3457 : vector<1x128xf32>
      %slice3A_3460 = vector.extract_strided_slice %slice3A_21 {offsets = [24, 0], sizes = [1, 128], strides = [1, 1]} : vector<32x128xf32> to vector<1x128xf32>
      %mul3A_3461 = arith.mulf %get3A_3439, %min3A_3459 : vector<1x128xf32>
      %dot_general3A_3462 = arith.constant dense<0.000000e+00> : vector<1x128xf32>
      %dot_general3A_3463 = tpu.matmul %mul3A_3461, %get3A_34, %dot_general3A_3462 {dimension_numbers = #tpu.dot_dimension_numbers<[1], [1], [0], [0], [0, 0, 1, 0], [], []>, transpose_lhs_hint = false} : vector<1x128xf32>, vector<128x128xf32>, vector<1x128xf32> -> vector<1x128xf32>
      %add3A_3464 = arith.addf %slice3A_3460, %dot_general3A_3463 : vector<1x128xf32>
      %tanh3A_3465 = math.tanh %add3A_3464 : vector<1x128xf32>
      %sub3A_3466 = arith.constant 1.000000e+00 : f32
      %sub3A_3467 = vector.broadcast %sub3A_3466 : f32 to vector<1x128xf32>
      %sub3A_3468 = arith.subf %sub3A_3467, %min3A_3450 : vector<1x128xf32>
      %mul3A_3469 = arith.mulf %sub3A_3468, %get3A_3439 : vector<1x128xf32>
      %mul3A_3470 = arith.mulf %min3A_3450, %tanh3A_3465 : vector<1x128xf32>
      %add3A_3471 = arith.addf %mul3A_3469, %mul3A_3470 : vector<1x128xf32>
      %swap3A_3472 = arith.constant 25 : index
      %swap3A_3473 = arith.constant 0 : index
      %swap3A_3474 = vector.load %arg14[%swap3A_3472, %swap3A_3473] : memref<33x128xf32, #tpu.memory_space<vmem>>, vector<1x128xf32>
      tpu.vector_store %arg14[%swap3A_3472, %swap3A_3473], %add3A_3471 {strides = array<i32>} : memref<33x128xf32, #tpu.memory_space<vmem>>, vector<1x128xf32>,
    } else {
    }
    %get3A_2149 = arith.constant 25 : index
    %get3A_2150 = arith.constant 0 : index
    %get3A_2151 = memref.load %arg10[%get3A_2149, %get3A_2150] : memref<32x2xi32, #tpu.memory_space<smem>>
    %get3A_2152 = arith.constant 0 : index
    %get3A_2153 = arith.constant 1 : index
    %get3A_2154 = memref.load %arg10[%get3A_2152, %get3A_2153] : memref<32x2xi32, #tpu.memory_space<smem>>
    %mul3A_2155 = arith.constant 0 : i32
    %mul3A_2156 = arith.muli %get3A_2154, %mul3A_2155 : i32
    %get3A_2157 = arith.constant 0 : index
    %get3A_2158 = arith.constant 1 : index
    %get3A_2159 = memref.load %arg10[%get3A_2157, %get3A_2158] : memref<32x2xi32, #tpu.memory_space<smem>>
    %eq3A_2160 = arith.cmpi eq, %get3A_2159, %get3A_2151 : i32
    %jit3A_2161 = arith.constant 1 : i32
    %select_n3A_2162 = arith.select %eq3A_2160, %jit3A_2161, %mul3A_2156 : i32
    %get3A_2163 = arith.constant 1 : index
    %get3A_2164 = arith.constant 1 : index
    %get3A_2165 = memref.load %arg10[%get3A_2163, %get3A_2164] : memref<32x2xi32, #tpu.memory_space<smem>>
    %eq3A_2166 = arith.cmpi eq, %get3A_2165, %get3A_2151 : i32
    %jit3A_2167 = arith.constant 2 : i32
    %select_n3A_2168 = arith.select %eq3A_2166, %jit3A_2167, %select_n3A_2162 : i32
    %get3A_2169 = arith.constant 2 : index
    %get3A_2170 = arith.constant 1 : index
    %get3A_2171 = memref.load %arg10[%get3A_2169, %get3A_2170] : memref<32x2xi32, #tpu.memory_space<smem>>
    %eq3A_2172 = arith.cmpi eq, %get3A_2171, %get3A_2151 : i32
    %jit3A_2173 = arith.constant 3 : i32
    %select_n3A_2174 = arith.select %eq3A_2172, %jit3A_2173, %select_n3A_2168 : i32
    %get3A_2175 = arith.constant 3 : index
    %get3A_2176 = arith.constant 1 : index
    %get3A_2177 = memref.load %arg10[%get3A_2175, %get3A_2176] : memref<32x2xi32, #tpu.memory_space<smem>>
    %eq3A_2178 = arith.cmpi eq, %get3A_2177, %get3A_2151 : i32
    %jit3A_2179 = arith.constant 4 : i32
    %select_n3A_2180 = arith.select %eq3A_2178, %jit3A_2179, %select_n3A_2174 : i32
    %get3A_2181 = arith.constant 4 : index
    %get3A_2182 = arith.constant 1 : index
    %get3A_2183 = memref.load %arg10[%get3A_2181, %get3A_2182] : memref<32x2xi32, #tpu.memory_space<smem>>
    %eq3A_2184 = arith.cmpi eq, %get3A_2183, %get3A_2151 : i32
    %jit3A_2185 = arith.constant 5 : i32
    %select_n3A_2186 = arith.select %eq3A_2184, %jit3A_2185, %select_n3A_2180 : i32
    %get3A_2187 = arith.constant 5 : index
    %get3A_2188 = arith.constant 1 : index
    %get3A_2189 = memref.load %arg10[%get3A_2187, %get3A_2188] : memref<32x2xi32, #tpu.memory_space<smem>>
    %eq3A_2190 = arith.cmpi eq, %get3A_2189, %get3A_2151 : i32
    %jit3A_2191 = arith.constant 6 : i32
    %select_n3A_2192 = arith.select %eq3A_2190, %jit3A_2191, %select_n3A_2186 : i32
    %get3A_2193 = arith.constant 6 : index
    %get3A_2194 = arith.constant 1 : index
    %get3A_2195 = memref.load %arg10[%get3A_2193, %get3A_2194] : memref<32x2xi32, #tpu.memory_space<smem>>
    %eq3A_2196 = arith.cmpi eq, %get3A_2195, %get3A_2151 : i32
    %jit3A_2197 = arith.constant 7 : i32
    %select_n3A_2198 = arith.select %eq3A_2196, %jit3A_2197, %select_n3A_2192 : i32
    %get3A_2199 = arith.constant 7 : index
    %get3A_2200 = arith.constant 1 : index
    %get3A_2201 = memref.load %arg10[%get3A_2199, %get3A_2200] : memref<32x2xi32, #tpu.memory_space<smem>>
    %eq3A_2202 = arith.cmpi eq, %get3A_2201, %get3A_2151 : i32
    %jit3A_2203 = arith.constant 8 : i32
    %select_n3A_2204 = arith.select %eq3A_2202, %jit3A_2203, %select_n3A_2198 : i32
    %get3A_2205 = arith.constant 8 : index
    %get3A_2206 = arith.constant 1 : index
    %get3A_2207 = memref.load %arg10[%get3A_2205, %get3A_2206] : memref<32x2xi32, #tpu.memory_space<smem>>
    %eq3A_2208 = arith.cmpi eq, %get3A_2207, %get3A_2151 : i32
    %jit3A_2209 = arith.constant 9 : i32
    %select_n3A_2210 = arith.select %eq3A_2208, %jit3A_2209, %select_n3A_2204 : i32
    %get3A_2211 = arith.constant 9 : index
    %get3A_2212 = arith.constant 1 : index
    %get3A_2213 = memref.load %arg10[%get3A_2211, %get3A_2212] : memref<32x2xi32, #tpu.memory_space<smem>>
    %eq3A_2214 = arith.cmpi eq, %get3A_2213, %get3A_2151 : i32
    %jit3A_2215 = arith.constant 10 : i32
    %select_n3A_2216 = arith.select %eq3A_2214, %jit3A_2215, %select_n3A_2210 : i32
    %get3A_2217 = arith.constant 10 : index
    %get3A_2218 = arith.constant 1 : index
    %get3A_2219 = memref.load %arg10[%get3A_2217, %get3A_2218] : memref<32x2xi32, #tpu.memory_space<smem>>
    %eq3A_2220 = arith.cmpi eq, %get3A_2219, %get3A_2151 : i32
    %jit3A_2221 = arith.constant 11 : i32
    %select_n3A_2222 = arith.select %eq3A_2220, %jit3A_2221, %select_n3A_2216 : i32
    %get3A_2223 = arith.constant 11 : index
    %get3A_2224 = arith.constant 1 : index
    %get3A_2225 = memref.load %arg10[%get3A_2223, %get3A_2224] : memref<32x2xi32, #tpu.memory_space<smem>>
    %eq3A_2226 = arith.cmpi eq, %get3A_2225, %get3A_2151 : i32
    %jit3A_2227 = arith.constant 12 : i32
    %select_n3A_2228 = arith.select %eq3A_2226, %jit3A_2227, %select_n3A_2222 : i32
    %get3A_2229 = arith.constant 12 : index
    %get3A_2230 = arith.constant 1 : index
    %get3A_2231 = memref.load %arg10[%get3A_2229, %get3A_2230] : memref<32x2xi32, #tpu.memory_space<smem>>
    %eq3A_2232 = arith.cmpi eq, %get3A_2231, %get3A_2151 : i32
    %jit3A_2233 = arith.constant 13 : i32
    %select_n3A_2234 = arith.select %eq3A_2232, %jit3A_2233, %select_n3A_2228 : i32
    %get3A_2235 = arith.constant 13 : index
    %get3A_2236 = arith.constant 1 : index
    %get3A_2237 = memref.load %arg10[%get3A_2235, %get3A_2236] : memref<32x2xi32, #tpu.memory_space<smem>>
    %eq3A_2238 = arith.cmpi eq, %get3A_2237, %get3A_2151 : i32
    %jit3A_2239 = arith.constant 14 : i32
    %select_n3A_2240 = arith.select %eq3A_2238, %jit3A_2239, %select_n3A_2234 : i32
    %get3A_2241 = arith.constant 14 : index
    %get3A_2242 = arith.constant 1 : index
    %get3A_2243 = memref.load %arg10[%get3A_2241, %get3A_2242] : memref<32x2xi32, #tpu.memory_space<smem>>
    %eq3A_2244 = arith.cmpi eq, %get3A_2243, %get3A_2151 : i32
    %jit3A_2245 = arith.constant 15 : i32
    %select_n3A_2246 = arith.select %eq3A_2244, %jit3A_2245, %select_n3A_2240 : i32
    %get3A_2247 = arith.constant 15 : index
    %get3A_2248 = arith.constant 1 : index
    %get3A_2249 = memref.load %arg10[%get3A_2247, %get3A_2248] : memref<32x2xi32, #tpu.memory_space<smem>>
    %eq3A_2250 = arith.cmpi eq, %get3A_2249, %get3A_2151 : i32
    %jit3A_2251 = arith.constant 16 : i32
    %select_n3A_2252 = arith.select %eq3A_2250, %jit3A_2251, %select_n3A_2246 : i32
    %get3A_2253 = arith.constant 16 : index
    %get3A_2254 = arith.constant 1 : index
    %get3A_2255 = memref.load %arg10[%get3A_2253, %get3A_2254] : memref<32x2xi32, #tpu.memory_space<smem>>
    %eq3A_2256 = arith.cmpi eq, %get3A_2255, %get3A_2151 : i32
    %jit3A_2257 = arith.constant 17 : i32
    %select_n3A_2258 = arith.select %eq3A_2256, %jit3A_2257, %select_n3A_2252 : i32
    %get3A_2259 = arith.constant 17 : index
    %get3A_2260 = arith.constant 1 : index
    %get3A_2261 = memref.load %arg10[%get3A_2259, %get3A_2260] : memref<32x2xi32, #tpu.memory_space<smem>>
    %eq3A_2262 = arith.cmpi eq, %get3A_2261, %get3A_2151 : i32
    %jit3A_2263 = arith.constant 18 : i32
    %select_n3A_2264 = arith.select %eq3A_2262, %jit3A_2263, %select_n3A_2258 : i32
    %get3A_2265 = arith.constant 18 : index
    %get3A_2266 = arith.constant 1 : index
    %get3A_2267 = memref.load %arg10[%get3A_2265, %get3A_2266] : memref<32x2xi32, #tpu.memory_space<smem>>
    %eq3A_2268 = arith.cmpi eq, %get3A_2267, %get3A_2151 : i32
    %jit3A_2269 = arith.constant 19 : i32
    %select_n3A_2270 = arith.select %eq3A_2268, %jit3A_2269, %select_n3A_2264 : i32
    %get3A_2271 = arith.constant 19 : index
    %get3A_2272 = arith.constant 1 : index
    %get3A_2273 = memref.load %arg10[%get3A_2271, %get3A_2272] : memref<32x2xi32, #tpu.memory_space<smem>>
    %eq3A_2274 = arith.cmpi eq, %get3A_2273, %get3A_2151 : i32
    %jit3A_2275 = arith.constant 20 : i32
    %select_n3A_2276 = arith.select %eq3A_2274, %jit3A_2275, %select_n3A_2270 : i32
    %get3A_2277 = arith.constant 20 : index
    %get3A_2278 = arith.constant 1 : index
    %get3A_2279 = memref.load %arg10[%get3A_2277, %get3A_2278] : memref<32x2xi32, #tpu.memory_space<smem>>
    %eq3A_2280 = arith.cmpi eq, %get3A_2279, %get3A_2151 : i32
    %jit3A_2281 = arith.constant 21 : i32
    %select_n3A_2282 = arith.select %eq3A_2280, %jit3A_2281, %select_n3A_2276 : i32
    %get3A_2283 = arith.constant 21 : index
    %get3A_2284 = arith.constant 1 : index
    %get3A_2285 = memref.load %arg10[%get3A_2283, %get3A_2284] : memref<32x2xi32, #tpu.memory_space<smem>>
    %eq3A_2286 = arith.cmpi eq, %get3A_2285, %get3A_2151 : i32
    %jit3A_2287 = arith.constant 22 : i32
    %select_n3A_2288 = arith.select %eq3A_2286, %jit3A_2287, %select_n3A_2282 : i32
    %get3A_2289 = arith.constant 22 : index
    %get3A_2290 = arith.constant 1 : index
    %get3A_2291 = memref.load %arg10[%get3A_2289, %get3A_2290] : memref<32x2xi32, #tpu.memory_space<smem>>
    %eq3A_2292 = arith.cmpi eq, %get3A_2291, %get3A_2151 : i32
    %jit3A_2293 = arith.constant 23 : i32
    %select_n3A_2294 = arith.select %eq3A_2292, %jit3A_2293, %select_n3A_2288 : i32
    %get3A_2295 = arith.constant 23 : index
    %get3A_2296 = arith.constant 1 : index
    %get3A_2297 = memref.load %arg10[%get3A_2295, %get3A_2296] : memref<32x2xi32, #tpu.memory_space<smem>>
    %eq3A_2298 = arith.cmpi eq, %get3A_2297, %get3A_2151 : i32
    %jit3A_2299 = arith.constant 24 : i32
    %select_n3A_2300 = arith.select %eq3A_2298, %jit3A_2299, %select_n3A_2294 : i32
    %get3A_2301 = arith.constant 24 : index
    %get3A_2302 = arith.constant 1 : index
    %get3A_2303 = memref.load %arg10[%get3A_2301, %get3A_2302] : memref<32x2xi32, #tpu.memory_space<smem>>
    %eq3A_2304 = arith.cmpi eq, %get3A_2303, %get3A_2151 : i32
    %jit3A_2305 = arith.constant 25 : i32
    %select_n3A_2306 = arith.select %eq3A_2304, %jit3A_2305, %select_n3A_2300 : i32
    %gt3A_2307 = arith.constant 0 : i32
    %gt3A_2308 = arith.cmpi sgt, %select_n3A_2306, %gt3A_2307 : i32
    %convert_element_type3A_2309 = arith.extui %gt3A_2308 : i1 to i32
    %cond3A_2310 = arith.constant 0 : i32
    %cond3A_2311 = arith.cmpi ne, %convert_element_type3A_2309, %cond3A_2310 : i32
    scf.if %cond3A_2311 {
      %get3A_3437 = arith.index_cast %select_n3A_2306 : i32 to index
      %get3A_3438 = arith.constant 0 : index
      %get3A_3439 = vector.load %arg14[%get3A_3437, %get3A_3438] : memref<33x128xf32, #tpu.memory_space<vmem>>, vector<1x128xf32>
      %dot_general3A_3440 = arith.constant dense<0.000000e+00> : vector<1x256xf32>
      %dot_general3A_3441 = tpu.matmul %get3A_3439, %concatenate3A_31, %dot_general3A_3440 {dimension_numbers = #tpu.dot_dimension_numbers<[1], [1], [0], [0], [0, 0, 1, 0], [], []>, transpose_lhs_hint = false} : vector<1x128xf32>, vector<256x128xf32>, vector<1x256xf32> -> vector<1x256xf32>
      %slice3A_3442 = vector.extract_strided_slice %slice3A {offsets = [25, 0], sizes = [1, 128], strides = [1, 1]} : vector<32x128xf32> to vector<1x128xf32>
      %slice3A_3443 = vector.extract_strided_slice %dot_general3A_3441 {offsets = [0, 0], sizes = [1, 128], strides = [1, 1]} : vector<1x256xf32> to vector<1x128xf32>
      %add3A_3444 = arith.addf %slice3A_3442, %slice3A_3443 : vector<1x128xf32>
      %jit3A_3445 = arith.constant 0.000000e+00 : f32
      %jit3A_3446 = arith.constant 1.000000e+00 : f32
      %max3A_3447 = vector.broadcast %jit3A_3445 : f32 to vector<1x128xf32>
      %max3A_3448 = arith.maximumf %max3A_3447, %add3A_3444 : vector<1x128xf32>
      %min3A_3449 = vector.broadcast %jit3A_3446 : f32 to vector<1x128xf32>
      %min3A_3450 = arith.minimumf %min3A_3449, %max3A_3448 : vector<1x128xf32>
      %slice3A_3451 = vector.extract_strided_slice %slice3A_20 {offsets = [25, 0], sizes = [1, 128], strides = [1, 1]} : vector<32x128xf32> to vector<1x128xf32>
      %slice3A_3452 = vector.extract_strided_slice %dot_general3A_3441 {offsets = [0, 128], sizes = [1, 128], strides = [1, 1]} : vector<1x256xf32> to vector<1x128xf32>
      %add3A_3453 = arith.addf %slice3A_3451, %slice3A_3452 : vector<1x128xf32>
      %jit3A_3454 = arith.constant 0.000000e+00 : f32
      %jit3A_3455 = arith.constant 1.000000e+00 : f32
      %max3A_3456 = vector.broadcast %jit3A_3454 : f32 to vector<1x128xf32>
      %max3A_3457 = arith.maximumf %max3A_3456, %add3A_3453 : vector<1x128xf32>
      %min3A_3458 = vector.broadcast %jit3A_3455 : f32 to vector<1x128xf32>
      %min3A_3459 = arith.minimumf %min3A_3458, %max3A_3457 : vector<1x128xf32>
      %slice3A_3460 = vector.extract_strided_slice %slice3A_21 {offsets = [25, 0], sizes = [1, 128], strides = [1, 1]} : vector<32x128xf32> to vector<1x128xf32>
      %mul3A_3461 = arith.mulf %get3A_3439, %min3A_3459 : vector<1x128xf32>
      %dot_general3A_3462 = arith.constant dense<0.000000e+00> : vector<1x128xf32>
      %dot_general3A_3463 = tpu.matmul %mul3A_3461, %get3A_34, %dot_general3A_3462 {dimension_numbers = #tpu.dot_dimension_numbers<[1], [1], [0], [0], [0, 0, 1, 0], [], []>, transpose_lhs_hint = false} : vector<1x128xf32>, vector<128x128xf32>, vector<1x128xf32> -> vector<1x128xf32>
      %add3A_3464 = arith.addf %slice3A_3460, %dot_general3A_3463 : vector<1x128xf32>
      %tanh3A_3465 = math.tanh %add3A_3464 : vector<1x128xf32>
      %sub3A_3466 = arith.constant 1.000000e+00 : f32
      %sub3A_3467 = vector.broadcast %sub3A_3466 : f32 to vector<1x128xf32>
      %sub3A_3468 = arith.subf %sub3A_3467, %min3A_3450 : vector<1x128xf32>
      %mul3A_3469 = arith.mulf %sub3A_3468, %get3A_3439 : vector<1x128xf32>
      %mul3A_3470 = arith.mulf %min3A_3450, %tanh3A_3465 : vector<1x128xf32>
      %add3A_3471 = arith.addf %mul3A_3469, %mul3A_3470 : vector<1x128xf32>
      %swap3A_3472 = arith.constant 26 : index
      %swap3A_3473 = arith.constant 0 : index
      %swap3A_3474 = vector.load %arg14[%swap3A_3472, %swap3A_3473] : memref<33x128xf32, #tpu.memory_space<vmem>>, vector<1x128xf32>
      tpu.vector_store %arg14[%swap3A_3472, %swap3A_3473], %add3A_3471 {strides = array<i32>} : memref<33x128xf32, #tpu.memory_space<vmem>>, vector<1x128xf32>,
    } else {
    }
    %get3A_2312 = arith.constant 26 : index
    %get3A_2313 = arith.constant 0 : index
    %get3A_2314 = memref.load %arg10[%get3A_2312, %get3A_2313] : memref<32x2xi32, #tpu.memory_space<smem>>
    %get3A_2315 = arith.constant 0 : index
    %get3A_2316 = arith.constant 1 : index
    %get3A_2317 = memref.load %arg10[%get3A_2315, %get3A_2316] : memref<32x2xi32, #tpu.memory_space<smem>>
    %mul3A_2318 = arith.constant 0 : i32
    %mul3A_2319 = arith.muli %get3A_2317, %mul3A_2318 : i32
    %get3A_2320 = arith.constant 0 : index
    %get3A_2321 = arith.constant 1 : index
    %get3A_2322 = memref.load %arg10[%get3A_2320, %get3A_2321] : memref<32x2xi32, #tpu.memory_space<smem>>
    %eq3A_2323 = arith.cmpi eq, %get3A_2322, %get3A_2314 : i32
    %jit3A_2324 = arith.constant 1 : i32
    %select_n3A_2325 = arith.select %eq3A_2323, %jit3A_2324, %mul3A_2319 : i32
    %get3A_2326 = arith.constant 1 : index
    %get3A_2327 = arith.constant 1 : index
    %get3A_2328 = memref.load %arg10[%get3A_2326, %get3A_2327] : memref<32x2xi32, #tpu.memory_space<smem>>
    %eq3A_2329 = arith.cmpi eq, %get3A_2328, %get3A_2314 : i32
    %jit3A_2330 = arith.constant 2 : i32
    %select_n3A_2331 = arith.select %eq3A_2329, %jit3A_2330, %select_n3A_2325 : i32
    %get3A_2332 = arith.constant 2 : index
    %get3A_2333 = arith.constant 1 : index
    %get3A_2334 = memref.load %arg10[%get3A_2332, %get3A_2333] : memref<32x2xi32, #tpu.memory_space<smem>>
    %eq3A_2335 = arith.cmpi eq, %get3A_2334, %get3A_2314 : i32
    %jit3A_2336 = arith.constant 3 : i32
    %select_n3A_2337 = arith.select %eq3A_2335, %jit3A_2336, %select_n3A_2331 : i32
    %get3A_2338 = arith.constant 3 : index
    %get3A_2339 = arith.constant 1 : index
    %get3A_2340 = memref.load %arg10[%get3A_2338, %get3A_2339] : memref<32x2xi32, #tpu.memory_space<smem>>
    %eq3A_2341 = arith.cmpi eq, %get3A_2340, %get3A_2314 : i32
    %jit3A_2342 = arith.constant 4 : i32
    %select_n3A_2343 = arith.select %eq3A_2341, %jit3A_2342, %select_n3A_2337 : i32
    %get3A_2344 = arith.constant 4 : index
    %get3A_2345 = arith.constant 1 : index
    %get3A_2346 = memref.load %arg10[%get3A_2344, %get3A_2345] : memref<32x2xi32, #tpu.memory_space<smem>>
    %eq3A_2347 = arith.cmpi eq, %get3A_2346, %get3A_2314 : i32
    %jit3A_2348 = arith.constant 5 : i32
    %select_n3A_2349 = arith.select %eq3A_2347, %jit3A_2348, %select_n3A_2343 : i32
    %get3A_2350 = arith.constant 5 : index
    %get3A_2351 = arith.constant 1 : index
    %get3A_2352 = memref.load %arg10[%get3A_2350, %get3A_2351] : memref<32x2xi32, #tpu.memory_space<smem>>
    %eq3A_2353 = arith.cmpi eq, %get3A_2352, %get3A_2314 : i32
    %jit3A_2354 = arith.constant 6 : i32
    %select_n3A_2355 = arith.select %eq3A_2353, %jit3A_2354, %select_n3A_2349 : i32
    %get3A_2356 = arith.constant 6 : index
    %get3A_2357 = arith.constant 1 : index
    %get3A_2358 = memref.load %arg10[%get3A_2356, %get3A_2357] : memref<32x2xi32, #tpu.memory_space<smem>>
    %eq3A_2359 = arith.cmpi eq, %get3A_2358, %get3A_2314 : i32
    %jit3A_2360 = arith.constant 7 : i32
    %select_n3A_2361 = arith.select %eq3A_2359, %jit3A_2360, %select_n3A_2355 : i32
    %get3A_2362 = arith.constant 7 : index
    %get3A_2363 = arith.constant 1 : index
    %get3A_2364 = memref.load %arg10[%get3A_2362, %get3A_2363] : memref<32x2xi32, #tpu.memory_space<smem>>
    %eq3A_2365 = arith.cmpi eq, %get3A_2364, %get3A_2314 : i32
    %jit3A_2366 = arith.constant 8 : i32
    %select_n3A_2367 = arith.select %eq3A_2365, %jit3A_2366, %select_n3A_2361 : i32
    %get3A_2368 = arith.constant 8 : index
    %get3A_2369 = arith.constant 1 : index
    %get3A_2370 = memref.load %arg10[%get3A_2368, %get3A_2369] : memref<32x2xi32, #tpu.memory_space<smem>>
    %eq3A_2371 = arith.cmpi eq, %get3A_2370, %get3A_2314 : i32
    %jit3A_2372 = arith.constant 9 : i32
    %select_n3A_2373 = arith.select %eq3A_2371, %jit3A_2372, %select_n3A_2367 : i32
    %get3A_2374 = arith.constant 9 : index
    %get3A_2375 = arith.constant 1 : index
    %get3A_2376 = memref.load %arg10[%get3A_2374, %get3A_2375] : memref<32x2xi32, #tpu.memory_space<smem>>
    %eq3A_2377 = arith.cmpi eq, %get3A_2376, %get3A_2314 : i32
    %jit3A_2378 = arith.constant 10 : i32
    %select_n3A_2379 = arith.select %eq3A_2377, %jit3A_2378, %select_n3A_2373 : i32
    %get3A_2380 = arith.constant 10 : index
    %get3A_2381 = arith.constant 1 : index
    %get3A_2382 = memref.load %arg10[%get3A_2380, %get3A_2381] : memref<32x2xi32, #tpu.memory_space<smem>>
    %eq3A_2383 = arith.cmpi eq, %get3A_2382, %get3A_2314 : i32
    %jit3A_2384 = arith.constant 11 : i32
    %select_n3A_2385 = arith.select %eq3A_2383, %jit3A_2384, %select_n3A_2379 : i32
    %get3A_2386 = arith.constant 11 : index
    %get3A_2387 = arith.constant 1 : index
    %get3A_2388 = memref.load %arg10[%get3A_2386, %get3A_2387] : memref<32x2xi32, #tpu.memory_space<smem>>
    %eq3A_2389 = arith.cmpi eq, %get3A_2388, %get3A_2314 : i32
    %jit3A_2390 = arith.constant 12 : i32
    %select_n3A_2391 = arith.select %eq3A_2389, %jit3A_2390, %select_n3A_2385 : i32
    %get3A_2392 = arith.constant 12 : index
    %get3A_2393 = arith.constant 1 : index
    %get3A_2394 = memref.load %arg10[%get3A_2392, %get3A_2393] : memref<32x2xi32, #tpu.memory_space<smem>>
    %eq3A_2395 = arith.cmpi eq, %get3A_2394, %get3A_2314 : i32
    %jit3A_2396 = arith.constant 13 : i32
    %select_n3A_2397 = arith.select %eq3A_2395, %jit3A_2396, %select_n3A_2391 : i32
    %get3A_2398 = arith.constant 13 : index
    %get3A_2399 = arith.constant 1 : index
    %get3A_2400 = memref.load %arg10[%get3A_2398, %get3A_2399] : memref<32x2xi32, #tpu.memory_space<smem>>
    %eq3A_2401 = arith.cmpi eq, %get3A_2400, %get3A_2314 : i32
    %jit3A_2402 = arith.constant 14 : i32
    %select_n3A_2403 = arith.select %eq3A_2401, %jit3A_2402, %select_n3A_2397 : i32
    %get3A_2404 = arith.constant 14 : index
    %get3A_2405 = arith.constant 1 : index
    %get3A_2406 = memref.load %arg10[%get3A_2404, %get3A_2405] : memref<32x2xi32, #tpu.memory_space<smem>>
    %eq3A_2407 = arith.cmpi eq, %get3A_2406, %get3A_2314 : i32
    %jit3A_2408 = arith.constant 15 : i32
    %select_n3A_2409 = arith.select %eq3A_2407, %jit3A_2408, %select_n3A_2403 : i32
    %get3A_2410 = arith.constant 15 : index
    %get3A_2411 = arith.constant 1 : index
    %get3A_2412 = memref.load %arg10[%get3A_2410, %get3A_2411] : memref<32x2xi32, #tpu.memory_space<smem>>
    %eq3A_2413 = arith.cmpi eq, %get3A_2412, %get3A_2314 : i32
    %jit3A_2414 = arith.constant 16 : i32
    %select_n3A_2415 = arith.select %eq3A_2413, %jit3A_2414, %select_n3A_2409 : i32
    %get3A_2416 = arith.constant 16 : index
    %get3A_2417 = arith.constant 1 : index
    %get3A_2418 = memref.load %arg10[%get3A_2416, %get3A_2417] : memref<32x2xi32, #tpu.memory_space<smem>>
    %eq3A_2419 = arith.cmpi eq, %get3A_2418, %get3A_2314 : i32
    %jit3A_2420 = arith.constant 17 : i32
    %select_n3A_2421 = arith.select %eq3A_2419, %jit3A_2420, %select_n3A_2415 : i32
    %get3A_2422 = arith.constant 17 : index
    %get3A_2423 = arith.constant 1 : index
    %get3A_2424 = memref.load %arg10[%get3A_2422, %get3A_2423] : memref<32x2xi32, #tpu.memory_space<smem>>
    %eq3A_2425 = arith.cmpi eq, %get3A_2424, %get3A_2314 : i32
    %jit3A_2426 = arith.constant 18 : i32
    %select_n3A_2427 = arith.select %eq3A_2425, %jit3A_2426, %select_n3A_2421 : i32
    %get3A_2428 = arith.constant 18 : index
    %get3A_2429 = arith.constant 1 : index
    %get3A_2430 = memref.load %arg10[%get3A_2428, %get3A_2429] : memref<32x2xi32, #tpu.memory_space<smem>>
    %eq3A_2431 = arith.cmpi eq, %get3A_2430, %get3A_2314 : i32
    %jit3A_2432 = arith.constant 19 : i32
    %select_n3A_2433 = arith.select %eq3A_2431, %jit3A_2432, %select_n3A_2427 : i32
    %get3A_2434 = arith.constant 19 : index
    %get3A_2435 = arith.constant 1 : index
    %get3A_2436 = memref.load %arg10[%get3A_2434, %get3A_2435] : memref<32x2xi32, #tpu.memory_space<smem>>
    %eq3A_2437 = arith.cmpi eq, %get3A_2436, %get3A_2314 : i32
    %jit3A_2438 = arith.constant 20 : i32
    %select_n3A_2439 = arith.select %eq3A_2437, %jit3A_2438, %select_n3A_2433 : i32
    %get3A_2440 = arith.constant 20 : index
    %get3A_2441 = arith.constant 1 : index
    %get3A_2442 = memref.load %arg10[%get3A_2440, %get3A_2441] : memref<32x2xi32, #tpu.memory_space<smem>>
    %eq3A_2443 = arith.cmpi eq, %get3A_2442, %get3A_2314 : i32
    %jit3A_2444 = arith.constant 21 : i32
    %select_n3A_2445 = arith.select %eq3A_2443, %jit3A_2444, %select_n3A_2439 : i32
    %get3A_2446 = arith.constant 21 : index
    %get3A_2447 = arith.constant 1 : index
    %get3A_2448 = memref.load %arg10[%get3A_2446, %get3A_2447] : memref<32x2xi32, #tpu.memory_space<smem>>
    %eq3A_2449 = arith.cmpi eq, %get3A_2448, %get3A_2314 : i32
    %jit3A_2450 = arith.constant 22 : i32
    %select_n3A_2451 = arith.select %eq3A_2449, %jit3A_2450, %select_n3A_2445 : i32
    %get3A_2452 = arith.constant 22 : index
    %get3A_2453 = arith.constant 1 : index
    %get3A_2454 = memref.load %arg10[%get3A_2452, %get3A_2453] : memref<32x2xi32, #tpu.memory_space<smem>>
    %eq3A_2455 = arith.cmpi eq, %get3A_2454, %get3A_2314 : i32
    %jit3A_2456 = arith.constant 23 : i32
    %select_n3A_2457 = arith.select %eq3A_2455, %jit3A_2456, %select_n3A_2451 : i32
    %get3A_2458 = arith.constant 23 : index
    %get3A_2459 = arith.constant 1 : index
    %get3A_2460 = memref.load %arg10[%get3A_2458, %get3A_2459] : memref<32x2xi32, #tpu.memory_space<smem>>
    %eq3A_2461 = arith.cmpi eq, %get3A_2460, %get3A_2314 : i32
    %jit3A_2462 = arith.constant 24 : i32
    %select_n3A_2463 = arith.select %eq3A_2461, %jit3A_2462, %select_n3A_2457 : i32
    %get3A_2464 = arith.constant 24 : index
    %get3A_2465 = arith.constant 1 : index
    %get3A_2466 = memref.load %arg10[%get3A_2464, %get3A_2465] : memref<32x2xi32, #tpu.memory_space<smem>>
    %eq3A_2467 = arith.cmpi eq, %get3A_2466, %get3A_2314 : i32
    %jit3A_2468 = arith.constant 25 : i32
    %select_n3A_2469 = arith.select %eq3A_2467, %jit3A_2468, %select_n3A_2463 : i32
    %get3A_2470 = arith.constant 25 : index
    %get3A_2471 = arith.constant 1 : index
    %get3A_2472 = memref.load %arg10[%get3A_2470, %get3A_2471] : memref<32x2xi32, #tpu.memory_space<smem>>
    %eq3A_2473 = arith.cmpi eq, %get3A_2472, %get3A_2314 : i32
    %jit3A_2474 = arith.constant 26 : i32
    %select_n3A_2475 = arith.select %eq3A_2473, %jit3A_2474, %select_n3A_2469 : i32
    %gt3A_2476 = arith.constant 0 : i32
    %gt3A_2477 = arith.cmpi sgt, %select_n3A_2475, %gt3A_2476 : i32
    %convert_element_type3A_2478 = arith.extui %gt3A_2477 : i1 to i32
    %cond3A_2479 = arith.constant 0 : i32
    %cond3A_2480 = arith.cmpi ne, %convert_element_type3A_2478, %cond3A_2479 : i32
    scf.if %cond3A_2480 {
      %get3A_3437 = arith.index_cast %select_n3A_2475 : i32 to index
      %get3A_3438 = arith.constant 0 : index
      %get3A_3439 = vector.load %arg14[%get3A_3437, %get3A_3438] : memref<33x128xf32, #tpu.memory_space<vmem>>, vector<1x128xf32>
      %dot_general3A_3440 = arith.constant dense<0.000000e+00> : vector<1x256xf32>
      %dot_general3A_3441 = tpu.matmul %get3A_3439, %concatenate3A_31, %dot_general3A_3440 {dimension_numbers = #tpu.dot_dimension_numbers<[1], [1], [0], [0], [0, 0, 1, 0], [], []>, transpose_lhs_hint = false} : vector<1x128xf32>, vector<256x128xf32>, vector<1x256xf32> -> vector<1x256xf32>
      %slice3A_3442 = vector.extract_strided_slice %slice3A {offsets = [26, 0], sizes = [1, 128], strides = [1, 1]} : vector<32x128xf32> to vector<1x128xf32>
      %slice3A_3443 = vector.extract_strided_slice %dot_general3A_3441 {offsets = [0, 0], sizes = [1, 128], strides = [1, 1]} : vector<1x256xf32> to vector<1x128xf32>
      %add3A_3444 = arith.addf %slice3A_3442, %slice3A_3443 : vector<1x128xf32>
      %jit3A_3445 = arith.constant 0.000000e+00 : f32
      %jit3A_3446 = arith.constant 1.000000e+00 : f32
      %max3A_3447 = vector.broadcast %jit3A_3445 : f32 to vector<1x128xf32>
      %max3A_3448 = arith.maximumf %max3A_3447, %add3A_3444 : vector<1x128xf32>
      %min3A_3449 = vector.broadcast %jit3A_3446 : f32 to vector<1x128xf32>
      %min3A_3450 = arith.minimumf %min3A_3449, %max3A_3448 : vector<1x128xf32>
      %slice3A_3451 = vector.extract_strided_slice %slice3A_20 {offsets = [26, 0], sizes = [1, 128], strides = [1, 1]} : vector<32x128xf32> to vector<1x128xf32>
      %slice3A_3452 = vector.extract_strided_slice %dot_general3A_3441 {offsets = [0, 128], sizes = [1, 128], strides = [1, 1]} : vector<1x256xf32> to vector<1x128xf32>
      %add3A_3453 = arith.addf %slice3A_3451, %slice3A_3452 : vector<1x128xf32>
      %jit3A_3454 = arith.constant 0.000000e+00 : f32
      %jit3A_3455 = arith.constant 1.000000e+00 : f32
      %max3A_3456 = vector.broadcast %jit3A_3454 : f32 to vector<1x128xf32>
      %max3A_3457 = arith.maximumf %max3A_3456, %add3A_3453 : vector<1x128xf32>
      %min3A_3458 = vector.broadcast %jit3A_3455 : f32 to vector<1x128xf32>
      %min3A_3459 = arith.minimumf %min3A_3458, %max3A_3457 : vector<1x128xf32>
      %slice3A_3460 = vector.extract_strided_slice %slice3A_21 {offsets = [26, 0], sizes = [1, 128], strides = [1, 1]} : vector<32x128xf32> to vector<1x128xf32>
      %mul3A_3461 = arith.mulf %get3A_3439, %min3A_3459 : vector<1x128xf32>
      %dot_general3A_3462 = arith.constant dense<0.000000e+00> : vector<1x128xf32>
      %dot_general3A_3463 = tpu.matmul %mul3A_3461, %get3A_34, %dot_general3A_3462 {dimension_numbers = #tpu.dot_dimension_numbers<[1], [1], [0], [0], [0, 0, 1, 0], [], []>, transpose_lhs_hint = false} : vector<1x128xf32>, vector<128x128xf32>, vector<1x128xf32> -> vector<1x128xf32>
      %add3A_3464 = arith.addf %slice3A_3460, %dot_general3A_3463 : vector<1x128xf32>
      %tanh3A_3465 = math.tanh %add3A_3464 : vector<1x128xf32>
      %sub3A_3466 = arith.constant 1.000000e+00 : f32
      %sub3A_3467 = vector.broadcast %sub3A_3466 : f32 to vector<1x128xf32>
      %sub3A_3468 = arith.subf %sub3A_3467, %min3A_3450 : vector<1x128xf32>
      %mul3A_3469 = arith.mulf %sub3A_3468, %get3A_3439 : vector<1x128xf32>
      %mul3A_3470 = arith.mulf %min3A_3450, %tanh3A_3465 : vector<1x128xf32>
      %add3A_3471 = arith.addf %mul3A_3469, %mul3A_3470 : vector<1x128xf32>
      %swap3A_3472 = arith.constant 27 : index
      %swap3A_3473 = arith.constant 0 : index
      %swap3A_3474 = vector.load %arg14[%swap3A_3472, %swap3A_3473] : memref<33x128xf32, #tpu.memory_space<vmem>>, vector<1x128xf32>
      tpu.vector_store %arg14[%swap3A_3472, %swap3A_3473], %add3A_3471 {strides = array<i32>} : memref<33x128xf32, #tpu.memory_space<vmem>>, vector<1x128xf32>,
    } else {
    }
    %get3A_2481 = arith.constant 27 : index
    %get3A_2482 = arith.constant 0 : index
    %get3A_2483 = memref.load %arg10[%get3A_2481, %get3A_2482] : memref<32x2xi32, #tpu.memory_space<smem>>
    %get3A_2484 = arith.constant 0 : index
    %get3A_2485 = arith.constant 1 : index
    %get3A_2486 = memref.load %arg10[%get3A_2484, %get3A_2485] : memref<32x2xi32, #tpu.memory_space<smem>>
    %mul3A_2487 = arith.constant 0 : i32
    %mul3A_2488 = arith.muli %get3A_2486, %mul3A_2487 : i32
    %get3A_2489 = arith.constant 0 : index
    %get3A_2490 = arith.constant 1 : index
    %get3A_2491 = memref.load %arg10[%get3A_2489, %get3A_2490] : memref<32x2xi32, #tpu.memory_space<smem>>
    %eq3A_2492 = arith.cmpi eq, %get3A_2491, %get3A_2483 : i32
    %jit3A_2493 = arith.constant 1 : i32
    %select_n3A_2494 = arith.select %eq3A_2492, %jit3A_2493, %mul3A_2488 : i32
    %get3A_2495 = arith.constant 1 : index
    %get3A_2496 = arith.constant 1 : index
    %get3A_2497 = memref.load %arg10[%get3A_2495, %get3A_2496] : memref<32x2xi32, #tpu.memory_space<smem>>
    %eq3A_2498 = arith.cmpi eq, %get3A_2497, %get3A_2483 : i32
    %jit3A_2499 = arith.constant 2 : i32
    %select_n3A_2500 = arith.select %eq3A_2498, %jit3A_2499, %select_n3A_2494 : i32
    %get3A_2501 = arith.constant 2 : index
    %get3A_2502 = arith.constant 1 : index
    %get3A_2503 = memref.load %arg10[%get3A_2501, %get3A_2502] : memref<32x2xi32, #tpu.memory_space<smem>>
    %eq3A_2504 = arith.cmpi eq, %get3A_2503, %get3A_2483 : i32
    %jit3A_2505 = arith.constant 3 : i32
    %select_n3A_2506 = arith.select %eq3A_2504, %jit3A_2505, %select_n3A_2500 : i32
    %get3A_2507 = arith.constant 3 : index
    %get3A_2508 = arith.constant 1 : index
    %get3A_2509 = memref.load %arg10[%get3A_2507, %get3A_2508] : memref<32x2xi32, #tpu.memory_space<smem>>
    %eq3A_2510 = arith.cmpi eq, %get3A_2509, %get3A_2483 : i32
    %jit3A_2511 = arith.constant 4 : i32
    %select_n3A_2512 = arith.select %eq3A_2510, %jit3A_2511, %select_n3A_2506 : i32
    %get3A_2513 = arith.constant 4 : index
    %get3A_2514 = arith.constant 1 : index
    %get3A_2515 = memref.load %arg10[%get3A_2513, %get3A_2514] : memref<32x2xi32, #tpu.memory_space<smem>>
    %eq3A_2516 = arith.cmpi eq, %get3A_2515, %get3A_2483 : i32
    %jit3A_2517 = arith.constant 5 : i32
    %select_n3A_2518 = arith.select %eq3A_2516, %jit3A_2517, %select_n3A_2512 : i32
    %get3A_2519 = arith.constant 5 : index
    %get3A_2520 = arith.constant 1 : index
    %get3A_2521 = memref.load %arg10[%get3A_2519, %get3A_2520] : memref<32x2xi32, #tpu.memory_space<smem>>
    %eq3A_2522 = arith.cmpi eq, %get3A_2521, %get3A_2483 : i32
    %jit3A_2523 = arith.constant 6 : i32
    %select_n3A_2524 = arith.select %eq3A_2522, %jit3A_2523, %select_n3A_2518 : i32
    %get3A_2525 = arith.constant 6 : index
    %get3A_2526 = arith.constant 1 : index
    %get3A_2527 = memref.load %arg10[%get3A_2525, %get3A_2526] : memref<32x2xi32, #tpu.memory_space<smem>>
    %eq3A_2528 = arith.cmpi eq, %get3A_2527, %get3A_2483 : i32
    %jit3A_2529 = arith.constant 7 : i32
    %select_n3A_2530 = arith.select %eq3A_2528, %jit3A_2529, %select_n3A_2524 : i32
    %get3A_2531 = arith.constant 7 : index
    %get3A_2532 = arith.constant 1 : index
    %get3A_2533 = memref.load %arg10[%get3A_2531, %get3A_2532] : memref<32x2xi32, #tpu.memory_space<smem>>
    %eq3A_2534 = arith.cmpi eq, %get3A_2533, %get3A_2483 : i32
    %jit3A_2535 = arith.constant 8 : i32
    %select_n3A_2536 = arith.select %eq3A_2534, %jit3A_2535, %select_n3A_2530 : i32
    %get3A_2537 = arith.constant 8 : index
    %get3A_2538 = arith.constant 1 : index
    %get3A_2539 = memref.load %arg10[%get3A_2537, %get3A_2538] : memref<32x2xi32, #tpu.memory_space<smem>>
    %eq3A_2540 = arith.cmpi eq, %get3A_2539, %get3A_2483 : i32
    %jit3A_2541 = arith.constant 9 : i32
    %select_n3A_2542 = arith.select %eq3A_2540, %jit3A_2541, %select_n3A_2536 : i32
    %get3A_2543 = arith.constant 9 : index
    %get3A_2544 = arith.constant 1 : index
    %get3A_2545 = memref.load %arg10[%get3A_2543, %get3A_2544] : memref<32x2xi32, #tpu.memory_space<smem>>
    %eq3A_2546 = arith.cmpi eq, %get3A_2545, %get3A_2483 : i32
    %jit3A_2547 = arith.constant 10 : i32
    %select_n3A_2548 = arith.select %eq3A_2546, %jit3A_2547, %select_n3A_2542 : i32
    %get3A_2549 = arith.constant 10 : index
    %get3A_2550 = arith.constant 1 : index
    %get3A_2551 = memref.load %arg10[%get3A_2549, %get3A_2550] : memref<32x2xi32, #tpu.memory_space<smem>>
    %eq3A_2552 = arith.cmpi eq, %get3A_2551, %get3A_2483 : i32
    %jit3A_2553 = arith.constant 11 : i32
    %select_n3A_2554 = arith.select %eq3A_2552, %jit3A_2553, %select_n3A_2548 : i32
    %get3A_2555 = arith.constant 11 : index
    %get3A_2556 = arith.constant 1 : index
    %get3A_2557 = memref.load %arg10[%get3A_2555, %get3A_2556] : memref<32x2xi32, #tpu.memory_space<smem>>
    %eq3A_2558 = arith.cmpi eq, %get3A_2557, %get3A_2483 : i32
    %jit3A_2559 = arith.constant 12 : i32
    %select_n3A_2560 = arith.select %eq3A_2558, %jit3A_2559, %select_n3A_2554 : i32
    %get3A_2561 = arith.constant 12 : index
    %get3A_2562 = arith.constant 1 : index
    %get3A_2563 = memref.load %arg10[%get3A_2561, %get3A_2562] : memref<32x2xi32, #tpu.memory_space<smem>>
    %eq3A_2564 = arith.cmpi eq, %get3A_2563, %get3A_2483 : i32
    %jit3A_2565 = arith.constant 13 : i32
    %select_n3A_2566 = arith.select %eq3A_2564, %jit3A_2565, %select_n3A_2560 : i32
    %get3A_2567 = arith.constant 13 : index
    %get3A_2568 = arith.constant 1 : index
    %get3A_2569 = memref.load %arg10[%get3A_2567, %get3A_2568] : memref<32x2xi32, #tpu.memory_space<smem>>
    %eq3A_2570 = arith.cmpi eq, %get3A_2569, %get3A_2483 : i32
    %jit3A_2571 = arith.constant 14 : i32
    %select_n3A_2572 = arith.select %eq3A_2570, %jit3A_2571, %select_n3A_2566 : i32
    %get3A_2573 = arith.constant 14 : index
    %get3A_2574 = arith.constant 1 : index
    %get3A_2575 = memref.load %arg10[%get3A_2573, %get3A_2574] : memref<32x2xi32, #tpu.memory_space<smem>>
    %eq3A_2576 = arith.cmpi eq, %get3A_2575, %get3A_2483 : i32
    %jit3A_2577 = arith.constant 15 : i32
    %select_n3A_2578 = arith.select %eq3A_2576, %jit3A_2577, %select_n3A_2572 : i32
    %get3A_2579 = arith.constant 15 : index
    %get3A_2580 = arith.constant 1 : index
    %get3A_2581 = memref.load %arg10[%get3A_2579, %get3A_2580] : memref<32x2xi32, #tpu.memory_space<smem>>
    %eq3A_2582 = arith.cmpi eq, %get3A_2581, %get3A_2483 : i32
    %jit3A_2583 = arith.constant 16 : i32
    %select_n3A_2584 = arith.select %eq3A_2582, %jit3A_2583, %select_n3A_2578 : i32
    %get3A_2585 = arith.constant 16 : index
    %get3A_2586 = arith.constant 1 : index
    %get3A_2587 = memref.load %arg10[%get3A_2585, %get3A_2586] : memref<32x2xi32, #tpu.memory_space<smem>>
    %eq3A_2588 = arith.cmpi eq, %get3A_2587, %get3A_2483 : i32
    %jit3A_2589 = arith.constant 17 : i32
    %select_n3A_2590 = arith.select %eq3A_2588, %jit3A_2589, %select_n3A_2584 : i32
    %get3A_2591 = arith.constant 17 : index
    %get3A_2592 = arith.constant 1 : index
    %get3A_2593 = memref.load %arg10[%get3A_2591, %get3A_2592] : memref<32x2xi32, #tpu.memory_space<smem>>
    %eq3A_2594 = arith.cmpi eq, %get3A_2593, %get3A_2483 : i32
    %jit3A_2595 = arith.constant 18 : i32
    %select_n3A_2596 = arith.select %eq3A_2594, %jit3A_2595, %select_n3A_2590 : i32
    %get3A_2597 = arith.constant 18 : index
    %get3A_2598 = arith.constant 1 : index
    %get3A_2599 = memref.load %arg10[%get3A_2597, %get3A_2598] : memref<32x2xi32, #tpu.memory_space<smem>>
    %eq3A_2600 = arith.cmpi eq, %get3A_2599, %get3A_2483 : i32
    %jit3A_2601 = arith.constant 19 : i32
    %select_n3A_2602 = arith.select %eq3A_2600, %jit3A_2601, %select_n3A_2596 : i32
    %get3A_2603 = arith.constant 19 : index
    %get3A_2604 = arith.constant 1 : index
    %get3A_2605 = memref.load %arg10[%get3A_2603, %get3A_2604] : memref<32x2xi32, #tpu.memory_space<smem>>
    %eq3A_2606 = arith.cmpi eq, %get3A_2605, %get3A_2483 : i32
    %jit3A_2607 = arith.constant 20 : i32
    %select_n3A_2608 = arith.select %eq3A_2606, %jit3A_2607, %select_n3A_2602 : i32
    %get3A_2609 = arith.constant 20 : index
    %get3A_2610 = arith.constant 1 : index
    %get3A_2611 = memref.load %arg10[%get3A_2609, %get3A_2610] : memref<32x2xi32, #tpu.memory_space<smem>>
    %eq3A_2612 = arith.cmpi eq, %get3A_2611, %get3A_2483 : i32
    %jit3A_2613 = arith.constant 21 : i32
    %select_n3A_2614 = arith.select %eq3A_2612, %jit3A_2613, %select_n3A_2608 : i32
    %get3A_2615 = arith.constant 21 : index
    %get3A_2616 = arith.constant 1 : index
    %get3A_2617 = memref.load %arg10[%get3A_2615, %get3A_2616] : memref<32x2xi32, #tpu.memory_space<smem>>
    %eq3A_2618 = arith.cmpi eq, %get3A_2617, %get3A_2483 : i32
    %jit3A_2619 = arith.constant 22 : i32
    %select_n3A_2620 = arith.select %eq3A_2618, %jit3A_2619, %select_n3A_2614 : i32
    %get3A_2621 = arith.constant 22 : index
    %get3A_2622 = arith.constant 1 : index
    %get3A_2623 = memref.load %arg10[%get3A_2621, %get3A_2622] : memref<32x2xi32, #tpu.memory_space<smem>>
    %eq3A_2624 = arith.cmpi eq, %get3A_2623, %get3A_2483 : i32
    %jit3A_2625 = arith.constant 23 : i32
    %select_n3A_2626 = arith.select %eq3A_2624, %jit3A_2625, %select_n3A_2620 : i32
    %get3A_2627 = arith.constant 23 : index
    %get3A_2628 = arith.constant 1 : index
    %get3A_2629 = memref.load %arg10[%get3A_2627, %get3A_2628] : memref<32x2xi32, #tpu.memory_space<smem>>
    %eq3A_2630 = arith.cmpi eq, %get3A_2629, %get3A_2483 : i32
    %jit3A_2631 = arith.constant 24 : i32
    %select_n3A_2632 = arith.select %eq3A_2630, %jit3A_2631, %select_n3A_2626 : i32
    %get3A_2633 = arith.constant 24 : index
    %get3A_2634 = arith.constant 1 : index
    %get3A_2635 = memref.load %arg10[%get3A_2633, %get3A_2634] : memref<32x2xi32, #tpu.memory_space<smem>>
    %eq3A_2636 = arith.cmpi eq, %get3A_2635, %get3A_2483 : i32
    %jit3A_2637 = arith.constant 25 : i32
    %select_n3A_2638 = arith.select %eq3A_2636, %jit3A_2637, %select_n3A_2632 : i32
    %get3A_2639 = arith.constant 25 : index
    %get3A_2640 = arith.constant 1 : index
    %get3A_2641 = memref.load %arg10[%get3A_2639, %get3A_2640] : memref<32x2xi32, #tpu.memory_space<smem>>
    %eq3A_2642 = arith.cmpi eq, %get3A_2641, %get3A_2483 : i32
    %jit3A_2643 = arith.constant 26 : i32
    %select_n3A_2644 = arith.select %eq3A_2642, %jit3A_2643, %select_n3A_2638 : i32
    %get3A_2645 = arith.constant 26 : index
    %get3A_2646 = arith.constant 1 : index
    %get3A_2647 = memref.load %arg10[%get3A_2645, %get3A_2646] : memref<32x2xi32, #tpu.memory_space<smem>>
    %eq3A_2648 = arith.cmpi eq, %get3A_2647, %get3A_2483 : i32
    %jit3A_2649 = arith.constant 27 : i32
    %select_n3A_2650 = arith.select %eq3A_2648, %jit3A_2649, %select_n3A_2644 : i32
    %gt3A_2651 = arith.constant 0 : i32
    %gt3A_2652 = arith.cmpi sgt, %select_n3A_2650, %gt3A_2651 : i32
    %convert_element_type3A_2653 = arith.extui %gt3A_2652 : i1 to i32
    %cond3A_2654 = arith.constant 0 : i32
    %cond3A_2655 = arith.cmpi ne, %convert_element_type3A_2653, %cond3A_2654 : i32
    scf.if %cond3A_2655 {
      %get3A_3437 = arith.index_cast %select_n3A_2650 : i32 to index
      %get3A_3438 = arith.constant 0 : index
      %get3A_3439 = vector.load %arg14[%get3A_3437, %get3A_3438] : memref<33x128xf32, #tpu.memory_space<vmem>>, vector<1x128xf32>
      %dot_general3A_3440 = arith.constant dense<0.000000e+00> : vector<1x256xf32>
      %dot_general3A_3441 = tpu.matmul %get3A_3439, %concatenate3A_31, %dot_general3A_3440 {dimension_numbers = #tpu.dot_dimension_numbers<[1], [1], [0], [0], [0, 0, 1, 0], [], []>, transpose_lhs_hint = false} : vector<1x128xf32>, vector<256x128xf32>, vector<1x256xf32> -> vector<1x256xf32>
      %slice3A_3442 = vector.extract_strided_slice %slice3A {offsets = [27, 0], sizes = [1, 128], strides = [1, 1]} : vector<32x128xf32> to vector<1x128xf32>
      %slice3A_3443 = vector.extract_strided_slice %dot_general3A_3441 {offsets = [0, 0], sizes = [1, 128], strides = [1, 1]} : vector<1x256xf32> to vector<1x128xf32>
      %add3A_3444 = arith.addf %slice3A_3442, %slice3A_3443 : vector<1x128xf32>
      %jit3A_3445 = arith.constant 0.000000e+00 : f32
      %jit3A_3446 = arith.constant 1.000000e+00 : f32
      %max3A_3447 = vector.broadcast %jit3A_3445 : f32 to vector<1x128xf32>
      %max3A_3448 = arith.maximumf %max3A_3447, %add3A_3444 : vector<1x128xf32>
      %min3A_3449 = vector.broadcast %jit3A_3446 : f32 to vector<1x128xf32>
      %min3A_3450 = arith.minimumf %min3A_3449, %max3A_3448 : vector<1x128xf32>
      %slice3A_3451 = vector.extract_strided_slice %slice3A_20 {offsets = [27, 0], sizes = [1, 128], strides = [1, 1]} : vector<32x128xf32> to vector<1x128xf32>
      %slice3A_3452 = vector.extract_strided_slice %dot_general3A_3441 {offsets = [0, 128], sizes = [1, 128], strides = [1, 1]} : vector<1x256xf32> to vector<1x128xf32>
      %add3A_3453 = arith.addf %slice3A_3451, %slice3A_3452 : vector<1x128xf32>
      %jit3A_3454 = arith.constant 0.000000e+00 : f32
      %jit3A_3455 = arith.constant 1.000000e+00 : f32
      %max3A_3456 = vector.broadcast %jit3A_3454 : f32 to vector<1x128xf32>
      %max3A_3457 = arith.maximumf %max3A_3456, %add3A_3453 : vector<1x128xf32>
      %min3A_3458 = vector.broadcast %jit3A_3455 : f32 to vector<1x128xf32>
      %min3A_3459 = arith.minimumf %min3A_3458, %max3A_3457 : vector<1x128xf32>
      %slice3A_3460 = vector.extract_strided_slice %slice3A_21 {offsets = [27, 0], sizes = [1, 128], strides = [1, 1]} : vector<32x128xf32> to vector<1x128xf32>
      %mul3A_3461 = arith.mulf %get3A_3439, %min3A_3459 : vector<1x128xf32>
      %dot_general3A_3462 = arith.constant dense<0.000000e+00> : vector<1x128xf32>
      %dot_general3A_3463 = tpu.matmul %mul3A_3461, %get3A_34, %dot_general3A_3462 {dimension_numbers = #tpu.dot_dimension_numbers<[1], [1], [0], [0], [0, 0, 1, 0], [], []>, transpose_lhs_hint = false} : vector<1x128xf32>, vector<128x128xf32>, vector<1x128xf32> -> vector<1x128xf32>
      %add3A_3464 = arith.addf %slice3A_3460, %dot_general3A_3463 : vector<1x128xf32>
      %tanh3A_3465 = math.tanh %add3A_3464 : vector<1x128xf32>
      %sub3A_3466 = arith.constant 1.000000e+00 : f32
      %sub3A_3467 = vector.broadcast %sub3A_3466 : f32 to vector<1x128xf32>
      %sub3A_3468 = arith.subf %sub3A_3467, %min3A_3450 : vector<1x128xf32>
      %mul3A_3469 = arith.mulf %sub3A_3468, %get3A_3439 : vector<1x128xf32>
      %mul3A_3470 = arith.mulf %min3A_3450, %tanh3A_3465 : vector<1x128xf32>
      %add3A_3471 = arith.addf %mul3A_3469, %mul3A_3470 : vector<1x128xf32>
      %swap3A_3472 = arith.constant 28 : index
      %swap3A_3473 = arith.constant 0 : index
      %swap3A_3474 = vector.load %arg14[%swap3A_3472, %swap3A_3473] : memref<33x128xf32, #tpu.memory_space<vmem>>, vector<1x128xf32>
      tpu.vector_store %arg14[%swap3A_3472, %swap3A_3473], %add3A_3471 {strides = array<i32>} : memref<33x128xf32, #tpu.memory_space<vmem>>, vector<1x128xf32>,
    } else {
    }
    %get3A_2656 = arith.constant 28 : index
    %get3A_2657 = arith.constant 0 : index
    %get3A_2658 = memref.load %arg10[%get3A_2656, %get3A_2657] : memref<32x2xi32, #tpu.memory_space<smem>>
    %get3A_2659 = arith.constant 0 : index
    %get3A_2660 = arith.constant 1 : index
    %get3A_2661 = memref.load %arg10[%get3A_2659, %get3A_2660] : memref<32x2xi32, #tpu.memory_space<smem>>
    %mul3A_2662 = arith.constant 0 : i32
    %mul3A_2663 = arith.muli %get3A_2661, %mul3A_2662 : i32
    %get3A_2664 = arith.constant 0 : index
    %get3A_2665 = arith.constant 1 : index
    %get3A_2666 = memref.load %arg10[%get3A_2664, %get3A_2665] : memref<32x2xi32, #tpu.memory_space<smem>>
    %eq3A_2667 = arith.cmpi eq, %get3A_2666, %get3A_2658 : i32
    %jit3A_2668 = arith.constant 1 : i32
    %select_n3A_2669 = arith.select %eq3A_2667, %jit3A_2668, %mul3A_2663 : i32
    %get3A_2670 = arith.constant 1 : index
    %get3A_2671 = arith.constant 1 : index
    %get3A_2672 = memref.load %arg10[%get3A_2670, %get3A_2671] : memref<32x2xi32, #tpu.memory_space<smem>>
    %eq3A_2673 = arith.cmpi eq, %get3A_2672, %get3A_2658 : i32
    %jit3A_2674 = arith.constant 2 : i32
    %select_n3A_2675 = arith.select %eq3A_2673, %jit3A_2674, %select_n3A_2669 : i32
    %get3A_2676 = arith.constant 2 : index
    %get3A_2677 = arith.constant 1 : index
    %get3A_2678 = memref.load %arg10[%get3A_2676, %get3A_2677] : memref<32x2xi32, #tpu.memory_space<smem>>
    %eq3A_2679 = arith.cmpi eq, %get3A_2678, %get3A_2658 : i32
    %jit3A_2680 = arith.constant 3 : i32
    %select_n3A_2681 = arith.select %eq3A_2679, %jit3A_2680, %select_n3A_2675 : i32
    %get3A_2682 = arith.constant 3 : index
    %get3A_2683 = arith.constant 1 : index
    %get3A_2684 = memref.load %arg10[%get3A_2682, %get3A_2683] : memref<32x2xi32, #tpu.memory_space<smem>>
    %eq3A_2685 = arith.cmpi eq, %get3A_2684, %get3A_2658 : i32
    %jit3A_2686 = arith.constant 4 : i32
    %select_n3A_2687 = arith.select %eq3A_2685, %jit3A_2686, %select_n3A_2681 : i32
    %get3A_2688 = arith.constant 4 : index
    %get3A_2689 = arith.constant 1 : index
    %get3A_2690 = memref.load %arg10[%get3A_2688, %get3A_2689] : memref<32x2xi32, #tpu.memory_space<smem>>
    %eq3A_2691 = arith.cmpi eq, %get3A_2690, %get3A_2658 : i32
    %jit3A_2692 = arith.constant 5 : i32
    %select_n3A_2693 = arith.select %eq3A_2691, %jit3A_2692, %select_n3A_2687 : i32
    %get3A_2694 = arith.constant 5 : index
    %get3A_2695 = arith.constant 1 : index
    %get3A_2696 = memref.load %arg10[%get3A_2694, %get3A_2695] : memref<32x2xi32, #tpu.memory_space<smem>>
    %eq3A_2697 = arith.cmpi eq, %get3A_2696, %get3A_2658 : i32
    %jit3A_2698 = arith.constant 6 : i32
    %select_n3A_2699 = arith.select %eq3A_2697, %jit3A_2698, %select_n3A_2693 : i32
    %get3A_2700 = arith.constant 6 : index
    %get3A_2701 = arith.constant 1 : index
    %get3A_2702 = memref.load %arg10[%get3A_2700, %get3A_2701] : memref<32x2xi32, #tpu.memory_space<smem>>
    %eq3A_2703 = arith.cmpi eq, %get3A_2702, %get3A_2658 : i32
    %jit3A_2704 = arith.constant 7 : i32
    %select_n3A_2705 = arith.select %eq3A_2703, %jit3A_2704, %select_n3A_2699 : i32
    %get3A_2706 = arith.constant 7 : index
    %get3A_2707 = arith.constant 1 : index
    %get3A_2708 = memref.load %arg10[%get3A_2706, %get3A_2707] : memref<32x2xi32, #tpu.memory_space<smem>>
    %eq3A_2709 = arith.cmpi eq, %get3A_2708, %get3A_2658 : i32
    %jit3A_2710 = arith.constant 8 : i32
    %select_n3A_2711 = arith.select %eq3A_2709, %jit3A_2710, %select_n3A_2705 : i32
    %get3A_2712 = arith.constant 8 : index
    %get3A_2713 = arith.constant 1 : index
    %get3A_2714 = memref.load %arg10[%get3A_2712, %get3A_2713] : memref<32x2xi32, #tpu.memory_space<smem>>
    %eq3A_2715 = arith.cmpi eq, %get3A_2714, %get3A_2658 : i32
    %jit3A_2716 = arith.constant 9 : i32
    %select_n3A_2717 = arith.select %eq3A_2715, %jit3A_2716, %select_n3A_2711 : i32
    %get3A_2718 = arith.constant 9 : index
    %get3A_2719 = arith.constant 1 : index
    %get3A_2720 = memref.load %arg10[%get3A_2718, %get3A_2719] : memref<32x2xi32, #tpu.memory_space<smem>>
    %eq3A_2721 = arith.cmpi eq, %get3A_2720, %get3A_2658 : i32
    %jit3A_2722 = arith.constant 10 : i32
    %select_n3A_2723 = arith.select %eq3A_2721, %jit3A_2722, %select_n3A_2717 : i32
    %get3A_2724 = arith.constant 10 : index
    %get3A_2725 = arith.constant 1 : index
    %get3A_2726 = memref.load %arg10[%get3A_2724, %get3A_2725] : memref<32x2xi32, #tpu.memory_space<smem>>
    %eq3A_2727 = arith.cmpi eq, %get3A_2726, %get3A_2658 : i32
    %jit3A_2728 = arith.constant 11 : i32
    %select_n3A_2729 = arith.select %eq3A_2727, %jit3A_2728, %select_n3A_2723 : i32
    %get3A_2730 = arith.constant 11 : index
    %get3A_2731 = arith.constant 1 : index
    %get3A_2732 = memref.load %arg10[%get3A_2730, %get3A_2731] : memref<32x2xi32, #tpu.memory_space<smem>>
    %eq3A_2733 = arith.cmpi eq, %get3A_2732, %get3A_2658 : i32
    %jit3A_2734 = arith.constant 12 : i32
    %select_n3A_2735 = arith.select %eq3A_2733, %jit3A_2734, %select_n3A_2729 : i32
    %get3A_2736 = arith.constant 12 : index
    %get3A_2737 = arith.constant 1 : index
    %get3A_2738 = memref.load %arg10[%get3A_2736, %get3A_2737] : memref<32x2xi32, #tpu.memory_space<smem>>
    %eq3A_2739 = arith.cmpi eq, %get3A_2738, %get3A_2658 : i32
    %jit3A_2740 = arith.constant 13 : i32
    %select_n3A_2741 = arith.select %eq3A_2739, %jit3A_2740, %select_n3A_2735 : i32
    %get3A_2742 = arith.constant 13 : index
    %get3A_2743 = arith.constant 1 : index
    %get3A_2744 = memref.load %arg10[%get3A_2742, %get3A_2743] : memref<32x2xi32, #tpu.memory_space<smem>>
    %eq3A_2745 = arith.cmpi eq, %get3A_2744, %get3A_2658 : i32
    %jit3A_2746 = arith.constant 14 : i32
    %select_n3A_2747 = arith.select %eq3A_2745, %jit3A_2746, %select_n3A_2741 : i32
    %get3A_2748 = arith.constant 14 : index
    %get3A_2749 = arith.constant 1 : index
    %get3A_2750 = memref.load %arg10[%get3A_2748, %get3A_2749] : memref<32x2xi32, #tpu.memory_space<smem>>
    %eq3A_2751 = arith.cmpi eq, %get3A_2750, %get3A_2658 : i32
    %jit3A_2752 = arith.constant 15 : i32
    %select_n3A_2753 = arith.select %eq3A_2751, %jit3A_2752, %select_n3A_2747 : i32
    %get3A_2754 = arith.constant 15 : index
    %get3A_2755 = arith.constant 1 : index
    %get3A_2756 = memref.load %arg10[%get3A_2754, %get3A_2755] : memref<32x2xi32, #tpu.memory_space<smem>>
    %eq3A_2757 = arith.cmpi eq, %get3A_2756, %get3A_2658 : i32
    %jit3A_2758 = arith.constant 16 : i32
    %select_n3A_2759 = arith.select %eq3A_2757, %jit3A_2758, %select_n3A_2753 : i32
    %get3A_2760 = arith.constant 16 : index
    %get3A_2761 = arith.constant 1 : index
    %get3A_2762 = memref.load %arg10[%get3A_2760, %get3A_2761] : memref<32x2xi32, #tpu.memory_space<smem>>
    %eq3A_2763 = arith.cmpi eq, %get3A_2762, %get3A_2658 : i32
    %jit3A_2764 = arith.constant 17 : i32
    %select_n3A_2765 = arith.select %eq3A_2763, %jit3A_2764, %select_n3A_2759 : i32
    %get3A_2766 = arith.constant 17 : index
    %get3A_2767 = arith.constant 1 : index
    %get3A_2768 = memref.load %arg10[%get3A_2766, %get3A_2767] : memref<32x2xi32, #tpu.memory_space<smem>>
    %eq3A_2769 = arith.cmpi eq, %get3A_2768, %get3A_2658 : i32
    %jit3A_2770 = arith.constant 18 : i32
    %select_n3A_2771 = arith.select %eq3A_2769, %jit3A_2770, %select_n3A_2765 : i32
    %get3A_2772 = arith.constant 18 : index
    %get3A_2773 = arith.constant 1 : index
    %get3A_2774 = memref.load %arg10[%get3A_2772, %get3A_2773] : memref<32x2xi32, #tpu.memory_space<smem>>
    %eq3A_2775 = arith.cmpi eq, %get3A_2774, %get3A_2658 : i32
    %jit3A_2776 = arith.constant 19 : i32
    %select_n3A_2777 = arith.select %eq3A_2775, %jit3A_2776, %select_n3A_2771 : i32
    %get3A_2778 = arith.constant 19 : index
    %get3A_2779 = arith.constant 1 : index
    %get3A_2780 = memref.load %arg10[%get3A_2778, %get3A_2779] : memref<32x2xi32, #tpu.memory_space<smem>>
    %eq3A_2781 = arith.cmpi eq, %get3A_2780, %get3A_2658 : i32
    %jit3A_2782 = arith.constant 20 : i32
    %select_n3A_2783 = arith.select %eq3A_2781, %jit3A_2782, %select_n3A_2777 : i32
    %get3A_2784 = arith.constant 20 : index
    %get3A_2785 = arith.constant 1 : index
    %get3A_2786 = memref.load %arg10[%get3A_2784, %get3A_2785] : memref<32x2xi32, #tpu.memory_space<smem>>
    %eq3A_2787 = arith.cmpi eq, %get3A_2786, %get3A_2658 : i32
    %jit3A_2788 = arith.constant 21 : i32
    %select_n3A_2789 = arith.select %eq3A_2787, %jit3A_2788, %select_n3A_2783 : i32
    %get3A_2790 = arith.constant 21 : index
    %get3A_2791 = arith.constant 1 : index
    %get3A_2792 = memref.load %arg10[%get3A_2790, %get3A_2791] : memref<32x2xi32, #tpu.memory_space<smem>>
    %eq3A_2793 = arith.cmpi eq, %get3A_2792, %get3A_2658 : i32
    %jit3A_2794 = arith.constant 22 : i32
    %select_n3A_2795 = arith.select %eq3A_2793, %jit3A_2794, %select_n3A_2789 : i32
    %get3A_2796 = arith.constant 22 : index
    %get3A_2797 = arith.constant 1 : index
    %get3A_2798 = memref.load %arg10[%get3A_2796, %get3A_2797] : memref<32x2xi32, #tpu.memory_space<smem>>
    %eq3A_2799 = arith.cmpi eq, %get3A_2798, %get3A_2658 : i32
    %jit3A_2800 = arith.constant 23 : i32
    %select_n3A_2801 = arith.select %eq3A_2799, %jit3A_2800, %select_n3A_2795 : i32
    %get3A_2802 = arith.constant 23 : index
    %get3A_2803 = arith.constant 1 : index
    %get3A_2804 = memref.load %arg10[%get3A_2802, %get3A_2803] : memref<32x2xi32, #tpu.memory_space<smem>>
    %eq3A_2805 = arith.cmpi eq, %get3A_2804, %get3A_2658 : i32
    %jit3A_2806 = arith.constant 24 : i32
    %select_n3A_2807 = arith.select %eq3A_2805, %jit3A_2806, %select_n3A_2801 : i32
    %get3A_2808 = arith.constant 24 : index
    %get3A_2809 = arith.constant 1 : index
    %get3A_2810 = memref.load %arg10[%get3A_2808, %get3A_2809] : memref<32x2xi32, #tpu.memory_space<smem>>
    %eq3A_2811 = arith.cmpi eq, %get3A_2810, %get3A_2658 : i32
    %jit3A_2812 = arith.constant 25 : i32
    %select_n3A_2813 = arith.select %eq3A_2811, %jit3A_2812, %select_n3A_2807 : i32
    %get3A_2814 = arith.constant 25 : index
    %get3A_2815 = arith.constant 1 : index
    %get3A_2816 = memref.load %arg10[%get3A_2814, %get3A_2815] : memref<32x2xi32, #tpu.memory_space<smem>>
    %eq3A_2817 = arith.cmpi eq, %get3A_2816, %get3A_2658 : i32
    %jit3A_2818 = arith.constant 26 : i32
    %select_n3A_2819 = arith.select %eq3A_2817, %jit3A_2818, %select_n3A_2813 : i32
    %get3A_2820 = arith.constant 26 : index
    %get3A_2821 = arith.constant 1 : index
    %get3A_2822 = memref.load %arg10[%get3A_2820, %get3A_2821] : memref<32x2xi32, #tpu.memory_space<smem>>
    %eq3A_2823 = arith.cmpi eq, %get3A_2822, %get3A_2658 : i32
    %jit3A_2824 = arith.constant 27 : i32
    %select_n3A_2825 = arith.select %eq3A_2823, %jit3A_2824, %select_n3A_2819 : i32
    %get3A_2826 = arith.constant 27 : index
    %get3A_2827 = arith.constant 1 : index
    %get3A_2828 = memref.load %arg10[%get3A_2826, %get3A_2827] : memref<32x2xi32, #tpu.memory_space<smem>>
    %eq3A_2829 = arith.cmpi eq, %get3A_2828, %get3A_2658 : i32
    %jit3A_2830 = arith.constant 28 : i32
    %select_n3A_2831 = arith.select %eq3A_2829, %jit3A_2830, %select_n3A_2825 : i32
    %gt3A_2832 = arith.constant 0 : i32
    %gt3A_2833 = arith.cmpi sgt, %select_n3A_2831, %gt3A_2832 : i32
    %convert_element_type3A_2834 = arith.extui %gt3A_2833 : i1 to i32
    %cond3A_2835 = arith.constant 0 : i32
    %cond3A_2836 = arith.cmpi ne, %convert_element_type3A_2834, %cond3A_2835 : i32
    scf.if %cond3A_2836 {
      %get3A_3437 = arith.index_cast %select_n3A_2831 : i32 to index
      %get3A_3438 = arith.constant 0 : index
      %get3A_3439 = vector.load %arg14[%get3A_3437, %get3A_3438] : memref<33x128xf32, #tpu.memory_space<vmem>>, vector<1x128xf32>
      %dot_general3A_3440 = arith.constant dense<0.000000e+00> : vector<1x256xf32>
      %dot_general3A_3441 = tpu.matmul %get3A_3439, %concatenate3A_31, %dot_general3A_3440 {dimension_numbers = #tpu.dot_dimension_numbers<[1], [1], [0], [0], [0, 0, 1, 0], [], []>, transpose_lhs_hint = false} : vector<1x128xf32>, vector<256x128xf32>, vector<1x256xf32> -> vector<1x256xf32>
      %slice3A_3442 = vector.extract_strided_slice %slice3A {offsets = [28, 0], sizes = [1, 128], strides = [1, 1]} : vector<32x128xf32> to vector<1x128xf32>
      %slice3A_3443 = vector.extract_strided_slice %dot_general3A_3441 {offsets = [0, 0], sizes = [1, 128], strides = [1, 1]} : vector<1x256xf32> to vector<1x128xf32>
      %add3A_3444 = arith.addf %slice3A_3442, %slice3A_3443 : vector<1x128xf32>
      %jit3A_3445 = arith.constant 0.000000e+00 : f32
      %jit3A_3446 = arith.constant 1.000000e+00 : f32
      %max3A_3447 = vector.broadcast %jit3A_3445 : f32 to vector<1x128xf32>
      %max3A_3448 = arith.maximumf %max3A_3447, %add3A_3444 : vector<1x128xf32>
      %min3A_3449 = vector.broadcast %jit3A_3446 : f32 to vector<1x128xf32>
      %min3A_3450 = arith.minimumf %min3A_3449, %max3A_3448 : vector<1x128xf32>
      %slice3A_3451 = vector.extract_strided_slice %slice3A_20 {offsets = [28, 0], sizes = [1, 128], strides = [1, 1]} : vector<32x128xf32> to vector<1x128xf32>
      %slice3A_3452 = vector.extract_strided_slice %dot_general3A_3441 {offsets = [0, 128], sizes = [1, 128], strides = [1, 1]} : vector<1x256xf32> to vector<1x128xf32>
      %add3A_3453 = arith.addf %slice3A_3451, %slice3A_3452 : vector<1x128xf32>
      %jit3A_3454 = arith.constant 0.000000e+00 : f32
      %jit3A_3455 = arith.constant 1.000000e+00 : f32
      %max3A_3456 = vector.broadcast %jit3A_3454 : f32 to vector<1x128xf32>
      %max3A_3457 = arith.maximumf %max3A_3456, %add3A_3453 : vector<1x128xf32>
      %min3A_3458 = vector.broadcast %jit3A_3455 : f32 to vector<1x128xf32>
      %min3A_3459 = arith.minimumf %min3A_3458, %max3A_3457 : vector<1x128xf32>
      %slice3A_3460 = vector.extract_strided_slice %slice3A_21 {offsets = [28, 0], sizes = [1, 128], strides = [1, 1]} : vector<32x128xf32> to vector<1x128xf32>
      %mul3A_3461 = arith.mulf %get3A_3439, %min3A_3459 : vector<1x128xf32>
      %dot_general3A_3462 = arith.constant dense<0.000000e+00> : vector<1x128xf32>
      %dot_general3A_3463 = tpu.matmul %mul3A_3461, %get3A_34, %dot_general3A_3462 {dimension_numbers = #tpu.dot_dimension_numbers<[1], [1], [0], [0], [0, 0, 1, 0], [], []>, transpose_lhs_hint = false} : vector<1x128xf32>, vector<128x128xf32>, vector<1x128xf32> -> vector<1x128xf32>
      %add3A_3464 = arith.addf %slice3A_3460, %dot_general3A_3463 : vector<1x128xf32>
      %tanh3A_3465 = math.tanh %add3A_3464 : vector<1x128xf32>
      %sub3A_3466 = arith.constant 1.000000e+00 : f32
      %sub3A_3467 = vector.broadcast %sub3A_3466 : f32 to vector<1x128xf32>
      %sub3A_3468 = arith.subf %sub3A_3467, %min3A_3450 : vector<1x128xf32>
      %mul3A_3469 = arith.mulf %sub3A_3468, %get3A_3439 : vector<1x128xf32>
      %mul3A_3470 = arith.mulf %min3A_3450, %tanh3A_3465 : vector<1x128xf32>
      %add3A_3471 = arith.addf %mul3A_3469, %mul3A_3470 : vector<1x128xf32>
      %swap3A_3472 = arith.constant 29 : index
      %swap3A_3473 = arith.constant 0 : index
      %swap3A_3474 = vector.load %arg14[%swap3A_3472, %swap3A_3473] : memref<33x128xf32, #tpu.memory_space<vmem>>, vector<1x128xf32>
      tpu.vector_store %arg14[%swap3A_3472, %swap3A_3473], %add3A_3471 {strides = array<i32>} : memref<33x128xf32, #tpu.memory_space<vmem>>, vector<1x128xf32>,
    } else {
    }
    %get3A_2837 = arith.constant 29 : index
    %get3A_2838 = arith.constant 0 : index
    %get3A_2839 = memref.load %arg10[%get3A_2837, %get3A_2838] : memref<32x2xi32, #tpu.memory_space<smem>>
    %get3A_2840 = arith.constant 0 : index
    %get3A_2841 = arith.constant 1 : index
    %get3A_2842 = memref.load %arg10[%get3A_2840, %get3A_2841] : memref<32x2xi32, #tpu.memory_space<smem>>
    %mul3A_2843 = arith.constant 0 : i32
    %mul3A_2844 = arith.muli %get3A_2842, %mul3A_2843 : i32
    %get3A_2845 = arith.constant 0 : index
    %get3A_2846 = arith.constant 1 : index
    %get3A_2847 = memref.load %arg10[%get3A_2845, %get3A_2846] : memref<32x2xi32, #tpu.memory_space<smem>>
    %eq3A_2848 = arith.cmpi eq, %get3A_2847, %get3A_2839 : i32
    %jit3A_2849 = arith.constant 1 : i32
    %select_n3A_2850 = arith.select %eq3A_2848, %jit3A_2849, %mul3A_2844 : i32
    %get3A_2851 = arith.constant 1 : index
    %get3A_2852 = arith.constant 1 : index
    %get3A_2853 = memref.load %arg10[%get3A_2851, %get3A_2852] : memref<32x2xi32, #tpu.memory_space<smem>>
    %eq3A_2854 = arith.cmpi eq, %get3A_2853, %get3A_2839 : i32
    %jit3A_2855 = arith.constant 2 : i32
    %select_n3A_2856 = arith.select %eq3A_2854, %jit3A_2855, %select_n3A_2850 : i32
    %get3A_2857 = arith.constant 2 : index
    %get3A_2858 = arith.constant 1 : index
    %get3A_2859 = memref.load %arg10[%get3A_2857, %get3A_2858] : memref<32x2xi32, #tpu.memory_space<smem>>
    %eq3A_2860 = arith.cmpi eq, %get3A_2859, %get3A_2839 : i32
    %jit3A_2861 = arith.constant 3 : i32
    %select_n3A_2862 = arith.select %eq3A_2860, %jit3A_2861, %select_n3A_2856 : i32
    %get3A_2863 = arith.constant 3 : index
    %get3A_2864 = arith.constant 1 : index
    %get3A_2865 = memref.load %arg10[%get3A_2863, %get3A_2864] : memref<32x2xi32, #tpu.memory_space<smem>>
    %eq3A_2866 = arith.cmpi eq, %get3A_2865, %get3A_2839 : i32
    %jit3A_2867 = arith.constant 4 : i32
    %select_n3A_2868 = arith.select %eq3A_2866, %jit3A_2867, %select_n3A_2862 : i32
    %get3A_2869 = arith.constant 4 : index
    %get3A_2870 = arith.constant 1 : index
    %get3A_2871 = memref.load %arg10[%get3A_2869, %get3A_2870] : memref<32x2xi32, #tpu.memory_space<smem>>
    %eq3A_2872 = arith.cmpi eq, %get3A_2871, %get3A_2839 : i32
    %jit3A_2873 = arith.constant 5 : i32
    %select_n3A_2874 = arith.select %eq3A_2872, %jit3A_2873, %select_n3A_2868 : i32
    %get3A_2875 = arith.constant 5 : index
    %get3A_2876 = arith.constant 1 : index
    %get3A_2877 = memref.load %arg10[%get3A_2875, %get3A_2876] : memref<32x2xi32, #tpu.memory_space<smem>>
    %eq3A_2878 = arith.cmpi eq, %get3A_2877, %get3A_2839 : i32
    %jit3A_2879 = arith.constant 6 : i32
    %select_n3A_2880 = arith.select %eq3A_2878, %jit3A_2879, %select_n3A_2874 : i32
    %get3A_2881 = arith.constant 6 : index
    %get3A_2882 = arith.constant 1 : index
    %get3A_2883 = memref.load %arg10[%get3A_2881, %get3A_2882] : memref<32x2xi32, #tpu.memory_space<smem>>
    %eq3A_2884 = arith.cmpi eq, %get3A_2883, %get3A_2839 : i32
    %jit3A_2885 = arith.constant 7 : i32
    %select_n3A_2886 = arith.select %eq3A_2884, %jit3A_2885, %select_n3A_2880 : i32
    %get3A_2887 = arith.constant 7 : index
    %get3A_2888 = arith.constant 1 : index
    %get3A_2889 = memref.load %arg10[%get3A_2887, %get3A_2888] : memref<32x2xi32, #tpu.memory_space<smem>>
    %eq3A_2890 = arith.cmpi eq, %get3A_2889, %get3A_2839 : i32
    %jit3A_2891 = arith.constant 8 : i32
    %select_n3A_2892 = arith.select %eq3A_2890, %jit3A_2891, %select_n3A_2886 : i32
    %get3A_2893 = arith.constant 8 : index
    %get3A_2894 = arith.constant 1 : index
    %get3A_2895 = memref.load %arg10[%get3A_2893, %get3A_2894] : memref<32x2xi32, #tpu.memory_space<smem>>
    %eq3A_2896 = arith.cmpi eq, %get3A_2895, %get3A_2839 : i32
    %jit3A_2897 = arith.constant 9 : i32
    %select_n3A_2898 = arith.select %eq3A_2896, %jit3A_2897, %select_n3A_2892 : i32
    %get3A_2899 = arith.constant 9 : index
    %get3A_2900 = arith.constant 1 : index
    %get3A_2901 = memref.load %arg10[%get3A_2899, %get3A_2900] : memref<32x2xi32, #tpu.memory_space<smem>>
    %eq3A_2902 = arith.cmpi eq, %get3A_2901, %get3A_2839 : i32
    %jit3A_2903 = arith.constant 10 : i32
    %select_n3A_2904 = arith.select %eq3A_2902, %jit3A_2903, %select_n3A_2898 : i32
    %get3A_2905 = arith.constant 10 : index
    %get3A_2906 = arith.constant 1 : index
    %get3A_2907 = memref.load %arg10[%get3A_2905, %get3A_2906] : memref<32x2xi32, #tpu.memory_space<smem>>
    %eq3A_2908 = arith.cmpi eq, %get3A_2907, %get3A_2839 : i32
    %jit3A_2909 = arith.constant 11 : i32
    %select_n3A_2910 = arith.select %eq3A_2908, %jit3A_2909, %select_n3A_2904 : i32
    %get3A_2911 = arith.constant 11 : index
    %get3A_2912 = arith.constant 1 : index
    %get3A_2913 = memref.load %arg10[%get3A_2911, %get3A_2912] : memref<32x2xi32, #tpu.memory_space<smem>>
    %eq3A_2914 = arith.cmpi eq, %get3A_2913, %get3A_2839 : i32
    %jit3A_2915 = arith.constant 12 : i32
    %select_n3A_2916 = arith.select %eq3A_2914, %jit3A_2915, %select_n3A_2910 : i32
    %get3A_2917 = arith.constant 12 : index
    %get3A_2918 = arith.constant 1 : index
    %get3A_2919 = memref.load %arg10[%get3A_2917, %get3A_2918] : memref<32x2xi32, #tpu.memory_space<smem>>
    %eq3A_2920 = arith.cmpi eq, %get3A_2919, %get3A_2839 : i32
    %jit3A_2921 = arith.constant 13 : i32
    %select_n3A_2922 = arith.select %eq3A_2920, %jit3A_2921, %select_n3A_2916 : i32
    %get3A_2923 = arith.constant 13 : index
    %get3A_2924 = arith.constant 1 : index
    %get3A_2925 = memref.load %arg10[%get3A_2923, %get3A_2924] : memref<32x2xi32, #tpu.memory_space<smem>>
    %eq3A_2926 = arith.cmpi eq, %get3A_2925, %get3A_2839 : i32
    %jit3A_2927 = arith.constant 14 : i32
    %select_n3A_2928 = arith.select %eq3A_2926, %jit3A_2927, %select_n3A_2922 : i32
    %get3A_2929 = arith.constant 14 : index
    %get3A_2930 = arith.constant 1 : index
    %get3A_2931 = memref.load %arg10[%get3A_2929, %get3A_2930] : memref<32x2xi32, #tpu.memory_space<smem>>
    %eq3A_2932 = arith.cmpi eq, %get3A_2931, %get3A_2839 : i32
    %jit3A_2933 = arith.constant 15 : i32
    %select_n3A_2934 = arith.select %eq3A_2932, %jit3A_2933, %select_n3A_2928 : i32
    %get3A_2935 = arith.constant 15 : index
    %get3A_2936 = arith.constant 1 : index
    %get3A_2937 = memref.load %arg10[%get3A_2935, %get3A_2936] : memref<32x2xi32, #tpu.memory_space<smem>>
    %eq3A_2938 = arith.cmpi eq, %get3A_2937, %get3A_2839 : i32
    %jit3A_2939 = arith.constant 16 : i32
    %select_n3A_2940 = arith.select %eq3A_2938, %jit3A_2939, %select_n3A_2934 : i32
    %get3A_2941 = arith.constant 16 : index
    %get3A_2942 = arith.constant 1 : index
    %get3A_2943 = memref.load %arg10[%get3A_2941, %get3A_2942] : memref<32x2xi32, #tpu.memory_space<smem>>
    %eq3A_2944 = arith.cmpi eq, %get3A_2943, %get3A_2839 : i32
    %jit3A_2945 = arith.constant 17 : i32
    %select_n3A_2946 = arith.select %eq3A_2944, %jit3A_2945, %select_n3A_2940 : i32
    %get3A_2947 = arith.constant 17 : index
    %get3A_2948 = arith.constant 1 : index
    %get3A_2949 = memref.load %arg10[%get3A_2947, %get3A_2948] : memref<32x2xi32, #tpu.memory_space<smem>>
    %eq3A_2950 = arith.cmpi eq, %get3A_2949, %get3A_2839 : i32
    %jit3A_2951 = arith.constant 18 : i32
    %select_n3A_2952 = arith.select %eq3A_2950, %jit3A_2951, %select_n3A_2946 : i32
    %get3A_2953 = arith.constant 18 : index
    %get3A_2954 = arith.constant 1 : index
    %get3A_2955 = memref.load %arg10[%get3A_2953, %get3A_2954] : memref<32x2xi32, #tpu.memory_space<smem>>
    %eq3A_2956 = arith.cmpi eq, %get3A_2955, %get3A_2839 : i32
    %jit3A_2957 = arith.constant 19 : i32
    %select_n3A_2958 = arith.select %eq3A_2956, %jit3A_2957, %select_n3A_2952 : i32
    %get3A_2959 = arith.constant 19 : index
    %get3A_2960 = arith.constant 1 : index
    %get3A_2961 = memref.load %arg10[%get3A_2959, %get3A_2960] : memref<32x2xi32, #tpu.memory_space<smem>>
    %eq3A_2962 = arith.cmpi eq, %get3A_2961, %get3A_2839 : i32
    %jit3A_2963 = arith.constant 20 : i32
    %select_n3A_2964 = arith.select %eq3A_2962, %jit3A_2963, %select_n3A_2958 : i32
    %get3A_2965 = arith.constant 20 : index
    %get3A_2966 = arith.constant 1 : index
    %get3A_2967 = memref.load %arg10[%get3A_2965, %get3A_2966] : memref<32x2xi32, #tpu.memory_space<smem>>
    %eq3A_2968 = arith.cmpi eq, %get3A_2967, %get3A_2839 : i32
    %jit3A_2969 = arith.constant 21 : i32
    %select_n3A_2970 = arith.select %eq3A_2968, %jit3A_2969, %select_n3A_2964 : i32
    %get3A_2971 = arith.constant 21 : index
    %get3A_2972 = arith.constant 1 : index
    %get3A_2973 = memref.load %arg10[%get3A_2971, %get3A_2972] : memref<32x2xi32, #tpu.memory_space<smem>>
    %eq3A_2974 = arith.cmpi eq, %get3A_2973, %get3A_2839 : i32
    %jit3A_2975 = arith.constant 22 : i32
    %select_n3A_2976 = arith.select %eq3A_2974, %jit3A_2975, %select_n3A_2970 : i32
    %get3A_2977 = arith.constant 22 : index
    %get3A_2978 = arith.constant 1 : index
    %get3A_2979 = memref.load %arg10[%get3A_2977, %get3A_2978] : memref<32x2xi32, #tpu.memory_space<smem>>
    %eq3A_2980 = arith.cmpi eq, %get3A_2979, %get3A_2839 : i32
    %jit3A_2981 = arith.constant 23 : i32
    %select_n3A_2982 = arith.select %eq3A_2980, %jit3A_2981, %select_n3A_2976 : i32
    %get3A_2983 = arith.constant 23 : index
    %get3A_2984 = arith.constant 1 : index
    %get3A_2985 = memref.load %arg10[%get3A_2983, %get3A_2984] : memref<32x2xi32, #tpu.memory_space<smem>>
    %eq3A_2986 = arith.cmpi eq, %get3A_2985, %get3A_2839 : i32
    %jit3A_2987 = arith.constant 24 : i32
    %select_n3A_2988 = arith.select %eq3A_2986, %jit3A_2987, %select_n3A_2982 : i32
    %get3A_2989 = arith.constant 24 : index
    %get3A_2990 = arith.constant 1 : index
    %get3A_2991 = memref.load %arg10[%get3A_2989, %get3A_2990] : memref<32x2xi32, #tpu.memory_space<smem>>
    %eq3A_2992 = arith.cmpi eq, %get3A_2991, %get3A_2839 : i32
    %jit3A_2993 = arith.constant 25 : i32
    %select_n3A_2994 = arith.select %eq3A_2992, %jit3A_2993, %select_n3A_2988 : i32
    %get3A_2995 = arith.constant 25 : index
    %get3A_2996 = arith.constant 1 : index
    %get3A_2997 = memref.load %arg10[%get3A_2995, %get3A_2996] : memref<32x2xi32, #tpu.memory_space<smem>>
    %eq3A_2998 = arith.cmpi eq, %get3A_2997, %get3A_2839 : i32
    %jit3A_2999 = arith.constant 26 : i32
    %select_n3A_3000 = arith.select %eq3A_2998, %jit3A_2999, %select_n3A_2994 : i32
    %get3A_3001 = arith.constant 26 : index
    %get3A_3002 = arith.constant 1 : index
    %get3A_3003 = memref.load %arg10[%get3A_3001, %get3A_3002] : memref<32x2xi32, #tpu.memory_space<smem>>
    %eq3A_3004 = arith.cmpi eq, %get3A_3003, %get3A_2839 : i32
    %jit3A_3005 = arith.constant 27 : i32
    %select_n3A_3006 = arith.select %eq3A_3004, %jit3A_3005, %select_n3A_3000 : i32
    %get3A_3007 = arith.constant 27 : index
    %get3A_3008 = arith.constant 1 : index
    %get3A_3009 = memref.load %arg10[%get3A_3007, %get3A_3008] : memref<32x2xi32, #tpu.memory_space<smem>>
    %eq3A_3010 = arith.cmpi eq, %get3A_3009, %get3A_2839 : i32
    %jit3A_3011 = arith.constant 28 : i32
    %select_n3A_3012 = arith.select %eq3A_3010, %jit3A_3011, %select_n3A_3006 : i32
    %get3A_3013 = arith.constant 28 : index
    %get3A_3014 = arith.constant 1 : index
    %get3A_3015 = memref.load %arg10[%get3A_3013, %get3A_3014] : memref<32x2xi32, #tpu.memory_space<smem>>
    %eq3A_3016 = arith.cmpi eq, %get3A_3015, %get3A_2839 : i32
    %jit3A_3017 = arith.constant 29 : i32
    %select_n3A_3018 = arith.select %eq3A_3016, %jit3A_3017, %select_n3A_3012 : i32
    %gt3A_3019 = arith.constant 0 : i32
    %gt3A_3020 = arith.cmpi sgt, %select_n3A_3018, %gt3A_3019 : i32
    %convert_element_type3A_3021 = arith.extui %gt3A_3020 : i1 to i32
    %cond3A_3022 = arith.constant 0 : i32
    %cond3A_3023 = arith.cmpi ne, %convert_element_type3A_3021, %cond3A_3022 : i32
    scf.if %cond3A_3023 {
      %get3A_3437 = arith.index_cast %select_n3A_3018 : i32 to index
      %get3A_3438 = arith.constant 0 : index
      %get3A_3439 = vector.load %arg14[%get3A_3437, %get3A_3438] : memref<33x128xf32, #tpu.memory_space<vmem>>, vector<1x128xf32>
      %dot_general3A_3440 = arith.constant dense<0.000000e+00> : vector<1x256xf32>
      %dot_general3A_3441 = tpu.matmul %get3A_3439, %concatenate3A_31, %dot_general3A_3440 {dimension_numbers = #tpu.dot_dimension_numbers<[1], [1], [0], [0], [0, 0, 1, 0], [], []>, transpose_lhs_hint = false} : vector<1x128xf32>, vector<256x128xf32>, vector<1x256xf32> -> vector<1x256xf32>
      %slice3A_3442 = vector.extract_strided_slice %slice3A {offsets = [29, 0], sizes = [1, 128], strides = [1, 1]} : vector<32x128xf32> to vector<1x128xf32>
      %slice3A_3443 = vector.extract_strided_slice %dot_general3A_3441 {offsets = [0, 0], sizes = [1, 128], strides = [1, 1]} : vector<1x256xf32> to vector<1x128xf32>
      %add3A_3444 = arith.addf %slice3A_3442, %slice3A_3443 : vector<1x128xf32>
      %jit3A_3445 = arith.constant 0.000000e+00 : f32
      %jit3A_3446 = arith.constant 1.000000e+00 : f32
      %max3A_3447 = vector.broadcast %jit3A_3445 : f32 to vector<1x128xf32>
      %max3A_3448 = arith.maximumf %max3A_3447, %add3A_3444 : vector<1x128xf32>
      %min3A_3449 = vector.broadcast %jit3A_3446 : f32 to vector<1x128xf32>
      %min3A_3450 = arith.minimumf %min3A_3449, %max3A_3448 : vector<1x128xf32>
      %slice3A_3451 = vector.extract_strided_slice %slice3A_20 {offsets = [29, 0], sizes = [1, 128], strides = [1, 1]} : vector<32x128xf32> to vector<1x128xf32>
      %slice3A_3452 = vector.extract_strided_slice %dot_general3A_3441 {offsets = [0, 128], sizes = [1, 128], strides = [1, 1]} : vector<1x256xf32> to vector<1x128xf32>
      %add3A_3453 = arith.addf %slice3A_3451, %slice3A_3452 : vector<1x128xf32>
      %jit3A_3454 = arith.constant 0.000000e+00 : f32
      %jit3A_3455 = arith.constant 1.000000e+00 : f32
      %max3A_3456 = vector.broadcast %jit3A_3454 : f32 to vector<1x128xf32>
      %max3A_3457 = arith.maximumf %max3A_3456, %add3A_3453 : vector<1x128xf32>
      %min3A_3458 = vector.broadcast %jit3A_3455 : f32 to vector<1x128xf32>
      %min3A_3459 = arith.minimumf %min3A_3458, %max3A_3457 : vector<1x128xf32>
      %slice3A_3460 = vector.extract_strided_slice %slice3A_21 {offsets = [29, 0], sizes = [1, 128], strides = [1, 1]} : vector<32x128xf32> to vector<1x128xf32>
      %mul3A_3461 = arith.mulf %get3A_3439, %min3A_3459 : vector<1x128xf32>
      %dot_general3A_3462 = arith.constant dense<0.000000e+00> : vector<1x128xf32>
      %dot_general3A_3463 = tpu.matmul %mul3A_3461, %get3A_34, %dot_general3A_3462 {dimension_numbers = #tpu.dot_dimension_numbers<[1], [1], [0], [0], [0, 0, 1, 0], [], []>, transpose_lhs_hint = false} : vector<1x128xf32>, vector<128x128xf32>, vector<1x128xf32> -> vector<1x128xf32>
      %add3A_3464 = arith.addf %slice3A_3460, %dot_general3A_3463 : vector<1x128xf32>
      %tanh3A_3465 = math.tanh %add3A_3464 : vector<1x128xf32>
      %sub3A_3466 = arith.constant 1.000000e+00 : f32
      %sub3A_3467 = vector.broadcast %sub3A_3466 : f32 to vector<1x128xf32>
      %sub3A_3468 = arith.subf %sub3A_3467, %min3A_3450 : vector<1x128xf32>
      %mul3A_3469 = arith.mulf %sub3A_3468, %get3A_3439 : vector<1x128xf32>
      %mul3A_3470 = arith.mulf %min3A_3450, %tanh3A_3465 : vector<1x128xf32>
      %add3A_3471 = arith.addf %mul3A_3469, %mul3A_3470 : vector<1x128xf32>
      %swap3A_3472 = arith.constant 30 : index
      %swap3A_3473 = arith.constant 0 : index
      %swap3A_3474 = vector.load %arg14[%swap3A_3472, %swap3A_3473] : memref<33x128xf32, #tpu.memory_space<vmem>>, vector<1x128xf32>
      tpu.vector_store %arg14[%swap3A_3472, %swap3A_3473], %add3A_3471 {strides = array<i32>} : memref<33x128xf32, #tpu.memory_space<vmem>>, vector<1x128xf32>,
    } else {
    }
    %get3A_3024 = arith.constant 30 : index
    %get3A_3025 = arith.constant 0 : index
    %get3A_3026 = memref.load %arg10[%get3A_3024, %get3A_3025] : memref<32x2xi32, #tpu.memory_space<smem>>
    %get3A_3027 = arith.constant 0 : index
    %get3A_3028 = arith.constant 1 : index
    %get3A_3029 = memref.load %arg10[%get3A_3027, %get3A_3028] : memref<32x2xi32, #tpu.memory_space<smem>>
    %mul3A_3030 = arith.constant 0 : i32
    %mul3A_3031 = arith.muli %get3A_3029, %mul3A_3030 : i32
    %get3A_3032 = arith.constant 0 : index
    %get3A_3033 = arith.constant 1 : index
    %get3A_3034 = memref.load %arg10[%get3A_3032, %get3A_3033] : memref<32x2xi32, #tpu.memory_space<smem>>
    %eq3A_3035 = arith.cmpi eq, %get3A_3034, %get3A_3026 : i32
    %jit3A_3036 = arith.constant 1 : i32
    %select_n3A_3037 = arith.select %eq3A_3035, %jit3A_3036, %mul3A_3031 : i32
    %get3A_3038 = arith.constant 1 : index
    %get3A_3039 = arith.constant 1 : index
    %get3A_3040 = memref.load %arg10[%get3A_3038, %get3A_3039] : memref<32x2xi32, #tpu.memory_space<smem>>
    %eq3A_3041 = arith.cmpi eq, %get3A_3040, %get3A_3026 : i32
    %jit3A_3042 = arith.constant 2 : i32
    %select_n3A_3043 = arith.select %eq3A_3041, %jit3A_3042, %select_n3A_3037 : i32
    %get3A_3044 = arith.constant 2 : index
    %get3A_3045 = arith.constant 1 : index
    %get3A_3046 = memref.load %arg10[%get3A_3044, %get3A_3045] : memref<32x2xi32, #tpu.memory_space<smem>>
    %eq3A_3047 = arith.cmpi eq, %get3A_3046, %get3A_3026 : i32
    %jit3A_3048 = arith.constant 3 : i32
    %select_n3A_3049 = arith.select %eq3A_3047, %jit3A_3048, %select_n3A_3043 : i32
    %get3A_3050 = arith.constant 3 : index
    %get3A_3051 = arith.constant 1 : index
    %get3A_3052 = memref.load %arg10[%get3A_3050, %get3A_3051] : memref<32x2xi32, #tpu.memory_space<smem>>
    %eq3A_3053 = arith.cmpi eq, %get3A_3052, %get3A_3026 : i32
    %jit3A_3054 = arith.constant 4 : i32
    %select_n3A_3055 = arith.select %eq3A_3053, %jit3A_3054, %select_n3A_3049 : i32
    %get3A_3056 = arith.constant 4 : index
    %get3A_3057 = arith.constant 1 : index
    %get3A_3058 = memref.load %arg10[%get3A_3056, %get3A_3057] : memref<32x2xi32, #tpu.memory_space<smem>>
    %eq3A_3059 = arith.cmpi eq, %get3A_3058, %get3A_3026 : i32
    %jit3A_3060 = arith.constant 5 : i32
    %select_n3A_3061 = arith.select %eq3A_3059, %jit3A_3060, %select_n3A_3055 : i32
    %get3A_3062 = arith.constant 5 : index
    %get3A_3063 = arith.constant 1 : index
    %get3A_3064 = memref.load %arg10[%get3A_3062, %get3A_3063] : memref<32x2xi32, #tpu.memory_space<smem>>
    %eq3A_3065 = arith.cmpi eq, %get3A_3064, %get3A_3026 : i32
    %jit3A_3066 = arith.constant 6 : i32
    %select_n3A_3067 = arith.select %eq3A_3065, %jit3A_3066, %select_n3A_3061 : i32
    %get3A_3068 = arith.constant 6 : index
    %get3A_3069 = arith.constant 1 : index
    %get3A_3070 = memref.load %arg10[%get3A_3068, %get3A_3069] : memref<32x2xi32, #tpu.memory_space<smem>>
    %eq3A_3071 = arith.cmpi eq, %get3A_3070, %get3A_3026 : i32
    %jit3A_3072 = arith.constant 7 : i32
    %select_n3A_3073 = arith.select %eq3A_3071, %jit3A_3072, %select_n3A_3067 : i32
    %get3A_3074 = arith.constant 7 : index
    %get3A_3075 = arith.constant 1 : index
    %get3A_3076 = memref.load %arg10[%get3A_3074, %get3A_3075] : memref<32x2xi32, #tpu.memory_space<smem>>
    %eq3A_3077 = arith.cmpi eq, %get3A_3076, %get3A_3026 : i32
    %jit3A_3078 = arith.constant 8 : i32
    %select_n3A_3079 = arith.select %eq3A_3077, %jit3A_3078, %select_n3A_3073 : i32
    %get3A_3080 = arith.constant 8 : index
    %get3A_3081 = arith.constant 1 : index
    %get3A_3082 = memref.load %arg10[%get3A_3080, %get3A_3081] : memref<32x2xi32, #tpu.memory_space<smem>>
    %eq3A_3083 = arith.cmpi eq, %get3A_3082, %get3A_3026 : i32
    %jit3A_3084 = arith.constant 9 : i32
    %select_n3A_3085 = arith.select %eq3A_3083, %jit3A_3084, %select_n3A_3079 : i32
    %get3A_3086 = arith.constant 9 : index
    %get3A_3087 = arith.constant 1 : index
    %get3A_3088 = memref.load %arg10[%get3A_3086, %get3A_3087] : memref<32x2xi32, #tpu.memory_space<smem>>
    %eq3A_3089 = arith.cmpi eq, %get3A_3088, %get3A_3026 : i32
    %jit3A_3090 = arith.constant 10 : i32
    %select_n3A_3091 = arith.select %eq3A_3089, %jit3A_3090, %select_n3A_3085 : i32
    %get3A_3092 = arith.constant 10 : index
    %get3A_3093 = arith.constant 1 : index
    %get3A_3094 = memref.load %arg10[%get3A_3092, %get3A_3093] : memref<32x2xi32, #tpu.memory_space<smem>>
    %eq3A_3095 = arith.cmpi eq, %get3A_3094, %get3A_3026 : i32
    %jit3A_3096 = arith.constant 11 : i32
    %select_n3A_3097 = arith.select %eq3A_3095, %jit3A_3096, %select_n3A_3091 : i32
    %get3A_3098 = arith.constant 11 : index
    %get3A_3099 = arith.constant 1 : index
    %get3A_3100 = memref.load %arg10[%get3A_3098, %get3A_3099] : memref<32x2xi32, #tpu.memory_space<smem>>
    %eq3A_3101 = arith.cmpi eq, %get3A_3100, %get3A_3026 : i32
    %jit3A_3102 = arith.constant 12 : i32
    %select_n3A_3103 = arith.select %eq3A_3101, %jit3A_3102, %select_n3A_3097 : i32
    %get3A_3104 = arith.constant 12 : index
    %get3A_3105 = arith.constant 1 : index
    %get3A_3106 = memref.load %arg10[%get3A_3104, %get3A_3105] : memref<32x2xi32, #tpu.memory_space<smem>>
    %eq3A_3107 = arith.cmpi eq, %get3A_3106, %get3A_3026 : i32
    %jit3A_3108 = arith.constant 13 : i32
    %select_n3A_3109 = arith.select %eq3A_3107, %jit3A_3108, %select_n3A_3103 : i32
    %get3A_3110 = arith.constant 13 : index
    %get3A_3111 = arith.constant 1 : index
    %get3A_3112 = memref.load %arg10[%get3A_3110, %get3A_3111] : memref<32x2xi32, #tpu.memory_space<smem>>
    %eq3A_3113 = arith.cmpi eq, %get3A_3112, %get3A_3026 : i32
    %jit3A_3114 = arith.constant 14 : i32
    %select_n3A_3115 = arith.select %eq3A_3113, %jit3A_3114, %select_n3A_3109 : i32
    %get3A_3116 = arith.constant 14 : index
    %get3A_3117 = arith.constant 1 : index
    %get3A_3118 = memref.load %arg10[%get3A_3116, %get3A_3117] : memref<32x2xi32, #tpu.memory_space<smem>>
    %eq3A_3119 = arith.cmpi eq, %get3A_3118, %get3A_3026 : i32
    %jit3A_3120 = arith.constant 15 : i32
    %select_n3A_3121 = arith.select %eq3A_3119, %jit3A_3120, %select_n3A_3115 : i32
    %get3A_3122 = arith.constant 15 : index
    %get3A_3123 = arith.constant 1 : index
    %get3A_3124 = memref.load %arg10[%get3A_3122, %get3A_3123] : memref<32x2xi32, #tpu.memory_space<smem>>
    %eq3A_3125 = arith.cmpi eq, %get3A_3124, %get3A_3026 : i32
    %jit3A_3126 = arith.constant 16 : i32
    %select_n3A_3127 = arith.select %eq3A_3125, %jit3A_3126, %select_n3A_3121 : i32
    %get3A_3128 = arith.constant 16 : index
    %get3A_3129 = arith.constant 1 : index
    %get3A_3130 = memref.load %arg10[%get3A_3128, %get3A_3129] : memref<32x2xi32, #tpu.memory_space<smem>>
    %eq3A_3131 = arith.cmpi eq, %get3A_3130, %get3A_3026 : i32
    %jit3A_3132 = arith.constant 17 : i32
    %select_n3A_3133 = arith.select %eq3A_3131, %jit3A_3132, %select_n3A_3127 : i32
    %get3A_3134 = arith.constant 17 : index
    %get3A_3135 = arith.constant 1 : index
    %get3A_3136 = memref.load %arg10[%get3A_3134, %get3A_3135] : memref<32x2xi32, #tpu.memory_space<smem>>
    %eq3A_3137 = arith.cmpi eq, %get3A_3136, %get3A_3026 : i32
    %jit3A_3138 = arith.constant 18 : i32
    %select_n3A_3139 = arith.select %eq3A_3137, %jit3A_3138, %select_n3A_3133 : i32
    %get3A_3140 = arith.constant 18 : index
    %get3A_3141 = arith.constant 1 : index
    %get3A_3142 = memref.load %arg10[%get3A_3140, %get3A_3141] : memref<32x2xi32, #tpu.memory_space<smem>>
    %eq3A_3143 = arith.cmpi eq, %get3A_3142, %get3A_3026 : i32
    %jit3A_3144 = arith.constant 19 : i32
    %select_n3A_3145 = arith.select %eq3A_3143, %jit3A_3144, %select_n3A_3139 : i32
    %get3A_3146 = arith.constant 19 : index
    %get3A_3147 = arith.constant 1 : index
    %get3A_3148 = memref.load %arg10[%get3A_3146, %get3A_3147] : memref<32x2xi32, #tpu.memory_space<smem>>
    %eq3A_3149 = arith.cmpi eq, %get3A_3148, %get3A_3026 : i32
    %jit3A_3150 = arith.constant 20 : i32
    %select_n3A_3151 = arith.select %eq3A_3149, %jit3A_3150, %select_n3A_3145 : i32
    %get3A_3152 = arith.constant 20 : index
    %get3A_3153 = arith.constant 1 : index
    %get3A_3154 = memref.load %arg10[%get3A_3152, %get3A_3153] : memref<32x2xi32, #tpu.memory_space<smem>>
    %eq3A_3155 = arith.cmpi eq, %get3A_3154, %get3A_3026 : i32
    %jit3A_3156 = arith.constant 21 : i32
    %select_n3A_3157 = arith.select %eq3A_3155, %jit3A_3156, %select_n3A_3151 : i32
    %get3A_3158 = arith.constant 21 : index
    %get3A_3159 = arith.constant 1 : index
    %get3A_3160 = memref.load %arg10[%get3A_3158, %get3A_3159] : memref<32x2xi32, #tpu.memory_space<smem>>
    %eq3A_3161 = arith.cmpi eq, %get3A_3160, %get3A_3026 : i32
    %jit3A_3162 = arith.constant 22 : i32
    %select_n3A_3163 = arith.select %eq3A_3161, %jit3A_3162, %select_n3A_3157 : i32
    %get3A_3164 = arith.constant 22 : index
    %get3A_3165 = arith.constant 1 : index
    %get3A_3166 = memref.load %arg10[%get3A_3164, %get3A_3165] : memref<32x2xi32, #tpu.memory_space<smem>>
    %eq3A_3167 = arith.cmpi eq, %get3A_3166, %get3A_3026 : i32
    %jit3A_3168 = arith.constant 23 : i32
    %select_n3A_3169 = arith.select %eq3A_3167, %jit3A_3168, %select_n3A_3163 : i32
    %get3A_3170 = arith.constant 23 : index
    %get3A_3171 = arith.constant 1 : index
    %get3A_3172 = memref.load %arg10[%get3A_3170, %get3A_3171] : memref<32x2xi32, #tpu.memory_space<smem>>
    %eq3A_3173 = arith.cmpi eq, %get3A_3172, %get3A_3026 : i32
    %jit3A_3174 = arith.constant 24 : i32
    %select_n3A_3175 = arith.select %eq3A_3173, %jit3A_3174, %select_n3A_3169 : i32
    %get3A_3176 = arith.constant 24 : index
    %get3A_3177 = arith.constant 1 : index
    %get3A_3178 = memref.load %arg10[%get3A_3176, %get3A_3177] : memref<32x2xi32, #tpu.memory_space<smem>>
    %eq3A_3179 = arith.cmpi eq, %get3A_3178, %get3A_3026 : i32
    %jit3A_3180 = arith.constant 25 : i32
    %select_n3A_3181 = arith.select %eq3A_3179, %jit3A_3180, %select_n3A_3175 : i32
    %get3A_3182 = arith.constant 25 : index
    %get3A_3183 = arith.constant 1 : index
    %get3A_3184 = memref.load %arg10[%get3A_3182, %get3A_3183] : memref<32x2xi32, #tpu.memory_space<smem>>
    %eq3A_3185 = arith.cmpi eq, %get3A_3184, %get3A_3026 : i32
    %jit3A_3186 = arith.constant 26 : i32
    %select_n3A_3187 = arith.select %eq3A_3185, %jit3A_3186, %select_n3A_3181 : i32
    %get3A_3188 = arith.constant 26 : index
    %get3A_3189 = arith.constant 1 : index
    %get3A_3190 = memref.load %arg10[%get3A_3188, %get3A_3189] : memref<32x2xi32, #tpu.memory_space<smem>>
    %eq3A_3191 = arith.cmpi eq, %get3A_3190, %get3A_3026 : i32
    %jit3A_3192 = arith.constant 27 : i32
    %select_n3A_3193 = arith.select %eq3A_3191, %jit3A_3192, %select_n3A_3187 : i32
    %get3A_3194 = arith.constant 27 : index
    %get3A_3195 = arith.constant 1 : index
    %get3A_3196 = memref.load %arg10[%get3A_3194, %get3A_3195] : memref<32x2xi32, #tpu.memory_space<smem>>
    %eq3A_3197 = arith.cmpi eq, %get3A_3196, %get3A_3026 : i32
    %jit3A_3198 = arith.constant 28 : i32
    %select_n3A_3199 = arith.select %eq3A_3197, %jit3A_3198, %select_n3A_3193 : i32
    %get3A_3200 = arith.constant 28 : index
    %get3A_3201 = arith.constant 1 : index
    %get3A_3202 = memref.load %arg10[%get3A_3200, %get3A_3201] : memref<32x2xi32, #tpu.memory_space<smem>>
    %eq3A_3203 = arith.cmpi eq, %get3A_3202, %get3A_3026 : i32
    %jit3A_3204 = arith.constant 29 : i32
    %select_n3A_3205 = arith.select %eq3A_3203, %jit3A_3204, %select_n3A_3199 : i32
    %get3A_3206 = arith.constant 29 : index
    %get3A_3207 = arith.constant 1 : index
    %get3A_3208 = memref.load %arg10[%get3A_3206, %get3A_3207] : memref<32x2xi32, #tpu.memory_space<smem>>
    %eq3A_3209 = arith.cmpi eq, %get3A_3208, %get3A_3026 : i32
    %jit3A_3210 = arith.constant 30 : i32
    %select_n3A_3211 = arith.select %eq3A_3209, %jit3A_3210, %select_n3A_3205 : i32
    %gt3A_3212 = arith.constant 0 : i32
    %gt3A_3213 = arith.cmpi sgt, %select_n3A_3211, %gt3A_3212 : i32
    %convert_element_type3A_3214 = arith.extui %gt3A_3213 : i1 to i32
    %cond3A_3215 = arith.constant 0 : i32
    %cond3A_3216 = arith.cmpi ne, %convert_element_type3A_3214, %cond3A_3215 : i32
    scf.if %cond3A_3216 {
      %get3A_3437 = arith.index_cast %select_n3A_3211 : i32 to index
      %get3A_3438 = arith.constant 0 : index
      %get3A_3439 = vector.load %arg14[%get3A_3437, %get3A_3438] : memref<33x128xf32, #tpu.memory_space<vmem>>, vector<1x128xf32>
      %dot_general3A_3440 = arith.constant dense<0.000000e+00> : vector<1x256xf32>
      %dot_general3A_3441 = tpu.matmul %get3A_3439, %concatenate3A_31, %dot_general3A_3440 {dimension_numbers = #tpu.dot_dimension_numbers<[1], [1], [0], [0], [0, 0, 1, 0], [], []>, transpose_lhs_hint = false} : vector<1x128xf32>, vector<256x128xf32>, vector<1x256xf32> -> vector<1x256xf32>
      %slice3A_3442 = vector.extract_strided_slice %slice3A {offsets = [30, 0], sizes = [1, 128], strides = [1, 1]} : vector<32x128xf32> to vector<1x128xf32>
      %slice3A_3443 = vector.extract_strided_slice %dot_general3A_3441 {offsets = [0, 0], sizes = [1, 128], strides = [1, 1]} : vector<1x256xf32> to vector<1x128xf32>
      %add3A_3444 = arith.addf %slice3A_3442, %slice3A_3443 : vector<1x128xf32>
      %jit3A_3445 = arith.constant 0.000000e+00 : f32
      %jit3A_3446 = arith.constant 1.000000e+00 : f32
      %max3A_3447 = vector.broadcast %jit3A_3445 : f32 to vector<1x128xf32>
      %max3A_3448 = arith.maximumf %max3A_3447, %add3A_3444 : vector<1x128xf32>
      %min3A_3449 = vector.broadcast %jit3A_3446 : f32 to vector<1x128xf32>
      %min3A_3450 = arith.minimumf %min3A_3449, %max3A_3448 : vector<1x128xf32>
      %slice3A_3451 = vector.extract_strided_slice %slice3A_20 {offsets = [30, 0], sizes = [1, 128], strides = [1, 1]} : vector<32x128xf32> to vector<1x128xf32>
      %slice3A_3452 = vector.extract_strided_slice %dot_general3A_3441 {offsets = [0, 128], sizes = [1, 128], strides = [1, 1]} : vector<1x256xf32> to vector<1x128xf32>
      %add3A_3453 = arith.addf %slice3A_3451, %slice3A_3452 : vector<1x128xf32>
      %jit3A_3454 = arith.constant 0.000000e+00 : f32
      %jit3A_3455 = arith.constant 1.000000e+00 : f32
      %max3A_3456 = vector.broadcast %jit3A_3454 : f32 to vector<1x128xf32>
      %max3A_3457 = arith.maximumf %max3A_3456, %add3A_3453 : vector<1x128xf32>
      %min3A_3458 = vector.broadcast %jit3A_3455 : f32 to vector<1x128xf32>
      %min3A_3459 = arith.minimumf %min3A_3458, %max3A_3457 : vector<1x128xf32>
      %slice3A_3460 = vector.extract_strided_slice %slice3A_21 {offsets = [30, 0], sizes = [1, 128], strides = [1, 1]} : vector<32x128xf32> to vector<1x128xf32>
      %mul3A_3461 = arith.mulf %get3A_3439, %min3A_3459 : vector<1x128xf32>
      %dot_general3A_3462 = arith.constant dense<0.000000e+00> : vector<1x128xf32>
      %dot_general3A_3463 = tpu.matmul %mul3A_3461, %get3A_34, %dot_general3A_3462 {dimension_numbers = #tpu.dot_dimension_numbers<[1], [1], [0], [0], [0, 0, 1, 0], [], []>, transpose_lhs_hint = false} : vector<1x128xf32>, vector<128x128xf32>, vector<1x128xf32> -> vector<1x128xf32>
      %add3A_3464 = arith.addf %slice3A_3460, %dot_general3A_3463 : vector<1x128xf32>
      %tanh3A_3465 = math.tanh %add3A_3464 : vector<1x128xf32>
      %sub3A_3466 = arith.constant 1.000000e+00 : f32
      %sub3A_3467 = vector.broadcast %sub3A_3466 : f32 to vector<1x128xf32>
      %sub3A_3468 = arith.subf %sub3A_3467, %min3A_3450 : vector<1x128xf32>
      %mul3A_3469 = arith.mulf %sub3A_3468, %get3A_3439 : vector<1x128xf32>
      %mul3A_3470 = arith.mulf %min3A_3450, %tanh3A_3465 : vector<1x128xf32>
      %add3A_3471 = arith.addf %mul3A_3469, %mul3A_3470 : vector<1x128xf32>
      %swap3A_3472 = arith.constant 31 : index
      %swap3A_3473 = arith.constant 0 : index
      %swap3A_3474 = vector.load %arg14[%swap3A_3472, %swap3A_3473] : memref<33x128xf32, #tpu.memory_space<vmem>>, vector<1x128xf32>
      tpu.vector_store %arg14[%swap3A_3472, %swap3A_3473], %add3A_3471 {strides = array<i32>} : memref<33x128xf32, #tpu.memory_space<vmem>>, vector<1x128xf32>,
    } else {
    }
    %get3A_3217 = arith.constant 31 : index
    %get3A_3218 = arith.constant 0 : index
    %get3A_3219 = memref.load %arg10[%get3A_3217, %get3A_3218] : memref<32x2xi32, #tpu.memory_space<smem>>
    %get3A_3220 = arith.constant 0 : index
    %get3A_3221 = arith.constant 1 : index
    %get3A_3222 = memref.load %arg10[%get3A_3220, %get3A_3221] : memref<32x2xi32, #tpu.memory_space<smem>>
    %mul3A_3223 = arith.constant 0 : i32
    %mul3A_3224 = arith.muli %get3A_3222, %mul3A_3223 : i32
    %get3A_3225 = arith.constant 0 : index
    %get3A_3226 = arith.constant 1 : index
    %get3A_3227 = memref.load %arg10[%get3A_3225, %get3A_3226] : memref<32x2xi32, #tpu.memory_space<smem>>
    %eq3A_3228 = arith.cmpi eq, %get3A_3227, %get3A_3219 : i32
    %jit3A_3229 = arith.constant 1 : i32
    %select_n3A_3230 = arith.select %eq3A_3228, %jit3A_3229, %mul3A_3224 : i32
    %get3A_3231 = arith.constant 1 : index
    %get3A_3232 = arith.constant 1 : index
    %get3A_3233 = memref.load %arg10[%get3A_3231, %get3A_3232] : memref<32x2xi32, #tpu.memory_space<smem>>
    %eq3A_3234 = arith.cmpi eq, %get3A_3233, %get3A_3219 : i32
    %jit3A_3235 = arith.constant 2 : i32
    %select_n3A_3236 = arith.select %eq3A_3234, %jit3A_3235, %select_n3A_3230 : i32
    %get3A_3237 = arith.constant 2 : index
    %get3A_3238 = arith.constant 1 : index
    %get3A_3239 = memref.load %arg10[%get3A_3237, %get3A_3238] : memref<32x2xi32, #tpu.memory_space<smem>>
    %eq3A_3240 = arith.cmpi eq, %get3A_3239, %get3A_3219 : i32
    %jit3A_3241 = arith.constant 3 : i32
    %select_n3A_3242 = arith.select %eq3A_3240, %jit3A_3241, %select_n3A_3236 : i32
    %get3A_3243 = arith.constant 3 : index
    %get3A_3244 = arith.constant 1 : index
    %get3A_3245 = memref.load %arg10[%get3A_3243, %get3A_3244] : memref<32x2xi32, #tpu.memory_space<smem>>
    %eq3A_3246 = arith.cmpi eq, %get3A_3245, %get3A_3219 : i32
    %jit3A_3247 = arith.constant 4 : i32
    %select_n3A_3248 = arith.select %eq3A_3246, %jit3A_3247, %select_n3A_3242 : i32
    %get3A_3249 = arith.constant 4 : index
    %get3A_3250 = arith.constant 1 : index
    %get3A_3251 = memref.load %arg10[%get3A_3249, %get3A_3250] : memref<32x2xi32, #tpu.memory_space<smem>>
    %eq3A_3252 = arith.cmpi eq, %get3A_3251, %get3A_3219 : i32
    %jit3A_3253 = arith.constant 5 : i32
    %select_n3A_3254 = arith.select %eq3A_3252, %jit3A_3253, %select_n3A_3248 : i32
    %get3A_3255 = arith.constant 5 : index
    %get3A_3256 = arith.constant 1 : index
    %get3A_3257 = memref.load %arg10[%get3A_3255, %get3A_3256] : memref<32x2xi32, #tpu.memory_space<smem>>
    %eq3A_3258 = arith.cmpi eq, %get3A_3257, %get3A_3219 : i32
    %jit3A_3259 = arith.constant 6 : i32
    %select_n3A_3260 = arith.select %eq3A_3258, %jit3A_3259, %select_n3A_3254 : i32
    %get3A_3261 = arith.constant 6 : index
    %get3A_3262 = arith.constant 1 : index
    %get3A_3263 = memref.load %arg10[%get3A_3261, %get3A_3262] : memref<32x2xi32, #tpu.memory_space<smem>>
    %eq3A_3264 = arith.cmpi eq, %get3A_3263, %get3A_3219 : i32
    %jit3A_3265 = arith.constant 7 : i32
    %select_n3A_3266 = arith.select %eq3A_3264, %jit3A_3265, %select_n3A_3260 : i32
    %get3A_3267 = arith.constant 7 : index
    %get3A_3268 = arith.constant 1 : index
    %get3A_3269 = memref.load %arg10[%get3A_3267, %get3A_3268] : memref<32x2xi32, #tpu.memory_space<smem>>
    %eq3A_3270 = arith.cmpi eq, %get3A_3269, %get3A_3219 : i32
    %jit3A_3271 = arith.constant 8 : i32
    %select_n3A_3272 = arith.select %eq3A_3270, %jit3A_3271, %select_n3A_3266 : i32
    %get3A_3273 = arith.constant 8 : index
    %get3A_3274 = arith.constant 1 : index
    %get3A_3275 = memref.load %arg10[%get3A_3273, %get3A_3274] : memref<32x2xi32, #tpu.memory_space<smem>>
    %eq3A_3276 = arith.cmpi eq, %get3A_3275, %get3A_3219 : i32
    %jit3A_3277 = arith.constant 9 : i32
    %select_n3A_3278 = arith.select %eq3A_3276, %jit3A_3277, %select_n3A_3272 : i32
    %get3A_3279 = arith.constant 9 : index
    %get3A_3280 = arith.constant 1 : index
    %get3A_3281 = memref.load %arg10[%get3A_3279, %get3A_3280] : memref<32x2xi32, #tpu.memory_space<smem>>
    %eq3A_3282 = arith.cmpi eq, %get3A_3281, %get3A_3219 : i32
    %jit3A_3283 = arith.constant 10 : i32
    %select_n3A_3284 = arith.select %eq3A_3282, %jit3A_3283, %select_n3A_3278 : i32
    %get3A_3285 = arith.constant 10 : index
    %get3A_3286 = arith.constant 1 : index
    %get3A_3287 = memref.load %arg10[%get3A_3285, %get3A_3286] : memref<32x2xi32, #tpu.memory_space<smem>>
    %eq3A_3288 = arith.cmpi eq, %get3A_3287, %get3A_3219 : i32
    %jit3A_3289 = arith.constant 11 : i32
    %select_n3A_3290 = arith.select %eq3A_3288, %jit3A_3289, %select_n3A_3284 : i32
    %get3A_3291 = arith.constant 11 : index
    %get3A_3292 = arith.constant 1 : index
    %get3A_3293 = memref.load %arg10[%get3A_3291, %get3A_3292] : memref<32x2xi32, #tpu.memory_space<smem>>
    %eq3A_3294 = arith.cmpi eq, %get3A_3293, %get3A_3219 : i32
    %jit3A_3295 = arith.constant 12 : i32
    %select_n3A_3296 = arith.select %eq3A_3294, %jit3A_3295, %select_n3A_3290 : i32
    %get3A_3297 = arith.constant 12 : index
    %get3A_3298 = arith.constant 1 : index
    %get3A_3299 = memref.load %arg10[%get3A_3297, %get3A_3298] : memref<32x2xi32, #tpu.memory_space<smem>>
    %eq3A_3300 = arith.cmpi eq, %get3A_3299, %get3A_3219 : i32
    %jit3A_3301 = arith.constant 13 : i32
    %select_n3A_3302 = arith.select %eq3A_3300, %jit3A_3301, %select_n3A_3296 : i32
    %get3A_3303 = arith.constant 13 : index
    %get3A_3304 = arith.constant 1 : index
    %get3A_3305 = memref.load %arg10[%get3A_3303, %get3A_3304] : memref<32x2xi32, #tpu.memory_space<smem>>
    %eq3A_3306 = arith.cmpi eq, %get3A_3305, %get3A_3219 : i32
    %jit3A_3307 = arith.constant 14 : i32
    %select_n3A_3308 = arith.select %eq3A_3306, %jit3A_3307, %select_n3A_3302 : i32
    %get3A_3309 = arith.constant 14 : index
    %get3A_3310 = arith.constant 1 : index
    %get3A_3311 = memref.load %arg10[%get3A_3309, %get3A_3310] : memref<32x2xi32, #tpu.memory_space<smem>>
    %eq3A_3312 = arith.cmpi eq, %get3A_3311, %get3A_3219 : i32
    %jit3A_3313 = arith.constant 15 : i32
    %select_n3A_3314 = arith.select %eq3A_3312, %jit3A_3313, %select_n3A_3308 : i32
    %get3A_3315 = arith.constant 15 : index
    %get3A_3316 = arith.constant 1 : index
    %get3A_3317 = memref.load %arg10[%get3A_3315, %get3A_3316] : memref<32x2xi32, #tpu.memory_space<smem>>
    %eq3A_3318 = arith.cmpi eq, %get3A_3317, %get3A_3219 : i32
    %jit3A_3319 = arith.constant 16 : i32
    %select_n3A_3320 = arith.select %eq3A_3318, %jit3A_3319, %select_n3A_3314 : i32
    %get3A_3321 = arith.constant 16 : index
    %get3A_3322 = arith.constant 1 : index
    %get3A_3323 = memref.load %arg10[%get3A_3321, %get3A_3322] : memref<32x2xi32, #tpu.memory_space<smem>>
    %eq3A_3324 = arith.cmpi eq, %get3A_3323, %get3A_3219 : i32
    %jit3A_3325 = arith.constant 17 : i32
    %select_n3A_3326 = arith.select %eq3A_3324, %jit3A_3325, %select_n3A_3320 : i32
    %get3A_3327 = arith.constant 17 : index
    %get3A_3328 = arith.constant 1 : index
    %get3A_3329 = memref.load %arg10[%get3A_3327, %get3A_3328] : memref<32x2xi32, #tpu.memory_space<smem>>
    %eq3A_3330 = arith.cmpi eq, %get3A_3329, %get3A_3219 : i32
    %jit3A_3331 = arith.constant 18 : i32
    %select_n3A_3332 = arith.select %eq3A_3330, %jit3A_3331, %select_n3A_3326 : i32
    %get3A_3333 = arith.constant 18 : index
    %get3A_3334 = arith.constant 1 : index
    %get3A_3335 = memref.load %arg10[%get3A_3333, %get3A_3334] : memref<32x2xi32, #tpu.memory_space<smem>>
    %eq3A_3336 = arith.cmpi eq, %get3A_3335, %get3A_3219 : i32
    %jit3A_3337 = arith.constant 19 : i32
    %select_n3A_3338 = arith.select %eq3A_3336, %jit3A_3337, %select_n3A_3332 : i32
    %get3A_3339 = arith.constant 19 : index
    %get3A_3340 = arith.constant 1 : index
    %get3A_3341 = memref.load %arg10[%get3A_3339, %get3A_3340] : memref<32x2xi32, #tpu.memory_space<smem>>
    %eq3A_3342 = arith.cmpi eq, %get3A_3341, %get3A_3219 : i32
    %jit3A_3343 = arith.constant 20 : i32
    %select_n3A_3344 = arith.select %eq3A_3342, %jit3A_3343, %select_n3A_3338 : i32
    %get3A_3345 = arith.constant 20 : index
    %get3A_3346 = arith.constant 1 : index
    %get3A_3347 = memref.load %arg10[%get3A_3345, %get3A_3346] : memref<32x2xi32, #tpu.memory_space<smem>>
    %eq3A_3348 = arith.cmpi eq, %get3A_3347, %get3A_3219 : i32
    %jit3A_3349 = arith.constant 21 : i32
    %select_n3A_3350 = arith.select %eq3A_3348, %jit3A_3349, %select_n3A_3344 : i32
    %get3A_3351 = arith.constant 21 : index
    %get3A_3352 = arith.constant 1 : index
    %get3A_3353 = memref.load %arg10[%get3A_3351, %get3A_3352] : memref<32x2xi32, #tpu.memory_space<smem>>
    %eq3A_3354 = arith.cmpi eq, %get3A_3353, %get3A_3219 : i32
    %jit3A_3355 = arith.constant 22 : i32
    %select_n3A_3356 = arith.select %eq3A_3354, %jit3A_3355, %select_n3A_3350 : i32
    %get3A_3357 = arith.constant 22 : index
    %get3A_3358 = arith.constant 1 : index
    %get3A_3359 = memref.load %arg10[%get3A_3357, %get3A_3358] : memref<32x2xi32, #tpu.memory_space<smem>>
    %eq3A_3360 = arith.cmpi eq, %get3A_3359, %get3A_3219 : i32
    %jit3A_3361 = arith.constant 23 : i32
    %select_n3A_3362 = arith.select %eq3A_3360, %jit3A_3361, %select_n3A_3356 : i32
    %get3A_3363 = arith.constant 23 : index
    %get3A_3364 = arith.constant 1 : index
    %get3A_3365 = memref.load %arg10[%get3A_3363, %get3A_3364] : memref<32x2xi32, #tpu.memory_space<smem>>
    %eq3A_3366 = arith.cmpi eq, %get3A_3365, %get3A_3219 : i32
    %jit3A_3367 = arith.constant 24 : i32
    %select_n3A_3368 = arith.select %eq3A_3366, %jit3A_3367, %select_n3A_3362 : i32
    %get3A_3369 = arith.constant 24 : index
    %get3A_3370 = arith.constant 1 : index
    %get3A_3371 = memref.load %arg10[%get3A_3369, %get3A_3370] : memref<32x2xi32, #tpu.memory_space<smem>>
    %eq3A_3372 = arith.cmpi eq, %get3A_3371, %get3A_3219 : i32
    %jit3A_3373 = arith.constant 25 : i32
    %select_n3A_3374 = arith.select %eq3A_3372, %jit3A_3373, %select_n3A_3368 : i32
    %get3A_3375 = arith.constant 25 : index
    %get3A_3376 = arith.constant 1 : index
    %get3A_3377 = memref.load %arg10[%get3A_3375, %get3A_3376] : memref<32x2xi32, #tpu.memory_space<smem>>
    %eq3A_3378 = arith.cmpi eq, %get3A_3377, %get3A_3219 : i32
    %jit3A_3379 = arith.constant 26 : i32
    %select_n3A_3380 = arith.select %eq3A_3378, %jit3A_3379, %select_n3A_3374 : i32
    %get3A_3381 = arith.constant 26 : index
    %get3A_3382 = arith.constant 1 : index
    %get3A_3383 = memref.load %arg10[%get3A_3381, %get3A_3382] : memref<32x2xi32, #tpu.memory_space<smem>>
    %eq3A_3384 = arith.cmpi eq, %get3A_3383, %get3A_3219 : i32
    %jit3A_3385 = arith.constant 27 : i32
    %select_n3A_3386 = arith.select %eq3A_3384, %jit3A_3385, %select_n3A_3380 : i32
    %get3A_3387 = arith.constant 27 : index
    %get3A_3388 = arith.constant 1 : index
    %get3A_3389 = memref.load %arg10[%get3A_3387, %get3A_3388] : memref<32x2xi32, #tpu.memory_space<smem>>
    %eq3A_3390 = arith.cmpi eq, %get3A_3389, %get3A_3219 : i32
    %jit3A_3391 = arith.constant 28 : i32
    %select_n3A_3392 = arith.select %eq3A_3390, %jit3A_3391, %select_n3A_3386 : i32
    %get3A_3393 = arith.constant 28 : index
    %get3A_3394 = arith.constant 1 : index
    %get3A_3395 = memref.load %arg10[%get3A_3393, %get3A_3394] : memref<32x2xi32, #tpu.memory_space<smem>>
    %eq3A_3396 = arith.cmpi eq, %get3A_3395, %get3A_3219 : i32
    %jit3A_3397 = arith.constant 29 : i32
    %select_n3A_3398 = arith.select %eq3A_3396, %jit3A_3397, %select_n3A_3392 : i32
    %get3A_3399 = arith.constant 29 : index
    %get3A_3400 = arith.constant 1 : index
    %get3A_3401 = memref.load %arg10[%get3A_3399, %get3A_3400] : memref<32x2xi32, #tpu.memory_space<smem>>
    %eq3A_3402 = arith.cmpi eq, %get3A_3401, %get3A_3219 : i32
    %jit3A_3403 = arith.constant 30 : i32
    %select_n3A_3404 = arith.select %eq3A_3402, %jit3A_3403, %select_n3A_3398 : i32
    %get3A_3405 = arith.constant 30 : index
    %get3A_3406 = arith.constant 1 : index
    %get3A_3407 = memref.load %arg10[%get3A_3405, %get3A_3406] : memref<32x2xi32, #tpu.memory_space<smem>>
    %eq3A_3408 = arith.cmpi eq, %get3A_3407, %get3A_3219 : i32
    %jit3A_3409 = arith.constant 31 : i32
    %select_n3A_3410 = arith.select %eq3A_3408, %jit3A_3409, %select_n3A_3404 : i32
    %gt3A_3411 = arith.constant 0 : i32
    %gt3A_3412 = arith.cmpi sgt, %select_n3A_3410, %gt3A_3411 : i32
    %convert_element_type3A_3413 = arith.extui %gt3A_3412 : i1 to i32
    %cond3A_3414 = arith.constant 0 : i32
    %cond3A_3415 = arith.cmpi ne, %convert_element_type3A_3413, %cond3A_3414 : i32
    scf.if %cond3A_3415 {
      %get3A_3437 = arith.index_cast %select_n3A_3410 : i32 to index
      %get3A_3438 = arith.constant 0 : index
      %get3A_3439 = vector.load %arg14[%get3A_3437, %get3A_3438] : memref<33x128xf32, #tpu.memory_space<vmem>>, vector<1x128xf32>
      %dot_general3A_3440 = arith.constant dense<0.000000e+00> : vector<1x256xf32>
      %dot_general3A_3441 = tpu.matmul %get3A_3439, %concatenate3A_31, %dot_general3A_3440 {dimension_numbers = #tpu.dot_dimension_numbers<[1], [1], [0], [0], [0, 0, 1, 0], [], []>, transpose_lhs_hint = false} : vector<1x128xf32>, vector<256x128xf32>, vector<1x256xf32> -> vector<1x256xf32>
      %slice3A_3442 = vector.extract_strided_slice %slice3A {offsets = [31, 0], sizes = [1, 128], strides = [1, 1]} : vector<32x128xf32> to vector<1x128xf32>
      %slice3A_3443 = vector.extract_strided_slice %dot_general3A_3441 {offsets = [0, 0], sizes = [1, 128], strides = [1, 1]} : vector<1x256xf32> to vector<1x128xf32>
      %add3A_3444 = arith.addf %slice3A_3442, %slice3A_3443 : vector<1x128xf32>
      %jit3A_3445 = arith.constant 0.000000e+00 : f32
      %jit3A_3446 = arith.constant 1.000000e+00 : f32
      %max3A_3447 = vector.broadcast %jit3A_3445 : f32 to vector<1x128xf32>
      %max3A_3448 = arith.maximumf %max3A_3447, %add3A_3444 : vector<1x128xf32>
      %min3A_3449 = vector.broadcast %jit3A_3446 : f32 to vector<1x128xf32>
      %min3A_3450 = arith.minimumf %min3A_3449, %max3A_3448 : vector<1x128xf32>
      %slice3A_3451 = vector.extract_strided_slice %slice3A_20 {offsets = [31, 0], sizes = [1, 128], strides = [1, 1]} : vector<32x128xf32> to vector<1x128xf32>
      %slice3A_3452 = vector.extract_strided_slice %dot_general3A_3441 {offsets = [0, 128], sizes = [1, 128], strides = [1, 1]} : vector<1x256xf32> to vector<1x128xf32>
      %add3A_3453 = arith.addf %slice3A_3451, %slice3A_3452 : vector<1x128xf32>
      %jit3A_3454 = arith.constant 0.000000e+00 : f32
      %jit3A_3455 = arith.constant 1.000000e+00 : f32
      %max3A_3456 = vector.broadcast %jit3A_3454 : f32 to vector<1x128xf32>
      %max3A_3457 = arith.maximumf %max3A_3456, %add3A_3453 : vector<1x128xf32>
      %min3A_3458 = vector.broadcast %jit3A_3455 : f32 to vector<1x128xf32>
      %min3A_3459 = arith.minimumf %min3A_3458, %max3A_3457 : vector<1x128xf32>
      %slice3A_3460 = vector.extract_strided_slice %slice3A_21 {offsets = [31, 0], sizes = [1, 128], strides = [1, 1]} : vector<32x128xf32> to vector<1x128xf32>
      %mul3A_3461 = arith.mulf %get3A_3439, %min3A_3459 : vector<1x128xf32>
      %dot_general3A_3462 = arith.constant dense<0.000000e+00> : vector<1x128xf32>
      %dot_general3A_3463 = tpu.matmul %mul3A_3461, %get3A_34, %dot_general3A_3462 {dimension_numbers = #tpu.dot_dimension_numbers<[1], [1], [0], [0], [0, 0, 1, 0], [], []>, transpose_lhs_hint = false} : vector<1x128xf32>, vector<128x128xf32>, vector<1x128xf32> -> vector<1x128xf32>
      %add3A_3464 = arith.addf %slice3A_3460, %dot_general3A_3463 : vector<1x128xf32>
      %tanh3A_3465 = math.tanh %add3A_3464 : vector<1x128xf32>
      %sub3A_3466 = arith.constant 1.000000e+00 : f32
      %sub3A_3467 = vector.broadcast %sub3A_3466 : f32 to vector<1x128xf32>
      %sub3A_3468 = arith.subf %sub3A_3467, %min3A_3450 : vector<1x128xf32>
      %mul3A_3469 = arith.mulf %sub3A_3468, %get3A_3439 : vector<1x128xf32>
      %mul3A_3470 = arith.mulf %min3A_3450, %tanh3A_3465 : vector<1x128xf32>
      %add3A_3471 = arith.addf %mul3A_3469, %mul3A_3470 : vector<1x128xf32>
      %swap3A_3472 = arith.constant 32 : index
      %swap3A_3473 = arith.constant 0 : index
      %swap3A_3474 = vector.load %arg14[%swap3A_3472, %swap3A_3473] : memref<33x128xf32, #tpu.memory_space<vmem>>, vector<1x128xf32>
      tpu.vector_store %arg14[%swap3A_3472, %swap3A_3473], %add3A_3471 {strides = array<i32>} : memref<33x128xf32, #tpu.memory_space<vmem>>, vector<1x128xf32>,
    } else {
    }
    %get3A_3416 = arith.constant 32 : index
    %get3A_3417 = arith.constant 0 : index
    %get3A_3418 = vector.load %arg14[%get3A_3416, %get3A_3417] : memref<33x128xf32, #tpu.memory_space<vmem>>, vector<1x128xf32>
    %get3A_3419 = arith.constant 0 : index
    %get3A_3420 = arith.constant 0 : index
    %get3A_3421 = vector.load %arg11[%get3A_3419, %get3A_3420] : memref<4x128xf32, #tpu.memory_space<vmem>>, vector<4x128xf32>
    %dot_general3A_3422 = arith.constant dense<0.000000e+00> : vector<1x4xf32>
    %dot_general3A_3423 = tpu.matmul %get3A_3418, %get3A_3421, %dot_general3A_3422 {dimension_numbers = #tpu.dot_dimension_numbers<[1], [1], [0], [0], [0, 0, 1, 0], [], []>, transpose_lhs_hint = false} : vector<1x128xf32>, vector<4x128xf32>, vector<1x4xf32> -> vector<1x4xf32>
    %get3A_3424 = arith.constant 0 : index
    %get3A_3425 = vector.load %arg12[%get3A_3424] : memref<4xf32, #tpu.memory_space<vmem>>, vector<4xf32>
    %broadcast_in_dim3A_3426 = vector.shape_cast %get3A_3425 : vector<4xf32> to vector<1x4xf32>
    %add3A_3427 = arith.addf %dot_general3A_3423, %broadcast_in_dim3A_3426 : vector<1x4xf32>
    %reduce_max3A = arith.constant dense<0xFF800000> : vector<1xf32>
    %reduce_max3A_3428 = vector.multi_reduction <maximumf>, %add3A_3427, %reduce_max3A [1] : vector<1x4xf32> to vector<1xf32>
    %broadcast_in_dim3A_3429 = vector.shape_cast %reduce_max3A_3428 : vector<1xf32> to vector<1x1xf32>
    %sub3A = vector.broadcast %broadcast_in_dim3A_3429 : vector<1x1xf32> to vector<1x4xf32>
    %sub3A_3430 = arith.subf %add3A_3427, %sub3A : vector<1x4xf32>
    %exp3A = math.exp %sub3A_3430 : vector<1x4xf32>
    %reduce_sum3A = arith.constant dense<0.000000e+00> : vector<1xf32>
    %reduce_sum3A_3431 = vector.multi_reduction <add>, %exp3A, %reduce_sum3A [1] : vector<1x4xf32> to vector<1xf32>
    %broadcast_in_dim3A_3432 = vector.shape_cast %reduce_sum3A_3431 : vector<1xf32> to vector<1x1xf32>
    %div3A = vector.broadcast %broadcast_in_dim3A_3432 : vector<1x1xf32> to vector<1x4xf32>
    %div3A_3433 = arith.divf %exp3A, %div3A : vector<1x4xf32>
    %swap3A_3434 = arith.constant 0 : index
    %swap3A_3435 = arith.constant 0 : index
    %swap3A_3436 = vector.load %arg13[%swap3A_3434, %swap3A_3435] : memref<1x4xf32, #tpu.memory_space<vmem>>, vector<1x4xf32>
    tpu.vector_store %arg13[%swap3A_3434, %swap3A_3435], %div3A_3433 {strides = array<i32>} : memref<1x4xf32, #tpu.memory_space<vmem>>, vector<1x4xf32>,
    return
  }
}

</mosaic_0001>

<sc_bundles>
// kernel: kernel.4.cloned.1.call-start
scs
__scs_entry_jumppad:
0x0: {  	(pc) =	sbr.rel $0x88, $3  }
0x1: {  	(tag) =	ssettag $0x0;
	lr =	simm.s32 $0x1  }
0x2: {  	[smem:$0x3F92] =	sst lr;
	_ =	strace $0xD0000000  }
0x3: {  	_ = 	snop  }
0x4: {  	_ = 	snop  }
0x5: {  	_ = 	snop  }
0x6: {  	_ = 	snop  }
0x7: {  	_ = 	snop  }
__scs_overlays_trampoline_lowered:
0x8: {  	[smem:$0x3FA1] =	sst s0  }
0x9: {  	[smem:$0x3FA2] =	sst s1  }
0xa: {  	[smem:$0x3FA3] =	sst s2  }
0xb: {  	[smem:$0x3FA4] =	sst s3  }
0xc: {  	[smem:$0x3FA5] =	sst s4  }
0xd: {  	[smem:$0x3FA6] =	sst s5  }
0xe: {  	[smem:$0x3FA7] =	sst s6  }
0xf: {  	[smem:$0x3FA8] =	sst s7  }
0x10: {  	[smem:$0x3FA9] =	sst s8  }
0x11: {  	[smem:$0x3FAA] =	sst s9;
	s0 =	simm.s32 @!p0 $0x0  }
0x12: {  	s1 =	sld [smem:$0x3F90];
	s0 =	simm.s32 @p0 $0x1  }
0x13: {  	[smem:$0x3FAB] =	sst s0;
	s0 =	simm.s32 @!p1 $0x0  }
0x14: {  	s2 =	sld [smem:$0x3F8F];
	s0 =	simm.s32 @p1 $0x1  }
0x15: {  	[smem:$0x3FAC] =	sst s0;
	s0 =	simm.s32 @!p2 $0x0  }
0x16: {  	s3 =	sld [smem:$0x3FDB];
	s0 =	simm.s32 @p2 $0x1  }
0x17: {  	s4 =	simm.s32 $0x1BF5;
	[smem:$0x3FAE] =	sst s0  }
0x18: {  	s0 =	sld [smem:$0x3F91];
	_ =	swait.ge [sflag:s4], $0x0  }
0x19: {  	s7 =	sld [smem:$0x3F92]  }
0x1a: {  	s8 =	sadd.s32 $0xFFFFE003, lr  }
0x1b: {  	s9 =	sadd.s32 $0xFFFFFEF7, lr;
	s5 =	simm.s32 $0xFFFFFFFF;
	p2 =	slt.u32 s8, $0xFFFFF086  }
0x1c: {  	p1 =	slt.u32 s9, $0xF7A;
	s5 =	simm.s32 @!p2 $0x0  }
0x1d: {  	s5 =	simm.s32 @p1 $0x1;
	p0 =	seq.s32 s7, s2  }
0x1e: {  	s7 =	smul.u32 @!p0 $0xF7A, s2;
	p2 =	seq.s32 @!p0 s5, $0x0  }
0x1f: {  	s9 =	smul.u32 $0xF7A, s1;
	s8 =	simm.s32 @!p0 $0x1BF5;
	p2 =	por !p2, p0  }
0x20: {  	[sflag:s8] =	ssyncset.s32 @!p0 $0xFFFFF086;
	s6 =	sadd.s32 @!p0 s3, s7;
	s7 =	simm.s32 @!p0 $0x108  }
0x21: {  	s3 =	sadd.s32 s3, s9;
	s6 =	sadd.s32 @!p0 $0x88, s6;
	s7 =	simm.s32 @p2 $0x1082  }
0x22: {  	[simem:s7], [sflag:s8] =	dma.local @!p0 [hbm:s6], $0xF7A  }
0x23: {  	s9 =	sor.u32 $0xD0000000, s2;
	s6 =	simm.s32 $0x108;
	_ =	swait.ge @!p0 [sflag:s8], $0x0  }
0x24: {  	s3 =	sadd.s32 $0x88, s3;
	s6 =	simm.s32 @!p1 $0x1082;
	[sflag:s4] =	ssyncset.s32 $0xFFFFF086  }
0x25: {  	[simem:s6], [sflag:s4] =	dma.local [hbm:s3], $0xF7A  }
0x26: {  	[smem:$0x3F92] =	sst s1;
	(tag) =	ssettag s2;
	_ =	strace s9  }
0x27: {  	s1 =	sld [smem:$0x3FA2]  }
0x28: {  	s2 =	sld [smem:$0x3FA3]  }
0x29: {  	s4 =	sld [smem:$0x3FA5]  }
0x2a: {  	p0 =	seq.s32 s5, $0x0;
	s5 =	sld [smem:$0x3FA6]  }
0x2b: {  	s6 =	sld [smem:$0x3FA7]  }
0x2c: {  	s7 =	sld [smem:$0x3FA8]  }
0x2d: {  	s3 =	simm.s32 $0x108;
	s8 =	sld [smem:$0x3FA9]  }
0x2e: {  	s3 =	simm.s32 @!p0 $0x1082;
	s9 =	sld [smem:$0x3FAA]  }
0x2f: {  	lr =	sadd.s32 s0, s3;
	s0 =	sld [smem:$0x3FA1]  }
0x30: {  	s3 =	sld [smem:$0x3FA4]  }
0x31: {  	[smem:$0x3FAD] =	sst s10  }
0x32: {  	s10 =	sld [smem:$0x3FAB];
	_ =	sdelay $0x3  }
0x33: {  	p0 =	seq.s32 s10, $0x1;
	s10 =	sld [smem:$0x3FAD];
	_ =	sdelay $0x3  }
0x34: {  	[smem:$0x3FAD] =	sst s10  }
0x35: {  	s10 =	sld [smem:$0x3FAC];
	_ =	sdelay $0x3  }
0x36: {  	p1 =	seq.s32 s10, $0x1;
	s10 =	sld [smem:$0x3FAD];
	_ =	sdelay $0x3  }
0x37: {  	[smem:$0x3FAD] =	sst s10  }
0x38: {  	s10 =	sld [smem:$0x3FAE]  }
0x39: {  	_ = 	snop;
	(pc) =	sbr.ind lr, $3  }
0x3a: {  	_ = 	snop  }
0x3b: {  	_ = 	snop  }
0x3c: {  	p2 =	seq.s32 s10, $0x1;
	s10 =	sld [smem:$0x3FAD]  }
0x3d: {  	_ =	shalt  }
0x3e: {  	_ =	shalt  }
0x3f: {  	_ =	shalt  }
0x40: {  	_ =	shalt  }
0x41: {  	_ =	shalt  }
0x42: {  	_ =	shalt  }
0x43: {  	_ =	shalt  }
0x44: {  	_ =	shalt  }
0x45: {  	_ =	shalt  }
0x46: {  	_ =	shalt  }
0x47: {  	_ =	shalt  }
0x48: {  	_ =	shalt  }
0x49: {  	_ =	shalt  }
0x4a: {  	_ =	shalt  }
0x4b: {  	_ =	shalt  }
0x4c: {  	_ =	shalt  }
0x4d: {  	_ =	shalt  }
0x4e: {  	_ =	shalt  }
0x4f: {  	_ =	shalt  }
0x50: {  	_ =	shalt  }
0x51: {  	_ =	shalt  }
0x52: {  	_ =	shalt  }
0x53: {  	_ =	shalt  }
0x54: {  	_ =	shalt  }
0x55: {  	_ =	shalt  }
0x56: {  	_ =	shalt  }
0x57: {  	_ =	shalt  }
0x58: {  	_ =	shalt  }
0x59: {  	_ =	shalt  }
0x5a: {  	_ =	shalt  }
0x5b: {  	_ =	shalt  }
0x5c: {  	_ =	shalt  }
0x5d: {  	_ =	shalt  }
0x5e: {  	_ =	shalt  }
0x5f: {  	_ =	shalt  }
0x60: {  	_ =	shalt  }
0x61: {  	_ =	shalt  }
0x62: {  	_ =	shalt  }
0x63: {  	_ =	shalt  }
0x64: {  	_ =	shalt  }
0x65: {  	_ =	shalt  }
0x66: {  	_ =	shalt  }
0x67: {  	_ =	shalt  }
0x68: {  	_ =	shalt  }
0x69: {  	_ =	shalt  }
0x6a: {  	_ =	shalt  }
0x6b: {  	_ =	shalt  }
0x6c: {  	_ =	shalt  }
0x6d: {  	_ =	shalt  }
0x6e: {  	_ =	shalt  }
0x6f: {  	_ =	shalt  }
0x70: {  	_ =	shalt  }
0x71: {  	_ =	shalt  }
0x72: {  	_ =	shalt  }
0x73: {  	_ =	shalt  }
0x74: {  	_ =	shalt  }
0x75: {  	_ =	shalt  }
0x76: {  	_ =	shalt  }
0x77: {  	_ =	shalt  }
0x78: {  	_ =	shalt  }
0x79: {  	_ =	shalt  }
0x7a: {  	_ =	shalt  }
0x7b: {  	_ =	shalt  }
0x7c: {  	_ =	shalt  }
0x7d: {  	_ =	shalt  }
0x7e: {  	_ =	shalt  }
0x7f: {  	_ =	shalt  }
0x80: {  	_ =	shalt  }
0x81: {  	_ =	shalt  }
0x82: {  	_ =	shalt  }
0x83: {  	_ =	shalt  }
0x84: {  	_ =	shalt  }
0x85: {  	_ =	shalt  }
0x86: {  	_ =	shalt  }
0x87: {  	_ =	shalt  }
.Lfunc_end0:
.L_simem_size_0:
called_computation_lowered:
.L_overlay_start_0:
0x88: {  	s0 =	sld [smem:$0x3FD9]  }
0x89: {  	s1 =	sld [smem:$0x3FFE];
	_ =	sdelay $0x3  }
0x8a: {  	s0 =	sadd.s32 s1, s0  }
0x8b: {  	[smem:$0x3FB9] =	sst s0  }
0x8c: {  	_ = 	snop  }
0x8d: {  	s0 =	sld [smem:$0x3FC9]  }
0x8e: {  	s16 =	sld [smem:$0x3FC8]  }
0x8f: {  	s2 =	sld [smem:$0x3FC6];
	(tm) =	ssettm $0x1  }
0x90: {  	s3 =	sld [smem:$0x3FFB];
	_ =	sdelay $0x3  }
0x91: {  	_ =	strace s3  }
0x92: {  	s3 =	sld [smem:$0x3FFC];
	_ =	sdelay $0x3  }
0x93: {  	_ =	strace s3  }
0x94: {  	s3 =	sld [smem:$0x3FFD];
	_ =	sdelay $0x3  }
0x95: {  	_ =	strace s3  }
0x96: {  	_ =	strace $0x8FFFFFFF  }
0x97: {  	s17 =	sld [smem:$0x3FDB];
	_ =	sdelay $0x1  }
0x98: {  	s4 =	simm.s32 $_scs_section_size  }
0x99: {  	s5 =	simm.s32 $_size__tile_overlayer_lowered;
	s6 =	simm.s32 $_tile_overlayer_lowered  }
0x9a: {  	s20 =	simm.s32 $0x1BFF;
	s19 =	sshll.u32 s6, $0x1;
	s3 =	sadd.s32 s4, s17  }
0x9b: {  	s7 =	simm.s32 $0x0;
	s18 =	sshll.u32 s5, $0x1;
	s5 =	sadd.s32 s19, s3  }
0x9c: {  	[timem:s7], [sflag:s20] =	dma.local [hbm:s5], s18  }
0x9d: {  	_ =	swait.ge [sflag:s20], s18  }
0x9e: {  	s4 =	ssub.s32 $0x0, s18;
	[sflag:s20] =	ssyncset.done $0x0  }
0x9f: {  	[sflag:s20] =	ssyncadd.s32 s4;
	_ =	sdelay $0x1  }
0xa0: {  	s21 =	simm.s32 $0x1B8B  }
0xa1: {  	_ =	swait.ge [sflag:s21], $0x1  }
0xa2: {  	[sflag:s21] =	ssyncset.done $0x0  }
0xa3: {  	s23 =	simm.s32 $0x1B8E;
	s22 =	sld [smem:$0x3FFE];
	[sflag:s21] =	ssyncadd.s32 $0xFFFFFFFF  }
0xa4: {  	s24 =	simm.s32 $execute0_lowered;
	[smem:$0x3FD2] =	sst s23  }
0xa5: {  	s5 =	sshll.u32 s24, $0x1;
	_ =	strace $0x80000046;
	[dreg:$0x1] =	wrdreg $0xFFFFFFFF  }
0xa6: {  	s25 =	simm.s32 $_size_execute0_lowered;
	s3 =	sadd.s32 s3, s5;
	[dreg:$0x0] =	wrdreg $0x0  }
0xa7: {  	s5 =	sshll.u32 s25, $0x1;
	[dreg:$0x2] =	wrdreg s3  }
0xa8: {  	[dreg:$0x3] =	wrdreg s5  }
0xa9: {  	[dreg:$0x4] =	wrdreg $0xC0  }
0xaa: {  	_ =	task [dreg:s7], $0x5FFFF  }
0xab: {  	[dreg:$0x1] =	wrdreg $0xFFFFFFFF  }
0xac: {  	[dreg:$0x0] =	wrdreg $0x60  }
0xad: {  	[dreg:$0x2] =	wrdreg s2  }
0xae: {  	[dreg:$0x3] =	wrdreg s16  }
0xaf: {  	[dreg:$0x4] =	wrdreg s0  }
0xb0: {  	[dreg:$0x5] =	wrdreg s22  }
0xb1: {  	[dreg:$0x6] =	wrdreg $0x9  }
0xb2: {  	_ =	task.clear_ibuf [dreg:s7], $0x7FFFF;
	_ =	strace $0x90000046  }
0xb3: {  	s26 =	simm.s32 $0x9;
	_ =	strace $0x80000048  }
0xb4: {  	_ =	swait.ge [sflag:s26], $0x1  }
0xb5: {  	[sflag:s26] =	ssyncadd.s32 $0xFFFFFFFF  }
0xb6: {  	_ =	strace $0x90000048  }
0xb7: {  	_ =	sfence  }
0xb8: {  	s28 =	sld [smem:$0x0];
	_ =	sdelay $0x1  }
0xb9: {  	s29 =	srdreg.scid  }
0xba: {  	s30 =	sshll.u32 s29, $0xD;
	s31 =	sshrl.u32 s29, $0x2  }
0xbb: {  	s1 =	sand.u32 $0x1, s29;
	s2 =	sand.u32 $0x4000, s30;
	s0 =	sadd.s32 s31, s28  }
0xbc: {  	s1 =	sor.u32 s2, s1;
	s0 =	sshll.u32 s0, $0x11  }
0xbd: {  	s0 =	sor.u32 s0, s1  }
0xbe: {  	s0 =	sadd.s32 $0x8F2B, s0  }
0xbf: {  	[sflag:s0] =	ssyncadd.remote.s32 $0x1  }
0xc0: {  	_ =	sfence.sel $0xFFFF  }
0xc1: {  	[dreg:$0x0] =	wrdreg $0xFFFFFFFF;
	(pc) =	sbr.abs _section_cstart, $3  }
0xc2: {  	[dreg:$0x1] =	wrdreg $0xFFFFFFFF  }
0xc3: {  	_ =	task.clear_ibuf [dreg:s7], $0x2FFFF;
	_ =	strace $0x9FFFFFFF  }
0xc4: {  	(tm) =	ssettm $0x7FFFFFFF  }
0xc5: {  	_ =	shalt  }
tec
execute0_lowered:
.L_overlay_start_1:
0x0: {  	(tag) =	ssettag $0x1  }
0x1: {  	s4 =	rddreg [dreg:$0x0]  }
0x2: {  	s1 =	rddreg [dreg:$0x1]  }
0x3: {  	s3 =	rddreg [dreg:$0x2]  }
0x4: {  	s2 =	rddreg [dreg:$0x3]  }
0x5: {  	s0 =	rddreg [dreg:$0x4];
	s5 =	simm.s32 $0x0  }
0x6: {  	[smem:$0x7FF] =	sst s5  }
0x7: {  	s6 =	simm.s32 $0x400;
	s7 =	simm.s32 $0x2000;
	_ =	strace $0x80000047  }
0x8: {  	[tilespmem:s5], [sflag:$0x1] =	stream.strided.gather [hbm4b:s1+s6], $0x800, s7, s6, $0x38;
	[tilespmem:$0x2500] =	vst v63  }
0x9: {  	s20 =	simm.s32 $0x800;
	s21 =	simm.s32 $0x1  }
0xa: {  	[tilespmem:s20], [sflag:$0x2] =	stream.strided.gather [hbm4b:s3+s6], $0x800, s7, s6, $0x38;
	[tilespmem:$0x2500] =	vst v63  }
0xb: {  	_ =	swait.ge [sflag:s21], $0x800  }
0xc: {  	[sflag:s21] =	ssyncset.done $0x0  }
0xd: {  	[sflag:s21] =	ssyncadd.s32 $0xFFFFF800  }
0xe: {  	v0 =	vld [tilespmem:$0x0]  }
0xf: {  	v1 =	vld [tilespmem:$0x10]  }
0x10: {  	v2 =	vld [tilespmem:$0x80]  }
0x11: {  	v3 =	vld [tilespmem:$0x90]  }
0x12: {  	v4 =	vld [tilespmem:$0x100]  }
0x13: {  	[tilespmem:$0x1000] =	vst v0;
	v0 =	vld [tilespmem:$0x110]  }
0x14: {  	[tilespmem:$0x1010] =	vst v1;
	v1 =	vld [tilespmem:$0x180]  }
0x15: {  	[tilespmem:$0x1020] =	vst v2;
	v2 =	vld [tilespmem:$0x190]  }
0x16: {  	[tilespmem:$0x1030] =	vst v3;
	v3 =	vld [tilespmem:$0x200]  }
0x17: {  	[tilespmem:$0x1040] =	vst v4;
	v4 =	vld [tilespmem:$0x210]  }
0x18: {  	[tilespmem:$0x1050] =	vst v0;
	v0 =	vld [tilespmem:$0x280]  }
0x19: {  	[tilespmem:$0x1060] =	vst v1;
	v1 =	vld [tilespmem:$0x290]  }
0x1a: {  	[tilespmem:$0x1070] =	vst v2;
	v2 =	vld [tilespmem:$0x300]  }
0x1b: {  	[tilespmem:$0x1080] =	vst v3;
	v3 =	vld [tilespmem:$0x310]  }
0x1c: {  	[tilespmem:$0x1090] =	vst v4;
	v4 =	vld [tilespmem:$0x380]  }
0x1d: {  	[tilespmem:$0x10A0] =	vst v0;
	v0 =	vld [tilespmem:$0x390]  }
0x1e: {  	[tilespmem:$0x10B0] =	vst v1;
	v1 =	vld [tilespmem:$0x400]  }
0x1f: {  	[tilespmem:$0x10C0] =	vst v2;
	v2 =	vld [tilespmem:$0x410]  }
0x20: {  	[tilespmem:$0x10D0] =	vst v3;
	v3 =	vld [tilespmem:$0x480]  }
0x21: {  	[tilespmem:$0x10E0] =	vst v4;
	v4 =	vld [tilespmem:$0x490]  }
0x22: {  	[tilespmem:$0x10F0] =	vst v0;
	v0 =	vld [tilespmem:$0x500]  }
0x23: {  	[tilespmem:$0x1100] =	vst v1;
	v1 =	vld [tilespmem:$0x510]  }
0x24: {  	[tilespmem:$0x1110] =	vst v2;
	v2 =	vld [tilespmem:$0x580]  }
0x25: {  	[tilespmem:$0x1120] =	vst v3;
	v3 =	vld [tilespmem:$0x590]  }
0x26: {  	[tilespmem:$0x1130] =	vst v4;
	v4 =	vld [tilespmem:$0x600]  }
0x27: {  	[tilespmem:$0x1140] =	vst v0;
	v0 =	vld [tilespmem:$0x610]  }
0x28: {  	[tilespmem:$0x1150] =	vst v1;
	v1 =	vld [tilespmem:$0x680]  }
0x29: {  	[tilespmem:$0x1160] =	vst v2;
	v2 =	vld [tilespmem:$0x690]  }
0x2a: {  	[tilespmem:$0x1170] =	vst v3;
	v3 =	vld [tilespmem:$0x700]  }
0x2b: {  	[tilespmem:$0x1180] =	vst v4;
	v4 =	vld [tilespmem:$0x710]  }
0x2c: {  	[tilespmem:$0x1190] =	vst v0;
	v0 =	vld [tilespmem:$0x780]  }
0x2d: {  	[tilespmem:$0x11A0] =	vst v1;
	v1 =	vld [tilespmem:$0x790]  }
0x2e: {  	[tilespmem:$0x11B0] =	vst v2  }
0x2f: {  	[tilespmem:$0x11C0] =	vst v3  }
0x30: {  	[tilespmem:$0x11D0] =	vst v4  }
0x31: {  	[tilespmem:$0x11E0] =	vst v0  }
0x32: {  	s22 =	simm.s32 $0x2;
	[tilespmem:$0x11F0] =	vst v1  }
0x33: {  	_ =	swait.ge [sflag:s22], $0x800  }
0x34: {  	[sflag:s22] =	ssyncset.done $0x0  }
0x35: {  	[sflag:s22] =	ssyncadd.s32 $0xFFFFF800  }
0x36: {  	v0 =	vld [tilespmem:$0x800]  }
0x37: {  	v1 =	vld [tilespmem:$0x810]  }
0x38: {  	v2 =	vld [tilespmem:$0x880]  }
0x39: {  	v3 =	vld [tilespmem:$0x890]  }
0x3a: {  	v4 =	vld [tilespmem:$0x900]  }
0x3b: {  	[tilespmem:$0x1200] =	vst v0;
	v0 =	vld [tilespmem:$0x910]  }
0x3c: {  	[tilespmem:$0x1210] =	vst v1;
	v1 =	vld [tilespmem:$0x980]  }
0x3d: {  	[tilespmem:$0x1220] =	vst v2;
	v2 =	vld [tilespmem:$0x990]  }
0x3e: {  	[tilespmem:$0x1230] =	vst v3;
	v3 =	vld [tilespmem:$0xA00]  }
0x3f: {  	[tilespmem:$0x1240] =	vst v4;
	v4 =	vld [tilespmem:$0xA10]  }
0x40: {  	[tilespmem:$0x1250] =	vst v0;
	v0 =	vld [tilespmem:$0xA80]  }
0x41: {  	[tilespmem:$0x1260] =	vst v1;
	v1 =	vld [tilespmem:$0xA90]  }
0x42: {  	[tilespmem:$0x1270] =	vst v2;
	v2 =	vld [tilespmem:$0xB00]  }
0x43: {  	[tilespmem:$0x1280] =	vst v3;
	v3 =	vld [tilespmem:$0xB10]  }
0x44: {  	[tilespmem:$0x1290] =	vst v4;
	v4 =	vld [tilespmem:$0xB80]  }
0x45: {  	[tilespmem:$0x12A0] =	vst v0;
	v0 =	vld [tilespmem:$0xB90]  }
0x46: {  	[tilespmem:$0x12B0] =	vst v1;
	v1 =	vld [tilespmem:$0xC00]  }
0x47: {  	[tilespmem:$0x12C0] =	vst v2;
	v2 =	vld [tilespmem:$0xC10]  }
0x48: {  	[tilespmem:$0x12D0] =	vst v3;
	v3 =	vld [tilespmem:$0xC80]  }
0x49: {  	[tilespmem:$0x12E0] =	vst v4;
	v4 =	vld [tilespmem:$0xC90]  }
0x4a: {  	[tilespmem:$0x12F0] =	vst v0;
	v0 =	vld [tilespmem:$0xD00]  }
0x4b: {  	[tilespmem:$0x1300] =	vst v1;
	v1 =	vld [tilespmem:$0xD10]  }
0x4c: {  	[tilespmem:$0x1310] =	vst v2;
	v2 =	vld [tilespmem:$0xD80]  }
0x4d: {  	[tilespmem:$0x1320] =	vst v3;
	v3 =	vld [tilespmem:$0xD90]  }
0x4e: {  	[tilespmem:$0x1330] =	vst v4;
	v4 =	vld [tilespmem:$0xE00]  }
0x4f: {  	[tilespmem:$0x1340] =	vst v0;
	v0 =	vld [tilespmem:$0xE10]  }
0x50: {  	[tilespmem:$0x1350] =	vst v1;
	v1 =	vld [tilespmem:$0xE80]  }
0x51: {  	[tilespmem:$0x1360] =	vst v2;
	v2 =	vld [tilespmem:$0xE90]  }
0x52: {  	[tilespmem:$0x1370] =	vst v3;
	v3 =	vld [tilespmem:$0xF00]  }
0x53: {  	v5 =	vlaneseq.u32;
	[tilespmem:$0x1380] =	vst v4;
	v4 =	vld [tilespmem:$0xF10]  }
0x54: {  	v5 =	vmul.u32 $0x20, v5;
	s1 =	stileid.u32;
	[tilespmem:$0x1390] =	vst v0;
	v0 =	vld [tilespmem:$0xF80]  }
0x55: {  	s3 =	sshll.u32 s1, $0x1;
	[tilespmem:$0x13A0] =	vst v1;
	v1 =	vld [tilespmem:$0xF90]  }
0x56: {  	[tilespmem:$0x13B0] =	vst v2;
	v2 =	vor.u32 s3, v5  }
0x57: {  	[tilespmem:$0x13C0] =	vst v3  }
0x58: {  	[tilespmem:$0x13D0] =	vst v4  }
0x59: {  	[tilespmem:$0x13E0] =	vst v0  }
0x5a: {  	s23 =	simm.s32 $0x1000;
	[tilespmem:$0x13F0] =	vst v1  }
0x5b: {  	v0 =	vld.idx.msk [tilespmem:v2+s23+$0x0], $0xffff;
	_ =	sdelay $0x2  }
0x5c: {  	s24 =	sshllo.u32 s1, $0x1  }
0x5d: {  	v1 =	vor.u32 s24, v5;
	_ =	sdelay $0x2  }
0x5e: {  	vm0 =	vmmov $0xffff;
	s25 =	simm.s32 $0x1400  }
0x5f: {  	[tilespmem:s25], [sflag:$0x3] =	stream.indirect_vreg.gather [hbm4b:s4+s5], $0x80, v0, vm0, $0xb8;
	[tilespmem:$0x2500] =	vst v63  }
0x60: {  	v0 =	vld.idx.msk [tilespmem:v1+s23+$0x0], $0xffff;
	_ =	sdelay $0x2  }
0x61: {  	s26 =	sadd.s32 $0x0, s3  }
0x62: {  	v1 =	vmov s26  }
0x63: {  	v1 =	vand.u32 $0xFFFFFFFE, v1  }
0x64: {  	v1 =	vbroadcast v1, $0x0  }
0x65: {  	s28 =	simm.s32 $0x1C00;
	s29 =	simm.s32 $0x3  }
0x66: {  	[tilespmem:s28], [sflag:$0x3] =	stream.indirect_vreg.gather [hbm4b:s4+s5], $0x80, v0, vm0, $0xb8;
	[tilespmem:$0x2500] =	vst v63  }
0x67: {  	_ =	swait.ge [sflag:s29], $0x800  }
0x68: {  	[sflag:s29] =	ssyncset.done $0x0  }
0x69: {  	s4 =	simm.s32 $0x1200;
	[sflag:s29] =	ssyncadd.s32 $0xFFFFF800  }
0x6a: {  	s30 =	simm.s32 $0x1440;
	v3 =	vld.idx.msk [tilespmem:v1+s4+$0x0], $0xffff  }
0x6b: {  	s31 =	sadd.s32 $0x20, s3;
	v0 =	vld [tilespmem:s30+$0x30]  }
0x6c: {  	v2 =	vmov s31;
	v1 =	vld [tilespmem:s30+$0xFFFFFFC0]  }
0x6d: {  	v2 =	vand.u32 $0xFFFFFFFE, v2;
	v5 =	vld [tilespmem:s30+$0xFFFFFFD0]  }
0x6e: {  	v7 =	vbroadcast v2, $0x0;
	v6 =	vld [tilespmem:s30+$0xFFFFFFE0];
	_ =	sdelay $0x1  }
0x6f: {  	v13 =	vld [tilespmem:s30+$0xFFFFFFF0]  }
0x70: {  	v8 =	vimm.f32 $0.0e+00;
	v9 =	vimm.f32 $0.0e+00;
	v10 =	vld [tilespmem:s30+$0x0];
	v0 =	vmul.f32 v0, v3  }
0x71: {  	v4 =	vimm.f32 $0.0e+00;
	v11 =	vld [tilespmem:s30+$0x10];
	v1 =	vmul.f32 v1, v3;
	v14 =	vmul.f32 v5, v3  }
0x72: {  	s2 =	sadd.s32 $0x2000, s2;
	v12 =	vld [tilespmem:s30+$0x20];
	v15 =	vmul.f32 v6, v3;
	v5 =	vimm.f32 $0.0e+00;
	v6 =	vimm.f32 $0.0e+00  }
0x73: {  	s6 =	simm.s32 $0x60;
	s7 =	sadd.s32 $0x40, s3;
	s5 =	simm.s32 $0x14C0;
	v0 =	vadd.f32 v0, v4;
	v2 =	vadd.f32 v1, v4;
	v1 =	vld.idx.msk [tilespmem:v7+s4+$0x0], $0xffff;
	v7 =	vimm.f32 $0.0e+00  }
.LBB2_1:
0x74: {  	p0 =	sne.s32 s6, $0x1E0;
	v16 =	vmov s7;
	v17 =	vld [tilespmem:s5+$0x30];
	v4 =	vadd.f32 v14, v4;
	v13 =	vmul.f32 v13, v3  }
0x75: {  	v14 =	vand.u32 $0xFFFFFFFE, v16;
	v16 =	vld [tilespmem:s5+$0xFFFFFFC0];
	v5 =	vadd.f32 v15, v5;
	v10 =	vmul.f32 v10, v3  }
0x76: {  	v15 =	vbroadcast v14, $0x0;
	v14 =	vld [tilespmem:s5+$0xFFFFFFD0];
	v6 =	vadd.f32 v13, v6;
	v11 =	vmul.f32 v11, v3  }
0x77: {  	v18 =	vld [tilespmem:s5+$0xFFFFFFE0];
	v8 =	vadd.f32 v10, v8;
	v12 =	vmul.f32 v12, v3  }
.Ltmp0:
0x78: {  	v13 =	vld [tilespmem:s5+$0xFFFFFFF0];
	v9 =	vadd.f32 v11, v9;
	(pc) =	sbr.rel @p0 .LBB2_1-.Ltmp0, $4  }
0x79: {  	v3 =	vmov v1;
	v10 =	vld [tilespmem:s5+$0x0];
	v17 =	vmul.f32 v17, v1;
	v7 =	vadd.f32 v12, v7  }
0x7a: {  	v16 =	vmul.f32 v16, v3;
	v11 =	vld [tilespmem:s5+$0x10]  }
0x7b: {  	v14 =	vmul.f32 v14, v3;
	v12 =	vld [tilespmem:s5+$0x20];
	v0 =	vadd.f32 v17, v0  }
0x7c: {  	s7 =	sadd.s32 s6, s3;
	s6 =	sadd.s32 $0x20, s6;
	s5 =	sadd.s32 $0x80, s5;
	v1 =	vld.idx.msk [tilespmem:v15+s4+$0x0], $0xffff;
	v2 =	vadd.f32 v16, v2;
	v15 =	vmul.f32 v18, v3  }
0x7d: {  	v17 =	vld [tilespmem:s5+$0x30]  }
0x7e: {  	v16 =	vmov s7;
	v18 =	vld [tilespmem:s5+$0xFFFFFFC0]  }
0x7f: {  	v19 =	vld [tilespmem:s5+$0xFFFFFFD0];
	v16 =	vand.u32 $0xFFFFFFFE, v16  }
0x80: {  	v20 =	vld [tilespmem:s5+$0xFFFFFFE0];
	v16 =	vbroadcast v16, $0x0  }
0x81: {  	v21 =	vld [tilespmem:s5+$0xFFFFFFF0]  }
0x82: {  	v22 =	vld [tilespmem:s5+$0x0]  }
0x83: {  	v23 =	vld [tilespmem:s5+$0x10]  }
0x84: {  	v24 =	vld [tilespmem:s5+$0x20];
	s28 =	sadd.s32 $0x80, s5  }
0x85: {  	v13 =	vmul.f32 v13, v3;
	v4 =	vadd.f32 v14, v4;
	v14 =	vld [tilespmem:s28+$0xFFFFFFC0]  }
0x86: {  	v10 =	vmul.f32 v10, v3;
	v11 =	vmul.f32 v11, v3;
	v16 =	vld.idx.msk [tilespmem:v16+s4+$0x0], $0xffff  }
0x87: {  	v5 =	vadd.f32 v15, v5;
	v6 =	vadd.f32 v13, v6;
	v3 =	vmul.f32 v12, v3;
	v12 =	vld [tilespmem:s28+$0xFFFFFFD0]  }
0x88: {  	v8 =	vadd.f32 v10, v8;
	v9 =	vadd.f32 v11, v9;
	v11 =	vld [tilespmem:s28+$0xFFFFFFE0];
	v10 =	vmul.f32 v18, v1  }
0x89: {  	v15 =	vld [tilespmem:s28+$0xFFFFFFF0];
	v3 =	vadd.f32 v3, v7;
	v7 =	vmul.f32 v19, v1;
	v13 =	vmul.f32 v20, v1  }
0x8a: {  	v63 =	vld [tilespmem:s28+$0x0];
	v62 =	vmul.f32 v22, v1;
	v2 =	vadd.f32 v10, v2;
	v10 =	vmul.f32 v21, v1  }
0x8b: {  	v4 =	vadd.f32 v7, v4;
	v5 =	vadd.f32 v13, v5;
	v13 =	vld [tilespmem:s28+$0x10];
	v7 =	vmul.f32 v14, v16  }
0x8c: {  	v8 =	vadd.f32 v62, v8;
	v6 =	vadd.f32 v10, v6;
	v10 =	vmul.f32 v12, v16;
	v12 =	vld [tilespmem:s28+$0x20]  }
0x8d: {  	v14 =	vmul.f32 v17, v1;
	v11 =	vmul.f32 v11, v16;
	v2 =	vadd.f32 v7, v2;
	v7 =	vld [tilespmem:s28+$0x30]  }
0x8e: {  	v15 =	vmul.f32 v15, v16;
	v4 =	vadd.f32 v10, v4;
	v10 =	vmul.f32 v23, v1  }
0x8f: {  	v1 =	vmul.f32 v24, v1;
	v5 =	vadd.f32 v11, v5;
	v11 =	vmul.f32 v63, v16;
	[tilespmem:$0x2400] =	vst v2  }
0x90: {  	v6 =	vadd.f32 v15, v6;
	v2 =	vadd.f32 v10, v9;
	v9 =	vmul.f32 v13, v16;
	[tilespmem:$0x2410] =	vst v4  }
0x91: {  	v1 =	vadd.f32 v1, v3;
	v3 =	vadd.f32 v11, v8;
	[tilespmem:$0x2420] =	vst v5;
	v4 =	vmul.f32 v12, v16  }
0x92: {  	v0 =	vadd.f32 v14, v0;
	[tilespmem:$0x2430] =	vst v6;
	v2 =	vadd.f32 v9, v2;
	v5 =	vmul.f32 v7, v16  }
0x93: {  	s3 =	sadd.s32 $0x1, s3;
	[tilespmem:$0x2440] =	vst v3;
	v1 =	vadd.f32 v4, v1  }
0x94: {  	s29 =	sadd.s32 $0x0, s3;
	[tilespmem:$0x2450] =	vst v2;
	v0 =	vadd.f32 v5, v0  }
0x95: {  	[tilespmem:$0x2460] =	vst v1;
	v1 =	vmov s29  }
0x96: {  	s30 =	simm.s32 $0x3;
	[tilespmem:$0x2470] =	vst v0  }
0x97: {  	_ =	swait.ge [sflag:s30], $0x800  }
0x98: {  	[sflag:s30] =	ssyncset.done $0x0  }
0x99: {  	s4 =	simm.s32 $0x1200;
	[sflag:s30] =	ssyncadd.s32 $0xFFFFF800  }
0x9a: {  	s31 =	simm.s32 $0x1C70;
	v2 =	vld.idx.msk [tilespmem:v1+s4+$0x0], $0xffff  }
0x9b: {  	v0 =	vld [tilespmem:s31+$0x0]  }
0x9c: {  	v1 =	vld [tilespmem:s31+$0xFFFFFF90]  }
0x9d: {  	v3 =	vld [tilespmem:s31+$0xFFFFFFA0]  }
0x9e: {  	v4 =	vld [tilespmem:s31+$0xFFFFFFB0]  }
0x9f: {  	s6 =	sadd.s32 $0x20, s3;
	v7 =	vld [tilespmem:s31+$0xFFFFFFC0]  }
0xa0: {  	v6 =	vmov s6;
	v9 =	vld [tilespmem:s31+$0xFFFFFFD0]  }
0xa1: {  	v11 =	vld [tilespmem:s31+$0xFFFFFFE0];
	_ =	sdelay $0x1  }
0xa2: {  	v0 =	vmul.f32 v0, v2  }
0xa3: {  	v10 =	vld [tilespmem:s31+$0xFFFFFFF0];
	v8 =	vmul.f32 v1, v2;
	v3 =	vmul.f32 v3, v2  }
0xa4: {  	s5 =	simm.s32 $0x1CF0;
	v5 =	vimm.f32 $0.0e+00;
	v1 =	vld.idx.msk [tilespmem:v6+s4+$0x0], $0xffff;
	v4 =	vmul.f32 v4, v2;
	v13 =	vmul.f32 v7, v2  }
0xa5: {  	v14 =	vmul.f32 v9, v2;
	v15 =	vmul.f32 v11, v2;
	v7 =	vadd.f32 v8, v5;
	v8 =	vld [tilespmem:s5+$0x0]  }
0xa6: {  	v12 =	vld [tilespmem:s5+$0xFFFFFF90];
	v11 =	vimm.f32 $0.0e+00;
	v0 =	vadd.f32 v0, v5;
	v3 =	vadd.f32 v3, v5  }
0xa7: {  	s7 =	sadd.s32 $0x40, s3;
	s6 =	simm.s32 $0x60;
	v9 =	vimm.f32 $0.0e+00;
	v6 =	vadd.f32 v4, v5;
	v4 =	vadd.f32 v13, v5;
	v13 =	vld [tilespmem:s5+$0xFFFFFFA0]  }
.LBB2_3:
0xa8: {  	p0 =	sne.s32 s6, $0x1E0;
	v16 =	vmov s7;
	v17 =	vld [tilespmem:s5+$0xFFFFFFB0];
	v5 =	vadd.f32 v14, v5;
	v10 =	vmul.f32 v10, v2  }
0xa9: {  	v14 =	vld [tilespmem:s5+$0xFFFFFFC0];
	v11 =	vadd.f32 v15, v11  }
0xaa: {  	v2 =	vmov v1;
	v15 =	vld [tilespmem:s5+$0xFFFFFFD0];
	v8 =	vmul.f32 v8, v1;
	v9 =	vadd.f32 v10, v9  }
0xab: {  	v12 =	vmul.f32 v12, v2;
	v18 =	vld [tilespmem:s5+$0xFFFFFFE0]  }
.Ltmp1:
0xac: {  	v13 =	vmul.f32 v13, v2;
	v10 =	vld [tilespmem:s5+$0xFFFFFFF0];
	v0 =	vadd.f32 v8, v0;
	(pc) =	sbr.rel @p0 .LBB2_3-.Ltmp1, $4  }
0xad: {  	s5 =	sadd.s32 $0x80, s5;
	v1 =	vld.idx.msk [tilespmem:v16+s4+$0x0], $0xffff;
	v7 =	vadd.f32 v12, v7;
	v16 =	vmul.f32 v17, v2  }
0xae: {  	v8 =	vld [tilespmem:s5+$0x0];
	v3 =	vadd.f32 v13, v3;
	v17 =	vmul.f32 v14, v2  }
0xaf: {  	v12 =	vld [tilespmem:s5+$0xFFFFFF90];
	v6 =	vadd.f32 v16, v6;
	v14 =	vmul.f32 v15, v2  }
0xb0: {  	s7 =	sadd.s32 s6, s3;
	s6 =	sadd.s32 $0x20, s6;
	v13 =	vld [tilespmem:s5+$0xFFFFFFA0];
	v4 =	vadd.f32 v17, v4;
	v15 =	vmul.f32 v18, v2  }
0xb1: {  	v17 =	vld [tilespmem:s5+$0xFFFFFFB0]  }
0xb2: {  	v16 =	vmov s7;
	v18 =	vld [tilespmem:s5+$0xFFFFFFC0]  }
0xb3: {  	v19 =	vld [tilespmem:s5+$0xFFFFFFD0]  }
0xb4: {  	v20 =	vld [tilespmem:s5+$0xFFFFFFE0]  }
0xb5: {  	v21 =	vld [tilespmem:s5+$0xFFFFFFF0];
	s3 =	sadd.s32 $0x80, s5  }
0xb6: {  	v22 =	vld [tilespmem:s3+$0xFFFFFF90]  }
0xb7: {  	v16 =	vld.idx.msk [tilespmem:v16+s4+$0x0], $0xffff  }
0xb8: {  	v2 =	vmul.f32 v10, v2;
	v43 =	vld [tilespmem:s3+$0xFFFFFFA0]  }
0xb9: {  	v5 =	vadd.f32 v14, v5;
	v44 =	vld [tilespmem:s3+$0xFFFFFFB0];
	v8 =	vmul.f32 v8, v1;
	v12 =	vmul.f32 v12, v1  }
0xba: {  	v11 =	vadd.f32 v15, v11;
	v47 =	vld [tilespmem:s3+$0xFFFFFFC0];
	v45 =	vmul.f32 v13, v1;
	v46 =	vmul.f32 v17, v1  }
0xbb: {  	v50 =	vld [tilespmem:s3+$0xFFFFFFD0];
	v2 =	vadd.f32 v2, v9;
	v48 =	vmul.f32 v18, v1;
	v49 =	vmul.f32 v19, v1  }
0xbc: {  	v52 =	vld [tilespmem:s3+$0xFFFFFFE0];
	v7 =	vadd.f32 v12, v7;
	v55 =	vmul.f32 v20, v1;
	v51 =	vmul.f32 v22, v16  }
0xbd: {  	v53 =	vld [tilespmem:s3+$0xFFFFFFF0];
	v56 =	vmul.f32 v21, v1;
	v3 =	vadd.f32 v45, v3;
	v10 =	vmul.f32 v43, v16  }
0xbe: {  	v54 =	vld [tilespmem:s3+$0x0];
	v6 =	vadd.f32 v46, v6;
	v14 =	vmul.f32 v44, v16;
	v7 =	vadd.f32 v51, v7  }
0xbf: {  	v4 =	vadd.f32 v48, v4;
	v15 =	vmul.f32 v47, v16;
	v3 =	vadd.f32 v10, v3  }
0xc0: {  	v5 =	vadd.f32 v49, v5;
	v57 =	vmul.f32 v50, v16;
	v6 =	vadd.f32 v14, v6;
	[tilespmem:$0x2480] =	vst v7  }
0xc1: {  	v58 =	vadd.f32 v55, v11;
	v59 =	vmul.f32 v52, v16;
	v4 =	vadd.f32 v15, v4;
	[tilespmem:$0x2490] =	vst v3  }
0xc2: {  	v1 =	vadd.f32 v56, v2;
	v61 =	vmul.f32 v53, v16;
	v60 =	vadd.f32 v57, v5;
	[tilespmem:$0x24A0] =	vst v6  }
0xc3: {  	v0 =	vadd.f32 v8, v0;
	v62 =	vmul.f32 v54, v16;
	v63 =	vadd.f32 v59, v58;
	[tilespmem:$0x24B0] =	vst v4  }
0xc4: {  	v1 =	vadd.f32 v61, v1;
	[tilespmem:$0x24C0] =	vst v60  }
0xc5: {  	v0 =	vadd.f32 v62, v0;
	[tilespmem:$0x24D0] =	vst v63  }
0xc6: {  	s28 =	sshll.u32 s1, $0x5;
	s29 =	simm.s32 $0x0;
	[tilespmem:$0x24E0] =	vst v1  }
0xc7: {  	s30 =	simm.s32 $0x2400;
	s31 =	simm.s32 $0x4;
	s2 =	sadd.s32 s2, s28;
	[tilespmem:$0x24F0] =	vst v0  }
0xc8: {  	[hbm4b:s2+s29] =	stream.linear.scatter [tilespmem:s30], [sflag:$0x4], $0x100, $0x38;
	[tilespmem:$0x2500] =	vst v63  }
0xc9: {  	_ =	swait.ge [sflag:s31], $0x100  }
0xca: {  	[sflag:s31] =	ssyncset.done $0x0  }
0xcb: {  	[sflag:s31] =	ssyncadd.s32 $0xFFFFFF00  }
0xcc: {  	_ =	sfence.sel $0x180000  }
0xcd: {  	[bflag:$0x0] =	sbarrier.arrive $0xFFFF  }
0xce: {  	p0 =	sne.s32 s1, $0x0;
	_ =	strace $0x90000047  }
0xcf: {  	s0 =	sadd.s32 @!p0 $0x100000, s0;
	[bflag:$0x2] =	sbarrier.arrive $0xFFFF  }
0xd0: {  	[sflag:s0] =	ssyncadd.tile.s32 @!p0 $0x1;
	_ =	shalt  }
.Lfunc_end2:
_tile_overlayer_lowered:
.L_overlay_start_2:
0xd1: {  	(tag) =	ssettag $0x2  }
0xd2: {  	s0 =	rddreg [dreg:$0x0];
	s2 =	stileid.u32  }
0xd3: {  	s1 =	rddreg [dreg:$0x1];
	p0 =	sne.s32 s2, $0x0  }
0xd4: {  	s3 =	rddreg [dreg:$0x2];
	[bflag:$0x3] =	sbarrier.arrive $0xFFFF;
	s2 =	simm.s32 @!p0 $0x1C04  }
0xd5: {  	[timem:s3], [sflag:s2] =	dma.local @!p0 [hbm:s0], s1  }
0xd6: {  	s0 =	simm.s32 @!p0 $0x4  }
0xd7: {  	_ =	swait.ge @!p0 [sflag:s0], s1  }
0xd8: {  	s1 =	ssub.s32 @!p0 $0x0, s1;
	[sflag:s0] =	ssyncset.done @!p0 $0x0  }
0xd9: {  	[sflag:s0] =	ssyncadd.s32 @!p0 s1  }
0xda: {  	[bflag:$0x3] =	sbarrier.arrive $0xFFFF  }
0xdb: {  	_ =	shalt  }

</sc_bundles>
